<compile_context>
chip_gen: v7x
topology: tpu7x:2x2x1
jax: 0.10.2.dev20260603
libtpu: 0.0.44.dev20260713+nightly
codegen_flags: <defaults>
</compile_context>

<pallas_src>
import functools

import jax
import jax.numpy as jnp
from jax import lax
from jax.experimental import pallas as pl
from jax.experimental.pallas import tpu as pltpu
from jax.experimental.pallas import tpu_sc as plsc

NUM_CORES = 2
NUM_SUBCORES = 16
NUM_WORKERS = NUM_CORES * NUM_SUBCORES

BATCH = 16384
HIST = 50
EMBED_DIM = 64
BLK = 128
NUM_BLOCKS = BATCH // BLK
BLOCKS_PER_WORKER = NUM_BLOCKS // NUM_WORKERS

_mesh = plsc.VectorSubcoreMesh(core_axis_name="c", subcore_axis_name="s")


@functools.partial(
    pl.kernel,
    out_type=jax.ShapeDtypeStruct((HIST, EMBED_DIM, BATCH), jnp.float32),
    mesh=_mesh,
    scratch_types=[
        pltpu.VMEM((BLK * HIST,), jnp.int32),
        pltpu.VMEM((2, BLK), jnp.int32),
        pltpu.VMEM((2, BLK), jnp.int32),
        pltpu.VMEM((2, BLK, BLK), jnp.float32),
        pltpu.VMEM((2, EMBED_DIM, BLK), jnp.float32),
        pltpu.SemaphoreType.DMA,
        pltpu.SemaphoreType.DMA,
        pltpu.SemaphoreType.DMA,
        pltpu.SemaphoreType.DMA,
    ],
    compiler_params=pltpu.CompilerParams(
        use_tc_tiling_on_sc=True, needs_layout_passes=False
    ),
)
def _sc_gather(idx_hbm, tab_hbm, out_hbm, idx_blk, ipair, ipar, prows, otile,
               gsem0, gsem1, wsem0, wsem1):
    wid = lax.axis_index("s") * NUM_CORES + lax.axis_index("c")
    gsems = (gsem0, gsem1)
    wsems = (wsem0, wsem1)
    lane = lax.iota(jnp.int32, 16)

    def build_indices(h, s):
        @pl.loop(0, BLK // 16)
        def _g(g):
            j0 = g * 16
            raw = plsc.load_gather(idx_blk, [(j0 + lane) * HIST + h])
            ipair[s, pl.ds(j0, 16)] = jnp.right_shift(raw, 1)
            ipar[s, pl.ds(j0, 16)] = jnp.bitwise_and(raw, 1) * 64

    def start_gather(s):
        pltpu.async_copy(tab_hbm.at[ipair.at[s]], prows.at[s], gsems[s])

    def wait_gather(s):
        pltpu.make_async_copy(
            tab_hbm.at[ipair.at[s]], prows.at[s], gsems[s]
        ).wait()

    perms = [(lane + c) % 16 for c in range(16)]

    def transpose_select(s):
        ot = otile.at[s]
        pr = prows.at[s]

        @pl.loop(0, BLK // 16)
        def _g(g):
            rowv = g * 16 + lane
            pov = ipar[s, pl.ds(g * 16, 16)]
            for k in range(EMBED_DIM // 16):
                for c in range(16):
                    dvec = k * 16 + perms[c]
                    vals = plsc.load_gather(pr, [rowv, dvec + pov])
                    plsc.store_scatter(ot, [dvec, rowv], vals)

    def start_write(h, b0, s):
        pltpu.async_copy(
            otile.at[s], out_hbm.at[h, :, pl.ds(b0, BLK)], wsems[s]
        )

    def wait_write(h, b0, s):
        pltpu.make_async_copy(
            otile.at[s], out_hbm.at[h, :, pl.ds(b0, BLK)], wsems[s]
        ).wait()

    @pl.loop(0, BLOCKS_PER_WORKER)
    def _blk(bi):
        blk_id = wid * BLOCKS_PER_WORKER + bi
        b0 = blk_id * BLK
        pltpu.sync_copy(idx_hbm.at[pl.ds(b0 * HIST, BLK * HIST)], idx_blk)

        build_indices(0, 0)
        start_gather(0)

        @pl.loop(0, HIST, step=2)
        def _h(h0):
            build_indices(h0 + 1, 1)
            start_gather(1)
            wait_gather(0)

            @pl.when(h0 >= 2)
            def _():
                wait_write(h0 - 2, b0, 0)

            transpose_select(0)
            start_write(h0, b0, 0)

            @pl.when(h0 + 2 < HIST)
            def _():
                build_indices(h0 + 2, 0)
                start_gather(0)

            wait_gather(1)

            @pl.when(h0 >= 1)
            def _():
                wait_write(h0 - 1, b0, 1)

            transpose_select(1)
            start_write(h0 + 1, b0, 1)

        wait_write(HIST - 2, b0, 0)
        wait_write(HIST - 1, b0, 1)


def kernel(indices, table):
    idx = indices.reshape(-1).astype(jnp.int32)
    tab2 = table.reshape(500000, 128)
    out_t = _sc_gather(idx, tab2)
    return jnp.transpose(out_t, (2, 0, 1))

# --- scband reference (transcript-rebuilt; emitter-appended) ---
"""Pipeline reference for scband-latent-module-75496935129311 (READ-ONLY COPY).

The authoritative reference and input builder live on the scoring server;
editing this copy changes nothing except your own understanding.
"""

import jax, jax.numpy as jnp
import numpy as np

NUM_EMBEDDINGS = 1000000
EMBED_DIM = 64
BATCH = 16384
HIST = 50

def setup_inputs(seed: int = 0) -> dict:
    key = jax.random.key(seed)
    k_idx, k_tab = jax.random.split(key)
    indices = jax.random.randint(k_idx, (BATCH, HIST), 0, NUM_EMBEDDINGS, dtype=jnp.int64 if jax.config.jax_enable_x64 else jnp.int32)
    table = jax.random.normal(k_tab, (NUM_EMBEDDINGS, EMBED_DIM), dtype=jnp.float32) * 0.02
    return {"indices": indices, "table": table}

def reference(indices, table):
    # Faithful translation of embed_input_ids: an embedding-table gather
    # (model.get_input_embeddings()(input_ids) -> table[input_ids]).
    embeds = jnp.take(table, indices, axis=0)
    return embeds

if __name__ == "__main__":
    import jax
    _d = setup_inputs()
    print(jax.jit(kernel)(*tuple(_d.values())))

</pallas_src>

<mosaic_0001>
#map = affine_map<(d0, d1) -> (0)>
#map1 = affine_map<(d0, d1) -> (0, 0)>
#map2 = affine_map<(d0, d1) -> (0, 0, 0)>
module attributes {stable_mosaic.version = 14 : i64} {
  func.func @_sc_gather(%arg0: i32, %arg1: i32, %arg2: memref<819200xi32, #tpu.memory_space<hbm>>, %arg3: memref<500000x128xf32, #tpu.memory_space<hbm>>, %arg4: memref<50x64x16384xf32, #tpu.memory_space<hbm>>, %arg5: memref<6400xi32, #tpu.memory_space<vmem>>, %arg6: memref<2x128xi32, #tpu.memory_space<vmem>>, %arg7: memref<2x128xi32, #tpu.memory_space<vmem>>, %arg8: memref<2x128x128xf32, #tpu.memory_space<vmem>>, %arg9: memref<2x64x128xf32, #tpu.memory_space<vmem>>, %arg10: memref<!tpu.dma_semaphore, #tpu.memory_space<semaphore_mem>>, %arg11: memref<!tpu.dma_semaphore, #tpu.memory_space<semaphore_mem>>, %arg12: memref<!tpu.dma_semaphore, #tpu.memory_space<semaphore_mem>>, %arg13: memref<!tpu.dma_semaphore, #tpu.memory_space<semaphore_mem>>) attributes {dimension_semantics = [#tpu.dimension_semantics<core_parallel>, #tpu.dimension_semantics<subcore_parallel>], iteration_bounds = array<i64: 2, 16>, scalar_prefetch = 0 : i64, scratch_operands = 9 : i64, tpu.core_type = #tpu.core_type<sc_vector_subcore>, window_params = [{transform_indices = #map}, {transform_indices = #map1}, {transform_indices = #map2}]} {
    %mul3A = arith.constant 2 : i32
    %mul3A_0 = arith.muli %arg1, %mul3A : i32
    %add3A = arith.addi %mul3A_0, %arg0 : i32
    %iota3A = tpu.iota {dimensions = array<i32: 0>} : vector<16xi32>
    %add3A_1 = arith.constant 0 : i32
    %add3A_2 = vector.broadcast %add3A_1 : i32 to vector<16xi32>
    %add3A_3 = arith.addi %iota3A, %add3A_2 : vector<16xi32>
    %jit3A = arith.constant 16 : i32
    %eq3A = arith.constant 0 : i32
    %eq3A_4 = arith.cmpi eq, %jit3A, %eq3A : i32
    %jit3A_5 = arith.constant 1 : i32
    %select_n3A = arith.select %eq3A_4, %jit3A_5, %jit3A : i32
    %rem3A = vector.broadcast %select_n3A : i32 to vector<16xi32>
    %rem3A_6 = arith.remsi %add3A_3, %rem3A : vector<16xi32>
    %ne3A = arith.constant 0 : i32
    %ne3A_7 = vector.broadcast %ne3A : i32 to vector<16xi32>
    %ne3A_8 = arith.cmpi ne, %rem3A_6, %ne3A_7 : vector<16xi32>
    %lt3A = arith.constant 0 : i32
    %lt3A_9 = vector.broadcast %lt3A : i32 to vector<16xi32>
    %lt3A_10 = arith.cmpi slt, %rem3A_6, %lt3A_9 : vector<16xi32>
    %lt3A_11 = arith.constant 0 : i32
    %lt3A_12 = arith.cmpi slt, %select_n3A, %lt3A_11 : i32
    %ne3A_13 = vector.broadcast %lt3A_12 : i1 to vector<16xi1>
    %ne3A_14 = vector.broadcast %ne3A_13 : vector<16xi1> to vector<16xi1>
    %ne3A_15 = arith.xori %lt3A_10, %ne3A_14 : vector<16xi1>
    %and3A = arith.andi %ne3A_15, %ne3A_8 : vector<16xi1>
    %add3A_16 = vector.broadcast %select_n3A : i32 to vector<16xi32>
    %add3A_17 = arith.addi %rem3A_6, %add3A_16 : vector<16xi32>
    %select_n3A_18 = arith.select %and3A, %add3A_17, %rem3A_6 : vector<16xi1>, vector<16xi32>
    %add3A_19 = arith.constant 1 : i32
    %add3A_20 = vector.broadcast %add3A_19 : i32 to vector<16xi32>
    %add3A_21 = arith.addi %iota3A, %add3A_20 : vector<16xi32>
    %jit3A_22 = arith.constant 16 : i32
    %eq3A_23 = arith.constant 0 : i32
    %eq3A_24 = arith.cmpi eq, %jit3A_22, %eq3A_23 : i32
    %jit3A_25 = arith.constant 1 : i32
    %select_n3A_26 = arith.select %eq3A_24, %jit3A_25, %jit3A_22 : i32
    %rem3A_27 = vector.broadcast %select_n3A_26 : i32 to vector<16xi32>
    %rem3A_28 = arith.remsi %add3A_21, %rem3A_27 : vector<16xi32>
    %ne3A_29 = arith.constant 0 : i32
    %ne3A_30 = vector.broadcast %ne3A_29 : i32 to vector<16xi32>
    %ne3A_31 = arith.cmpi ne, %rem3A_28, %ne3A_30 : vector<16xi32>
    %lt3A_32 = arith.constant 0 : i32
    %lt3A_33 = vector.broadcast %lt3A_32 : i32 to vector<16xi32>
    %lt3A_34 = arith.cmpi slt, %rem3A_28, %lt3A_33 : vector<16xi32>
    %lt3A_35 = arith.constant 0 : i32
    %lt3A_36 = arith.cmpi slt, %select_n3A_26, %lt3A_35 : i32
    %ne3A_37 = vector.broadcast %lt3A_36 : i1 to vector<16xi1>
    %ne3A_38 = vector.broadcast %ne3A_37 : vector<16xi1> to vector<16xi1>
    %ne3A_39 = arith.xori %lt3A_34, %ne3A_38 : vector<16xi1>
    %and3A_40 = arith.andi %ne3A_39, %ne3A_31 : vector<16xi1>
    %add3A_41 = vector.broadcast %select_n3A_26 : i32 to vector<16xi32>
    %add3A_42 = arith.addi %rem3A_28, %add3A_41 : vector<16xi32>
    %select_n3A_43 = arith.select %and3A_40, %add3A_42, %rem3A_28 : vector<16xi1>, vector<16xi32>
    %add3A_44 = arith.constant 2 : i32
    %add3A_45 = vector.broadcast %add3A_44 : i32 to vector<16xi32>
    %add3A_46 = arith.addi %iota3A, %add3A_45 : vector<16xi32>
    %jit3A_47 = arith.constant 16 : i32
    %eq3A_48 = arith.constant 0 : i32
    %eq3A_49 = arith.cmpi eq, %jit3A_47, %eq3A_48 : i32
    %jit3A_50 = arith.constant 1 : i32
    %select_n3A_51 = arith.select %eq3A_49, %jit3A_50, %jit3A_47 : i32
    %rem3A_52 = vector.broadcast %select_n3A_51 : i32 to vector<16xi32>
    %rem3A_53 = arith.remsi %add3A_46, %rem3A_52 : vector<16xi32>
    %ne3A_54 = arith.constant 0 : i32
    %ne3A_55 = vector.broadcast %ne3A_54 : i32 to vector<16xi32>
    %ne3A_56 = arith.cmpi ne, %rem3A_53, %ne3A_55 : vector<16xi32>
    %lt3A_57 = arith.constant 0 : i32
    %lt3A_58 = vector.broadcast %lt3A_57 : i32 to vector<16xi32>
    %lt3A_59 = arith.cmpi slt, %rem3A_53, %lt3A_58 : vector<16xi32>
    %lt3A_60 = arith.constant 0 : i32
    %lt3A_61 = arith.cmpi slt, %select_n3A_51, %lt3A_60 : i32
    %ne3A_62 = vector.broadcast %lt3A_61 : i1 to vector<16xi1>
    %ne3A_63 = vector.broadcast %ne3A_62 : vector<16xi1> to vector<16xi1>
    %ne3A_64 = arith.xori %lt3A_59, %ne3A_63 : vector<16xi1>
    %and3A_65 = arith.andi %ne3A_64, %ne3A_56 : vector<16xi1>
    %add3A_66 = vector.broadcast %select_n3A_51 : i32 to vector<16xi32>
    %add3A_67 = arith.addi %rem3A_53, %add3A_66 : vector<16xi32>
    %select_n3A_68 = arith.select %and3A_65, %add3A_67, %rem3A_53 : vector<16xi1>, vector<16xi32>
    %add3A_69 = arith.constant 3 : i32
    %add3A_70 = vector.broadcast %add3A_69 : i32 to vector<16xi32>
    %add3A_71 = arith.addi %iota3A, %add3A_70 : vector<16xi32>
    %jit3A_72 = arith.constant 16 : i32
    %eq3A_73 = arith.constant 0 : i32
    %eq3A_74 = arith.cmpi eq, %jit3A_72, %eq3A_73 : i32
    %jit3A_75 = arith.constant 1 : i32
    %select_n3A_76 = arith.select %eq3A_74, %jit3A_75, %jit3A_72 : i32
    %rem3A_77 = vector.broadcast %select_n3A_76 : i32 to vector<16xi32>
    %rem3A_78 = arith.remsi %add3A_71, %rem3A_77 : vector<16xi32>
    %ne3A_79 = arith.constant 0 : i32
    %ne3A_80 = vector.broadcast %ne3A_79 : i32 to vector<16xi32>
    %ne3A_81 = arith.cmpi ne, %rem3A_78, %ne3A_80 : vector<16xi32>
    %lt3A_82 = arith.constant 0 : i32
    %lt3A_83 = vector.broadcast %lt3A_82 : i32 to vector<16xi32>
    %lt3A_84 = arith.cmpi slt, %rem3A_78, %lt3A_83 : vector<16xi32>
    %lt3A_85 = arith.constant 0 : i32
    %lt3A_86 = arith.cmpi slt, %select_n3A_76, %lt3A_85 : i32
    %ne3A_87 = vector.broadcast %lt3A_86 : i1 to vector<16xi1>
    %ne3A_88 = vector.broadcast %ne3A_87 : vector<16xi1> to vector<16xi1>
    %ne3A_89 = arith.xori %lt3A_84, %ne3A_88 : vector<16xi1>
    %and3A_90 = arith.andi %ne3A_89, %ne3A_81 : vector<16xi1>
    %add3A_91 = vector.broadcast %select_n3A_76 : i32 to vector<16xi32>
    %add3A_92 = arith.addi %rem3A_78, %add3A_91 : vector<16xi32>
    %select_n3A_93 = arith.select %and3A_90, %add3A_92, %rem3A_78 : vector<16xi1>, vector<16xi32>
    %add3A_94 = arith.constant 4 : i32
    %add3A_95 = vector.broadcast %add3A_94 : i32 to vector<16xi32>
    %add3A_96 = arith.addi %iota3A, %add3A_95 : vector<16xi32>
    %jit3A_97 = arith.constant 16 : i32
    %eq3A_98 = arith.constant 0 : i32
    %eq3A_99 = arith.cmpi eq, %jit3A_97, %eq3A_98 : i32
    %jit3A_100 = arith.constant 1 : i32
    %select_n3A_101 = arith.select %eq3A_99, %jit3A_100, %jit3A_97 : i32
    %rem3A_102 = vector.broadcast %select_n3A_101 : i32 to vector<16xi32>
    %rem3A_103 = arith.remsi %add3A_96, %rem3A_102 : vector<16xi32>
    %ne3A_104 = arith.constant 0 : i32
    %ne3A_105 = vector.broadcast %ne3A_104 : i32 to vector<16xi32>
    %ne3A_106 = arith.cmpi ne, %rem3A_103, %ne3A_105 : vector<16xi32>
    %lt3A_107 = arith.constant 0 : i32
    %lt3A_108 = vector.broadcast %lt3A_107 : i32 to vector<16xi32>
    %lt3A_109 = arith.cmpi slt, %rem3A_103, %lt3A_108 : vector<16xi32>
    %lt3A_110 = arith.constant 0 : i32
    %lt3A_111 = arith.cmpi slt, %select_n3A_101, %lt3A_110 : i32
    %ne3A_112 = vector.broadcast %lt3A_111 : i1 to vector<16xi1>
    %ne3A_113 = vector.broadcast %ne3A_112 : vector<16xi1> to vector<16xi1>
    %ne3A_114 = arith.xori %lt3A_109, %ne3A_113 : vector<16xi1>
    %and3A_115 = arith.andi %ne3A_114, %ne3A_106 : vector<16xi1>
    %add3A_116 = vector.broadcast %select_n3A_101 : i32 to vector<16xi32>
    %add3A_117 = arith.addi %rem3A_103, %add3A_116 : vector<16xi32>
    %select_n3A_118 = arith.select %and3A_115, %add3A_117, %rem3A_103 : vector<16xi1>, vector<16xi32>
    %add3A_119 = arith.constant 5 : i32
    %add3A_120 = vector.broadcast %add3A_119 : i32 to vector<16xi32>
    %add3A_121 = arith.addi %iota3A, %add3A_120 : vector<16xi32>
    %jit3A_122 = arith.constant 16 : i32
    %eq3A_123 = arith.constant 0 : i32
    %eq3A_124 = arith.cmpi eq, %jit3A_122, %eq3A_123 : i32
    %jit3A_125 = arith.constant 1 : i32
    %select_n3A_126 = arith.select %eq3A_124, %jit3A_125, %jit3A_122 : i32
    %rem3A_127 = vector.broadcast %select_n3A_126 : i32 to vector<16xi32>
    %rem3A_128 = arith.remsi %add3A_121, %rem3A_127 : vector<16xi32>
    %ne3A_129 = arith.constant 0 : i32
    %ne3A_130 = vector.broadcast %ne3A_129 : i32 to vector<16xi32>
    %ne3A_131 = arith.cmpi ne, %rem3A_128, %ne3A_130 : vector<16xi32>
    %lt3A_132 = arith.constant 0 : i32
    %lt3A_133 = vector.broadcast %lt3A_132 : i32 to vector<16xi32>
    %lt3A_134 = arith.cmpi slt, %rem3A_128, %lt3A_133 : vector<16xi32>
    %lt3A_135 = arith.constant 0 : i32
    %lt3A_136 = arith.cmpi slt, %select_n3A_126, %lt3A_135 : i32
    %ne3A_137 = vector.broadcast %lt3A_136 : i1 to vector<16xi1>
    %ne3A_138 = vector.broadcast %ne3A_137 : vector<16xi1> to vector<16xi1>
    %ne3A_139 = arith.xori %lt3A_134, %ne3A_138 : vector<16xi1>
    %and3A_140 = arith.andi %ne3A_139, %ne3A_131 : vector<16xi1>
    %add3A_141 = vector.broadcast %select_n3A_126 : i32 to vector<16xi32>
    %add3A_142 = arith.addi %rem3A_128, %add3A_141 : vector<16xi32>
    %select_n3A_143 = arith.select %and3A_140, %add3A_142, %rem3A_128 : vector<16xi1>, vector<16xi32>
    %add3A_144 = arith.constant 6 : i32
    %add3A_145 = vector.broadcast %add3A_144 : i32 to vector<16xi32>
    %add3A_146 = arith.addi %iota3A, %add3A_145 : vector<16xi32>
    %jit3A_147 = arith.constant 16 : i32
    %eq3A_148 = arith.constant 0 : i32
    %eq3A_149 = arith.cmpi eq, %jit3A_147, %eq3A_148 : i32
    %jit3A_150 = arith.constant 1 : i32
    %select_n3A_151 = arith.select %eq3A_149, %jit3A_150, %jit3A_147 : i32
    %rem3A_152 = vector.broadcast %select_n3A_151 : i32 to vector<16xi32>
    %rem3A_153 = arith.remsi %add3A_146, %rem3A_152 : vector<16xi32>
    %ne3A_154 = arith.constant 0 : i32
    %ne3A_155 = vector.broadcast %ne3A_154 : i32 to vector<16xi32>
    %ne3A_156 = arith.cmpi ne, %rem3A_153, %ne3A_155 : vector<16xi32>
    %lt3A_157 = arith.constant 0 : i32
    %lt3A_158 = vector.broadcast %lt3A_157 : i32 to vector<16xi32>
    %lt3A_159 = arith.cmpi slt, %rem3A_153, %lt3A_158 : vector<16xi32>
    %lt3A_160 = arith.constant 0 : i32
    %lt3A_161 = arith.cmpi slt, %select_n3A_151, %lt3A_160 : i32
    %ne3A_162 = vector.broadcast %lt3A_161 : i1 to vector<16xi1>
    %ne3A_163 = vector.broadcast %ne3A_162 : vector<16xi1> to vector<16xi1>
    %ne3A_164 = arith.xori %lt3A_159, %ne3A_163 : vector<16xi1>
    %and3A_165 = arith.andi %ne3A_164, %ne3A_156 : vector<16xi1>
    %add3A_166 = vector.broadcast %select_n3A_151 : i32 to vector<16xi32>
    %add3A_167 = arith.addi %rem3A_153, %add3A_166 : vector<16xi32>
    %select_n3A_168 = arith.select %and3A_165, %add3A_167, %rem3A_153 : vector<16xi1>, vector<16xi32>
    %add3A_169 = arith.constant 7 : i32
    %add3A_170 = vector.broadcast %add3A_169 : i32 to vector<16xi32>
    %add3A_171 = arith.addi %iota3A, %add3A_170 : vector<16xi32>
    %jit3A_172 = arith.constant 16 : i32
    %eq3A_173 = arith.constant 0 : i32
    %eq3A_174 = arith.cmpi eq, %jit3A_172, %eq3A_173 : i32
    %jit3A_175 = arith.constant 1 : i32
    %select_n3A_176 = arith.select %eq3A_174, %jit3A_175, %jit3A_172 : i32
    %rem3A_177 = vector.broadcast %select_n3A_176 : i32 to vector<16xi32>
    %rem3A_178 = arith.remsi %add3A_171, %rem3A_177 : vector<16xi32>
    %ne3A_179 = arith.constant 0 : i32
    %ne3A_180 = vector.broadcast %ne3A_179 : i32 to vector<16xi32>
    %ne3A_181 = arith.cmpi ne, %rem3A_178, %ne3A_180 : vector<16xi32>
    %lt3A_182 = arith.constant 0 : i32
    %lt3A_183 = vector.broadcast %lt3A_182 : i32 to vector<16xi32>
    %lt3A_184 = arith.cmpi slt, %rem3A_178, %lt3A_183 : vector<16xi32>
    %lt3A_185 = arith.constant 0 : i32
    %lt3A_186 = arith.cmpi slt, %select_n3A_176, %lt3A_185 : i32
    %ne3A_187 = vector.broadcast %lt3A_186 : i1 to vector<16xi1>
    %ne3A_188 = vector.broadcast %ne3A_187 : vector<16xi1> to vector<16xi1>
    %ne3A_189 = arith.xori %lt3A_184, %ne3A_188 : vector<16xi1>
    %and3A_190 = arith.andi %ne3A_189, %ne3A_181 : vector<16xi1>
    %add3A_191 = vector.broadcast %select_n3A_176 : i32 to vector<16xi32>
    %add3A_192 = arith.addi %rem3A_178, %add3A_191 : vector<16xi32>
    %select_n3A_193 = arith.select %and3A_190, %add3A_192, %rem3A_178 : vector<16xi1>, vector<16xi32>
    %add3A_194 = arith.constant 8 : i32
    %add3A_195 = vector.broadcast %add3A_194 : i32 to vector<16xi32>
    %add3A_196 = arith.addi %iota3A, %add3A_195 : vector<16xi32>
    %jit3A_197 = arith.constant 16 : i32
    %eq3A_198 = arith.constant 0 : i32
    %eq3A_199 = arith.cmpi eq, %jit3A_197, %eq3A_198 : i32
    %jit3A_200 = arith.constant 1 : i32
    %select_n3A_201 = arith.select %eq3A_199, %jit3A_200, %jit3A_197 : i32
    %rem3A_202 = vector.broadcast %select_n3A_201 : i32 to vector<16xi32>
    %rem3A_203 = arith.remsi %add3A_196, %rem3A_202 : vector<16xi32>
    %ne3A_204 = arith.constant 0 : i32
    %ne3A_205 = vector.broadcast %ne3A_204 : i32 to vector<16xi32>
    %ne3A_206 = arith.cmpi ne, %rem3A_203, %ne3A_205 : vector<16xi32>
    %lt3A_207 = arith.constant 0 : i32
    %lt3A_208 = vector.broadcast %lt3A_207 : i32 to vector<16xi32>
    %lt3A_209 = arith.cmpi slt, %rem3A_203, %lt3A_208 : vector<16xi32>
    %lt3A_210 = arith.constant 0 : i32
    %lt3A_211 = arith.cmpi slt, %select_n3A_201, %lt3A_210 : i32
    %ne3A_212 = vector.broadcast %lt3A_211 : i1 to vector<16xi1>
    %ne3A_213 = vector.broadcast %ne3A_212 : vector<16xi1> to vector<16xi1>
    %ne3A_214 = arith.xori %lt3A_209, %ne3A_213 : vector<16xi1>
    %and3A_215 = arith.andi %ne3A_214, %ne3A_206 : vector<16xi1>
    %add3A_216 = vector.broadcast %select_n3A_201 : i32 to vector<16xi32>
    %add3A_217 = arith.addi %rem3A_203, %add3A_216 : vector<16xi32>
    %select_n3A_218 = arith.select %and3A_215, %add3A_217, %rem3A_203 : vector<16xi1>, vector<16xi32>
    %add3A_219 = arith.constant 9 : i32
    %add3A_220 = vector.broadcast %add3A_219 : i32 to vector<16xi32>
    %add3A_221 = arith.addi %iota3A, %add3A_220 : vector<16xi32>
    %jit3A_222 = arith.constant 16 : i32
    %eq3A_223 = arith.constant 0 : i32
    %eq3A_224 = arith.cmpi eq, %jit3A_222, %eq3A_223 : i32
    %jit3A_225 = arith.constant 1 : i32
    %select_n3A_226 = arith.select %eq3A_224, %jit3A_225, %jit3A_222 : i32
    %rem3A_227 = vector.broadcast %select_n3A_226 : i32 to vector<16xi32>
    %rem3A_228 = arith.remsi %add3A_221, %rem3A_227 : vector<16xi32>
    %ne3A_229 = arith.constant 0 : i32
    %ne3A_230 = vector.broadcast %ne3A_229 : i32 to vector<16xi32>
    %ne3A_231 = arith.cmpi ne, %rem3A_228, %ne3A_230 : vector<16xi32>
    %lt3A_232 = arith.constant 0 : i32
    %lt3A_233 = vector.broadcast %lt3A_232 : i32 to vector<16xi32>
    %lt3A_234 = arith.cmpi slt, %rem3A_228, %lt3A_233 : vector<16xi32>
    %lt3A_235 = arith.constant 0 : i32
    %lt3A_236 = arith.cmpi slt, %select_n3A_226, %lt3A_235 : i32
    %ne3A_237 = vector.broadcast %lt3A_236 : i1 to vector<16xi1>
    %ne3A_238 = vector.broadcast %ne3A_237 : vector<16xi1> to vector<16xi1>
    %ne3A_239 = arith.xori %lt3A_234, %ne3A_238 : vector<16xi1>
    %and3A_240 = arith.andi %ne3A_239, %ne3A_231 : vector<16xi1>
    %add3A_241 = vector.broadcast %select_n3A_226 : i32 to vector<16xi32>
    %add3A_242 = arith.addi %rem3A_228, %add3A_241 : vector<16xi32>
    %select_n3A_243 = arith.select %and3A_240, %add3A_242, %rem3A_228 : vector<16xi1>, vector<16xi32>
    %add3A_244 = arith.constant 10 : i32
    %add3A_245 = vector.broadcast %add3A_244 : i32 to vector<16xi32>
    %add3A_246 = arith.addi %iota3A, %add3A_245 : vector<16xi32>
    %jit3A_247 = arith.constant 16 : i32
    %eq3A_248 = arith.constant 0 : i32
    %eq3A_249 = arith.cmpi eq, %jit3A_247, %eq3A_248 : i32
    %jit3A_250 = arith.constant 1 : i32
    %select_n3A_251 = arith.select %eq3A_249, %jit3A_250, %jit3A_247 : i32
    %rem3A_252 = vector.broadcast %select_n3A_251 : i32 to vector<16xi32>
    %rem3A_253 = arith.remsi %add3A_246, %rem3A_252 : vector<16xi32>
    %ne3A_254 = arith.constant 0 : i32
    %ne3A_255 = vector.broadcast %ne3A_254 : i32 to vector<16xi32>
    %ne3A_256 = arith.cmpi ne, %rem3A_253, %ne3A_255 : vector<16xi32>
    %lt3A_257 = arith.constant 0 : i32
    %lt3A_258 = vector.broadcast %lt3A_257 : i32 to vector<16xi32>
    %lt3A_259 = arith.cmpi slt, %rem3A_253, %lt3A_258 : vector<16xi32>
    %lt3A_260 = arith.constant 0 : i32
    %lt3A_261 = arith.cmpi slt, %select_n3A_251, %lt3A_260 : i32
    %ne3A_262 = vector.broadcast %lt3A_261 : i1 to vector<16xi1>
    %ne3A_263 = vector.broadcast %ne3A_262 : vector<16xi1> to vector<16xi1>
    %ne3A_264 = arith.xori %lt3A_259, %ne3A_263 : vector<16xi1>
    %and3A_265 = arith.andi %ne3A_264, %ne3A_256 : vector<16xi1>
    %add3A_266 = vector.broadcast %select_n3A_251 : i32 to vector<16xi32>
    %add3A_267 = arith.addi %rem3A_253, %add3A_266 : vector<16xi32>
    %select_n3A_268 = arith.select %and3A_265, %add3A_267, %rem3A_253 : vector<16xi1>, vector<16xi32>
    %add3A_269 = arith.constant 11 : i32
    %add3A_270 = vector.broadcast %add3A_269 : i32 to vector<16xi32>
    %add3A_271 = arith.addi %iota3A, %add3A_270 : vector<16xi32>
    %jit3A_272 = arith.constant 16 : i32
    %eq3A_273 = arith.constant 0 : i32
    %eq3A_274 = arith.cmpi eq, %jit3A_272, %eq3A_273 : i32
    %jit3A_275 = arith.constant 1 : i32
    %select_n3A_276 = arith.select %eq3A_274, %jit3A_275, %jit3A_272 : i32
    %rem3A_277 = vector.broadcast %select_n3A_276 : i32 to vector<16xi32>
    %rem3A_278 = arith.remsi %add3A_271, %rem3A_277 : vector<16xi32>
    %ne3A_279 = arith.constant 0 : i32
    %ne3A_280 = vector.broadcast %ne3A_279 : i32 to vector<16xi32>
    %ne3A_281 = arith.cmpi ne, %rem3A_278, %ne3A_280 : vector<16xi32>
    %lt3A_282 = arith.constant 0 : i32
    %lt3A_283 = vector.broadcast %lt3A_282 : i32 to vector<16xi32>
    %lt3A_284 = arith.cmpi slt, %rem3A_278, %lt3A_283 : vector<16xi32>
    %lt3A_285 = arith.constant 0 : i32
    %lt3A_286 = arith.cmpi slt, %select_n3A_276, %lt3A_285 : i32
    %ne3A_287 = vector.broadcast %lt3A_286 : i1 to vector<16xi1>
    %ne3A_288 = vector.broadcast %ne3A_287 : vector<16xi1> to vector<16xi1>
    %ne3A_289 = arith.xori %lt3A_284, %ne3A_288 : vector<16xi1>
    %and3A_290 = arith.andi %ne3A_289, %ne3A_281 : vector<16xi1>
    %add3A_291 = vector.broadcast %select_n3A_276 : i32 to vector<16xi32>
    %add3A_292 = arith.addi %rem3A_278, %add3A_291 : vector<16xi32>
    %select_n3A_293 = arith.select %and3A_290, %add3A_292, %rem3A_278 : vector<16xi1>, vector<16xi32>
    %add3A_294 = arith.constant 12 : i32
    %add3A_295 = vector.broadcast %add3A_294 : i32 to vector<16xi32>
    %add3A_296 = arith.addi %iota3A, %add3A_295 : vector<16xi32>
    %jit3A_297 = arith.constant 16 : i32
    %eq3A_298 = arith.constant 0 : i32
    %eq3A_299 = arith.cmpi eq, %jit3A_297, %eq3A_298 : i32
    %jit3A_300 = arith.constant 1 : i32
    %select_n3A_301 = arith.select %eq3A_299, %jit3A_300, %jit3A_297 : i32
    %rem3A_302 = vector.broadcast %select_n3A_301 : i32 to vector<16xi32>
    %rem3A_303 = arith.remsi %add3A_296, %rem3A_302 : vector<16xi32>
    %ne3A_304 = arith.constant 0 : i32
    %ne3A_305 = vector.broadcast %ne3A_304 : i32 to vector<16xi32>
    %ne3A_306 = arith.cmpi ne, %rem3A_303, %ne3A_305 : vector<16xi32>
    %lt3A_307 = arith.constant 0 : i32
    %lt3A_308 = vector.broadcast %lt3A_307 : i32 to vector<16xi32>
    %lt3A_309 = arith.cmpi slt, %rem3A_303, %lt3A_308 : vector<16xi32>
    %lt3A_310 = arith.constant 0 : i32
    %lt3A_311 = arith.cmpi slt, %select_n3A_301, %lt3A_310 : i32
    %ne3A_312 = vector.broadcast %lt3A_311 : i1 to vector<16xi1>
    %ne3A_313 = vector.broadcast %ne3A_312 : vector<16xi1> to vector<16xi1>
    %ne3A_314 = arith.xori %lt3A_309, %ne3A_313 : vector<16xi1>
    %and3A_315 = arith.andi %ne3A_314, %ne3A_306 : vector<16xi1>
    %add3A_316 = vector.broadcast %select_n3A_301 : i32 to vector<16xi32>
    %add3A_317 = arith.addi %rem3A_303, %add3A_316 : vector<16xi32>
    %select_n3A_318 = arith.select %and3A_315, %add3A_317, %rem3A_303 : vector<16xi1>, vector<16xi32>
    %add3A_319 = arith.constant 13 : i32
    %add3A_320 = vector.broadcast %add3A_319 : i32 to vector<16xi32>
    %add3A_321 = arith.addi %iota3A, %add3A_320 : vector<16xi32>
    %jit3A_322 = arith.constant 16 : i32
    %eq3A_323 = arith.constant 0 : i32
    %eq3A_324 = arith.cmpi eq, %jit3A_322, %eq3A_323 : i32
    %jit3A_325 = arith.constant 1 : i32
    %select_n3A_326 = arith.select %eq3A_324, %jit3A_325, %jit3A_322 : i32
    %rem3A_327 = vector.broadcast %select_n3A_326 : i32 to vector<16xi32>
    %rem3A_328 = arith.remsi %add3A_321, %rem3A_327 : vector<16xi32>
    %ne3A_329 = arith.constant 0 : i32
    %ne3A_330 = vector.broadcast %ne3A_329 : i32 to vector<16xi32>
    %ne3A_331 = arith.cmpi ne, %rem3A_328, %ne3A_330 : vector<16xi32>
    %lt3A_332 = arith.constant 0 : i32
    %lt3A_333 = vector.broadcast %lt3A_332 : i32 to vector<16xi32>
    %lt3A_334 = arith.cmpi slt, %rem3A_328, %lt3A_333 : vector<16xi32>
    %lt3A_335 = arith.constant 0 : i32
    %lt3A_336 = arith.cmpi slt, %select_n3A_326, %lt3A_335 : i32
    %ne3A_337 = vector.broadcast %lt3A_336 : i1 to vector<16xi1>
    %ne3A_338 = vector.broadcast %ne3A_337 : vector<16xi1> to vector<16xi1>
    %ne3A_339 = arith.xori %lt3A_334, %ne3A_338 : vector<16xi1>
    %and3A_340 = arith.andi %ne3A_339, %ne3A_331 : vector<16xi1>
    %add3A_341 = vector.broadcast %select_n3A_326 : i32 to vector<16xi32>
    %add3A_342 = arith.addi %rem3A_328, %add3A_341 : vector<16xi32>
    %select_n3A_343 = arith.select %and3A_340, %add3A_342, %rem3A_328 : vector<16xi1>, vector<16xi32>
    %add3A_344 = arith.constant 14 : i32
    %add3A_345 = vector.broadcast %add3A_344 : i32 to vector<16xi32>
    %add3A_346 = arith.addi %iota3A, %add3A_345 : vector<16xi32>
    %jit3A_347 = arith.constant 16 : i32
    %eq3A_348 = arith.constant 0 : i32
    %eq3A_349 = arith.cmpi eq, %jit3A_347, %eq3A_348 : i32
    %jit3A_350 = arith.constant 1 : i32
    %select_n3A_351 = arith.select %eq3A_349, %jit3A_350, %jit3A_347 : i32
    %rem3A_352 = vector.broadcast %select_n3A_351 : i32 to vector<16xi32>
    %rem3A_353 = arith.remsi %add3A_346, %rem3A_352 : vector<16xi32>
    %ne3A_354 = arith.constant 0 : i32
    %ne3A_355 = vector.broadcast %ne3A_354 : i32 to vector<16xi32>
    %ne3A_356 = arith.cmpi ne, %rem3A_353, %ne3A_355 : vector<16xi32>
    %lt3A_357 = arith.constant 0 : i32
    %lt3A_358 = vector.broadcast %lt3A_357 : i32 to vector<16xi32>
    %lt3A_359 = arith.cmpi slt, %rem3A_353, %lt3A_358 : vector<16xi32>
    %lt3A_360 = arith.constant 0 : i32
    %lt3A_361 = arith.cmpi slt, %select_n3A_351, %lt3A_360 : i32
    %ne3A_362 = vector.broadcast %lt3A_361 : i1 to vector<16xi1>
    %ne3A_363 = vector.broadcast %ne3A_362 : vector<16xi1> to vector<16xi1>
    %ne3A_364 = arith.xori %lt3A_359, %ne3A_363 : vector<16xi1>
    %and3A_365 = arith.andi %ne3A_364, %ne3A_356 : vector<16xi1>
    %add3A_366 = vector.broadcast %select_n3A_351 : i32 to vector<16xi32>
    %add3A_367 = arith.addi %rem3A_353, %add3A_366 : vector<16xi32>
    %select_n3A_368 = arith.select %and3A_365, %add3A_367, %rem3A_353 : vector<16xi1>, vector<16xi32>
    %add3A_369 = arith.constant 15 : i32
    %add3A_370 = vector.broadcast %add3A_369 : i32 to vector<16xi32>
    %add3A_371 = arith.addi %iota3A, %add3A_370 : vector<16xi32>
    %jit3A_372 = arith.constant 16 : i32
    %eq3A_373 = arith.constant 0 : i32
    %eq3A_374 = arith.cmpi eq, %jit3A_372, %eq3A_373 : i32
    %jit3A_375 = arith.constant 1 : i32
    %select_n3A_376 = arith.select %eq3A_374, %jit3A_375, %jit3A_372 : i32
    %rem3A_377 = vector.broadcast %select_n3A_376 : i32 to vector<16xi32>
    %rem3A_378 = arith.remsi %add3A_371, %rem3A_377 : vector<16xi32>
    %ne3A_379 = arith.constant 0 : i32
    %ne3A_380 = vector.broadcast %ne3A_379 : i32 to vector<16xi32>
    %ne3A_381 = arith.cmpi ne, %rem3A_378, %ne3A_380 : vector<16xi32>
    %lt3A_382 = arith.constant 0 : i32
    %lt3A_383 = vector.broadcast %lt3A_382 : i32 to vector<16xi32>
    %lt3A_384 = arith.cmpi slt, %rem3A_378, %lt3A_383 : vector<16xi32>
    %lt3A_385 = arith.constant 0 : i32
    %lt3A_386 = arith.cmpi slt, %select_n3A_376, %lt3A_385 : i32
    %ne3A_387 = vector.broadcast %lt3A_386 : i1 to vector<16xi1>
    %ne3A_388 = vector.broadcast %ne3A_387 : vector<16xi1> to vector<16xi1>
    %ne3A_389 = arith.xori %lt3A_384, %ne3A_388 : vector<16xi1>
    %and3A_390 = arith.andi %ne3A_389, %ne3A_381 : vector<16xi1>
    %add3A_391 = vector.broadcast %select_n3A_376 : i32 to vector<16xi32>
    %add3A_392 = arith.addi %rem3A_378, %add3A_391 : vector<16xi32>
    %select_n3A_393 = arith.select %and3A_390, %add3A_392, %rem3A_378 : vector<16xi1>, vector<16xi32>
    %scan3A = arith.constant 0 : i32
    %scan3A_394 = arith.constant 4 : i32
    %scan3A_395 = arith.addi %scan3A, %scan3A_394 : i32
    %scan3A_396 = arith.constant 1 : i32
    scf.for %scan3A_398 = %scan3A to %scan3A_395 step %scan3A_396  : i32 {
      %mul3A_399 = arith.constant 1 : i32
      %mul3A_400 = arith.muli %scan3A_398, %mul3A_399 : i32
      %add3A_401 = arith.constant 0 : i32
      %add3A_402 = arith.addi %add3A_401, %mul3A_400 : i32
      %mul3A_403 = arith.constant 4 : i32
      %mul3A_404 = arith.muli %add3A, %mul3A_403 : i32
      %add3A_405 = arith.addi %mul3A_404, %add3A_402 : i32
      %mul3A_406 = arith.constant 128 : i32
      %mul3A_407 = arith.muli %add3A_405, %mul3A_406 : i32
      %mul3A_408 = arith.constant 50 : i32
      %mul3A_409 = arith.muli %mul3A_407, %mul3A_408 : i32
      "tpu.region"() ({
        %run_scoped3A = tpu.sem_alloc : memref<!tpu.dma_semaphore, #tpu.memory_space<semaphore_mem>>
        %dma_start3A_462 = tpu.memref_slice %arg2[%mul3A_409] : memref<819200xi32, #tpu.memory_space<hbm>> -> memref<6400xi32, #tpu.memory_space<hbm>>
        %dma_start3A_463 = tpu.memref_slice %arg2[%mul3A_409] : memref<819200xi32, #tpu.memory_space<hbm>> -> memref<6400xi32, #tpu.memory_space<hbm>>
        tpu.enqueue_dma source(%dma_start3A_463 : memref<6400xi32, #tpu.memory_space<hbm>>) target(%arg5 : memref<6400xi32, #tpu.memory_space<vmem>>) target_semaphore(%run_scoped3A : memref<!tpu.dma_semaphore, #tpu.memory_space<semaphore_mem>>)
        %dma_wait3A_464 = tpu.memref_slice %arg2[%mul3A_409] : memref<819200xi32, #tpu.memory_space<hbm>> -> memref<6400xi32, #tpu.memory_space<hbm>>
        %dma_wait3A_465 = tpu.memref_slice %arg2[%mul3A_409] : memref<819200xi32, #tpu.memory_space<hbm>> -> memref<6400xi32, #tpu.memory_space<hbm>>
        tpu.wait_dma2 semaphore(%run_scoped3A : memref<!tpu.dma_semaphore, #tpu.memory_space<semaphore_mem>>) src(%dma_wait3A_465 : memref<6400xi32, #tpu.memory_space<hbm>>) dst(%arg5 : memref<6400xi32, #tpu.memory_space<vmem>>)
        tpu.yield
      }) : () -> ()
      %scan3A_410 = arith.constant 0 : i32
      %scan3A_411 = arith.constant 8 : i32
      %scan3A_412 = arith.addi %scan3A_410, %scan3A_411 : i32
      %scan3A_413 = arith.constant 1 : i32
      scf.for %scan3A_462 = %scan3A_410 to %scan3A_412 step %scan3A_413  : i32 {
        %mul3A_463 = arith.constant 1 : i32
        %mul3A_464 = arith.muli %scan3A_462, %mul3A_463 : i32
        %add3A_465 = arith.constant 0 : i32
        %add3A_466 = arith.addi %add3A_465, %mul3A_464 : i32
        %mul3A_467 = arith.constant 16 : i32
        %mul3A_468 = arith.muli %add3A_466, %mul3A_467 : i32
        %add3A_469 = vector.broadcast %mul3A_468 : i32 to vector<16xi32>
        %add3A_470 = arith.addi %add3A_469, %iota3A : vector<16xi32>
        %mul3A_471 = arith.constant 50 : i32
        %mul3A_472 = vector.broadcast %mul3A_471 : i32 to vector<16xi32>
        %mul3A_473 = arith.muli %add3A_470, %mul3A_472 : vector<16xi32>
        %add3A_474 = arith.constant 0 : i32
        %add3A_475 = vector.broadcast %add3A_474 : i32 to vector<16xi32>
        %add3A_476 = arith.addi %mul3A_473, %add3A_475 : vector<16xi32>
        %gather3A = tpu.vector_load_idx %arg5[%add3A_476] : memref<6400xi32, #tpu.memory_space<vmem>>[vector<16xi32>], vector<16xi32>,
        %shift_right_arithmetic3A = arith.constant 1 : i32
        %shift_right_arithmetic3A_477 = vector.broadcast %shift_right_arithmetic3A : i32 to vector<16xi32>
        %shift_right_arithmetic3A_478 = arith.shrsi %gather3A, %shift_right_arithmetic3A_477 : vector<16xi32>
        %swap3A = arith.constant 0 : i32
        %swap3A_479 = arith.index_cast %swap3A : i32 to index
        %swap3A_480 = arith.index_cast %mul3A_468 : i32 to index
        %swap3A_481 = tpu.vector_load %arg6[%swap3A_479, %swap3A_480] {strides = array<i32>} : memref<2x128xi32, #tpu.memory_space<vmem>>, vector<16xi32>,
        tpu.vector_store %arg6[%swap3A_479, %swap3A_480], %shift_right_arithmetic3A_478 {strides = array<i32>} : memref<2x128xi32, #tpu.memory_space<vmem>>, vector<16xi32>,
        %and3A_482 = arith.constant 1 : i32
        %and3A_483 = vector.broadcast %and3A_482 : i32 to vector<16xi32>
        %and3A_484 = arith.andi %gather3A, %and3A_483 : vector<16xi32>
        %mul3A_485 = arith.constant 64 : i32
        %mul3A_486 = vector.broadcast %mul3A_485 : i32 to vector<16xi32>
        %mul3A_487 = arith.muli %and3A_484, %mul3A_486 : vector<16xi32>
        %swap3A_488 = arith.constant 0 : i32
        %swap3A_489 = arith.index_cast %swap3A_488 : i32 to index
        %swap3A_490 = arith.index_cast %mul3A_468 : i32 to index
        %swap3A_491 = tpu.vector_load %arg7[%swap3A_489, %swap3A_490] {strides = array<i32>} : memref<2x128xi32, #tpu.memory_space<vmem>>, vector<16xi32>,
        tpu.vector_store %arg7[%swap3A_489, %swap3A_490], %mul3A_487 {strides = array<i32>} : memref<2x128xi32, #tpu.memory_space<vmem>>, vector<16xi32>,
      }
      %scan3A_414 = arith.constant 8 : i32
      %dma_start3A = arith.constant 0 : i32
      %dma_start3A_415 = arith.constant 0 : i32
      %dma_start3A_416 = arith.constant 0 : i32
      %dma_start3A_417 = arith.constant 0 : i32
      %dma_start3A_418 = tpu.memref_slice %arg8[%dma_start3A_415, %dma_start3A_416, %dma_start3A_417] : memref<2x128x128xf32, #tpu.memory_space<vmem>> -> memref<1x128x128xf32, #tpu.memory_space<vmem>>
      %dma_start3A_419 = tpu.memref_squeeze %dma_start3A_418 : memref<1x128x128xf32, #tpu.memory_space<vmem>> -> memref<128x128xf32, #tpu.memory_space<vmem>>
      %dma_start3A_420 = arith.constant 0 : i32
      %dma_start3A_421 = tpu.memref_slice %arg6[%dma_start3A, %dma_start3A_420] : memref<2x128xi32, #tpu.memory_space<vmem>> -> memref<1x128xi32, #tpu.memory_space<vmem>>
      %dma_start3A_422 = tpu.memref_squeeze %dma_start3A_421 : memref<1x128xi32, #tpu.memory_space<vmem>> -> memref<128xi32, #tpu.memory_space<vmem>>
      %dma_start3A_423 = arith.constant 0 : i32
      %dma_start3A_424 = arith.constant 0 : i32
      %dma_start3A_425 = tpu.memref_slice %arg3[%dma_start3A_423, %dma_start3A_424] : memref<500000x128xf32, #tpu.memory_space<hbm>> -> memref<500000x128xf32, #tpu.memory_space<hbm>>
      tpu.enqueue_indirect_dma source(%dma_start3A_425 : memref<500000x128xf32, #tpu.memory_space<hbm>>) target(%dma_start3A_419 : memref<128x128xf32, #tpu.memory_space<vmem>>) offsets(%dma_start3A_422 : memref<128xi32, #tpu.memory_space<vmem>>) semaphore(%arg10 : memref<!tpu.dma_semaphore, #tpu.memory_space<semaphore_mem>>)
      %scan3A_426 = arith.constant 0 : i32
      %scan3A_427 = arith.constant 25 : i32
      %scan3A_428 = arith.addi %scan3A_426, %scan3A_427 : i32
      %scan3A_429 = arith.constant 1 : i32
      scf.for %scan3A_462 = %scan3A_426 to %scan3A_428 step %scan3A_429  : i32 {
        %mul3A_463 = arith.constant 2 : i32
        %mul3A_464 = arith.muli %scan3A_462, %mul3A_463 : i32
        %add3A_465 = arith.constant 0 : i32
        %add3A_466 = arith.addi %add3A_465, %mul3A_464 : i32
        %add3A_467 = arith.constant 1 : i32
        %add3A_468 = arith.addi %add3A_466, %add3A_467 : i32
        %scan3A_469 = arith.constant 0 : i32
        %scan3A_470 = arith.constant 8 : i32
        %scan3A_471 = arith.addi %scan3A_469, %scan3A_470 : i32
        %scan3A_472 = arith.constant 1 : i32
        scf.for %scan3A_570 = %scan3A_469 to %scan3A_471 step %scan3A_472  : i32 {
          %mul3A_571 = arith.constant 1 : i32
          %mul3A_572 = arith.muli %scan3A_570, %mul3A_571 : i32
          %add3A_573 = arith.constant 0 : i32
          %add3A_574 = arith.addi %add3A_573, %mul3A_572 : i32
          %mul3A_575 = arith.constant 16 : i32
          %mul3A_576 = arith.muli %add3A_574, %mul3A_575 : i32
          %add3A_577 = vector.broadcast %mul3A_576 : i32 to vector<16xi32>
          %add3A_578 = arith.addi %add3A_577, %iota3A : vector<16xi32>
          %mul3A_579 = arith.constant 50 : i32
          %mul3A_580 = vector.broadcast %mul3A_579 : i32 to vector<16xi32>
          %mul3A_581 = arith.muli %add3A_578, %mul3A_580 : vector<16xi32>
          %add3A_582 = vector.broadcast %add3A_468 : i32 to vector<16xi32>
          %add3A_583 = arith.addi %mul3A_581, %add3A_582 : vector<16xi32>
          %gather3A = tpu.vector_load_idx %arg5[%add3A_583] : memref<6400xi32, #tpu.memory_space<vmem>>[vector<16xi32>], vector<16xi32>,
          %shift_right_arithmetic3A = arith.constant 1 : i32
          %shift_right_arithmetic3A_584 = vector.broadcast %shift_right_arithmetic3A : i32 to vector<16xi32>
          %shift_right_arithmetic3A_585 = arith.shrsi %gather3A, %shift_right_arithmetic3A_584 : vector<16xi32>
          %swap3A = arith.constant 1 : i32
          %swap3A_586 = arith.index_cast %swap3A : i32 to index
          %swap3A_587 = arith.index_cast %mul3A_576 : i32 to index
          %swap3A_588 = tpu.vector_load %arg6[%swap3A_586, %swap3A_587] {strides = array<i32>} : memref<2x128xi32, #tpu.memory_space<vmem>>, vector<16xi32>,
          tpu.vector_store %arg6[%swap3A_586, %swap3A_587], %shift_right_arithmetic3A_585 {strides = array<i32>} : memref<2x128xi32, #tpu.memory_space<vmem>>, vector<16xi32>,
          %and3A_589 = arith.constant 1 : i32
          %and3A_590 = vector.broadcast %and3A_589 : i32 to vector<16xi32>
          %and3A_591 = arith.andi %gather3A, %and3A_590 : vector<16xi32>
          %mul3A_592 = arith.constant 64 : i32
          %mul3A_593 = vector.broadcast %mul3A_592 : i32 to vector<16xi32>
          %mul3A_594 = arith.muli %and3A_591, %mul3A_593 : vector<16xi32>
          %swap3A_595 = arith.constant 1 : i32
          %swap3A_596 = arith.index_cast %swap3A_595 : i32 to index
          %swap3A_597 = arith.index_cast %mul3A_576 : i32 to index
          %swap3A_598 = tpu.vector_load %arg7[%swap3A_596, %swap3A_597] {strides = array<i32>} : memref<2x128xi32, #tpu.memory_space<vmem>>, vector<16xi32>,
          tpu.vector_store %arg7[%swap3A_596, %swap3A_597], %mul3A_594 {strides = array<i32>} : memref<2x128xi32, #tpu.memory_space<vmem>>, vector<16xi32>,
        }
        %scan3A_473 = arith.constant 8 : i32
        %dma_start3A_474 = arith.constant 1 : i32
        %dma_start3A_475 = arith.constant 1 : i32
        %dma_start3A_476 = arith.constant 0 : i32
        %dma_start3A_477 = arith.constant 0 : i32
        %dma_start3A_478 = tpu.memref_slice %arg8[%dma_start3A_475, %dma_start3A_476, %dma_start3A_477] : memref<2x128x128xf32, #tpu.memory_space<vmem>> -> memref<1x128x128xf32, #tpu.memory_space<vmem>>
        %dma_start3A_479 = tpu.memref_squeeze %dma_start3A_478 : memref<1x128x128xf32, #tpu.memory_space<vmem>> -> memref<128x128xf32, #tpu.memory_space<vmem>>
        %dma_start3A_480 = arith.constant 0 : i32
        %dma_start3A_481 = tpu.memref_slice %arg6[%dma_start3A_474, %dma_start3A_480] : memref<2x128xi32, #tpu.memory_space<vmem>> -> memref<1x128xi32, #tpu.memory_space<vmem>>
        %dma_start3A_482 = tpu.memref_squeeze %dma_start3A_481 : memref<1x128xi32, #tpu.memory_space<vmem>> -> memref<128xi32, #tpu.memory_space<vmem>>
        %dma_start3A_483 = arith.constant 0 : i32
        %dma_start3A_484 = arith.constant 0 : i32
        %dma_start3A_485 = tpu.memref_slice %arg3[%dma_start3A_483, %dma_start3A_484] : memref<500000x128xf32, #tpu.memory_space<hbm>> -> memref<500000x128xf32, #tpu.memory_space<hbm>>
        tpu.enqueue_indirect_dma source(%dma_start3A_485 : memref<500000x128xf32, #tpu.memory_space<hbm>>) target(%dma_start3A_479 : memref<128x128xf32, #tpu.memory_space<vmem>>) offsets(%dma_start3A_482 : memref<128xi32, #tpu.memory_space<vmem>>) semaphore(%arg11 : memref<!tpu.dma_semaphore, #tpu.memory_space<semaphore_mem>>)
        %dma_wait3A_486 = arith.constant 0 : i32
        %dma_wait3A_487 = arith.constant 0 : i32
        %dma_wait3A_488 = arith.constant 0 : i32
        %dma_wait3A_489 = arith.constant 0 : i32
        %dma_wait3A_490 = tpu.memref_slice %arg8[%dma_wait3A_487, %dma_wait3A_488, %dma_wait3A_489] : memref<2x128x128xf32, #tpu.memory_space<vmem>> -> memref<1x128x128xf32, #tpu.memory_space<vmem>>
        %dma_wait3A_491 = tpu.memref_squeeze %dma_wait3A_490 : memref<1x128x128xf32, #tpu.memory_space<vmem>> -> memref<128x128xf32, #tpu.memory_space<vmem>>
        %dma_wait3A_492 = arith.constant 0 : i32
        %dma_wait3A_493 = tpu.memref_slice %arg6[%dma_wait3A_486, %dma_wait3A_492] : memref<2x128xi32, #tpu.memory_space<vmem>> -> memref<1x128xi32, #tpu.memory_space<vmem>>
        %dma_wait3A_494 = tpu.memref_squeeze %dma_wait3A_493 : memref<1x128xi32, #tpu.memory_space<vmem>> -> memref<128xi32, #tpu.memory_space<vmem>>
        %dma_wait3A_495 = arith.constant 0 : i32
        %dma_wait3A_496 = arith.constant 0 : i32
        %dma_wait3A_497 = tpu.memref_slice %arg3[%dma_wait3A_495, %dma_wait3A_496] : memref<500000x128xf32, #tpu.memory_space<hbm>> -> memref<500000x128xf32, #tpu.memory_space<hbm>>
        tpu.wait_indirect_dma semaphore(%arg10 : memref<!tpu.dma_semaphore, #tpu.memory_space<semaphore_mem>>) src(%dma_wait3A_497 : memref<500000x128xf32, #tpu.memory_space<hbm>>) dst(%dma_wait3A_491 : memref<128x128xf32, #tpu.memory_space<vmem>>)
        %ge3A = arith.constant 2 : i32
        %ge3A_498 = arith.cmpi sge, %add3A_466, %ge3A : i32
        %convert_element_type3A = arith.extui %ge3A_498 : i1 to i32
        %cond3A = arith.constant 0 : i32
        %cond3A_499 = arith.cmpi ne, %convert_element_type3A, %cond3A : i32
        scf.if %cond3A_499 {
          %sub3A = arith.constant 2 : i32
          %sub3A_570 = arith.subi %add3A_466, %sub3A : i32
          %dma_wait3A_571 = arith.constant 0 : i32
          %dma_wait3A_572 = arith.constant 0 : i32
          %dma_wait3A_573 = arith.constant 0 : i32
          %dma_wait3A_574 = tpu.memref_slice %arg9[%dma_wait3A_571, %dma_wait3A_572, %dma_wait3A_573] : memref<2x64x128xf32, #tpu.memory_space<vmem>> -> memref<1x64x128xf32, #tpu.memory_space<vmem>>
          %dma_wait3A_575 = tpu.memref_squeeze %dma_wait3A_574 : memref<1x64x128xf32, #tpu.memory_space<vmem>> -> memref<64x128xf32, #tpu.memory_space<vmem>>
          %dma_wait3A_576 = arith.constant 0 : i32
          %dma_wait3A_577 = tpu.memref_slice %arg4[%sub3A_570, %dma_wait3A_576, %mul3A_407] : memref<50x64x16384xf32, #tpu.memory_space<hbm>> -> memref<1x64x128xf32, #tpu.memory_space<hbm>>
          %dma_wait3A_578 = tpu.memref_squeeze %dma_wait3A_577 : memref<1x64x128xf32, #tpu.memory_space<hbm>> -> memref<64x128xf32, #tpu.memory_space<hbm>>
          %dma_wait3A_579 = arith.constant 0 : i32
          %dma_wait3A_580 = tpu.memref_slice %arg4[%sub3A_570, %dma_wait3A_579, %mul3A_407] : memref<50x64x16384xf32, #tpu.memory_space<hbm>> -> memref<1x64x128xf32, #tpu.memory_space<hbm>>
          %dma_wait3A_581 = tpu.memref_squeeze %dma_wait3A_580 : memref<1x64x128xf32, #tpu.memory_space<hbm>> -> memref<64x128xf32, #tpu.memory_space<hbm>>
          %dma_wait3A_582 = arith.constant 0 : i32
          %dma_wait3A_583 = arith.constant 0 : i32
          %dma_wait3A_584 = tpu.memref_slice %arg9[%dma_wait3A_571, %dma_wait3A_582, %dma_wait3A_583] : memref<2x64x128xf32, #tpu.memory_space<vmem>> -> memref<1x64x128xf32, #tpu.memory_space<vmem>>
          %dma_wait3A_585 = tpu.memref_squeeze %dma_wait3A_584 : memref<1x64x128xf32, #tpu.memory_space<vmem>> -> memref<64x128xf32, #tpu.memory_space<vmem>>
          tpu.wait_dma2 semaphore(%arg12 : memref<!tpu.dma_semaphore, #tpu.memory_space<semaphore_mem>>) src(%dma_wait3A_585 : memref<64x128xf32, #tpu.memory_space<vmem>>) dst(%dma_wait3A_581 : memref<64x128xf32, #tpu.memory_space<hbm>>)
        } else {
        }
        %scan3A_500 = arith.constant 0 : i32
        %scan3A_501 = arith.constant 0 : i32
        %scan3A_502 = arith.constant 0 : i32
        %scan3A_503 = arith.constant 8 : i32
        %scan3A_504 = arith.addi %scan3A_502, %scan3A_503 : i32
        %scan3A_505 = arith.constant 1 : i32
        scf.for %scan3A_570 = %scan3A_502 to %scan3A_504 step %scan3A_505  : i32 {
          %mul3A_571 = arith.constant 1 : i32
          %mul3A_572 = arith.muli %scan3A_570, %mul3A_571 : i32
          %add3A_573 = arith.constant 0 : i32
          %add3A_574 = arith.addi %add3A_573, %mul3A_572 : i32
          %mul3A_575 = arith.constant 16 : i32
          %mul3A_576 = arith.muli %add3A_574, %mul3A_575 : i32
          %add3A_577 = vector.broadcast %mul3A_576 : i32 to vector<16xi32>
          %add3A_578 = arith.addi %add3A_577, %iota3A : vector<16xi32>
          %mul3A_579 = arith.constant 16 : i32
          %mul3A_580 = arith.muli %add3A_574, %mul3A_579 : i32
          %get3A = arith.constant 0 : i32
          %get3A_581 = arith.index_cast %get3A : i32 to index
          %get3A_582 = arith.index_cast %mul3A_580 : i32 to index
          %get3A_583 = tpu.vector_load %arg7[%get3A_581, %get3A_582] {strides = array<i32>} : memref<2x128xi32, #tpu.memory_space<vmem>>, vector<16xi32>,
          %add3A_584 = arith.constant 0 : i32
          %add3A_585 = vector.broadcast %add3A_584 : i32 to vector<16xi32>
          %add3A_586 = arith.addi %add3A_585, %select_n3A_18 : vector<16xi32>
          %add3A_587 = arith.addi %add3A_586, %get3A_583 : vector<16xi32>
          %gather3A = arith.constant 0 : i32
          %gather3A_588 = arith.constant 0 : i32
          %gather3A_589 = tpu.memref_slice %arg8[%scan3A_500, %gather3A, %gather3A_588] : memref<2x128x128xf32, #tpu.memory_space<vmem>> -> memref<1x128x128xf32, #tpu.memory_space<vmem>>
          %gather3A_590 = tpu.memref_squeeze %gather3A_589 : memref<1x128x128xf32, #tpu.memory_space<vmem>> -> memref<128x128xf32, #tpu.memory_space<vmem>>
          %gather3A_591 = tpu.vector_load_idx %gather3A_590[%add3A_578, %add3A_587] : memref<128x128xf32, #tpu.memory_space<vmem>>[vector<16xi32>, vector<16xi32>], vector<16xf32>,
          %scatter3A = arith.constant 0 : i32
          %scatter3A_592 = arith.constant 0 : i32
          %scatter3A_593 = tpu.memref_slice %arg9[%scan3A_501, %scatter3A, %scatter3A_592] : memref<2x64x128xf32, #tpu.memory_space<vmem>> -> memref<1x64x128xf32, #tpu.memory_space<vmem>>
          %scatter3A_594 = tpu.memref_squeeze %scatter3A_593 : memref<1x64x128xf32, #tpu.memory_space<vmem>> -> memref<64x128xf32, #tpu.memory_space<vmem>>
          tpu.vector_store_idx %scatter3A_594[%add3A_586, %add3A_578], %gather3A_591 : memref<64x128xf32, #tpu.memory_space<vmem>>[vector<16xi32>, vector<16xi32>], vector<16xf32>,
          %add3A_595 = arith.constant 0 : i32
          %add3A_596 = vector.broadcast %add3A_595 : i32 to vector<16xi32>
          %add3A_597 = arith.addi %add3A_596, %select_n3A_43 : vector<16xi32>
          %add3A_598 = arith.addi %add3A_597, %get3A_583 : vector<16xi32>
          %gather3A_599 = arith.constant 0 : i32
          %gather3A_600 = arith.constant 0 : i32
          %gather3A_601 = tpu.memref_slice %arg8[%scan3A_500, %gather3A_599, %gather3A_600] : memref<2x128x128xf32, #tpu.memory_space<vmem>> -> memref<1x128x128xf32, #tpu.memory_space<vmem>>
          %gather3A_602 = tpu.memref_squeeze %gather3A_601 : memref<1x128x128xf32, #tpu.memory_space<vmem>> -> memref<128x128xf32, #tpu.memory_space<vmem>>
          %gather3A_603 = tpu.vector_load_idx %gather3A_602[%add3A_578, %add3A_598] : memref<128x128xf32, #tpu.memory_space<vmem>>[vector<16xi32>, vector<16xi32>], vector<16xf32>,
          %scatter3A_604 = arith.constant 0 : i32
          %scatter3A_605 = arith.constant 0 : i32
          %scatter3A_606 = tpu.memref_slice %arg9[%scan3A_501, %scatter3A_604, %scatter3A_605] : memref<2x64x128xf32, #tpu.memory_space<vmem>> -> memref<1x64x128xf32, #tpu.memory_space<vmem>>
          %scatter3A_607 = tpu.memref_squeeze %scatter3A_606 : memref<1x64x128xf32, #tpu.memory_space<vmem>> -> memref<64x128xf32, #tpu.memory_space<vmem>>
          tpu.vector_store_idx %scatter3A_607[%add3A_597, %add3A_578], %gather3A_603 : memref<64x128xf32, #tpu.memory_space<vmem>>[vector<16xi32>, vector<16xi32>], vector<16xf32>,
          %add3A_608 = arith.constant 0 : i32
          %add3A_609 = vector.broadcast %add3A_608 : i32 to vector<16xi32>
          %add3A_610 = arith.addi %add3A_609, %select_n3A_68 : vector<16xi32>
          %add3A_611 = arith.addi %add3A_610, %get3A_583 : vector<16xi32>
          %gather3A_612 = arith.constant 0 : i32
          %gather3A_613 = arith.constant 0 : i32
          %gather3A_614 = tpu.memref_slice %arg8[%scan3A_500, %gather3A_612, %gather3A_613] : memref<2x128x128xf32, #tpu.memory_space<vmem>> -> memref<1x128x128xf32, #tpu.memory_space<vmem>>
          %gather3A_615 = tpu.memref_squeeze %gather3A_614 : memref<1x128x128xf32, #tpu.memory_space<vmem>> -> memref<128x128xf32, #tpu.memory_space<vmem>>
          %gather3A_616 = tpu.vector_load_idx %gather3A_615[%add3A_578, %add3A_611] : memref<128x128xf32, #tpu.memory_space<vmem>>[vector<16xi32>, vector<16xi32>], vector<16xf32>,
          %scatter3A_617 = arith.constant 0 : i32
          %scatter3A_618 = arith.constant 0 : i32
          %scatter3A_619 = tpu.memref_slice %arg9[%scan3A_501, %scatter3A_617, %scatter3A_618] : memref<2x64x128xf32, #tpu.memory_space<vmem>> -> memref<1x64x128xf32, #tpu.memory_space<vmem>>
          %scatter3A_620 = tpu.memref_squeeze %scatter3A_619 : memref<1x64x128xf32, #tpu.memory_space<vmem>> -> memref<64x128xf32, #tpu.memory_space<vmem>>
          tpu.vector_store_idx %scatter3A_620[%add3A_610, %add3A_578], %gather3A_616 : memref<64x128xf32, #tpu.memory_space<vmem>>[vector<16xi32>, vector<16xi32>], vector<16xf32>,
          %add3A_621 = arith.constant 0 : i32
          %add3A_622 = vector.broadcast %add3A_621 : i32 to vector<16xi32>
          %add3A_623 = arith.addi %add3A_622, %select_n3A_93 : vector<16xi32>
          %add3A_624 = arith.addi %add3A_623, %get3A_583 : vector<16xi32>
          %gather3A_625 = arith.constant 0 : i32
          %gather3A_626 = arith.constant 0 : i32
          %gather3A_627 = tpu.memref_slice %arg8[%scan3A_500, %gather3A_625, %gather3A_626] : memref<2x128x128xf32, #tpu.memory_space<vmem>> -> memref<1x128x128xf32, #tpu.memory_space<vmem>>
          %gather3A_628 = tpu.memref_squeeze %gather3A_627 : memref<1x128x128xf32, #tpu.memory_space<vmem>> -> memref<128x128xf32, #tpu.memory_space<vmem>>
          %gather3A_629 = tpu.vector_load_idx %gather3A_628[%add3A_578, %add3A_624] : memref<128x128xf32, #tpu.memory_space<vmem>>[vector<16xi32>, vector<16xi32>], vector<16xf32>,
          %scatter3A_630 = arith.constant 0 : i32
          %scatter3A_631 = arith.constant 0 : i32
          %scatter3A_632 = tpu.memref_slice %arg9[%scan3A_501, %scatter3A_630, %scatter3A_631] : memref<2x64x128xf32, #tpu.memory_space<vmem>> -> memref<1x64x128xf32, #tpu.memory_space<vmem>>
          %scatter3A_633 = tpu.memref_squeeze %scatter3A_632 : memref<1x64x128xf32, #tpu.memory_space<vmem>> -> memref<64x128xf32, #tpu.memory_space<vmem>>
          tpu.vector_store_idx %scatter3A_633[%add3A_623, %add3A_578], %gather3A_629 : memref<64x128xf32, #tpu.memory_space<vmem>>[vector<16xi32>, vector<16xi32>], vector<16xf32>,
          %add3A_634 = arith.constant 0 : i32
          %add3A_635 = vector.broadcast %add3A_634 : i32 to vector<16xi32>
          %add3A_636 = arith.addi %add3A_635, %select_n3A_118 : vector<16xi32>
          %add3A_637 = arith.addi %add3A_636, %get3A_583 : vector<16xi32>
          %gather3A_638 = arith.constant 0 : i32
          %gather3A_639 = arith.constant 0 : i32
          %gather3A_640 = tpu.memref_slice %arg8[%scan3A_500, %gather3A_638, %gather3A_639] : memref<2x128x128xf32, #tpu.memory_space<vmem>> -> memref<1x128x128xf32, #tpu.memory_space<vmem>>
          %gather3A_641 = tpu.memref_squeeze %gather3A_640 : memref<1x128x128xf32, #tpu.memory_space<vmem>> -> memref<128x128xf32, #tpu.memory_space<vmem>>
          %gather3A_642 = tpu.vector_load_idx %gather3A_641[%add3A_578, %add3A_637] : memref<128x128xf32, #tpu.memory_space<vmem>>[vector<16xi32>, vector<16xi32>], vector<16xf32>,
          %scatter3A_643 = arith.constant 0 : i32
          %scatter3A_644 = arith.constant 0 : i32
          %scatter3A_645 = tpu.memref_slice %arg9[%scan3A_501, %scatter3A_643, %scatter3A_644] : memref<2x64x128xf32, #tpu.memory_space<vmem>> -> memref<1x64x128xf32, #tpu.memory_space<vmem>>
          %scatter3A_646 = tpu.memref_squeeze %scatter3A_645 : memref<1x64x128xf32, #tpu.memory_space<vmem>> -> memref<64x128xf32, #tpu.memory_space<vmem>>
          tpu.vector_store_idx %scatter3A_646[%add3A_636, %add3A_578], %gather3A_642 : memref<64x128xf32, #tpu.memory_space<vmem>>[vector<16xi32>, vector<16xi32>], vector<16xf32>,
          %add3A_647 = arith.constant 0 : i32
          %add3A_648 = vector.broadcast %add3A_647 : i32 to vector<16xi32>
          %add3A_649 = arith.addi %add3A_648, %select_n3A_143 : vector<16xi32>
          %add3A_650 = arith.addi %add3A_649, %get3A_583 : vector<16xi32>
          %gather3A_651 = arith.constant 0 : i32
          %gather3A_652 = arith.constant 0 : i32
          %gather3A_653 = tpu.memref_slice %arg8[%scan3A_500, %gather3A_651, %gather3A_652] : memref<2x128x128xf32, #tpu.memory_space<vmem>> -> memref<1x128x128xf32, #tpu.memory_space<vmem>>
          %gather3A_654 = tpu.memref_squeeze %gather3A_653 : memref<1x128x128xf32, #tpu.memory_space<vmem>> -> memref<128x128xf32, #tpu.memory_space<vmem>>
          %gather3A_655 = tpu.vector_load_idx %gather3A_654[%add3A_578, %add3A_650] : memref<128x128xf32, #tpu.memory_space<vmem>>[vector<16xi32>, vector<16xi32>], vector<16xf32>,
          %scatter3A_656 = arith.constant 0 : i32
          %scatter3A_657 = arith.constant 0 : i32
          %scatter3A_658 = tpu.memref_slice %arg9[%scan3A_501, %scatter3A_656, %scatter3A_657] : memref<2x64x128xf32, #tpu.memory_space<vmem>> -> memref<1x64x128xf32, #tpu.memory_space<vmem>>
          %scatter3A_659 = tpu.memref_squeeze %scatter3A_658 : memref<1x64x128xf32, #tpu.memory_space<vmem>> -> memref<64x128xf32, #tpu.memory_space<vmem>>
          tpu.vector_store_idx %scatter3A_659[%add3A_649, %add3A_578], %gather3A_655 : memref<64x128xf32, #tpu.memory_space<vmem>>[vector<16xi32>, vector<16xi32>], vector<16xf32>,
          %add3A_660 = arith.constant 0 : i32
          %add3A_661 = vector.broadcast %add3A_660 : i32 to vector<16xi32>
          %add3A_662 = arith.addi %add3A_661, %select_n3A_168 : vector<16xi32>
          %add3A_663 = arith.addi %add3A_662, %get3A_583 : vector<16xi32>
          %gather3A_664 = arith.constant 0 : i32
          %gather3A_665 = arith.constant 0 : i32
          %gather3A_666 = tpu.memref_slice %arg8[%scan3A_500, %gather3A_664, %gather3A_665] : memref<2x128x128xf32, #tpu.memory_space<vmem>> -> memref<1x128x128xf32, #tpu.memory_space<vmem>>
          %gather3A_667 = tpu.memref_squeeze %gather3A_666 : memref<1x128x128xf32, #tpu.memory_space<vmem>> -> memref<128x128xf32, #tpu.memory_space<vmem>>
          %gather3A_668 = tpu.vector_load_idx %gather3A_667[%add3A_578, %add3A_663] : memref<128x128xf32, #tpu.memory_space<vmem>>[vector<16xi32>, vector<16xi32>], vector<16xf32>,
          %scatter3A_669 = arith.constant 0 : i32
          %scatter3A_670 = arith.constant 0 : i32
          %scatter3A_671 = tpu.memref_slice %arg9[%scan3A_501, %scatter3A_669, %scatter3A_670] : memref<2x64x128xf32, #tpu.memory_space<vmem>> -> memref<1x64x128xf32, #tpu.memory_space<vmem>>
          %scatter3A_672 = tpu.memref_squeeze %scatter3A_671 : memref<1x64x128xf32, #tpu.memory_space<vmem>> -> memref<64x128xf32, #tpu.memory_space<vmem>>
          tpu.vector_store_idx %scatter3A_672[%add3A_662, %add3A_578], %gather3A_668 : memref<64x128xf32, #tpu.memory_space<vmem>>[vector<16xi32>, vector<16xi32>], vector<16xf32>,
          %add3A_673 = arith.constant 0 : i32
          %add3A_674 = vector.broadcast %add3A_673 : i32 to vector<16xi32>
          %add3A_675 = arith.addi %add3A_674, %select_n3A_193 : vector<16xi32>
          %add3A_676 = arith.addi %add3A_675, %get3A_583 : vector<16xi32>
          %gather3A_677 = arith.constant 0 : i32
          %gather3A_678 = arith.constant 0 : i32
          %gather3A_679 = tpu.memref_slice %arg8[%scan3A_500, %gather3A_677, %gather3A_678] : memref<2x128x128xf32, #tpu.memory_space<vmem>> -> memref<1x128x128xf32, #tpu.memory_space<vmem>>
          %gather3A_680 = tpu.memref_squeeze %gather3A_679 : memref<1x128x128xf32, #tpu.memory_space<vmem>> -> memref<128x128xf32, #tpu.memory_space<vmem>>
          %gather3A_681 = tpu.vector_load_idx %gather3A_680[%add3A_578, %add3A_676] : memref<128x128xf32, #tpu.memory_space<vmem>>[vector<16xi32>, vector<16xi32>], vector<16xf32>,
          %scatter3A_682 = arith.constant 0 : i32
          %scatter3A_683 = arith.constant 0 : i32
          %scatter3A_684 = tpu.memref_slice %arg9[%scan3A_501, %scatter3A_682, %scatter3A_683] : memref<2x64x128xf32, #tpu.memory_space<vmem>> -> memref<1x64x128xf32, #tpu.memory_space<vmem>>
          %scatter3A_685 = tpu.memref_squeeze %scatter3A_684 : memref<1x64x128xf32, #tpu.memory_space<vmem>> -> memref<64x128xf32, #tpu.memory_space<vmem>>
          tpu.vector_store_idx %scatter3A_685[%add3A_675, %add3A_578], %gather3A_681 : memref<64x128xf32, #tpu.memory_space<vmem>>[vector<16xi32>, vector<16xi32>], vector<16xf32>,
          %add3A_686 = arith.constant 0 : i32
          %add3A_687 = vector.broadcast %add3A_686 : i32 to vector<16xi32>
          %add3A_688 = arith.addi %add3A_687, %select_n3A_218 : vector<16xi32>
          %add3A_689 = arith.addi %add3A_688, %get3A_583 : vector<16xi32>
          %gather3A_690 = arith.constant 0 : i32
          %gather3A_691 = arith.constant 0 : i32
          %gather3A_692 = tpu.memref_slice %arg8[%scan3A_500, %gather3A_690, %gather3A_691] : memref<2x128x128xf32, #tpu.memory_space<vmem>> -> memref<1x128x128xf32, #tpu.memory_space<vmem>>
          %gather3A_693 = tpu.memref_squeeze %gather3A_692 : memref<1x128x128xf32, #tpu.memory_space<vmem>> -> memref<128x128xf32, #tpu.memory_space<vmem>>
          %gather3A_694 = tpu.vector_load_idx %gather3A_693[%add3A_578, %add3A_689] : memref<128x128xf32, #tpu.memory_space<vmem>>[vector<16xi32>, vector<16xi32>], vector<16xf32>,
          %scatter3A_695 = arith.constant 0 : i32
          %scatter3A_696 = arith.constant 0 : i32
          %scatter3A_697 = tpu.memref_slice %arg9[%scan3A_501, %scatter3A_695, %scatter3A_696] : memref<2x64x128xf32, #tpu.memory_space<vmem>> -> memref<1x64x128xf32, #tpu.memory_space<vmem>>
          %scatter3A_698 = tpu.memref_squeeze %scatter3A_697 : memref<1x64x128xf32, #tpu.memory_space<vmem>> -> memref<64x128xf32, #tpu.memory_space<vmem>>
          tpu.vector_store_idx %scatter3A_698[%add3A_688, %add3A_578], %gather3A_694 : memref<64x128xf32, #tpu.memory_space<vmem>>[vector<16xi32>, vector<16xi32>], vector<16xf32>,
          %add3A_699 = arith.constant 0 : i32
          %add3A_700 = vector.broadcast %add3A_699 : i32 to vector<16xi32>
          %add3A_701 = arith.addi %add3A_700, %select_n3A_243 : vector<16xi32>
          %add3A_702 = arith.addi %add3A_701, %get3A_583 : vector<16xi32>
          %gather3A_703 = arith.constant 0 : i32
          %gather3A_704 = arith.constant 0 : i32
          %gather3A_705 = tpu.memref_slice %arg8[%scan3A_500, %gather3A_703, %gather3A_704] : memref<2x128x128xf32, #tpu.memory_space<vmem>> -> memref<1x128x128xf32, #tpu.memory_space<vmem>>
          %gather3A_706 = tpu.memref_squeeze %gather3A_705 : memref<1x128x128xf32, #tpu.memory_space<vmem>> -> memref<128x128xf32, #tpu.memory_space<vmem>>
          %gather3A_707 = tpu.vector_load_idx %gather3A_706[%add3A_578, %add3A_702] : memref<128x128xf32, #tpu.memory_space<vmem>>[vector<16xi32>, vector<16xi32>], vector<16xf32>,
          %scatter3A_708 = arith.constant 0 : i32
          %scatter3A_709 = arith.constant 0 : i32
          %scatter3A_710 = tpu.memref_slice %arg9[%scan3A_501, %scatter3A_708, %scatter3A_709] : memref<2x64x128xf32, #tpu.memory_space<vmem>> -> memref<1x64x128xf32, #tpu.memory_space<vmem>>
          %scatter3A_711 = tpu.memref_squeeze %scatter3A_710 : memref<1x64x128xf32, #tpu.memory_space<vmem>> -> memref<64x128xf32, #tpu.memory_space<vmem>>
          tpu.vector_store_idx %scatter3A_711[%add3A_701, %add3A_578], %gather3A_707 : memref<64x128xf32, #tpu.memory_space<vmem>>[vector<16xi32>, vector<16xi32>], vector<16xf32>,
          %add3A_712 = arith.constant 0 : i32
          %add3A_713 = vector.broadcast %add3A_712 : i32 to vector<16xi32>
          %add3A_714 = arith.addi %add3A_713, %select_n3A_268 : vector<16xi32>
          %add3A_715 = arith.addi %add3A_714, %get3A_583 : vector<16xi32>
          %gather3A_716 = arith.constant 0 : i32
          %gather3A_717 = arith.constant 0 : i32
          %gather3A_718 = tpu.memref_slice %arg8[%scan3A_500, %gather3A_716, %gather3A_717] : memref<2x128x128xf32, #tpu.memory_space<vmem>> -> memref<1x128x128xf32, #tpu.memory_space<vmem>>
          %gather3A_719 = tpu.memref_squeeze %gather3A_718 : memref<1x128x128xf32, #tpu.memory_space<vmem>> -> memref<128x128xf32, #tpu.memory_space<vmem>>
          %gather3A_720 = tpu.vector_load_idx %gather3A_719[%add3A_578, %add3A_715] : memref<128x128xf32, #tpu.memory_space<vmem>>[vector<16xi32>, vector<16xi32>], vector<16xf32>,
          %scatter3A_721 = arith.constant 0 : i32
          %scatter3A_722 = arith.constant 0 : i32
          %scatter3A_723 = tpu.memref_slice %arg9[%scan3A_501, %scatter3A_721, %scatter3A_722] : memref<2x64x128xf32, #tpu.memory_space<vmem>> -> memref<1x64x128xf32, #tpu.memory_space<vmem>>
          %scatter3A_724 = tpu.memref_squeeze %scatter3A_723 : memref<1x64x128xf32, #tpu.memory_space<vmem>> -> memref<64x128xf32, #tpu.memory_space<vmem>>
          tpu.vector_store_idx %scatter3A_724[%add3A_714, %add3A_578], %gather3A_720 : memref<64x128xf32, #tpu.memory_space<vmem>>[vector<16xi32>, vector<16xi32>], vector<16xf32>,
          %add3A_725 = arith.constant 0 : i32
          %add3A_726 = vector.broadcast %add3A_725 : i32 to vector<16xi32>
          %add3A_727 = arith.addi %add3A_726, %select_n3A_293 : vector<16xi32>
          %add3A_728 = arith.addi %add3A_727, %get3A_583 : vector<16xi32>
          %gather3A_729 = arith.constant 0 : i32
          %gather3A_730 = arith.constant 0 : i32
          %gather3A_731 = tpu.memref_slice %arg8[%scan3A_500, %gather3A_729, %gather3A_730] : memref<2x128x128xf32, #tpu.memory_space<vmem>> -> memref<1x128x128xf32, #tpu.memory_space<vmem>>
          %gather3A_732 = tpu.memref_squeeze %gather3A_731 : memref<1x128x128xf32, #tpu.memory_space<vmem>> -> memref<128x128xf32, #tpu.memory_space<vmem>>
          %gather3A_733 = tpu.vector_load_idx %gather3A_732[%add3A_578, %add3A_728] : memref<128x128xf32, #tpu.memory_space<vmem>>[vector<16xi32>, vector<16xi32>], vector<16xf32>,
          %scatter3A_734 = arith.constant 0 : i32
          %scatter3A_735 = arith.constant 0 : i32
          %scatter3A_736 = tpu.memref_slice %arg9[%scan3A_501, %scatter3A_734, %scatter3A_735] : memref<2x64x128xf32, #tpu.memory_space<vmem>> -> memref<1x64x128xf32, #tpu.memory_space<vmem>>
          %scatter3A_737 = tpu.memref_squeeze %scatter3A_736 : memref<1x64x128xf32, #tpu.memory_space<vmem>> -> memref<64x128xf32, #tpu.memory_space<vmem>>
          tpu.vector_store_idx %scatter3A_737[%add3A_727, %add3A_578], %gather3A_733 : memref<64x128xf32, #tpu.memory_space<vmem>>[vector<16xi32>, vector<16xi32>], vector<16xf32>,
          %add3A_738 = arith.constant 0 : i32
          %add3A_739 = vector.broadcast %add3A_738 : i32 to vector<16xi32>
          %add3A_740 = arith.addi %add3A_739, %select_n3A_318 : vector<16xi32>
          %add3A_741 = arith.addi %add3A_740, %get3A_583 : vector<16xi32>
          %gather3A_742 = arith.constant 0 : i32
          %gather3A_743 = arith.constant 0 : i32
          %gather3A_744 = tpu.memref_slice %arg8[%scan3A_500, %gather3A_742, %gather3A_743] : memref<2x128x128xf32, #tpu.memory_space<vmem>> -> memref<1x128x128xf32, #tpu.memory_space<vmem>>
          %gather3A_745 = tpu.memref_squeeze %gather3A_744 : memref<1x128x128xf32, #tpu.memory_space<vmem>> -> memref<128x128xf32, #tpu.memory_space<vmem>>
          %gather3A_746 = tpu.vector_load_idx %gather3A_745[%add3A_578, %add3A_741] : memref<128x128xf32, #tpu.memory_space<vmem>>[vector<16xi32>, vector<16xi32>], vector<16xf32>,
          %scatter3A_747 = arith.constant 0 : i32
          %scatter3A_748 = arith.constant 0 : i32
          %scatter3A_749 = tpu.memref_slice %arg9[%scan3A_501, %scatter3A_747, %scatter3A_748] : memref<2x64x128xf32, #tpu.memory_space<vmem>> -> memref<1x64x128xf32, #tpu.memory_space<vmem>>
          %scatter3A_750 = tpu.memref_squeeze %scatter3A_749 : memref<1x64x128xf32, #tpu.memory_space<vmem>> -> memref<64x128xf32, #tpu.memory_space<vmem>>
          tpu.vector_store_idx %scatter3A_750[%add3A_740, %add3A_578], %gather3A_746 : memref<64x128xf32, #tpu.memory_space<vmem>>[vector<16xi32>, vector<16xi32>], vector<16xf32>,
          %add3A_751 = arith.constant 0 : i32
          %add3A_752 = vector.broadcast %add3A_751 : i32 to vector<16xi32>
          %add3A_753 = arith.addi %add3A_752, %select_n3A_343 : vector<16xi32>
          %add3A_754 = arith.addi %add3A_753, %get3A_583 : vector<16xi32>
          %gather3A_755 = arith.constant 0 : i32
          %gather3A_756 = arith.constant 0 : i32
          %gather3A_757 = tpu.memref_slice %arg8[%scan3A_500, %gather3A_755, %gather3A_756] : memref<2x128x128xf32, #tpu.memory_space<vmem>> -> memref<1x128x128xf32, #tpu.memory_space<vmem>>
          %gather3A_758 = tpu.memref_squeeze %gather3A_757 : memref<1x128x128xf32, #tpu.memory_space<vmem>> -> memref<128x128xf32, #tpu.memory_space<vmem>>
          %gather3A_759 = tpu.vector_load_idx %gather3A_758[%add3A_578, %add3A_754] : memref<128x128xf32, #tpu.memory_space<vmem>>[vector<16xi32>, vector<16xi32>], vector<16xf32>,
          %scatter3A_760 = arith.constant 0 : i32
          %scatter3A_761 = arith.constant 0 : i32
          %scatter3A_762 = tpu.memref_slice %arg9[%scan3A_501, %scatter3A_760, %scatter3A_761] : memref<2x64x128xf32, #tpu.memory_space<vmem>> -> memref<1x64x128xf32, #tpu.memory_space<vmem>>
          %scatter3A_763 = tpu.memref_squeeze %scatter3A_762 : memref<1x64x128xf32, #tpu.memory_space<vmem>> -> memref<64x128xf32, #tpu.memory_space<vmem>>
          tpu.vector_store_idx %scatter3A_763[%add3A_753, %add3A_578], %gather3A_759 : memref<64x128xf32, #tpu.memory_space<vmem>>[vector<16xi32>, vector<16xi32>], vector<16xf32>,
          %add3A_764 = arith.constant 0 : i32
          %add3A_765 = vector.broadcast %add3A_764 : i32 to vector<16xi32>
          %add3A_766 = arith.addi %add3A_765, %select_n3A_368 : vector<16xi32>
          %add3A_767 = arith.addi %add3A_766, %get3A_583 : vector<16xi32>
          %gather3A_768 = arith.constant 0 : i32
          %gather3A_769 = arith.constant 0 : i32
          %gather3A_770 = tpu.memref_slice %arg8[%scan3A_500, %gather3A_768, %gather3A_769] : memref<2x128x128xf32, #tpu.memory_space<vmem>> -> memref<1x128x128xf32, #tpu.memory_space<vmem>>
          %gather3A_771 = tpu.memref_squeeze %gather3A_770 : memref<1x128x128xf32, #tpu.memory_space<vmem>> -> memref<128x128xf32, #tpu.memory_space<vmem>>
          %gather3A_772 = tpu.vector_load_idx %gather3A_771[%add3A_578, %add3A_767] : memref<128x128xf32, #tpu.memory_space<vmem>>[vector<16xi32>, vector<16xi32>], vector<16xf32>,
          %scatter3A_773 = arith.constant 0 : i32
          %scatter3A_774 = arith.constant 0 : i32
          %scatter3A_775 = tpu.memref_slice %arg9[%scan3A_501, %scatter3A_773, %scatter3A_774] : memref<2x64x128xf32, #tpu.memory_space<vmem>> -> memref<1x64x128xf32, #tpu.memory_space<vmem>>
          %scatter3A_776 = tpu.memref_squeeze %scatter3A_775 : memref<1x64x128xf32, #tpu.memory_space<vmem>> -> memref<64x128xf32, #tpu.memory_space<vmem>>
          tpu.vector_store_idx %scatter3A_776[%add3A_766, %add3A_578], %gather3A_772 : memref<64x128xf32, #tpu.memory_space<vmem>>[vector<16xi32>, vector<16xi32>], vector<16xf32>,
          %add3A_777 = arith.constant 0 : i32
          %add3A_778 = vector.broadcast %add3A_777 : i32 to vector<16xi32>
          %add3A_779 = arith.addi %add3A_778, %select_n3A_393 : vector<16xi32>
          %add3A_780 = arith.addi %add3A_779, %get3A_583 : vector<16xi32>
          %gather3A_781 = arith.constant 0 : i32
          %gather3A_782 = arith.constant 0 : i32
          %gather3A_783 = tpu.memref_slice %arg8[%scan3A_500, %gather3A_781, %gather3A_782] : memref<2x128x128xf32, #tpu.memory_space<vmem>> -> memref<1x128x128xf32, #tpu.memory_space<vmem>>
          %gather3A_784 = tpu.memref_squeeze %gather3A_783 : memref<1x128x128xf32, #tpu.memory_space<vmem>> -> memref<128x128xf32, #tpu.memory_space<vmem>>
          %gather3A_785 = tpu.vector_load_idx %gather3A_784[%add3A_578, %add3A_780] : memref<128x128xf32, #tpu.memory_space<vmem>>[vector<16xi32>, vector<16xi32>], vector<16xf32>,
          %scatter3A_786 = arith.constant 0 : i32
          %scatter3A_787 = arith.constant 0 : i32
          %scatter3A_788 = tpu.memref_slice %arg9[%scan3A_501, %scatter3A_786, %scatter3A_787] : memref<2x64x128xf32, #tpu.memory_space<vmem>> -> memref<1x64x128xf32, #tpu.memory_space<vmem>>
          %scatter3A_789 = tpu.memref_squeeze %scatter3A_788 : memref<1x64x128xf32, #tpu.memory_space<vmem>> -> memref<64x128xf32, #tpu.memory_space<vmem>>
          tpu.vector_store_idx %scatter3A_789[%add3A_779, %add3A_578], %gather3A_785 : memref<64x128xf32, #tpu.memory_space<vmem>>[vector<16xi32>, vector<16xi32>], vector<16xf32>,
          %add3A_790 = arith.constant 16 : i32
          %add3A_791 = vector.broadcast %add3A_790 : i32 to vector<16xi32>
          %add3A_792 = arith.addi %add3A_791, %select_n3A_18 : vector<16xi32>
          %add3A_793 = arith.addi %add3A_792, %get3A_583 : vector<16xi32>
          %gather3A_794 = arith.constant 0 : i32
          %gather3A_795 = arith.constant 0 : i32
          %gather3A_796 = tpu.memref_slice %arg8[%scan3A_500, %gather3A_794, %gather3A_795] : memref<2x128x128xf32, #tpu.memory_space<vmem>> -> memref<1x128x128xf32, #tpu.memory_space<vmem>>
          %gather3A_797 = tpu.memref_squeeze %gather3A_796 : memref<1x128x128xf32, #tpu.memory_space<vmem>> -> memref<128x128xf32, #tpu.memory_space<vmem>>
          %gather3A_798 = tpu.vector_load_idx %gather3A_797[%add3A_578, %add3A_793] : memref<128x128xf32, #tpu.memory_space<vmem>>[vector<16xi32>, vector<16xi32>], vector<16xf32>,
          %scatter3A_799 = arith.constant 0 : i32
          %scatter3A_800 = arith.constant 0 : i32
          %scatter3A_801 = tpu.memref_slice %arg9[%scan3A_501, %scatter3A_799, %scatter3A_800] : memref<2x64x128xf32, #tpu.memory_space<vmem>> -> memref<1x64x128xf32, #tpu.memory_space<vmem>>
          %scatter3A_802 = tpu.memref_squeeze %scatter3A_801 : memref<1x64x128xf32, #tpu.memory_space<vmem>> -> memref<64x128xf32, #tpu.memory_space<vmem>>
          tpu.vector_store_idx %scatter3A_802[%add3A_792, %add3A_578], %gather3A_798 : memref<64x128xf32, #tpu.memory_space<vmem>>[vector<16xi32>, vector<16xi32>], vector<16xf32>,
          %add3A_803 = arith.constant 16 : i32
          %add3A_804 = vector.broadcast %add3A_803 : i32 to vector<16xi32>
          %add3A_805 = arith.addi %add3A_804, %select_n3A_43 : vector<16xi32>
          %add3A_806 = arith.addi %add3A_805, %get3A_583 : vector<16xi32>
          %gather3A_807 = arith.constant 0 : i32
          %gather3A_808 = arith.constant 0 : i32
          %gather3A_809 = tpu.memref_slice %arg8[%scan3A_500, %gather3A_807, %gather3A_808] : memref<2x128x128xf32, #tpu.memory_space<vmem>> -> memref<1x128x128xf32, #tpu.memory_space<vmem>>
          %gather3A_810 = tpu.memref_squeeze %gather3A_809 : memref<1x128x128xf32, #tpu.memory_space<vmem>> -> memref<128x128xf32, #tpu.memory_space<vmem>>
          %gather3A_811 = tpu.vector_load_idx %gather3A_810[%add3A_578, %add3A_806] : memref<128x128xf32, #tpu.memory_space<vmem>>[vector<16xi32>, vector<16xi32>], vector<16xf32>,
          %scatter3A_812 = arith.constant 0 : i32
          %scatter3A_813 = arith.constant 0 : i32
          %scatter3A_814 = tpu.memref_slice %arg9[%scan3A_501, %scatter3A_812, %scatter3A_813] : memref<2x64x128xf32, #tpu.memory_space<vmem>> -> memref<1x64x128xf32, #tpu.memory_space<vmem>>
          %scatter3A_815 = tpu.memref_squeeze %scatter3A_814 : memref<1x64x128xf32, #tpu.memory_space<vmem>> -> memref<64x128xf32, #tpu.memory_space<vmem>>
          tpu.vector_store_idx %scatter3A_815[%add3A_805, %add3A_578], %gather3A_811 : memref<64x128xf32, #tpu.memory_space<vmem>>[vector<16xi32>, vector<16xi32>], vector<16xf32>,
          %add3A_816 = arith.constant 16 : i32
          %add3A_817 = vector.broadcast %add3A_816 : i32 to vector<16xi32>
          %add3A_818 = arith.addi %add3A_817, %select_n3A_68 : vector<16xi32>
          %add3A_819 = arith.addi %add3A_818, %get3A_583 : vector<16xi32>
          %gather3A_820 = arith.constant 0 : i32
          %gather3A_821 = arith.constant 0 : i32
          %gather3A_822 = tpu.memref_slice %arg8[%scan3A_500, %gather3A_820, %gather3A_821] : memref<2x128x128xf32, #tpu.memory_space<vmem>> -> memref<1x128x128xf32, #tpu.memory_space<vmem>>
          %gather3A_823 = tpu.memref_squeeze %gather3A_822 : memref<1x128x128xf32, #tpu.memory_space<vmem>> -> memref<128x128xf32, #tpu.memory_space<vmem>>
          %gather3A_824 = tpu.vector_load_idx %gather3A_823[%add3A_578, %add3A_819] : memref<128x128xf32, #tpu.memory_space<vmem>>[vector<16xi32>, vector<16xi32>], vector<16xf32>,
          %scatter3A_825 = arith.constant 0 : i32
          %scatter3A_826 = arith.constant 0 : i32
          %scatter3A_827 = tpu.memref_slice %arg9[%scan3A_501, %scatter3A_825, %scatter3A_826] : memref<2x64x128xf32, #tpu.memory_space<vmem>> -> memref<1x64x128xf32, #tpu.memory_space<vmem>>
          %scatter3A_828 = tpu.memref_squeeze %scatter3A_827 : memref<1x64x128xf32, #tpu.memory_space<vmem>> -> memref<64x128xf32, #tpu.memory_space<vmem>>
          tpu.vector_store_idx %scatter3A_828[%add3A_818, %add3A_578], %gather3A_824 : memref<64x128xf32, #tpu.memory_space<vmem>>[vector<16xi32>, vector<16xi32>], vector<16xf32>,
          %add3A_829 = arith.constant 16 : i32
          %add3A_830 = vector.broadcast %add3A_829 : i32 to vector<16xi32>
          %add3A_831 = arith.addi %add3A_830, %select_n3A_93 : vector<16xi32>
          %add3A_832 = arith.addi %add3A_831, %get3A_583 : vector<16xi32>
          %gather3A_833 = arith.constant 0 : i32
          %gather3A_834 = arith.constant 0 : i32
          %gather3A_835 = tpu.memref_slice %arg8[%scan3A_500, %gather3A_833, %gather3A_834] : memref<2x128x128xf32, #tpu.memory_space<vmem>> -> memref<1x128x128xf32, #tpu.memory_space<vmem>>
          %gather3A_836 = tpu.memref_squeeze %gather3A_835 : memref<1x128x128xf32, #tpu.memory_space<vmem>> -> memref<128x128xf32, #tpu.memory_space<vmem>>
          %gather3A_837 = tpu.vector_load_idx %gather3A_836[%add3A_578, %add3A_832] : memref<128x128xf32, #tpu.memory_space<vmem>>[vector<16xi32>, vector<16xi32>], vector<16xf32>,
          %scatter3A_838 = arith.constant 0 : i32
          %scatter3A_839 = arith.constant 0 : i32
          %scatter3A_840 = tpu.memref_slice %arg9[%scan3A_501, %scatter3A_838, %scatter3A_839] : memref<2x64x128xf32, #tpu.memory_space<vmem>> -> memref<1x64x128xf32, #tpu.memory_space<vmem>>
          %scatter3A_841 = tpu.memref_squeeze %scatter3A_840 : memref<1x64x128xf32, #tpu.memory_space<vmem>> -> memref<64x128xf32, #tpu.memory_space<vmem>>
          tpu.vector_store_idx %scatter3A_841[%add3A_831, %add3A_578], %gather3A_837 : memref<64x128xf32, #tpu.memory_space<vmem>>[vector<16xi32>, vector<16xi32>], vector<16xf32>,
          %add3A_842 = arith.constant 16 : i32
          %add3A_843 = vector.broadcast %add3A_842 : i32 to vector<16xi32>
          %add3A_844 = arith.addi %add3A_843, %select_n3A_118 : vector<16xi32>
          %add3A_845 = arith.addi %add3A_844, %get3A_583 : vector<16xi32>
          %gather3A_846 = arith.constant 0 : i32
          %gather3A_847 = arith.constant 0 : i32
          %gather3A_848 = tpu.memref_slice %arg8[%scan3A_500, %gather3A_846, %gather3A_847] : memref<2x128x128xf32, #tpu.memory_space<vmem>> -> memref<1x128x128xf32, #tpu.memory_space<vmem>>
          %gather3A_849 = tpu.memref_squeeze %gather3A_848 : memref<1x128x128xf32, #tpu.memory_space<vmem>> -> memref<128x128xf32, #tpu.memory_space<vmem>>
          %gather3A_850 = tpu.vector_load_idx %gather3A_849[%add3A_578, %add3A_845] : memref<128x128xf32, #tpu.memory_space<vmem>>[vector<16xi32>, vector<16xi32>], vector<16xf32>,
          %scatter3A_851 = arith.constant 0 : i32
          %scatter3A_852 = arith.constant 0 : i32
          %scatter3A_853 = tpu.memref_slice %arg9[%scan3A_501, %scatter3A_851, %scatter3A_852] : memref<2x64x128xf32, #tpu.memory_space<vmem>> -> memref<1x64x128xf32, #tpu.memory_space<vmem>>
          %scatter3A_854 = tpu.memref_squeeze %scatter3A_853 : memref<1x64x128xf32, #tpu.memory_space<vmem>> -> memref<64x128xf32, #tpu.memory_space<vmem>>
          tpu.vector_store_idx %scatter3A_854[%add3A_844, %add3A_578], %gather3A_850 : memref<64x128xf32, #tpu.memory_space<vmem>>[vector<16xi32>, vector<16xi32>], vector<16xf32>,
          %add3A_855 = arith.constant 16 : i32
          %add3A_856 = vector.broadcast %add3A_855 : i32 to vector<16xi32>
          %add3A_857 = arith.addi %add3A_856, %select_n3A_143 : vector<16xi32>
          %add3A_858 = arith.addi %add3A_857, %get3A_583 : vector<16xi32>
          %gather3A_859 = arith.constant 0 : i32
          %gather3A_860 = arith.constant 0 : i32
          %gather3A_861 = tpu.memref_slice %arg8[%scan3A_500, %gather3A_859, %gather3A_860] : memref<2x128x128xf32, #tpu.memory_space<vmem>> -> memref<1x128x128xf32, #tpu.memory_space<vmem>>
          %gather3A_862 = tpu.memref_squeeze %gather3A_861 : memref<1x128x128xf32, #tpu.memory_space<vmem>> -> memref<128x128xf32, #tpu.memory_space<vmem>>
          %gather3A_863 = tpu.vector_load_idx %gather3A_862[%add3A_578, %add3A_858] : memref<128x128xf32, #tpu.memory_space<vmem>>[vector<16xi32>, vector<16xi32>], vector<16xf32>,
          %scatter3A_864 = arith.constant 0 : i32
          %scatter3A_865 = arith.constant 0 : i32
          %scatter3A_866 = tpu.memref_slice %arg9[%scan3A_501, %scatter3A_864, %scatter3A_865] : memref<2x64x128xf32, #tpu.memory_space<vmem>> -> memref<1x64x128xf32, #tpu.memory_space<vmem>>
          %scatter3A_867 = tpu.memref_squeeze %scatter3A_866 : memref<1x64x128xf32, #tpu.memory_space<vmem>> -> memref<64x128xf32, #tpu.memory_space<vmem>>
          tpu.vector_store_idx %scatter3A_867[%add3A_857, %add3A_578], %gather3A_863 : memref<64x128xf32, #tpu.memory_space<vmem>>[vector<16xi32>, vector<16xi32>], vector<16xf32>,
          %add3A_868 = arith.constant 16 : i32
          %add3A_869 = vector.broadcast %add3A_868 : i32 to vector<16xi32>
          %add3A_870 = arith.addi %add3A_869, %select_n3A_168 : vector<16xi32>
          %add3A_871 = arith.addi %add3A_870, %get3A_583 : vector<16xi32>
          %gather3A_872 = arith.constant 0 : i32
          %gather3A_873 = arith.constant 0 : i32
          %gather3A_874 = tpu.memref_slice %arg8[%scan3A_500, %gather3A_872, %gather3A_873] : memref<2x128x128xf32, #tpu.memory_space<vmem>> -> memref<1x128x128xf32, #tpu.memory_space<vmem>>
          %gather3A_875 = tpu.memref_squeeze %gather3A_874 : memref<1x128x128xf32, #tpu.memory_space<vmem>> -> memref<128x128xf32, #tpu.memory_space<vmem>>
          %gather3A_876 = tpu.vector_load_idx %gather3A_875[%add3A_578, %add3A_871] : memref<128x128xf32, #tpu.memory_space<vmem>>[vector<16xi32>, vector<16xi32>], vector<16xf32>,
          %scatter3A_877 = arith.constant 0 : i32
          %scatter3A_878 = arith.constant 0 : i32
          %scatter3A_879 = tpu.memref_slice %arg9[%scan3A_501, %scatter3A_877, %scatter3A_878] : memref<2x64x128xf32, #tpu.memory_space<vmem>> -> memref<1x64x128xf32, #tpu.memory_space<vmem>>
          %scatter3A_880 = tpu.memref_squeeze %scatter3A_879 : memref<1x64x128xf32, #tpu.memory_space<vmem>> -> memref<64x128xf32, #tpu.memory_space<vmem>>
          tpu.vector_store_idx %scatter3A_880[%add3A_870, %add3A_578], %gather3A_876 : memref<64x128xf32, #tpu.memory_space<vmem>>[vector<16xi32>, vector<16xi32>], vector<16xf32>,
          %add3A_881 = arith.constant 16 : i32
          %add3A_882 = vector.broadcast %add3A_881 : i32 to vector<16xi32>
          %add3A_883 = arith.addi %add3A_882, %select_n3A_193 : vector<16xi32>
          %add3A_884 = arith.addi %add3A_883, %get3A_583 : vector<16xi32>
          %gather3A_885 = arith.constant 0 : i32
          %gather3A_886 = arith.constant 0 : i32
          %gather3A_887 = tpu.memref_slice %arg8[%scan3A_500, %gather3A_885, %gather3A_886] : memref<2x128x128xf32, #tpu.memory_space<vmem>> -> memref<1x128x128xf32, #tpu.memory_space<vmem>>
          %gather3A_888 = tpu.memref_squeeze %gather3A_887 : memref<1x128x128xf32, #tpu.memory_space<vmem>> -> memref<128x128xf32, #tpu.memory_space<vmem>>
          %gather3A_889 = tpu.vector_load_idx %gather3A_888[%add3A_578, %add3A_884] : memref<128x128xf32, #tpu.memory_space<vmem>>[vector<16xi32>, vector<16xi32>], vector<16xf32>,
          %scatter3A_890 = arith.constant 0 : i32
          %scatter3A_891 = arith.constant 0 : i32
          %scatter3A_892 = tpu.memref_slice %arg9[%scan3A_501, %scatter3A_890, %scatter3A_891] : memref<2x64x128xf32, #tpu.memory_space<vmem>> -> memref<1x64x128xf32, #tpu.memory_space<vmem>>
          %scatter3A_893 = tpu.memref_squeeze %scatter3A_892 : memref<1x64x128xf32, #tpu.memory_space<vmem>> -> memref<64x128xf32, #tpu.memory_space<vmem>>
          tpu.vector_store_idx %scatter3A_893[%add3A_883, %add3A_578], %gather3A_889 : memref<64x128xf32, #tpu.memory_space<vmem>>[vector<16xi32>, vector<16xi32>], vector<16xf32>,
          %add3A_894 = arith.constant 16 : i32
          %add3A_895 = vector.broadcast %add3A_894 : i32 to vector<16xi32>
          %add3A_896 = arith.addi %add3A_895, %select_n3A_218 : vector<16xi32>
          %add3A_897 = arith.addi %add3A_896, %get3A_583 : vector<16xi32>
          %gather3A_898 = arith.constant 0 : i32
          %gather3A_899 = arith.constant 0 : i32
          %gather3A_900 = tpu.memref_slice %arg8[%scan3A_500, %gather3A_898, %gather3A_899] : memref<2x128x128xf32, #tpu.memory_space<vmem>> -> memref<1x128x128xf32, #tpu.memory_space<vmem>>
          %gather3A_901 = tpu.memref_squeeze %gather3A_900 : memref<1x128x128xf32, #tpu.memory_space<vmem>> -> memref<128x128xf32, #tpu.memory_space<vmem>>
          %gather3A_902 = tpu.vector_load_idx %gather3A_901[%add3A_578, %add3A_897] : memref<128x128xf32, #tpu.memory_space<vmem>>[vector<16xi32>, vector<16xi32>], vector<16xf32>,
          %scatter3A_903 = arith.constant 0 : i32
          %scatter3A_904 = arith.constant 0 : i32
          %scatter3A_905 = tpu.memref_slice %arg9[%scan3A_501, %scatter3A_903, %scatter3A_904] : memref<2x64x128xf32, #tpu.memory_space<vmem>> -> memref<1x64x128xf32, #tpu.memory_space<vmem>>
          %scatter3A_906 = tpu.memref_squeeze %scatter3A_905 : memref<1x64x128xf32, #tpu.memory_space<vmem>> -> memref<64x128xf32, #tpu.memory_space<vmem>>
          tpu.vector_store_idx %scatter3A_906[%add3A_896, %add3A_578], %gather3A_902 : memref<64x128xf32, #tpu.memory_space<vmem>>[vector<16xi32>, vector<16xi32>], vector<16xf32>,
          %add3A_907 = arith.constant 16 : i32
          %add3A_908 = vector.broadcast %add3A_907 : i32 to vector<16xi32>
          %add3A_909 = arith.addi %add3A_908, %select_n3A_243 : vector<16xi32>
          %add3A_910 = arith.addi %add3A_909, %get3A_583 : vector<16xi32>
          %gather3A_911 = arith.constant 0 : i32
          %gather3A_912 = arith.constant 0 : i32
          %gather3A_913 = tpu.memref_slice %arg8[%scan3A_500, %gather3A_911, %gather3A_912] : memref<2x128x128xf32, #tpu.memory_space<vmem>> -> memref<1x128x128xf32, #tpu.memory_space<vmem>>
          %gather3A_914 = tpu.memref_squeeze %gather3A_913 : memref<1x128x128xf32, #tpu.memory_space<vmem>> -> memref<128x128xf32, #tpu.memory_space<vmem>>
          %gather3A_915 = tpu.vector_load_idx %gather3A_914[%add3A_578, %add3A_910] : memref<128x128xf32, #tpu.memory_space<vmem>>[vector<16xi32>, vector<16xi32>], vector<16xf32>,
          %scatter3A_916 = arith.constant 0 : i32
          %scatter3A_917 = arith.constant 0 : i32
          %scatter3A_918 = tpu.memref_slice %arg9[%scan3A_501, %scatter3A_916, %scatter3A_917] : memref<2x64x128xf32, #tpu.memory_space<vmem>> -> memref<1x64x128xf32, #tpu.memory_space<vmem>>
          %scatter3A_919 = tpu.memref_squeeze %scatter3A_918 : memref<1x64x128xf32, #tpu.memory_space<vmem>> -> memref<64x128xf32, #tpu.memory_space<vmem>>
          tpu.vector_store_idx %scatter3A_919[%add3A_909, %add3A_578], %gather3A_915 : memref<64x128xf32, #tpu.memory_space<vmem>>[vector<16xi32>, vector<16xi32>], vector<16xf32>,
          %add3A_920 = arith.constant 16 : i32
          %add3A_921 = vector.broadcast %add3A_920 : i32 to vector<16xi32>
          %add3A_922 = arith.addi %add3A_921, %select_n3A_268 : vector<16xi32>
          %add3A_923 = arith.addi %add3A_922, %get3A_583 : vector<16xi32>
          %gather3A_924 = arith.constant 0 : i32
          %gather3A_925 = arith.constant 0 : i32
          %gather3A_926 = tpu.memref_slice %arg8[%scan3A_500, %gather3A_924, %gather3A_925] : memref<2x128x128xf32, #tpu.memory_space<vmem>> -> memref<1x128x128xf32, #tpu.memory_space<vmem>>
          %gather3A_927 = tpu.memref_squeeze %gather3A_926 : memref<1x128x128xf32, #tpu.memory_space<vmem>> -> memref<128x128xf32, #tpu.memory_space<vmem>>
          %gather3A_928 = tpu.vector_load_idx %gather3A_927[%add3A_578, %add3A_923] : memref<128x128xf32, #tpu.memory_space<vmem>>[vector<16xi32>, vector<16xi32>], vector<16xf32>,
          %scatter3A_929 = arith.constant 0 : i32
          %scatter3A_930 = arith.constant 0 : i32
          %scatter3A_931 = tpu.memref_slice %arg9[%scan3A_501, %scatter3A_929, %scatter3A_930] : memref<2x64x128xf32, #tpu.memory_space<vmem>> -> memref<1x64x128xf32, #tpu.memory_space<vmem>>
          %scatter3A_932 = tpu.memref_squeeze %scatter3A_931 : memref<1x64x128xf32, #tpu.memory_space<vmem>> -> memref<64x128xf32, #tpu.memory_space<vmem>>
          tpu.vector_store_idx %scatter3A_932[%add3A_922, %add3A_578], %gather3A_928 : memref<64x128xf32, #tpu.memory_space<vmem>>[vector<16xi32>, vector<16xi32>], vector<16xf32>,
          %add3A_933 = arith.constant 16 : i32
          %add3A_934 = vector.broadcast %add3A_933 : i32 to vector<16xi32>
          %add3A_935 = arith.addi %add3A_934, %select_n3A_293 : vector<16xi32>
          %add3A_936 = arith.addi %add3A_935, %get3A_583 : vector<16xi32>
          %gather3A_937 = arith.constant 0 : i32
          %gather3A_938 = arith.constant 0 : i32
          %gather3A_939 = tpu.memref_slice %arg8[%scan3A_500, %gather3A_937, %gather3A_938] : memref<2x128x128xf32, #tpu.memory_space<vmem>> -> memref<1x128x128xf32, #tpu.memory_space<vmem>>
          %gather3A_940 = tpu.memref_squeeze %gather3A_939 : memref<1x128x128xf32, #tpu.memory_space<vmem>> -> memref<128x128xf32, #tpu.memory_space<vmem>>
          %gather3A_941 = tpu.vector_load_idx %gather3A_940[%add3A_578, %add3A_936] : memref<128x128xf32, #tpu.memory_space<vmem>>[vector<16xi32>, vector<16xi32>], vector<16xf32>,
          %scatter3A_942 = arith.constant 0 : i32
          %scatter3A_943 = arith.constant 0 : i32
          %scatter3A_944 = tpu.memref_slice %arg9[%scan3A_501, %scatter3A_942, %scatter3A_943] : memref<2x64x128xf32, #tpu.memory_space<vmem>> -> memref<1x64x128xf32, #tpu.memory_space<vmem>>
          %scatter3A_945 = tpu.memref_squeeze %scatter3A_944 : memref<1x64x128xf32, #tpu.memory_space<vmem>> -> memref<64x128xf32, #tpu.memory_space<vmem>>
          tpu.vector_store_idx %scatter3A_945[%add3A_935, %add3A_578], %gather3A_941 : memref<64x128xf32, #tpu.memory_space<vmem>>[vector<16xi32>, vector<16xi32>], vector<16xf32>,
          %add3A_946 = arith.constant 16 : i32
          %add3A_947 = vector.broadcast %add3A_946 : i32 to vector<16xi32>
          %add3A_948 = arith.addi %add3A_947, %select_n3A_318 : vector<16xi32>
          %add3A_949 = arith.addi %add3A_948, %get3A_583 : vector<16xi32>
          %gather3A_950 = arith.constant 0 : i32
          %gather3A_951 = arith.constant 0 : i32
          %gather3A_952 = tpu.memref_slice %arg8[%scan3A_500, %gather3A_950, %gather3A_951] : memref<2x128x128xf32, #tpu.memory_space<vmem>> -> memref<1x128x128xf32, #tpu.memory_space<vmem>>
          %gather3A_953 = tpu.memref_squeeze %gather3A_952 : memref<1x128x128xf32, #tpu.memory_space<vmem>> -> memref<128x128xf32, #tpu.memory_space<vmem>>
          %gather3A_954 = tpu.vector_load_idx %gather3A_953[%add3A_578, %add3A_949] : memref<128x128xf32, #tpu.memory_space<vmem>>[vector<16xi32>, vector<16xi32>], vector<16xf32>,
          %scatter3A_955 = arith.constant 0 : i32
          %scatter3A_956 = arith.constant 0 : i32
          %scatter3A_957 = tpu.memref_slice %arg9[%scan3A_501, %scatter3A_955, %scatter3A_956] : memref<2x64x128xf32, #tpu.memory_space<vmem>> -> memref<1x64x128xf32, #tpu.memory_space<vmem>>
          %scatter3A_958 = tpu.memref_squeeze %scatter3A_957 : memref<1x64x128xf32, #tpu.memory_space<vmem>> -> memref<64x128xf32, #tpu.memory_space<vmem>>
          tpu.vector_store_idx %scatter3A_958[%add3A_948, %add3A_578], %gather3A_954 : memref<64x128xf32, #tpu.memory_space<vmem>>[vector<16xi32>, vector<16xi32>], vector<16xf32>,
          %add3A_959 = arith.constant 16 : i32
          %add3A_960 = vector.broadcast %add3A_959 : i32 to vector<16xi32>
          %add3A_961 = arith.addi %add3A_960, %select_n3A_343 : vector<16xi32>
          %add3A_962 = arith.addi %add3A_961, %get3A_583 : vector<16xi32>
          %gather3A_963 = arith.constant 0 : i32
          %gather3A_964 = arith.constant 0 : i32
          %gather3A_965 = tpu.memref_slice %arg8[%scan3A_500, %gather3A_963, %gather3A_964] : memref<2x128x128xf32, #tpu.memory_space<vmem>> -> memref<1x128x128xf32, #tpu.memory_space<vmem>>
          %gather3A_966 = tpu.memref_squeeze %gather3A_965 : memref<1x128x128xf32, #tpu.memory_space<vmem>> -> memref<128x128xf32, #tpu.memory_space<vmem>>
          %gather3A_967 = tpu.vector_load_idx %gather3A_966[%add3A_578, %add3A_962] : memref<128x128xf32, #tpu.memory_space<vmem>>[vector<16xi32>, vector<16xi32>], vector<16xf32>,
          %scatter3A_968 = arith.constant 0 : i32
          %scatter3A_969 = arith.constant 0 : i32
          %scatter3A_970 = tpu.memref_slice %arg9[%scan3A_501, %scatter3A_968, %scatter3A_969] : memref<2x64x128xf32, #tpu.memory_space<vmem>> -> memref<1x64x128xf32, #tpu.memory_space<vmem>>
          %scatter3A_971 = tpu.memref_squeeze %scatter3A_970 : memref<1x64x128xf32, #tpu.memory_space<vmem>> -> memref<64x128xf32, #tpu.memory_space<vmem>>
          tpu.vector_store_idx %scatter3A_971[%add3A_961, %add3A_578], %gather3A_967 : memref<64x128xf32, #tpu.memory_space<vmem>>[vector<16xi32>, vector<16xi32>], vector<16xf32>,
          %add3A_972 = arith.constant 16 : i32
          %add3A_973 = vector.broadcast %add3A_972 : i32 to vector<16xi32>
          %add3A_974 = arith.addi %add3A_973, %select_n3A_368 : vector<16xi32>
          %add3A_975 = arith.addi %add3A_974, %get3A_583 : vector<16xi32>
          %gather3A_976 = arith.constant 0 : i32
          %gather3A_977 = arith.constant 0 : i32
          %gather3A_978 = tpu.memref_slice %arg8[%scan3A_500, %gather3A_976, %gather3A_977] : memref<2x128x128xf32, #tpu.memory_space<vmem>> -> memref<1x128x128xf32, #tpu.memory_space<vmem>>
          %gather3A_979 = tpu.memref_squeeze %gather3A_978 : memref<1x128x128xf32, #tpu.memory_space<vmem>> -> memref<128x128xf32, #tpu.memory_space<vmem>>
          %gather3A_980 = tpu.vector_load_idx %gather3A_979[%add3A_578, %add3A_975] : memref<128x128xf32, #tpu.memory_space<vmem>>[vector<16xi32>, vector<16xi32>], vector<16xf32>,
          %scatter3A_981 = arith.constant 0 : i32
          %scatter3A_982 = arith.constant 0 : i32
          %scatter3A_983 = tpu.memref_slice %arg9[%scan3A_501, %scatter3A_981, %scatter3A_982] : memref<2x64x128xf32, #tpu.memory_space<vmem>> -> memref<1x64x128xf32, #tpu.memory_space<vmem>>
          %scatter3A_984 = tpu.memref_squeeze %scatter3A_983 : memref<1x64x128xf32, #tpu.memory_space<vmem>> -> memref<64x128xf32, #tpu.memory_space<vmem>>
          tpu.vector_store_idx %scatter3A_984[%add3A_974, %add3A_578], %gather3A_980 : memref<64x128xf32, #tpu.memory_space<vmem>>[vector<16xi32>, vector<16xi32>], vector<16xf32>,
          %add3A_985 = arith.constant 16 : i32
          %add3A_986 = vector.broadcast %add3A_985 : i32 to vector<16xi32>
          %add3A_987 = arith.addi %add3A_986, %select_n3A_393 : vector<16xi32>
          %add3A_988 = arith.addi %add3A_987, %get3A_583 : vector<16xi32>
          %gather3A_989 = arith.constant 0 : i32
          %gather3A_990 = arith.constant 0 : i32
          %gather3A_991 = tpu.memref_slice %arg8[%scan3A_500, %gather3A_989, %gather3A_990] : memref<2x128x128xf32, #tpu.memory_space<vmem>> -> memref<1x128x128xf32, #tpu.memory_space<vmem>>
          %gather3A_992 = tpu.memref_squeeze %gather3A_991 : memref<1x128x128xf32, #tpu.memory_space<vmem>> -> memref<128x128xf32, #tpu.memory_space<vmem>>
          %gather3A_993 = tpu.vector_load_idx %gather3A_992[%add3A_578, %add3A_988] : memref<128x128xf32, #tpu.memory_space<vmem>>[vector<16xi32>, vector<16xi32>], vector<16xf32>,
          %scatter3A_994 = arith.constant 0 : i32
          %scatter3A_995 = arith.constant 0 : i32
          %scatter3A_996 = tpu.memref_slice %arg9[%scan3A_501, %scatter3A_994, %scatter3A_995] : memref<2x64x128xf32, #tpu.memory_space<vmem>> -> memref<1x64x128xf32, #tpu.memory_space<vmem>>
          %scatter3A_997 = tpu.memref_squeeze %scatter3A_996 : memref<1x64x128xf32, #tpu.memory_space<vmem>> -> memref<64x128xf32, #tpu.memory_space<vmem>>
          tpu.vector_store_idx %scatter3A_997[%add3A_987, %add3A_578], %gather3A_993 : memref<64x128xf32, #tpu.memory_space<vmem>>[vector<16xi32>, vector<16xi32>], vector<16xf32>,
          %add3A_998 = arith.constant 32 : i32
          %add3A_999 = vector.broadcast %add3A_998 : i32 to vector<16xi32>
          %add3A_1000 = arith.addi %add3A_999, %select_n3A_18 : vector<16xi32>
          %add3A_1001 = arith.addi %add3A_1000, %get3A_583 : vector<16xi32>
          %gather3A_1002 = arith.constant 0 : i32
          %gather3A_1003 = arith.constant 0 : i32
          %gather3A_1004 = tpu.memref_slice %arg8[%scan3A_500, %gather3A_1002, %gather3A_1003] : memref<2x128x128xf32, #tpu.memory_space<vmem>> -> memref<1x128x128xf32, #tpu.memory_space<vmem>>
          %gather3A_1005 = tpu.memref_squeeze %gather3A_1004 : memref<1x128x128xf32, #tpu.memory_space<vmem>> -> memref<128x128xf32, #tpu.memory_space<vmem>>
          %gather3A_1006 = tpu.vector_load_idx %gather3A_1005[%add3A_578, %add3A_1001] : memref<128x128xf32, #tpu.memory_space<vmem>>[vector<16xi32>, vector<16xi32>], vector<16xf32>,
          %scatter3A_1007 = arith.constant 0 : i32
          %scatter3A_1008 = arith.constant 0 : i32
          %scatter3A_1009 = tpu.memref_slice %arg9[%scan3A_501, %scatter3A_1007, %scatter3A_1008] : memref<2x64x128xf32, #tpu.memory_space<vmem>> -> memref<1x64x128xf32, #tpu.memory_space<vmem>>
          %scatter3A_1010 = tpu.memref_squeeze %scatter3A_1009 : memref<1x64x128xf32, #tpu.memory_space<vmem>> -> memref<64x128xf32, #tpu.memory_space<vmem>>
          tpu.vector_store_idx %scatter3A_1010[%add3A_1000, %add3A_578], %gather3A_1006 : memref<64x128xf32, #tpu.memory_space<vmem>>[vector<16xi32>, vector<16xi32>], vector<16xf32>,
          %add3A_1011 = arith.constant 32 : i32
          %add3A_1012 = vector.broadcast %add3A_1011 : i32 to vector<16xi32>
          %add3A_1013 = arith.addi %add3A_1012, %select_n3A_43 : vector<16xi32>
          %add3A_1014 = arith.addi %add3A_1013, %get3A_583 : vector<16xi32>
          %gather3A_1015 = arith.constant 0 : i32
          %gather3A_1016 = arith.constant 0 : i32
          %gather3A_1017 = tpu.memref_slice %arg8[%scan3A_500, %gather3A_1015, %gather3A_1016] : memref<2x128x128xf32, #tpu.memory_space<vmem>> -> memref<1x128x128xf32, #tpu.memory_space<vmem>>
          %gather3A_1018 = tpu.memref_squeeze %gather3A_1017 : memref<1x128x128xf32, #tpu.memory_space<vmem>> -> memref<128x128xf32, #tpu.memory_space<vmem>>
          %gather3A_1019 = tpu.vector_load_idx %gather3A_1018[%add3A_578, %add3A_1014] : memref<128x128xf32, #tpu.memory_space<vmem>>[vector<16xi32>, vector<16xi32>], vector<16xf32>,
          %scatter3A_1020 = arith.constant 0 : i32
          %scatter3A_1021 = arith.constant 0 : i32
          %scatter3A_1022 = tpu.memref_slice %arg9[%scan3A_501, %scatter3A_1020, %scatter3A_1021] : memref<2x64x128xf32, #tpu.memory_space<vmem>> -> memref<1x64x128xf32, #tpu.memory_space<vmem>>
          %scatter3A_1023 = tpu.memref_squeeze %scatter3A_1022 : memref<1x64x128xf32, #tpu.memory_space<vmem>> -> memref<64x128xf32, #tpu.memory_space<vmem>>
          tpu.vector_store_idx %scatter3A_1023[%add3A_1013, %add3A_578], %gather3A_1019 : memref<64x128xf32, #tpu.memory_space<vmem>>[vector<16xi32>, vector<16xi32>], vector<16xf32>,
          %add3A_1024 = arith.constant 32 : i32
          %add3A_1025 = vector.broadcast %add3A_1024 : i32 to vector<16xi32>
          %add3A_1026 = arith.addi %add3A_1025, %select_n3A_68 : vector<16xi32>
          %add3A_1027 = arith.addi %add3A_1026, %get3A_583 : vector<16xi32>
          %gather3A_1028 = arith.constant 0 : i32
          %gather3A_1029 = arith.constant 0 : i32
          %gather3A_1030 = tpu.memref_slice %arg8[%scan3A_500, %gather3A_1028, %gather3A_1029] : memref<2x128x128xf32, #tpu.memory_space<vmem>> -> memref<1x128x128xf32, #tpu.memory_space<vmem>>
          %gather3A_1031 = tpu.memref_squeeze %gather3A_1030 : memref<1x128x128xf32, #tpu.memory_space<vmem>> -> memref<128x128xf32, #tpu.memory_space<vmem>>
          %gather3A_1032 = tpu.vector_load_idx %gather3A_1031[%add3A_578, %add3A_1027] : memref<128x128xf32, #tpu.memory_space<vmem>>[vector<16xi32>, vector<16xi32>], vector<16xf32>,
          %scatter3A_1033 = arith.constant 0 : i32
          %scatter3A_1034 = arith.constant 0 : i32
          %scatter3A_1035 = tpu.memref_slice %arg9[%scan3A_501, %scatter3A_1033, %scatter3A_1034] : memref<2x64x128xf32, #tpu.memory_space<vmem>> -> memref<1x64x128xf32, #tpu.memory_space<vmem>>
          %scatter3A_1036 = tpu.memref_squeeze %scatter3A_1035 : memref<1x64x128xf32, #tpu.memory_space<vmem>> -> memref<64x128xf32, #tpu.memory_space<vmem>>
          tpu.vector_store_idx %scatter3A_1036[%add3A_1026, %add3A_578], %gather3A_1032 : memref<64x128xf32, #tpu.memory_space<vmem>>[vector<16xi32>, vector<16xi32>], vector<16xf32>,
          %add3A_1037 = arith.constant 32 : i32
          %add3A_1038 = vector.broadcast %add3A_1037 : i32 to vector<16xi32>
          %add3A_1039 = arith.addi %add3A_1038, %select_n3A_93 : vector<16xi32>
          %add3A_1040 = arith.addi %add3A_1039, %get3A_583 : vector<16xi32>
          %gather3A_1041 = arith.constant 0 : i32
          %gather3A_1042 = arith.constant 0 : i32
          %gather3A_1043 = tpu.memref_slice %arg8[%scan3A_500, %gather3A_1041, %gather3A_1042] : memref<2x128x128xf32, #tpu.memory_space<vmem>> -> memref<1x128x128xf32, #tpu.memory_space<vmem>>
          %gather3A_1044 = tpu.memref_squeeze %gather3A_1043 : memref<1x128x128xf32, #tpu.memory_space<vmem>> -> memref<128x128xf32, #tpu.memory_space<vmem>>
          %gather3A_1045 = tpu.vector_load_idx %gather3A_1044[%add3A_578, %add3A_1040] : memref<128x128xf32, #tpu.memory_space<vmem>>[vector<16xi32>, vector<16xi32>], vector<16xf32>,
          %scatter3A_1046 = arith.constant 0 : i32
          %scatter3A_1047 = arith.constant 0 : i32
          %scatter3A_1048 = tpu.memref_slice %arg9[%scan3A_501, %scatter3A_1046, %scatter3A_1047] : memref<2x64x128xf32, #tpu.memory_space<vmem>> -> memref<1x64x128xf32, #tpu.memory_space<vmem>>
          %scatter3A_1049 = tpu.memref_squeeze %scatter3A_1048 : memref<1x64x128xf32, #tpu.memory_space<vmem>> -> memref<64x128xf32, #tpu.memory_space<vmem>>
          tpu.vector_store_idx %scatter3A_1049[%add3A_1039, %add3A_578], %gather3A_1045 : memref<64x128xf32, #tpu.memory_space<vmem>>[vector<16xi32>, vector<16xi32>], vector<16xf32>,
          %add3A_1050 = arith.constant 32 : i32
          %add3A_1051 = vector.broadcast %add3A_1050 : i32 to vector<16xi32>
          %add3A_1052 = arith.addi %add3A_1051, %select_n3A_118 : vector<16xi32>
          %add3A_1053 = arith.addi %add3A_1052, %get3A_583 : vector<16xi32>
          %gather3A_1054 = arith.constant 0 : i32
          %gather3A_1055 = arith.constant 0 : i32
          %gather3A_1056 = tpu.memref_slice %arg8[%scan3A_500, %gather3A_1054, %gather3A_1055] : memref<2x128x128xf32, #tpu.memory_space<vmem>> -> memref<1x128x128xf32, #tpu.memory_space<vmem>>
          %gather3A_1057 = tpu.memref_squeeze %gather3A_1056 : memref<1x128x128xf32, #tpu.memory_space<vmem>> -> memref<128x128xf32, #tpu.memory_space<vmem>>
          %gather3A_1058 = tpu.vector_load_idx %gather3A_1057[%add3A_578, %add3A_1053] : memref<128x128xf32, #tpu.memory_space<vmem>>[vector<16xi32>, vector<16xi32>], vector<16xf32>,
          %scatter3A_1059 = arith.constant 0 : i32
          %scatter3A_1060 = arith.constant 0 : i32
          %scatter3A_1061 = tpu.memref_slice %arg9[%scan3A_501, %scatter3A_1059, %scatter3A_1060] : memref<2x64x128xf32, #tpu.memory_space<vmem>> -> memref<1x64x128xf32, #tpu.memory_space<vmem>>
          %scatter3A_1062 = tpu.memref_squeeze %scatter3A_1061 : memref<1x64x128xf32, #tpu.memory_space<vmem>> -> memref<64x128xf32, #tpu.memory_space<vmem>>
          tpu.vector_store_idx %scatter3A_1062[%add3A_1052, %add3A_578], %gather3A_1058 : memref<64x128xf32, #tpu.memory_space<vmem>>[vector<16xi32>, vector<16xi32>], vector<16xf32>,
          %add3A_1063 = arith.constant 32 : i32
          %add3A_1064 = vector.broadcast %add3A_1063 : i32 to vector<16xi32>
          %add3A_1065 = arith.addi %add3A_1064, %select_n3A_143 : vector<16xi32>
          %add3A_1066 = arith.addi %add3A_1065, %get3A_583 : vector<16xi32>
          %gather3A_1067 = arith.constant 0 : i32
          %gather3A_1068 = arith.constant 0 : i32
          %gather3A_1069 = tpu.memref_slice %arg8[%scan3A_500, %gather3A_1067, %gather3A_1068] : memref<2x128x128xf32, #tpu.memory_space<vmem>> -> memref<1x128x128xf32, #tpu.memory_space<vmem>>
          %gather3A_1070 = tpu.memref_squeeze %gather3A_1069 : memref<1x128x128xf32, #tpu.memory_space<vmem>> -> memref<128x128xf32, #tpu.memory_space<vmem>>
          %gather3A_1071 = tpu.vector_load_idx %gather3A_1070[%add3A_578, %add3A_1066] : memref<128x128xf32, #tpu.memory_space<vmem>>[vector<16xi32>, vector<16xi32>], vector<16xf32>,
          %scatter3A_1072 = arith.constant 0 : i32
          %scatter3A_1073 = arith.constant 0 : i32
          %scatter3A_1074 = tpu.memref_slice %arg9[%scan3A_501, %scatter3A_1072, %scatter3A_1073] : memref<2x64x128xf32, #tpu.memory_space<vmem>> -> memref<1x64x128xf32, #tpu.memory_space<vmem>>
          %scatter3A_1075 = tpu.memref_squeeze %scatter3A_1074 : memref<1x64x128xf32, #tpu.memory_space<vmem>> -> memref<64x128xf32, #tpu.memory_space<vmem>>
          tpu.vector_store_idx %scatter3A_1075[%add3A_1065, %add3A_578], %gather3A_1071 : memref<64x128xf32, #tpu.memory_space<vmem>>[vector<16xi32>, vector<16xi32>], vector<16xf32>,
          %add3A_1076 = arith.constant 32 : i32
          %add3A_1077 = vector.broadcast %add3A_1076 : i32 to vector<16xi32>
          %add3A_1078 = arith.addi %add3A_1077, %select_n3A_168 : vector<16xi32>
          %add3A_1079 = arith.addi %add3A_1078, %get3A_583 : vector<16xi32>
          %gather3A_1080 = arith.constant 0 : i32
          %gather3A_1081 = arith.constant 0 : i32
          %gather3A_1082 = tpu.memref_slice %arg8[%scan3A_500, %gather3A_1080, %gather3A_1081] : memref<2x128x128xf32, #tpu.memory_space<vmem>> -> memref<1x128x128xf32, #tpu.memory_space<vmem>>
          %gather3A_1083 = tpu.memref_squeeze %gather3A_1082 : memref<1x128x128xf32, #tpu.memory_space<vmem>> -> memref<128x128xf32, #tpu.memory_space<vmem>>
          %gather3A_1084 = tpu.vector_load_idx %gather3A_1083[%add3A_578, %add3A_1079] : memref<128x128xf32, #tpu.memory_space<vmem>>[vector<16xi32>, vector<16xi32>], vector<16xf32>,
          %scatter3A_1085 = arith.constant 0 : i32
          %scatter3A_1086 = arith.constant 0 : i32
          %scatter3A_1087 = tpu.memref_slice %arg9[%scan3A_501, %scatter3A_1085, %scatter3A_1086] : memref<2x64x128xf32, #tpu.memory_space<vmem>> -> memref<1x64x128xf32, #tpu.memory_space<vmem>>
          %scatter3A_1088 = tpu.memref_squeeze %scatter3A_1087 : memref<1x64x128xf32, #tpu.memory_space<vmem>> -> memref<64x128xf32, #tpu.memory_space<vmem>>
          tpu.vector_store_idx %scatter3A_1088[%add3A_1078, %add3A_578], %gather3A_1084 : memref<64x128xf32, #tpu.memory_space<vmem>>[vector<16xi32>, vector<16xi32>], vector<16xf32>,
          %add3A_1089 = arith.constant 32 : i32
          %add3A_1090 = vector.broadcast %add3A_1089 : i32 to vector<16xi32>
          %add3A_1091 = arith.addi %add3A_1090, %select_n3A_193 : vector<16xi32>
          %add3A_1092 = arith.addi %add3A_1091, %get3A_583 : vector<16xi32>
          %gather3A_1093 = arith.constant 0 : i32
          %gather3A_1094 = arith.constant 0 : i32
          %gather3A_1095 = tpu.memref_slice %arg8[%scan3A_500, %gather3A_1093, %gather3A_1094] : memref<2x128x128xf32, #tpu.memory_space<vmem>> -> memref<1x128x128xf32, #tpu.memory_space<vmem>>
          %gather3A_1096 = tpu.memref_squeeze %gather3A_1095 : memref<1x128x128xf32, #tpu.memory_space<vmem>> -> memref<128x128xf32, #tpu.memory_space<vmem>>
          %gather3A_1097 = tpu.vector_load_idx %gather3A_1096[%add3A_578, %add3A_1092] : memref<128x128xf32, #tpu.memory_space<vmem>>[vector<16xi32>, vector<16xi32>], vector<16xf32>,
          %scatter3A_1098 = arith.constant 0 : i32
          %scatter3A_1099 = arith.constant 0 : i32
          %scatter3A_1100 = tpu.memref_slice %arg9[%scan3A_501, %scatter3A_1098, %scatter3A_1099] : memref<2x64x128xf32, #tpu.memory_space<vmem>> -> memref<1x64x128xf32, #tpu.memory_space<vmem>>
          %scatter3A_1101 = tpu.memref_squeeze %scatter3A_1100 : memref<1x64x128xf32, #tpu.memory_space<vmem>> -> memref<64x128xf32, #tpu.memory_space<vmem>>
          tpu.vector_store_idx %scatter3A_1101[%add3A_1091, %add3A_578], %gather3A_1097 : memref<64x128xf32, #tpu.memory_space<vmem>>[vector<16xi32>, vector<16xi32>], vector<16xf32>,
          %add3A_1102 = arith.constant 32 : i32
          %add3A_1103 = vector.broadcast %add3A_1102 : i32 to vector<16xi32>
          %add3A_1104 = arith.addi %add3A_1103, %select_n3A_218 : vector<16xi32>
          %add3A_1105 = arith.addi %add3A_1104, %get3A_583 : vector<16xi32>
          %gather3A_1106 = arith.constant 0 : i32
          %gather3A_1107 = arith.constant 0 : i32
          %gather3A_1108 = tpu.memref_slice %arg8[%scan3A_500, %gather3A_1106, %gather3A_1107] : memref<2x128x128xf32, #tpu.memory_space<vmem>> -> memref<1x128x128xf32, #tpu.memory_space<vmem>>
          %gather3A_1109 = tpu.memref_squeeze %gather3A_1108 : memref<1x128x128xf32, #tpu.memory_space<vmem>> -> memref<128x128xf32, #tpu.memory_space<vmem>>
          %gather3A_1110 = tpu.vector_load_idx %gather3A_1109[%add3A_578, %add3A_1105] : memref<128x128xf32, #tpu.memory_space<vmem>>[vector<16xi32>, vector<16xi32>], vector<16xf32>,
          %scatter3A_1111 = arith.constant 0 : i32
          %scatter3A_1112 = arith.constant 0 : i32
          %scatter3A_1113 = tpu.memref_slice %arg9[%scan3A_501, %scatter3A_1111, %scatter3A_1112] : memref<2x64x128xf32, #tpu.memory_space<vmem>> -> memref<1x64x128xf32, #tpu.memory_space<vmem>>
          %scatter3A_1114 = tpu.memref_squeeze %scatter3A_1113 : memref<1x64x128xf32, #tpu.memory_space<vmem>> -> memref<64x128xf32, #tpu.memory_space<vmem>>
          tpu.vector_store_idx %scatter3A_1114[%add3A_1104, %add3A_578], %gather3A_1110 : memref<64x128xf32, #tpu.memory_space<vmem>>[vector<16xi32>, vector<16xi32>], vector<16xf32>,
          %add3A_1115 = arith.constant 32 : i32
          %add3A_1116 = vector.broadcast %add3A_1115 : i32 to vector<16xi32>
          %add3A_1117 = arith.addi %add3A_1116, %select_n3A_243 : vector<16xi32>
          %add3A_1118 = arith.addi %add3A_1117, %get3A_583 : vector<16xi32>
          %gather3A_1119 = arith.constant 0 : i32
          %gather3A_1120 = arith.constant 0 : i32
          %gather3A_1121 = tpu.memref_slice %arg8[%scan3A_500, %gather3A_1119, %gather3A_1120] : memref<2x128x128xf32, #tpu.memory_space<vmem>> -> memref<1x128x128xf32, #tpu.memory_space<vmem>>
          %gather3A_1122 = tpu.memref_squeeze %gather3A_1121 : memref<1x128x128xf32, #tpu.memory_space<vmem>> -> memref<128x128xf32, #tpu.memory_space<vmem>>
          %gather3A_1123 = tpu.vector_load_idx %gather3A_1122[%add3A_578, %add3A_1118] : memref<128x128xf32, #tpu.memory_space<vmem>>[vector<16xi32>, vector<16xi32>], vector<16xf32>,
          %scatter3A_1124 = arith.constant 0 : i32
          %scatter3A_1125 = arith.constant 0 : i32
          %scatter3A_1126 = tpu.memref_slice %arg9[%scan3A_501, %scatter3A_1124, %scatter3A_1125] : memref<2x64x128xf32, #tpu.memory_space<vmem>> -> memref<1x64x128xf32, #tpu.memory_space<vmem>>
          %scatter3A_1127 = tpu.memref_squeeze %scatter3A_1126 : memref<1x64x128xf32, #tpu.memory_space<vmem>> -> memref<64x128xf32, #tpu.memory_space<vmem>>
          tpu.vector_store_idx %scatter3A_1127[%add3A_1117, %add3A_578], %gather3A_1123 : memref<64x128xf32, #tpu.memory_space<vmem>>[vector<16xi32>, vector<16xi32>], vector<16xf32>,
          %add3A_1128 = arith.constant 32 : i32
          %add3A_1129 = vector.broadcast %add3A_1128 : i32 to vector<16xi32>
          %add3A_1130 = arith.addi %add3A_1129, %select_n3A_268 : vector<16xi32>
          %add3A_1131 = arith.addi %add3A_1130, %get3A_583 : vector<16xi32>
          %gather3A_1132 = arith.constant 0 : i32
          %gather3A_1133 = arith.constant 0 : i32
          %gather3A_1134 = tpu.memref_slice %arg8[%scan3A_500, %gather3A_1132, %gather3A_1133] : memref<2x128x128xf32, #tpu.memory_space<vmem>> -> memref<1x128x128xf32, #tpu.memory_space<vmem>>
          %gather3A_1135 = tpu.memref_squeeze %gather3A_1134 : memref<1x128x128xf32, #tpu.memory_space<vmem>> -> memref<128x128xf32, #tpu.memory_space<vmem>>
          %gather3A_1136 = tpu.vector_load_idx %gather3A_1135[%add3A_578, %add3A_1131] : memref<128x128xf32, #tpu.memory_space<vmem>>[vector<16xi32>, vector<16xi32>], vector<16xf32>,
          %scatter3A_1137 = arith.constant 0 : i32
          %scatter3A_1138 = arith.constant 0 : i32
          %scatter3A_1139 = tpu.memref_slice %arg9[%scan3A_501, %scatter3A_1137, %scatter3A_1138] : memref<2x64x128xf32, #tpu.memory_space<vmem>> -> memref<1x64x128xf32, #tpu.memory_space<vmem>>
          %scatter3A_1140 = tpu.memref_squeeze %scatter3A_1139 : memref<1x64x128xf32, #tpu.memory_space<vmem>> -> memref<64x128xf32, #tpu.memory_space<vmem>>
          tpu.vector_store_idx %scatter3A_1140[%add3A_1130, %add3A_578], %gather3A_1136 : memref<64x128xf32, #tpu.memory_space<vmem>>[vector<16xi32>, vector<16xi32>], vector<16xf32>,
          %add3A_1141 = arith.constant 32 : i32
          %add3A_1142 = vector.broadcast %add3A_1141 : i32 to vector<16xi32>
          %add3A_1143 = arith.addi %add3A_1142, %select_n3A_293 : vector<16xi32>
          %add3A_1144 = arith.addi %add3A_1143, %get3A_583 : vector<16xi32>
          %gather3A_1145 = arith.constant 0 : i32
          %gather3A_1146 = arith.constant 0 : i32
          %gather3A_1147 = tpu.memref_slice %arg8[%scan3A_500, %gather3A_1145, %gather3A_1146] : memref<2x128x128xf32, #tpu.memory_space<vmem>> -> memref<1x128x128xf32, #tpu.memory_space<vmem>>
          %gather3A_1148 = tpu.memref_squeeze %gather3A_1147 : memref<1x128x128xf32, #tpu.memory_space<vmem>> -> memref<128x128xf32, #tpu.memory_space<vmem>>
          %gather3A_1149 = tpu.vector_load_idx %gather3A_1148[%add3A_578, %add3A_1144] : memref<128x128xf32, #tpu.memory_space<vmem>>[vector<16xi32>, vector<16xi32>], vector<16xf32>,
          %scatter3A_1150 = arith.constant 0 : i32
          %scatter3A_1151 = arith.constant 0 : i32
          %scatter3A_1152 = tpu.memref_slice %arg9[%scan3A_501, %scatter3A_1150, %scatter3A_1151] : memref<2x64x128xf32, #tpu.memory_space<vmem>> -> memref<1x64x128xf32, #tpu.memory_space<vmem>>
          %scatter3A_1153 = tpu.memref_squeeze %scatter3A_1152 : memref<1x64x128xf32, #tpu.memory_space<vmem>> -> memref<64x128xf32, #tpu.memory_space<vmem>>
          tpu.vector_store_idx %scatter3A_1153[%add3A_1143, %add3A_578], %gather3A_1149 : memref<64x128xf32, #tpu.memory_space<vmem>>[vector<16xi32>, vector<16xi32>], vector<16xf32>,
          %add3A_1154 = arith.constant 32 : i32
          %add3A_1155 = vector.broadcast %add3A_1154 : i32 to vector<16xi32>
          %add3A_1156 = arith.addi %add3A_1155, %select_n3A_318 : vector<16xi32>
          %add3A_1157 = arith.addi %add3A_1156, %get3A_583 : vector<16xi32>
          %gather3A_1158 = arith.constant 0 : i32
          %gather3A_1159 = arith.constant 0 : i32
          %gather3A_1160 = tpu.memref_slice %arg8[%scan3A_500, %gather3A_1158, %gather3A_1159] : memref<2x128x128xf32, #tpu.memory_space<vmem>> -> memref<1x128x128xf32, #tpu.memory_space<vmem>>
          %gather3A_1161 = tpu.memref_squeeze %gather3A_1160 : memref<1x128x128xf32, #tpu.memory_space<vmem>> -> memref<128x128xf32, #tpu.memory_space<vmem>>
          %gather3A_1162 = tpu.vector_load_idx %gather3A_1161[%add3A_578, %add3A_1157] : memref<128x128xf32, #tpu.memory_space<vmem>>[vector<16xi32>, vector<16xi32>], vector<16xf32>,
          %scatter3A_1163 = arith.constant 0 : i32
          %scatter3A_1164 = arith.constant 0 : i32
          %scatter3A_1165 = tpu.memref_slice %arg9[%scan3A_501, %scatter3A_1163, %scatter3A_1164] : memref<2x64x128xf32, #tpu.memory_space<vmem>> -> memref<1x64x128xf32, #tpu.memory_space<vmem>>
          %scatter3A_1166 = tpu.memref_squeeze %scatter3A_1165 : memref<1x64x128xf32, #tpu.memory_space<vmem>> -> memref<64x128xf32, #tpu.memory_space<vmem>>
          tpu.vector_store_idx %scatter3A_1166[%add3A_1156, %add3A_578], %gather3A_1162 : memref<64x128xf32, #tpu.memory_space<vmem>>[vector<16xi32>, vector<16xi32>], vector<16xf32>,
          %add3A_1167 = arith.constant 32 : i32
          %add3A_1168 = vector.broadcast %add3A_1167 : i32 to vector<16xi32>
          %add3A_1169 = arith.addi %add3A_1168, %select_n3A_343 : vector<16xi32>
          %add3A_1170 = arith.addi %add3A_1169, %get3A_583 : vector<16xi32>
          %gather3A_1171 = arith.constant 0 : i32
          %gather3A_1172 = arith.constant 0 : i32
          %gather3A_1173 = tpu.memref_slice %arg8[%scan3A_500, %gather3A_1171, %gather3A_1172] : memref<2x128x128xf32, #tpu.memory_space<vmem>> -> memref<1x128x128xf32, #tpu.memory_space<vmem>>
          %gather3A_1174 = tpu.memref_squeeze %gather3A_1173 : memref<1x128x128xf32, #tpu.memory_space<vmem>> -> memref<128x128xf32, #tpu.memory_space<vmem>>
          %gather3A_1175 = tpu.vector_load_idx %gather3A_1174[%add3A_578, %add3A_1170] : memref<128x128xf32, #tpu.memory_space<vmem>>[vector<16xi32>, vector<16xi32>], vector<16xf32>,
          %scatter3A_1176 = arith.constant 0 : i32
          %scatter3A_1177 = arith.constant 0 : i32
          %scatter3A_1178 = tpu.memref_slice %arg9[%scan3A_501, %scatter3A_1176, %scatter3A_1177] : memref<2x64x128xf32, #tpu.memory_space<vmem>> -> memref<1x64x128xf32, #tpu.memory_space<vmem>>
          %scatter3A_1179 = tpu.memref_squeeze %scatter3A_1178 : memref<1x64x128xf32, #tpu.memory_space<vmem>> -> memref<64x128xf32, #tpu.memory_space<vmem>>
          tpu.vector_store_idx %scatter3A_1179[%add3A_1169, %add3A_578], %gather3A_1175 : memref<64x128xf32, #tpu.memory_space<vmem>>[vector<16xi32>, vector<16xi32>], vector<16xf32>,
          %add3A_1180 = arith.constant 32 : i32
          %add3A_1181 = vector.broadcast %add3A_1180 : i32 to vector<16xi32>
          %add3A_1182 = arith.addi %add3A_1181, %select_n3A_368 : vector<16xi32>
          %add3A_1183 = arith.addi %add3A_1182, %get3A_583 : vector<16xi32>
          %gather3A_1184 = arith.constant 0 : i32
          %gather3A_1185 = arith.constant 0 : i32
          %gather3A_1186 = tpu.memref_slice %arg8[%scan3A_500, %gather3A_1184, %gather3A_1185] : memref<2x128x128xf32, #tpu.memory_space<vmem>> -> memref<1x128x128xf32, #tpu.memory_space<vmem>>
          %gather3A_1187 = tpu.memref_squeeze %gather3A_1186 : memref<1x128x128xf32, #tpu.memory_space<vmem>> -> memref<128x128xf32, #tpu.memory_space<vmem>>
          %gather3A_1188 = tpu.vector_load_idx %gather3A_1187[%add3A_578, %add3A_1183] : memref<128x128xf32, #tpu.memory_space<vmem>>[vector<16xi32>, vector<16xi32>], vector<16xf32>,
          %scatter3A_1189 = arith.constant 0 : i32
          %scatter3A_1190 = arith.constant 0 : i32
          %scatter3A_1191 = tpu.memref_slice %arg9[%scan3A_501, %scatter3A_1189, %scatter3A_1190] : memref<2x64x128xf32, #tpu.memory_space<vmem>> -> memref<1x64x128xf32, #tpu.memory_space<vmem>>
          %scatter3A_1192 = tpu.memref_squeeze %scatter3A_1191 : memref<1x64x128xf32, #tpu.memory_space<vmem>> -> memref<64x128xf32, #tpu.memory_space<vmem>>
          tpu.vector_store_idx %scatter3A_1192[%add3A_1182, %add3A_578], %gather3A_1188 : memref<64x128xf32, #tpu.memory_space<vmem>>[vector<16xi32>, vector<16xi32>], vector<16xf32>,
          %add3A_1193 = arith.constant 32 : i32
          %add3A_1194 = vector.broadcast %add3A_1193 : i32 to vector<16xi32>
          %add3A_1195 = arith.addi %add3A_1194, %select_n3A_393 : vector<16xi32>
          %add3A_1196 = arith.addi %add3A_1195, %get3A_583 : vector<16xi32>
          %gather3A_1197 = arith.constant 0 : i32
          %gather3A_1198 = arith.constant 0 : i32
          %gather3A_1199 = tpu.memref_slice %arg8[%scan3A_500, %gather3A_1197, %gather3A_1198] : memref<2x128x128xf32, #tpu.memory_space<vmem>> -> memref<1x128x128xf32, #tpu.memory_space<vmem>>
          %gather3A_1200 = tpu.memref_squeeze %gather3A_1199 : memref<1x128x128xf32, #tpu.memory_space<vmem>> -> memref<128x128xf32, #tpu.memory_space<vmem>>
          %gather3A_1201 = tpu.vector_load_idx %gather3A_1200[%add3A_578, %add3A_1196] : memref<128x128xf32, #tpu.memory_space<vmem>>[vector<16xi32>, vector<16xi32>], vector<16xf32>,
          %scatter3A_1202 = arith.constant 0 : i32
          %scatter3A_1203 = arith.constant 0 : i32
          %scatter3A_1204 = tpu.memref_slice %arg9[%scan3A_501, %scatter3A_1202, %scatter3A_1203] : memref<2x64x128xf32, #tpu.memory_space<vmem>> -> memref<1x64x128xf32, #tpu.memory_space<vmem>>
          %scatter3A_1205 = tpu.memref_squeeze %scatter3A_1204 : memref<1x64x128xf32, #tpu.memory_space<vmem>> -> memref<64x128xf32, #tpu.memory_space<vmem>>
          tpu.vector_store_idx %scatter3A_1205[%add3A_1195, %add3A_578], %gather3A_1201 : memref<64x128xf32, #tpu.memory_space<vmem>>[vector<16xi32>, vector<16xi32>], vector<16xf32>,
          %add3A_1206 = arith.constant 48 : i32
          %add3A_1207 = vector.broadcast %add3A_1206 : i32 to vector<16xi32>
          %add3A_1208 = arith.addi %add3A_1207, %select_n3A_18 : vector<16xi32>
          %add3A_1209 = arith.addi %add3A_1208, %get3A_583 : vector<16xi32>
          %gather3A_1210 = arith.constant 0 : i32
          %gather3A_1211 = arith.constant 0 : i32
          %gather3A_1212 = tpu.memref_slice %arg8[%scan3A_500, %gather3A_1210, %gather3A_1211] : memref<2x128x128xf32, #tpu.memory_space<vmem>> -> memref<1x128x128xf32, #tpu.memory_space<vmem>>
          %gather3A_1213 = tpu.memref_squeeze %gather3A_1212 : memref<1x128x128xf32, #tpu.memory_space<vmem>> -> memref<128x128xf32, #tpu.memory_space<vmem>>
          %gather3A_1214 = tpu.vector_load_idx %gather3A_1213[%add3A_578, %add3A_1209] : memref<128x128xf32, #tpu.memory_space<vmem>>[vector<16xi32>, vector<16xi32>], vector<16xf32>,
          %scatter3A_1215 = arith.constant 0 : i32
          %scatter3A_1216 = arith.constant 0 : i32
          %scatter3A_1217 = tpu.memref_slice %arg9[%scan3A_501, %scatter3A_1215, %scatter3A_1216] : memref<2x64x128xf32, #tpu.memory_space<vmem>> -> memref<1x64x128xf32, #tpu.memory_space<vmem>>
          %scatter3A_1218 = tpu.memref_squeeze %scatter3A_1217 : memref<1x64x128xf32, #tpu.memory_space<vmem>> -> memref<64x128xf32, #tpu.memory_space<vmem>>
          tpu.vector_store_idx %scatter3A_1218[%add3A_1208, %add3A_578], %gather3A_1214 : memref<64x128xf32, #tpu.memory_space<vmem>>[vector<16xi32>, vector<16xi32>], vector<16xf32>,
          %add3A_1219 = arith.constant 48 : i32
          %add3A_1220 = vector.broadcast %add3A_1219 : i32 to vector<16xi32>
          %add3A_1221 = arith.addi %add3A_1220, %select_n3A_43 : vector<16xi32>
          %add3A_1222 = arith.addi %add3A_1221, %get3A_583 : vector<16xi32>
          %gather3A_1223 = arith.constant 0 : i32
          %gather3A_1224 = arith.constant 0 : i32
          %gather3A_1225 = tpu.memref_slice %arg8[%scan3A_500, %gather3A_1223, %gather3A_1224] : memref<2x128x128xf32, #tpu.memory_space<vmem>> -> memref<1x128x128xf32, #tpu.memory_space<vmem>>
          %gather3A_1226 = tpu.memref_squeeze %gather3A_1225 : memref<1x128x128xf32, #tpu.memory_space<vmem>> -> memref<128x128xf32, #tpu.memory_space<vmem>>
          %gather3A_1227 = tpu.vector_load_idx %gather3A_1226[%add3A_578, %add3A_1222] : memref<128x128xf32, #tpu.memory_space<vmem>>[vector<16xi32>, vector<16xi32>], vector<16xf32>,
          %scatter3A_1228 = arith.constant 0 : i32
          %scatter3A_1229 = arith.constant 0 : i32
          %scatter3A_1230 = tpu.memref_slice %arg9[%scan3A_501, %scatter3A_1228, %scatter3A_1229] : memref<2x64x128xf32, #tpu.memory_space<vmem>> -> memref<1x64x128xf32, #tpu.memory_space<vmem>>
          %scatter3A_1231 = tpu.memref_squeeze %scatter3A_1230 : memref<1x64x128xf32, #tpu.memory_space<vmem>> -> memref<64x128xf32, #tpu.memory_space<vmem>>
          tpu.vector_store_idx %scatter3A_1231[%add3A_1221, %add3A_578], %gather3A_1227 : memref<64x128xf32, #tpu.memory_space<vmem>>[vector<16xi32>, vector<16xi32>], vector<16xf32>,
          %add3A_1232 = arith.constant 48 : i32
          %add3A_1233 = vector.broadcast %add3A_1232 : i32 to vector<16xi32>
          %add3A_1234 = arith.addi %add3A_1233, %select_n3A_68 : vector<16xi32>
          %add3A_1235 = arith.addi %add3A_1234, %get3A_583 : vector<16xi32>
          %gather3A_1236 = arith.constant 0 : i32
          %gather3A_1237 = arith.constant 0 : i32
          %gather3A_1238 = tpu.memref_slice %arg8[%scan3A_500, %gather3A_1236, %gather3A_1237] : memref<2x128x128xf32, #tpu.memory_space<vmem>> -> memref<1x128x128xf32, #tpu.memory_space<vmem>>
          %gather3A_1239 = tpu.memref_squeeze %gather3A_1238 : memref<1x128x128xf32, #tpu.memory_space<vmem>> -> memref<128x128xf32, #tpu.memory_space<vmem>>
          %gather3A_1240 = tpu.vector_load_idx %gather3A_1239[%add3A_578, %add3A_1235] : memref<128x128xf32, #tpu.memory_space<vmem>>[vector<16xi32>, vector<16xi32>], vector<16xf32>,
          %scatter3A_1241 = arith.constant 0 : i32
          %scatter3A_1242 = arith.constant 0 : i32
          %scatter3A_1243 = tpu.memref_slice %arg9[%scan3A_501, %scatter3A_1241, %scatter3A_1242] : memref<2x64x128xf32, #tpu.memory_space<vmem>> -> memref<1x64x128xf32, #tpu.memory_space<vmem>>
          %scatter3A_1244 = tpu.memref_squeeze %scatter3A_1243 : memref<1x64x128xf32, #tpu.memory_space<vmem>> -> memref<64x128xf32, #tpu.memory_space<vmem>>
          tpu.vector_store_idx %scatter3A_1244[%add3A_1234, %add3A_578], %gather3A_1240 : memref<64x128xf32, #tpu.memory_space<vmem>>[vector<16xi32>, vector<16xi32>], vector<16xf32>,
          %add3A_1245 = arith.constant 48 : i32
          %add3A_1246 = vector.broadcast %add3A_1245 : i32 to vector<16xi32>
          %add3A_1247 = arith.addi %add3A_1246, %select_n3A_93 : vector<16xi32>
          %add3A_1248 = arith.addi %add3A_1247, %get3A_583 : vector<16xi32>
          %gather3A_1249 = arith.constant 0 : i32
          %gather3A_1250 = arith.constant 0 : i32
          %gather3A_1251 = tpu.memref_slice %arg8[%scan3A_500, %gather3A_1249, %gather3A_1250] : memref<2x128x128xf32, #tpu.memory_space<vmem>> -> memref<1x128x128xf32, #tpu.memory_space<vmem>>
          %gather3A_1252 = tpu.memref_squeeze %gather3A_1251 : memref<1x128x128xf32, #tpu.memory_space<vmem>> -> memref<128x128xf32, #tpu.memory_space<vmem>>
          %gather3A_1253 = tpu.vector_load_idx %gather3A_1252[%add3A_578, %add3A_1248] : memref<128x128xf32, #tpu.memory_space<vmem>>[vector<16xi32>, vector<16xi32>], vector<16xf32>,
          %scatter3A_1254 = arith.constant 0 : i32
          %scatter3A_1255 = arith.constant 0 : i32
          %scatter3A_1256 = tpu.memref_slice %arg9[%scan3A_501, %scatter3A_1254, %scatter3A_1255] : memref<2x64x128xf32, #tpu.memory_space<vmem>> -> memref<1x64x128xf32, #tpu.memory_space<vmem>>
          %scatter3A_1257 = tpu.memref_squeeze %scatter3A_1256 : memref<1x64x128xf32, #tpu.memory_space<vmem>> -> memref<64x128xf32, #tpu.memory_space<vmem>>
          tpu.vector_store_idx %scatter3A_1257[%add3A_1247, %add3A_578], %gather3A_1253 : memref<64x128xf32, #tpu.memory_space<vmem>>[vector<16xi32>, vector<16xi32>], vector<16xf32>,
          %add3A_1258 = arith.constant 48 : i32
          %add3A_1259 = vector.broadcast %add3A_1258 : i32 to vector<16xi32>
          %add3A_1260 = arith.addi %add3A_1259, %select_n3A_118 : vector<16xi32>
          %add3A_1261 = arith.addi %add3A_1260, %get3A_583 : vector<16xi32>
          %gather3A_1262 = arith.constant 0 : i32
          %gather3A_1263 = arith.constant 0 : i32
          %gather3A_1264 = tpu.memref_slice %arg8[%scan3A_500, %gather3A_1262, %gather3A_1263] : memref<2x128x128xf32, #tpu.memory_space<vmem>> -> memref<1x128x128xf32, #tpu.memory_space<vmem>>
          %gather3A_1265 = tpu.memref_squeeze %gather3A_1264 : memref<1x128x128xf32, #tpu.memory_space<vmem>> -> memref<128x128xf32, #tpu.memory_space<vmem>>
          %gather3A_1266 = tpu.vector_load_idx %gather3A_1265[%add3A_578, %add3A_1261] : memref<128x128xf32, #tpu.memory_space<vmem>>[vector<16xi32>, vector<16xi32>], vector<16xf32>,
          %scatter3A_1267 = arith.constant 0 : i32
          %scatter3A_1268 = arith.constant 0 : i32
          %scatter3A_1269 = tpu.memref_slice %arg9[%scan3A_501, %scatter3A_1267, %scatter3A_1268] : memref<2x64x128xf32, #tpu.memory_space<vmem>> -> memref<1x64x128xf32, #tpu.memory_space<vmem>>
          %scatter3A_1270 = tpu.memref_squeeze %scatter3A_1269 : memref<1x64x128xf32, #tpu.memory_space<vmem>> -> memref<64x128xf32, #tpu.memory_space<vmem>>
          tpu.vector_store_idx %scatter3A_1270[%add3A_1260, %add3A_578], %gather3A_1266 : memref<64x128xf32, #tpu.memory_space<vmem>>[vector<16xi32>, vector<16xi32>], vector<16xf32>,
          %add3A_1271 = arith.constant 48 : i32
          %add3A_1272 = vector.broadcast %add3A_1271 : i32 to vector<16xi32>
          %add3A_1273 = arith.addi %add3A_1272, %select_n3A_143 : vector<16xi32>
          %add3A_1274 = arith.addi %add3A_1273, %get3A_583 : vector<16xi32>
          %gather3A_1275 = arith.constant 0 : i32
          %gather3A_1276 = arith.constant 0 : i32
          %gather3A_1277 = tpu.memref_slice %arg8[%scan3A_500, %gather3A_1275, %gather3A_1276] : memref<2x128x128xf32, #tpu.memory_space<vmem>> -> memref<1x128x128xf32, #tpu.memory_space<vmem>>
          %gather3A_1278 = tpu.memref_squeeze %gather3A_1277 : memref<1x128x128xf32, #tpu.memory_space<vmem>> -> memref<128x128xf32, #tpu.memory_space<vmem>>
          %gather3A_1279 = tpu.vector_load_idx %gather3A_1278[%add3A_578, %add3A_1274] : memref<128x128xf32, #tpu.memory_space<vmem>>[vector<16xi32>, vector<16xi32>], vector<16xf32>,
          %scatter3A_1280 = arith.constant 0 : i32
          %scatter3A_1281 = arith.constant 0 : i32
          %scatter3A_1282 = tpu.memref_slice %arg9[%scan3A_501, %scatter3A_1280, %scatter3A_1281] : memref<2x64x128xf32, #tpu.memory_space<vmem>> -> memref<1x64x128xf32, #tpu.memory_space<vmem>>
          %scatter3A_1283 = tpu.memref_squeeze %scatter3A_1282 : memref<1x64x128xf32, #tpu.memory_space<vmem>> -> memref<64x128xf32, #tpu.memory_space<vmem>>
          tpu.vector_store_idx %scatter3A_1283[%add3A_1273, %add3A_578], %gather3A_1279 : memref<64x128xf32, #tpu.memory_space<vmem>>[vector<16xi32>, vector<16xi32>], vector<16xf32>,
          %add3A_1284 = arith.constant 48 : i32
          %add3A_1285 = vector.broadcast %add3A_1284 : i32 to vector<16xi32>
          %add3A_1286 = arith.addi %add3A_1285, %select_n3A_168 : vector<16xi32>
          %add3A_1287 = arith.addi %add3A_1286, %get3A_583 : vector<16xi32>
          %gather3A_1288 = arith.constant 0 : i32
          %gather3A_1289 = arith.constant 0 : i32
          %gather3A_1290 = tpu.memref_slice %arg8[%scan3A_500, %gather3A_1288, %gather3A_1289] : memref<2x128x128xf32, #tpu.memory_space<vmem>> -> memref<1x128x128xf32, #tpu.memory_space<vmem>>
          %gather3A_1291 = tpu.memref_squeeze %gather3A_1290 : memref<1x128x128xf32, #tpu.memory_space<vmem>> -> memref<128x128xf32, #tpu.memory_space<vmem>>
          %gather3A_1292 = tpu.vector_load_idx %gather3A_1291[%add3A_578, %add3A_1287] : memref<128x128xf32, #tpu.memory_space<vmem>>[vector<16xi32>, vector<16xi32>], vector<16xf32>,
          %scatter3A_1293 = arith.constant 0 : i32
          %scatter3A_1294 = arith.constant 0 : i32
          %scatter3A_1295 = tpu.memref_slice %arg9[%scan3A_501, %scatter3A_1293, %scatter3A_1294] : memref<2x64x128xf32, #tpu.memory_space<vmem>> -> memref<1x64x128xf32, #tpu.memory_space<vmem>>
          %scatter3A_1296 = tpu.memref_squeeze %scatter3A_1295 : memref<1x64x128xf32, #tpu.memory_space<vmem>> -> memref<64x128xf32, #tpu.memory_space<vmem>>
          tpu.vector_store_idx %scatter3A_1296[%add3A_1286, %add3A_578], %gather3A_1292 : memref<64x128xf32, #tpu.memory_space<vmem>>[vector<16xi32>, vector<16xi32>], vector<16xf32>,
          %add3A_1297 = arith.constant 48 : i32
          %add3A_1298 = vector.broadcast %add3A_1297 : i32 to vector<16xi32>
          %add3A_1299 = arith.addi %add3A_1298, %select_n3A_193 : vector<16xi32>
          %add3A_1300 = arith.addi %add3A_1299, %get3A_583 : vector<16xi32>
          %gather3A_1301 = arith.constant 0 : i32
          %gather3A_1302 = arith.constant 0 : i32
          %gather3A_1303 = tpu.memref_slice %arg8[%scan3A_500, %gather3A_1301, %gather3A_1302] : memref<2x128x128xf32, #tpu.memory_space<vmem>> -> memref<1x128x128xf32, #tpu.memory_space<vmem>>
          %gather3A_1304 = tpu.memref_squeeze %gather3A_1303 : memref<1x128x128xf32, #tpu.memory_space<vmem>> -> memref<128x128xf32, #tpu.memory_space<vmem>>
          %gather3A_1305 = tpu.vector_load_idx %gather3A_1304[%add3A_578, %add3A_1300] : memref<128x128xf32, #tpu.memory_space<vmem>>[vector<16xi32>, vector<16xi32>], vector<16xf32>,
          %scatter3A_1306 = arith.constant 0 : i32
          %scatter3A_1307 = arith.constant 0 : i32
          %scatter3A_1308 = tpu.memref_slice %arg9[%scan3A_501, %scatter3A_1306, %scatter3A_1307] : memref<2x64x128xf32, #tpu.memory_space<vmem>> -> memref<1x64x128xf32, #tpu.memory_space<vmem>>
          %scatter3A_1309 = tpu.memref_squeeze %scatter3A_1308 : memref<1x64x128xf32, #tpu.memory_space<vmem>> -> memref<64x128xf32, #tpu.memory_space<vmem>>
          tpu.vector_store_idx %scatter3A_1309[%add3A_1299, %add3A_578], %gather3A_1305 : memref<64x128xf32, #tpu.memory_space<vmem>>[vector<16xi32>, vector<16xi32>], vector<16xf32>,
          %add3A_1310 = arith.constant 48 : i32
          %add3A_1311 = vector.broadcast %add3A_1310 : i32 to vector<16xi32>
          %add3A_1312 = arith.addi %add3A_1311, %select_n3A_218 : vector<16xi32>
          %add3A_1313 = arith.addi %add3A_1312, %get3A_583 : vector<16xi32>
          %gather3A_1314 = arith.constant 0 : i32
          %gather3A_1315 = arith.constant 0 : i32
          %gather3A_1316 = tpu.memref_slice %arg8[%scan3A_500, %gather3A_1314, %gather3A_1315] : memref<2x128x128xf32, #tpu.memory_space<vmem>> -> memref<1x128x128xf32, #tpu.memory_space<vmem>>
          %gather3A_1317 = tpu.memref_squeeze %gather3A_1316 : memref<1x128x128xf32, #tpu.memory_space<vmem>> -> memref<128x128xf32, #tpu.memory_space<vmem>>
          %gather3A_1318 = tpu.vector_load_idx %gather3A_1317[%add3A_578, %add3A_1313] : memref<128x128xf32, #tpu.memory_space<vmem>>[vector<16xi32>, vector<16xi32>], vector<16xf32>,
          %scatter3A_1319 = arith.constant 0 : i32
          %scatter3A_1320 = arith.constant 0 : i32
          %scatter3A_1321 = tpu.memref_slice %arg9[%scan3A_501, %scatter3A_1319, %scatter3A_1320] : memref<2x64x128xf32, #tpu.memory_space<vmem>> -> memref<1x64x128xf32, #tpu.memory_space<vmem>>
          %scatter3A_1322 = tpu.memref_squeeze %scatter3A_1321 : memref<1x64x128xf32, #tpu.memory_space<vmem>> -> memref<64x128xf32, #tpu.memory_space<vmem>>
          tpu.vector_store_idx %scatter3A_1322[%add3A_1312, %add3A_578], %gather3A_1318 : memref<64x128xf32, #tpu.memory_space<vmem>>[vector<16xi32>, vector<16xi32>], vector<16xf32>,
          %add3A_1323 = arith.constant 48 : i32
          %add3A_1324 = vector.broadcast %add3A_1323 : i32 to vector<16xi32>
          %add3A_1325 = arith.addi %add3A_1324, %select_n3A_243 : vector<16xi32>
          %add3A_1326 = arith.addi %add3A_1325, %get3A_583 : vector<16xi32>
          %gather3A_1327 = arith.constant 0 : i32
          %gather3A_1328 = arith.constant 0 : i32
          %gather3A_1329 = tpu.memref_slice %arg8[%scan3A_500, %gather3A_1327, %gather3A_1328] : memref<2x128x128xf32, #tpu.memory_space<vmem>> -> memref<1x128x128xf32, #tpu.memory_space<vmem>>
          %gather3A_1330 = tpu.memref_squeeze %gather3A_1329 : memref<1x128x128xf32, #tpu.memory_space<vmem>> -> memref<128x128xf32, #tpu.memory_space<vmem>>
          %gather3A_1331 = tpu.vector_load_idx %gather3A_1330[%add3A_578, %add3A_1326] : memref<128x128xf32, #tpu.memory_space<vmem>>[vector<16xi32>, vector<16xi32>], vector<16xf32>,
          %scatter3A_1332 = arith.constant 0 : i32
          %scatter3A_1333 = arith.constant 0 : i32
          %scatter3A_1334 = tpu.memref_slice %arg9[%scan3A_501, %scatter3A_1332, %scatter3A_1333] : memref<2x64x128xf32, #tpu.memory_space<vmem>> -> memref<1x64x128xf32, #tpu.memory_space<vmem>>
          %scatter3A_1335 = tpu.memref_squeeze %scatter3A_1334 : memref<1x64x128xf32, #tpu.memory_space<vmem>> -> memref<64x128xf32, #tpu.memory_space<vmem>>
          tpu.vector_store_idx %scatter3A_1335[%add3A_1325, %add3A_578], %gather3A_1331 : memref<64x128xf32, #tpu.memory_space<vmem>>[vector<16xi32>, vector<16xi32>], vector<16xf32>,
          %add3A_1336 = arith.constant 48 : i32
          %add3A_1337 = vector.broadcast %add3A_1336 : i32 to vector<16xi32>
          %add3A_1338 = arith.addi %add3A_1337, %select_n3A_268 : vector<16xi32>
          %add3A_1339 = arith.addi %add3A_1338, %get3A_583 : vector<16xi32>
          %gather3A_1340 = arith.constant 0 : i32
          %gather3A_1341 = arith.constant 0 : i32
          %gather3A_1342 = tpu.memref_slice %arg8[%scan3A_500, %gather3A_1340, %gather3A_1341] : memref<2x128x128xf32, #tpu.memory_space<vmem>> -> memref<1x128x128xf32, #tpu.memory_space<vmem>>
          %gather3A_1343 = tpu.memref_squeeze %gather3A_1342 : memref<1x128x128xf32, #tpu.memory_space<vmem>> -> memref<128x128xf32, #tpu.memory_space<vmem>>
          %gather3A_1344 = tpu.vector_load_idx %gather3A_1343[%add3A_578, %add3A_1339] : memref<128x128xf32, #tpu.memory_space<vmem>>[vector<16xi32>, vector<16xi32>], vector<16xf32>,
          %scatter3A_1345 = arith.constant 0 : i32
          %scatter3A_1346 = arith.constant 0 : i32
          %scatter3A_1347 = tpu.memref_slice %arg9[%scan3A_501, %scatter3A_1345, %scatter3A_1346] : memref<2x64x128xf32, #tpu.memory_space<vmem>> -> memref<1x64x128xf32, #tpu.memory_space<vmem>>
          %scatter3A_1348 = tpu.memref_squeeze %scatter3A_1347 : memref<1x64x128xf32, #tpu.memory_space<vmem>> -> memref<64x128xf32, #tpu.memory_space<vmem>>
          tpu.vector_store_idx %scatter3A_1348[%add3A_1338, %add3A_578], %gather3A_1344 : memref<64x128xf32, #tpu.memory_space<vmem>>[vector<16xi32>, vector<16xi32>], vector<16xf32>,
          %add3A_1349 = arith.constant 48 : i32
          %add3A_1350 = vector.broadcast %add3A_1349 : i32 to vector<16xi32>
          %add3A_1351 = arith.addi %add3A_1350, %select_n3A_293 : vector<16xi32>
          %add3A_1352 = arith.addi %add3A_1351, %get3A_583 : vector<16xi32>
          %gather3A_1353 = arith.constant 0 : i32
          %gather3A_1354 = arith.constant 0 : i32
          %gather3A_1355 = tpu.memref_slice %arg8[%scan3A_500, %gather3A_1353, %gather3A_1354] : memref<2x128x128xf32, #tpu.memory_space<vmem>> -> memref<1x128x128xf32, #tpu.memory_space<vmem>>
          %gather3A_1356 = tpu.memref_squeeze %gather3A_1355 : memref<1x128x128xf32, #tpu.memory_space<vmem>> -> memref<128x128xf32, #tpu.memory_space<vmem>>
          %gather3A_1357 = tpu.vector_load_idx %gather3A_1356[%add3A_578, %add3A_1352] : memref<128x128xf32, #tpu.memory_space<vmem>>[vector<16xi32>, vector<16xi32>], vector<16xf32>,
          %scatter3A_1358 = arith.constant 0 : i32
          %scatter3A_1359 = arith.constant 0 : i32
          %scatter3A_1360 = tpu.memref_slice %arg9[%scan3A_501, %scatter3A_1358, %scatter3A_1359] : memref<2x64x128xf32, #tpu.memory_space<vmem>> -> memref<1x64x128xf32, #tpu.memory_space<vmem>>
          %scatter3A_1361 = tpu.memref_squeeze %scatter3A_1360 : memref<1x64x128xf32, #tpu.memory_space<vmem>> -> memref<64x128xf32, #tpu.memory_space<vmem>>
          tpu.vector_store_idx %scatter3A_1361[%add3A_1351, %add3A_578], %gather3A_1357 : memref<64x128xf32, #tpu.memory_space<vmem>>[vector<16xi32>, vector<16xi32>], vector<16xf32>,
          %add3A_1362 = arith.constant 48 : i32
          %add3A_1363 = vector.broadcast %add3A_1362 : i32 to vector<16xi32>
          %add3A_1364 = arith.addi %add3A_1363, %select_n3A_318 : vector<16xi32>
          %add3A_1365 = arith.addi %add3A_1364, %get3A_583 : vector<16xi32>
          %gather3A_1366 = arith.constant 0 : i32
          %gather3A_1367 = arith.constant 0 : i32
          %gather3A_1368 = tpu.memref_slice %arg8[%scan3A_500, %gather3A_1366, %gather3A_1367] : memref<2x128x128xf32, #tpu.memory_space<vmem>> -> memref<1x128x128xf32, #tpu.memory_space<vmem>>
          %gather3A_1369 = tpu.memref_squeeze %gather3A_1368 : memref<1x128x128xf32, #tpu.memory_space<vmem>> -> memref<128x128xf32, #tpu.memory_space<vmem>>
          %gather3A_1370 = tpu.vector_load_idx %gather3A_1369[%add3A_578, %add3A_1365] : memref<128x128xf32, #tpu.memory_space<vmem>>[vector<16xi32>, vector<16xi32>], vector<16xf32>,
          %scatter3A_1371 = arith.constant 0 : i32
          %scatter3A_1372 = arith.constant 0 : i32
          %scatter3A_1373 = tpu.memref_slice %arg9[%scan3A_501, %scatter3A_1371, %scatter3A_1372] : memref<2x64x128xf32, #tpu.memory_space<vmem>> -> memref<1x64x128xf32, #tpu.memory_space<vmem>>
          %scatter3A_1374 = tpu.memref_squeeze %scatter3A_1373 : memref<1x64x128xf32, #tpu.memory_space<vmem>> -> memref<64x128xf32, #tpu.memory_space<vmem>>
          tpu.vector_store_idx %scatter3A_1374[%add3A_1364, %add3A_578], %gather3A_1370 : memref<64x128xf32, #tpu.memory_space<vmem>>[vector<16xi32>, vector<16xi32>], vector<16xf32>,
          %add3A_1375 = arith.constant 48 : i32
          %add3A_1376 = vector.broadcast %add3A_1375 : i32 to vector<16xi32>
          %add3A_1377 = arith.addi %add3A_1376, %select_n3A_343 : vector<16xi32>
          %add3A_1378 = arith.addi %add3A_1377, %get3A_583 : vector<16xi32>
          %gather3A_1379 = arith.constant 0 : i32
          %gather3A_1380 = arith.constant 0 : i32
          %gather3A_1381 = tpu.memref_slice %arg8[%scan3A_500, %gather3A_1379, %gather3A_1380] : memref<2x128x128xf32, #tpu.memory_space<vmem>> -> memref<1x128x128xf32, #tpu.memory_space<vmem>>
          %gather3A_1382 = tpu.memref_squeeze %gather3A_1381 : memref<1x128x128xf32, #tpu.memory_space<vmem>> -> memref<128x128xf32, #tpu.memory_space<vmem>>
          %gather3A_1383 = tpu.vector_load_idx %gather3A_1382[%add3A_578, %add3A_1378] : memref<128x128xf32, #tpu.memory_space<vmem>>[vector<16xi32>, vector<16xi32>], vector<16xf32>,
          %scatter3A_1384 = arith.constant 0 : i32
          %scatter3A_1385 = arith.constant 0 : i32
          %scatter3A_1386 = tpu.memref_slice %arg9[%scan3A_501, %scatter3A_1384, %scatter3A_1385] : memref<2x64x128xf32, #tpu.memory_space<vmem>> -> memref<1x64x128xf32, #tpu.memory_space<vmem>>
          %scatter3A_1387 = tpu.memref_squeeze %scatter3A_1386 : memref<1x64x128xf32, #tpu.memory_space<vmem>> -> memref<64x128xf32, #tpu.memory_space<vmem>>
          tpu.vector_store_idx %scatter3A_1387[%add3A_1377, %add3A_578], %gather3A_1383 : memref<64x128xf32, #tpu.memory_space<vmem>>[vector<16xi32>, vector<16xi32>], vector<16xf32>,
          %add3A_1388 = arith.constant 48 : i32
          %add3A_1389 = vector.broadcast %add3A_1388 : i32 to vector<16xi32>
          %add3A_1390 = arith.addi %add3A_1389, %select_n3A_368 : vector<16xi32>
          %add3A_1391 = arith.addi %add3A_1390, %get3A_583 : vector<16xi32>
          %gather3A_1392 = arith.constant 0 : i32
          %gather3A_1393 = arith.constant 0 : i32
          %gather3A_1394 = tpu.memref_slice %arg8[%scan3A_500, %gather3A_1392, %gather3A_1393] : memref<2x128x128xf32, #tpu.memory_space<vmem>> -> memref<1x128x128xf32, #tpu.memory_space<vmem>>
          %gather3A_1395 = tpu.memref_squeeze %gather3A_1394 : memref<1x128x128xf32, #tpu.memory_space<vmem>> -> memref<128x128xf32, #tpu.memory_space<vmem>>
          %gather3A_1396 = tpu.vector_load_idx %gather3A_1395[%add3A_578, %add3A_1391] : memref<128x128xf32, #tpu.memory_space<vmem>>[vector<16xi32>, vector<16xi32>], vector<16xf32>,
          %scatter3A_1397 = arith.constant 0 : i32
          %scatter3A_1398 = arith.constant 0 : i32
          %scatter3A_1399 = tpu.memref_slice %arg9[%scan3A_501, %scatter3A_1397, %scatter3A_1398] : memref<2x64x128xf32, #tpu.memory_space<vmem>> -> memref<1x64x128xf32, #tpu.memory_space<vmem>>
          %scatter3A_1400 = tpu.memref_squeeze %scatter3A_1399 : memref<1x64x128xf32, #tpu.memory_space<vmem>> -> memref<64x128xf32, #tpu.memory_space<vmem>>
          tpu.vector_store_idx %scatter3A_1400[%add3A_1390, %add3A_578], %gather3A_1396 : memref<64x128xf32, #tpu.memory_space<vmem>>[vector<16xi32>, vector<16xi32>], vector<16xf32>,
          %add3A_1401 = arith.constant 48 : i32
          %add3A_1402 = vector.broadcast %add3A_1401 : i32 to vector<16xi32>
          %add3A_1403 = arith.addi %add3A_1402, %select_n3A_393 : vector<16xi32>
          %add3A_1404 = arith.addi %add3A_1403, %get3A_583 : vector<16xi32>
          %gather3A_1405 = arith.constant 0 : i32
          %gather3A_1406 = arith.constant 0 : i32
          %gather3A_1407 = tpu.memref_slice %arg8[%scan3A_500, %gather3A_1405, %gather3A_1406] : memref<2x128x128xf32, #tpu.memory_space<vmem>> -> memref<1x128x128xf32, #tpu.memory_space<vmem>>
          %gather3A_1408 = tpu.memref_squeeze %gather3A_1407 : memref<1x128x128xf32, #tpu.memory_space<vmem>> -> memref<128x128xf32, #tpu.memory_space<vmem>>
          %gather3A_1409 = tpu.vector_load_idx %gather3A_1408[%add3A_578, %add3A_1404] : memref<128x128xf32, #tpu.memory_space<vmem>>[vector<16xi32>, vector<16xi32>], vector<16xf32>,
          %scatter3A_1410 = arith.constant 0 : i32
          %scatter3A_1411 = arith.constant 0 : i32
          %scatter3A_1412 = tpu.memref_slice %arg9[%scan3A_501, %scatter3A_1410, %scatter3A_1411] : memref<2x64x128xf32, #tpu.memory_space<vmem>> -> memref<1x64x128xf32, #tpu.memory_space<vmem>>
          %scatter3A_1413 = tpu.memref_squeeze %scatter3A_1412 : memref<1x64x128xf32, #tpu.memory_space<vmem>> -> memref<64x128xf32, #tpu.memory_space<vmem>>
          tpu.vector_store_idx %scatter3A_1413[%add3A_1403, %add3A_578], %gather3A_1409 : memref<64x128xf32, #tpu.memory_space<vmem>>[vector<16xi32>, vector<16xi32>], vector<16xf32>,
        }
        %scan3A_506 = arith.constant 8 : i32
        %dma_start3A_507 = arith.constant 0 : i32
        %dma_start3A_508 = arith.constant 0 : i32
        %dma_start3A_509 = arith.constant 0 : i32
        %dma_start3A_510 = tpu.memref_slice %arg9[%dma_start3A_507, %dma_start3A_508, %dma_start3A_509] : memref<2x64x128xf32, #tpu.memory_space<vmem>> -> memref<1x64x128xf32, #tpu.memory_space<vmem>>
        %dma_start3A_511 = tpu.memref_squeeze %dma_start3A_510 : memref<1x64x128xf32, #tpu.memory_space<vmem>> -> memref<64x128xf32, #tpu.memory_space<vmem>>
        %dma_start3A_512 = arith.constant 0 : i32
        %dma_start3A_513 = tpu.memref_slice %arg4[%add3A_466, %dma_start3A_512, %mul3A_407] : memref<50x64x16384xf32, #tpu.memory_space<hbm>> -> memref<1x64x128xf32, #tpu.memory_space<hbm>>
        %dma_start3A_514 = tpu.memref_squeeze %dma_start3A_513 : memref<1x64x128xf32, #tpu.memory_space<hbm>> -> memref<64x128xf32, #tpu.memory_space<hbm>>
        %dma_start3A_515 = arith.constant 0 : i32
        %dma_start3A_516 = tpu.memref_slice %arg4[%add3A_466, %dma_start3A_515, %mul3A_407] : memref<50x64x16384xf32, #tpu.memory_space<hbm>> -> memref<1x64x128xf32, #tpu.memory_space<hbm>>
        %dma_start3A_517 = tpu.memref_squeeze %dma_start3A_516 : memref<1x64x128xf32, #tpu.memory_space<hbm>> -> memref<64x128xf32, #tpu.memory_space<hbm>>
        %dma_start3A_518 = arith.constant 0 : i32
        %dma_start3A_519 = arith.constant 0 : i32
        %dma_start3A_520 = tpu.memref_slice %arg9[%dma_start3A_507, %dma_start3A_518, %dma_start3A_519] : memref<2x64x128xf32, #tpu.memory_space<vmem>> -> memref<1x64x128xf32, #tpu.memory_space<vmem>>
        %dma_start3A_521 = tpu.memref_squeeze %dma_start3A_520 : memref<1x64x128xf32, #tpu.memory_space<vmem>> -> memref<64x128xf32, #tpu.memory_space<vmem>>
        tpu.enqueue_dma source(%dma_start3A_521 : memref<64x128xf32, #tpu.memory_space<vmem>>) target(%dma_start3A_517 : memref<64x128xf32, #tpu.memory_space<hbm>>) target_semaphore(%arg12 : memref<!tpu.dma_semaphore, #tpu.memory_space<semaphore_mem>>)
        %add3A_522 = arith.constant 2 : i32
        %add3A_523 = arith.addi %add3A_466, %add3A_522 : i32
        %lt3A_524 = arith.constant 50 : i32
        %lt3A_525 = arith.cmpi slt, %add3A_523, %lt3A_524 : i32
        %convert_element_type3A_526 = arith.extui %lt3A_525 : i1 to i32
        %cond3A_527 = arith.constant 0 : i32
        %cond3A_528 = arith.cmpi ne, %convert_element_type3A_526, %cond3A_527 : i32
        scf.if %cond3A_528 {
          %add3A_570 = arith.constant 2 : i32
          %add3A_571 = arith.addi %add3A_466, %add3A_570 : i32
          %scan3A_572 = arith.constant 0 : i32
          %scan3A_573 = arith.constant 8 : i32
          %scan3A_574 = arith.addi %scan3A_572, %scan3A_573 : i32
          %scan3A_575 = arith.constant 1 : i32
          scf.for %scan3A_589 = %scan3A_572 to %scan3A_574 step %scan3A_575  : i32 {
            %mul3A_590 = arith.constant 1 : i32
            %mul3A_591 = arith.muli %scan3A_589, %mul3A_590 : i32
            %add3A_592 = arith.constant 0 : i32
            %add3A_593 = arith.addi %add3A_592, %mul3A_591 : i32
            %mul3A_594 = arith.constant 16 : i32
            %mul3A_595 = arith.muli %add3A_593, %mul3A_594 : i32
            %add3A_596 = vector.broadcast %mul3A_595 : i32 to vector<16xi32>
            %add3A_597 = arith.addi %add3A_596, %iota3A : vector<16xi32>
            %mul3A_598 = arith.constant 50 : i32
            %mul3A_599 = vector.broadcast %mul3A_598 : i32 to vector<16xi32>
            %mul3A_600 = arith.muli %add3A_597, %mul3A_599 : vector<16xi32>
            %add3A_601 = vector.broadcast %add3A_571 : i32 to vector<16xi32>
            %add3A_602 = arith.addi %mul3A_600, %add3A_601 : vector<16xi32>
            %gather3A = tpu.vector_load_idx %arg5[%add3A_602] : memref<6400xi32, #tpu.memory_space<vmem>>[vector<16xi32>], vector<16xi32>,
            %shift_right_arithmetic3A = arith.constant 1 : i32
            %shift_right_arithmetic3A_603 = vector.broadcast %shift_right_arithmetic3A : i32 to vector<16xi32>
            %shift_right_arithmetic3A_604 = arith.shrsi %gather3A, %shift_right_arithmetic3A_603 : vector<16xi32>
            %swap3A = arith.constant 0 : i32
            %swap3A_605 = arith.index_cast %swap3A : i32 to index
            %swap3A_606 = arith.index_cast %mul3A_595 : i32 to index
            %swap3A_607 = tpu.vector_load %arg6[%swap3A_605, %swap3A_606] {strides = array<i32>} : memref<2x128xi32, #tpu.memory_space<vmem>>, vector<16xi32>,
            tpu.vector_store %arg6[%swap3A_605, %swap3A_606], %shift_right_arithmetic3A_604 {strides = array<i32>} : memref<2x128xi32, #tpu.memory_space<vmem>>, vector<16xi32>,
            %and3A_608 = arith.constant 1 : i32
            %and3A_609 = vector.broadcast %and3A_608 : i32 to vector<16xi32>
            %and3A_610 = arith.andi %gather3A, %and3A_609 : vector<16xi32>
            %mul3A_611 = arith.constant 64 : i32
            %mul3A_612 = vector.broadcast %mul3A_611 : i32 to vector<16xi32>
            %mul3A_613 = arith.muli %and3A_610, %mul3A_612 : vector<16xi32>
            %swap3A_614 = arith.constant 0 : i32
            %swap3A_615 = arith.index_cast %swap3A_614 : i32 to index
            %swap3A_616 = arith.index_cast %mul3A_595 : i32 to index
            %swap3A_617 = tpu.vector_load %arg7[%swap3A_615, %swap3A_616] {strides = array<i32>} : memref<2x128xi32, #tpu.memory_space<vmem>>, vector<16xi32>,
            tpu.vector_store %arg7[%swap3A_615, %swap3A_616], %mul3A_613 {strides = array<i32>} : memref<2x128xi32, #tpu.memory_space<vmem>>, vector<16xi32>,
          }
          %scan3A_576 = arith.constant 8 : i32
          %dma_start3A_577 = arith.constant 0 : i32
          %dma_start3A_578 = arith.constant 0 : i32
          %dma_start3A_579 = arith.constant 0 : i32
          %dma_start3A_580 = arith.constant 0 : i32
          %dma_start3A_581 = tpu.memref_slice %arg8[%dma_start3A_578, %dma_start3A_579, %dma_start3A_580] : memref<2x128x128xf32, #tpu.memory_space<vmem>> -> memref<1x128x128xf32, #tpu.memory_space<vmem>>
          %dma_start3A_582 = tpu.memref_squeeze %dma_start3A_581 : memref<1x128x128xf32, #tpu.memory_space<vmem>> -> memref<128x128xf32, #tpu.memory_space<vmem>>
          %dma_start3A_583 = arith.constant 0 : i32
          %dma_start3A_584 = tpu.memref_slice %arg6[%dma_start3A_577, %dma_start3A_583] : memref<2x128xi32, #tpu.memory_space<vmem>> -> memref<1x128xi32, #tpu.memory_space<vmem>>
          %dma_start3A_585 = tpu.memref_squeeze %dma_start3A_584 : memref<1x128xi32, #tpu.memory_space<vmem>> -> memref<128xi32, #tpu.memory_space<vmem>>
          %dma_start3A_586 = arith.constant 0 : i32
          %dma_start3A_587 = arith.constant 0 : i32
          %dma_start3A_588 = tpu.memref_slice %arg3[%dma_start3A_586, %dma_start3A_587] : memref<500000x128xf32, #tpu.memory_space<hbm>> -> memref<500000x128xf32, #tpu.memory_space<hbm>>
          tpu.enqueue_indirect_dma source(%dma_start3A_588 : memref<500000x128xf32, #tpu.memory_space<hbm>>) target(%dma_start3A_582 : memref<128x128xf32, #tpu.memory_space<vmem>>) offsets(%dma_start3A_585 : memref<128xi32, #tpu.memory_space<vmem>>) semaphore(%arg10 : memref<!tpu.dma_semaphore, #tpu.memory_space<semaphore_mem>>)
        } else {
        }
        %dma_wait3A_529 = arith.constant 1 : i32
        %dma_wait3A_530 = arith.constant 1 : i32
        %dma_wait3A_531 = arith.constant 0 : i32
        %dma_wait3A_532 = arith.constant 0 : i32
        %dma_wait3A_533 = tpu.memref_slice %arg8[%dma_wait3A_530, %dma_wait3A_531, %dma_wait3A_532] : memref<2x128x128xf32, #tpu.memory_space<vmem>> -> memref<1x128x128xf32, #tpu.memory_space<vmem>>
        %dma_wait3A_534 = tpu.memref_squeeze %dma_wait3A_533 : memref<1x128x128xf32, #tpu.memory_space<vmem>> -> memref<128x128xf32, #tpu.memory_space<vmem>>
        %dma_wait3A_535 = arith.constant 0 : i32
        %dma_wait3A_536 = tpu.memref_slice %arg6[%dma_wait3A_529, %dma_wait3A_535] : memref<2x128xi32, #tpu.memory_space<vmem>> -> memref<1x128xi32, #tpu.memory_space<vmem>>
        %dma_wait3A_537 = tpu.memref_squeeze %dma_wait3A_536 : memref<1x128xi32, #tpu.memory_space<vmem>> -> memref<128xi32, #tpu.memory_space<vmem>>
        %dma_wait3A_538 = arith.constant 0 : i32
        %dma_wait3A_539 = arith.constant 0 : i32
        %dma_wait3A_540 = tpu.memref_slice %arg3[%dma_wait3A_538, %dma_wait3A_539] : memref<500000x128xf32, #tpu.memory_space<hbm>> -> memref<500000x128xf32, #tpu.memory_space<hbm>>
        tpu.wait_indirect_dma semaphore(%arg11 : memref<!tpu.dma_semaphore, #tpu.memory_space<semaphore_mem>>) src(%dma_wait3A_540 : memref<500000x128xf32, #tpu.memory_space<hbm>>) dst(%dma_wait3A_534 : memref<128x128xf32, #tpu.memory_space<vmem>>)
        %ge3A_541 = arith.constant 1 : i32
        %ge3A_542 = arith.cmpi sge, %add3A_466, %ge3A_541 : i32
        %convert_element_type3A_543 = arith.extui %ge3A_542 : i1 to i32
        %cond3A_544 = arith.constant 0 : i32
        %cond3A_545 = arith.cmpi ne, %convert_element_type3A_543, %cond3A_544 : i32
        scf.if %cond3A_545 {
          %sub3A = arith.constant 1 : i32
          %sub3A_570 = arith.subi %add3A_466, %sub3A : i32
          %dma_wait3A_571 = arith.constant 1 : i32
          %dma_wait3A_572 = arith.constant 0 : i32
          %dma_wait3A_573 = arith.constant 0 : i32
          %dma_wait3A_574 = tpu.memref_slice %arg9[%dma_wait3A_571, %dma_wait3A_572, %dma_wait3A_573] : memref<2x64x128xf32, #tpu.memory_space<vmem>> -> memref<1x64x128xf32, #tpu.memory_space<vmem>>
          %dma_wait3A_575 = tpu.memref_squeeze %dma_wait3A_574 : memref<1x64x128xf32, #tpu.memory_space<vmem>> -> memref<64x128xf32, #tpu.memory_space<vmem>>
          %dma_wait3A_576 = arith.constant 0 : i32
          %dma_wait3A_577 = tpu.memref_slice %arg4[%sub3A_570, %dma_wait3A_576, %mul3A_407] : memref<50x64x16384xf32, #tpu.memory_space<hbm>> -> memref<1x64x128xf32, #tpu.memory_space<hbm>>
          %dma_wait3A_578 = tpu.memref_squeeze %dma_wait3A_577 : memref<1x64x128xf32, #tpu.memory_space<hbm>> -> memref<64x128xf32, #tpu.memory_space<hbm>>
          %dma_wait3A_579 = arith.constant 0 : i32
          %dma_wait3A_580 = tpu.memref_slice %arg4[%sub3A_570, %dma_wait3A_579, %mul3A_407] : memref<50x64x16384xf32, #tpu.memory_space<hbm>> -> memref<1x64x128xf32, #tpu.memory_space<hbm>>
          %dma_wait3A_581 = tpu.memref_squeeze %dma_wait3A_580 : memref<1x64x128xf32, #tpu.memory_space<hbm>> -> memref<64x128xf32, #tpu.memory_space<hbm>>
          %dma_wait3A_582 = arith.constant 0 : i32
          %dma_wait3A_583 = arith.constant 0 : i32
          %dma_wait3A_584 = tpu.memref_slice %arg9[%dma_wait3A_571, %dma_wait3A_582, %dma_wait3A_583] : memref<2x64x128xf32, #tpu.memory_space<vmem>> -> memref<1x64x128xf32, #tpu.memory_space<vmem>>
          %dma_wait3A_585 = tpu.memref_squeeze %dma_wait3A_584 : memref<1x64x128xf32, #tpu.memory_space<vmem>> -> memref<64x128xf32, #tpu.memory_space<vmem>>
          tpu.wait_dma2 semaphore(%arg13 : memref<!tpu.dma_semaphore, #tpu.memory_space<semaphore_mem>>) src(%dma_wait3A_585 : memref<64x128xf32, #tpu.memory_space<vmem>>) dst(%dma_wait3A_581 : memref<64x128xf32, #tpu.memory_space<hbm>>)
        } else {
        }
        %scan3A_546 = arith.constant 1 : i32
        %scan3A_547 = arith.constant 1 : i32
        %scan3A_548 = arith.constant 0 : i32
        %scan3A_549 = arith.constant 8 : i32
        %scan3A_550 = arith.addi %scan3A_548, %scan3A_549 : i32
        %scan3A_551 = arith.constant 1 : i32
        scf.for %scan3A_570 = %scan3A_548 to %scan3A_550 step %scan3A_551  : i32 {
          %mul3A_571 = arith.constant 1 : i32
          %mul3A_572 = arith.muli %scan3A_570, %mul3A_571 : i32
          %add3A_573 = arith.constant 0 : i32
          %add3A_574 = arith.addi %add3A_573, %mul3A_572 : i32
          %mul3A_575 = arith.constant 16 : i32
          %mul3A_576 = arith.muli %add3A_574, %mul3A_575 : i32
          %add3A_577 = vector.broadcast %mul3A_576 : i32 to vector<16xi32>
          %add3A_578 = arith.addi %add3A_577, %iota3A : vector<16xi32>
          %mul3A_579 = arith.constant 16 : i32
          %mul3A_580 = arith.muli %add3A_574, %mul3A_579 : i32
          %get3A = arith.constant 1 : i32
          %get3A_581 = arith.index_cast %get3A : i32 to index
          %get3A_582 = arith.index_cast %mul3A_580 : i32 to index
          %get3A_583 = tpu.vector_load %arg7[%get3A_581, %get3A_582] {strides = array<i32>} : memref<2x128xi32, #tpu.memory_space<vmem>>, vector<16xi32>,
          %add3A_584 = arith.constant 0 : i32
          %add3A_585 = vector.broadcast %add3A_584 : i32 to vector<16xi32>
          %add3A_586 = arith.addi %add3A_585, %select_n3A_18 : vector<16xi32>
          %add3A_587 = arith.addi %add3A_586, %get3A_583 : vector<16xi32>
          %gather3A = arith.constant 0 : i32
          %gather3A_588 = arith.constant 0 : i32
          %gather3A_589 = tpu.memref_slice %arg8[%scan3A_546, %gather3A, %gather3A_588] : memref<2x128x128xf32, #tpu.memory_space<vmem>> -> memref<1x128x128xf32, #tpu.memory_space<vmem>>
          %gather3A_590 = tpu.memref_squeeze %gather3A_589 : memref<1x128x128xf32, #tpu.memory_space<vmem>> -> memref<128x128xf32, #tpu.memory_space<vmem>>
          %gather3A_591 = tpu.vector_load_idx %gather3A_590[%add3A_578, %add3A_587] : memref<128x128xf32, #tpu.memory_space<vmem>>[vector<16xi32>, vector<16xi32>], vector<16xf32>,
          %scatter3A = arith.constant 0 : i32
          %scatter3A_592 = arith.constant 0 : i32
          %scatter3A_593 = tpu.memref_slice %arg9[%scan3A_547, %scatter3A, %scatter3A_592] : memref<2x64x128xf32, #tpu.memory_space<vmem>> -> memref<1x64x128xf32, #tpu.memory_space<vmem>>
          %scatter3A_594 = tpu.memref_squeeze %scatter3A_593 : memref<1x64x128xf32, #tpu.memory_space<vmem>> -> memref<64x128xf32, #tpu.memory_space<vmem>>
          tpu.vector_store_idx %scatter3A_594[%add3A_586, %add3A_578], %gather3A_591 : memref<64x128xf32, #tpu.memory_space<vmem>>[vector<16xi32>, vector<16xi32>], vector<16xf32>,
          %add3A_595 = arith.constant 0 : i32
          %add3A_596 = vector.broadcast %add3A_595 : i32 to vector<16xi32>
          %add3A_597 = arith.addi %add3A_596, %select_n3A_43 : vector<16xi32>
          %add3A_598 = arith.addi %add3A_597, %get3A_583 : vector<16xi32>
          %gather3A_599 = arith.constant 0 : i32
          %gather3A_600 = arith.constant 0 : i32
          %gather3A_601 = tpu.memref_slice %arg8[%scan3A_546, %gather3A_599, %gather3A_600] : memref<2x128x128xf32, #tpu.memory_space<vmem>> -> memref<1x128x128xf32, #tpu.memory_space<vmem>>
          %gather3A_602 = tpu.memref_squeeze %gather3A_601 : memref<1x128x128xf32, #tpu.memory_space<vmem>> -> memref<128x128xf32, #tpu.memory_space<vmem>>
          %gather3A_603 = tpu.vector_load_idx %gather3A_602[%add3A_578, %add3A_598] : memref<128x128xf32, #tpu.memory_space<vmem>>[vector<16xi32>, vector<16xi32>], vector<16xf32>,
          %scatter3A_604 = arith.constant 0 : i32
          %scatter3A_605 = arith.constant 0 : i32
          %scatter3A_606 = tpu.memref_slice %arg9[%scan3A_547, %scatter3A_604, %scatter3A_605] : memref<2x64x128xf32, #tpu.memory_space<vmem>> -> memref<1x64x128xf32, #tpu.memory_space<vmem>>
          %scatter3A_607 = tpu.memref_squeeze %scatter3A_606 : memref<1x64x128xf32, #tpu.memory_space<vmem>> -> memref<64x128xf32, #tpu.memory_space<vmem>>
          tpu.vector_store_idx %scatter3A_607[%add3A_597, %add3A_578], %gather3A_603 : memref<64x128xf32, #tpu.memory_space<vmem>>[vector<16xi32>, vector<16xi32>], vector<16xf32>,
          %add3A_608 = arith.constant 0 : i32
          %add3A_609 = vector.broadcast %add3A_608 : i32 to vector<16xi32>
          %add3A_610 = arith.addi %add3A_609, %select_n3A_68 : vector<16xi32>
          %add3A_611 = arith.addi %add3A_610, %get3A_583 : vector<16xi32>
          %gather3A_612 = arith.constant 0 : i32
          %gather3A_613 = arith.constant 0 : i32
          %gather3A_614 = tpu.memref_slice %arg8[%scan3A_546, %gather3A_612, %gather3A_613] : memref<2x128x128xf32, #tpu.memory_space<vmem>> -> memref<1x128x128xf32, #tpu.memory_space<vmem>>
          %gather3A_615 = tpu.memref_squeeze %gather3A_614 : memref<1x128x128xf32, #tpu.memory_space<vmem>> -> memref<128x128xf32, #tpu.memory_space<vmem>>
          %gather3A_616 = tpu.vector_load_idx %gather3A_615[%add3A_578, %add3A_611] : memref<128x128xf32, #tpu.memory_space<vmem>>[vector<16xi32>, vector<16xi32>], vector<16xf32>,
          %scatter3A_617 = arith.constant 0 : i32
          %scatter3A_618 = arith.constant 0 : i32
          %scatter3A_619 = tpu.memref_slice %arg9[%scan3A_547, %scatter3A_617, %scatter3A_618] : memref<2x64x128xf32, #tpu.memory_space<vmem>> -> memref<1x64x128xf32, #tpu.memory_space<vmem>>
          %scatter3A_620 = tpu.memref_squeeze %scatter3A_619 : memref<1x64x128xf32, #tpu.memory_space<vmem>> -> memref<64x128xf32, #tpu.memory_space<vmem>>
          tpu.vector_store_idx %scatter3A_620[%add3A_610, %add3A_578], %gather3A_616 : memref<64x128xf32, #tpu.memory_space<vmem>>[vector<16xi32>, vector<16xi32>], vector<16xf32>,
          %add3A_621 = arith.constant 0 : i32
          %add3A_622 = vector.broadcast %add3A_621 : i32 to vector<16xi32>
          %add3A_623 = arith.addi %add3A_622, %select_n3A_93 : vector<16xi32>
          %add3A_624 = arith.addi %add3A_623, %get3A_583 : vector<16xi32>
          %gather3A_625 = arith.constant 0 : i32
          %gather3A_626 = arith.constant 0 : i32
          %gather3A_627 = tpu.memref_slice %arg8[%scan3A_546, %gather3A_625, %gather3A_626] : memref<2x128x128xf32, #tpu.memory_space<vmem>> -> memref<1x128x128xf32, #tpu.memory_space<vmem>>
          %gather3A_628 = tpu.memref_squeeze %gather3A_627 : memref<1x128x128xf32, #tpu.memory_space<vmem>> -> memref<128x128xf32, #tpu.memory_space<vmem>>
          %gather3A_629 = tpu.vector_load_idx %gather3A_628[%add3A_578, %add3A_624] : memref<128x128xf32, #tpu.memory_space<vmem>>[vector<16xi32>, vector<16xi32>], vector<16xf32>,
          %scatter3A_630 = arith.constant 0 : i32
          %scatter3A_631 = arith.constant 0 : i32
          %scatter3A_632 = tpu.memref_slice %arg9[%scan3A_547, %scatter3A_630, %scatter3A_631] : memref<2x64x128xf32, #tpu.memory_space<vmem>> -> memref<1x64x128xf32, #tpu.memory_space<vmem>>
          %scatter3A_633 = tpu.memref_squeeze %scatter3A_632 : memref<1x64x128xf32, #tpu.memory_space<vmem>> -> memref<64x128xf32, #tpu.memory_space<vmem>>
          tpu.vector_store_idx %scatter3A_633[%add3A_623, %add3A_578], %gather3A_629 : memref<64x128xf32, #tpu.memory_space<vmem>>[vector<16xi32>, vector<16xi32>], vector<16xf32>,
          %add3A_634 = arith.constant 0 : i32
          %add3A_635 = vector.broadcast %add3A_634 : i32 to vector<16xi32>
          %add3A_636 = arith.addi %add3A_635, %select_n3A_118 : vector<16xi32>
          %add3A_637 = arith.addi %add3A_636, %get3A_583 : vector<16xi32>
          %gather3A_638 = arith.constant 0 : i32
          %gather3A_639 = arith.constant 0 : i32
          %gather3A_640 = tpu.memref_slice %arg8[%scan3A_546, %gather3A_638, %gather3A_639] : memref<2x128x128xf32, #tpu.memory_space<vmem>> -> memref<1x128x128xf32, #tpu.memory_space<vmem>>
          %gather3A_641 = tpu.memref_squeeze %gather3A_640 : memref<1x128x128xf32, #tpu.memory_space<vmem>> -> memref<128x128xf32, #tpu.memory_space<vmem>>
          %gather3A_642 = tpu.vector_load_idx %gather3A_641[%add3A_578, %add3A_637] : memref<128x128xf32, #tpu.memory_space<vmem>>[vector<16xi32>, vector<16xi32>], vector<16xf32>,
          %scatter3A_643 = arith.constant 0 : i32
          %scatter3A_644 = arith.constant 0 : i32
          %scatter3A_645 = tpu.memref_slice %arg9[%scan3A_547, %scatter3A_643, %scatter3A_644] : memref<2x64x128xf32, #tpu.memory_space<vmem>> -> memref<1x64x128xf32, #tpu.memory_space<vmem>>
          %scatter3A_646 = tpu.memref_squeeze %scatter3A_645 : memref<1x64x128xf32, #tpu.memory_space<vmem>> -> memref<64x128xf32, #tpu.memory_space<vmem>>
          tpu.vector_store_idx %scatter3A_646[%add3A_636, %add3A_578], %gather3A_642 : memref<64x128xf32, #tpu.memory_space<vmem>>[vector<16xi32>, vector<16xi32>], vector<16xf32>,
          %add3A_647 = arith.constant 0 : i32
          %add3A_648 = vector.broadcast %add3A_647 : i32 to vector<16xi32>
          %add3A_649 = arith.addi %add3A_648, %select_n3A_143 : vector<16xi32>
          %add3A_650 = arith.addi %add3A_649, %get3A_583 : vector<16xi32>
          %gather3A_651 = arith.constant 0 : i32
          %gather3A_652 = arith.constant 0 : i32
          %gather3A_653 = tpu.memref_slice %arg8[%scan3A_546, %gather3A_651, %gather3A_652] : memref<2x128x128xf32, #tpu.memory_space<vmem>> -> memref<1x128x128xf32, #tpu.memory_space<vmem>>
          %gather3A_654 = tpu.memref_squeeze %gather3A_653 : memref<1x128x128xf32, #tpu.memory_space<vmem>> -> memref<128x128xf32, #tpu.memory_space<vmem>>
          %gather3A_655 = tpu.vector_load_idx %gather3A_654[%add3A_578, %add3A_650] : memref<128x128xf32, #tpu.memory_space<vmem>>[vector<16xi32>, vector<16xi32>], vector<16xf32>,
          %scatter3A_656 = arith.constant 0 : i32
          %scatter3A_657 = arith.constant 0 : i32
          %scatter3A_658 = tpu.memref_slice %arg9[%scan3A_547, %scatter3A_656, %scatter3A_657] : memref<2x64x128xf32, #tpu.memory_space<vmem>> -> memref<1x64x128xf32, #tpu.memory_space<vmem>>
          %scatter3A_659 = tpu.memref_squeeze %scatter3A_658 : memref<1x64x128xf32, #tpu.memory_space<vmem>> -> memref<64x128xf32, #tpu.memory_space<vmem>>
          tpu.vector_store_idx %scatter3A_659[%add3A_649, %add3A_578], %gather3A_655 : memref<64x128xf32, #tpu.memory_space<vmem>>[vector<16xi32>, vector<16xi32>], vector<16xf32>,
          %add3A_660 = arith.constant 0 : i32
          %add3A_661 = vector.broadcast %add3A_660 : i32 to vector<16xi32>
          %add3A_662 = arith.addi %add3A_661, %select_n3A_168 : vector<16xi32>
          %add3A_663 = arith.addi %add3A_662, %get3A_583 : vector<16xi32>
          %gather3A_664 = arith.constant 0 : i32
          %gather3A_665 = arith.constant 0 : i32
          %gather3A_666 = tpu.memref_slice %arg8[%scan3A_546, %gather3A_664, %gather3A_665] : memref<2x128x128xf32, #tpu.memory_space<vmem>> -> memref<1x128x128xf32, #tpu.memory_space<vmem>>
          %gather3A_667 = tpu.memref_squeeze %gather3A_666 : memref<1x128x128xf32, #tpu.memory_space<vmem>> -> memref<128x128xf32, #tpu.memory_space<vmem>>
          %gather3A_668 = tpu.vector_load_idx %gather3A_667[%add3A_578, %add3A_663] : memref<128x128xf32, #tpu.memory_space<vmem>>[vector<16xi32>, vector<16xi32>], vector<16xf32>,
          %scatter3A_669 = arith.constant 0 : i32
          %scatter3A_670 = arith.constant 0 : i32
          %scatter3A_671 = tpu.memref_slice %arg9[%scan3A_547, %scatter3A_669, %scatter3A_670] : memref<2x64x128xf32, #tpu.memory_space<vmem>> -> memref<1x64x128xf32, #tpu.memory_space<vmem>>
          %scatter3A_672 = tpu.memref_squeeze %scatter3A_671 : memref<1x64x128xf32, #tpu.memory_space<vmem>> -> memref<64x128xf32, #tpu.memory_space<vmem>>
          tpu.vector_store_idx %scatter3A_672[%add3A_662, %add3A_578], %gather3A_668 : memref<64x128xf32, #tpu.memory_space<vmem>>[vector<16xi32>, vector<16xi32>], vector<16xf32>,
          %add3A_673 = arith.constant 0 : i32
          %add3A_674 = vector.broadcast %add3A_673 : i32 to vector<16xi32>
          %add3A_675 = arith.addi %add3A_674, %select_n3A_193 : vector<16xi32>
          %add3A_676 = arith.addi %add3A_675, %get3A_583 : vector<16xi32>
          %gather3A_677 = arith.constant 0 : i32
          %gather3A_678 = arith.constant 0 : i32
          %gather3A_679 = tpu.memref_slice %arg8[%scan3A_546, %gather3A_677, %gather3A_678] : memref<2x128x128xf32, #tpu.memory_space<vmem>> -> memref<1x128x128xf32, #tpu.memory_space<vmem>>
          %gather3A_680 = tpu.memref_squeeze %gather3A_679 : memref<1x128x128xf32, #tpu.memory_space<vmem>> -> memref<128x128xf32, #tpu.memory_space<vmem>>
          %gather3A_681 = tpu.vector_load_idx %gather3A_680[%add3A_578, %add3A_676] : memref<128x128xf32, #tpu.memory_space<vmem>>[vector<16xi32>, vector<16xi32>], vector<16xf32>,
          %scatter3A_682 = arith.constant 0 : i32
          %scatter3A_683 = arith.constant 0 : i32
          %scatter3A_684 = tpu.memref_slice %arg9[%scan3A_547, %scatter3A_682, %scatter3A_683] : memref<2x64x128xf32, #tpu.memory_space<vmem>> -> memref<1x64x128xf32, #tpu.memory_space<vmem>>
          %scatter3A_685 = tpu.memref_squeeze %scatter3A_684 : memref<1x64x128xf32, #tpu.memory_space<vmem>> -> memref<64x128xf32, #tpu.memory_space<vmem>>
          tpu.vector_store_idx %scatter3A_685[%add3A_675, %add3A_578], %gather3A_681 : memref<64x128xf32, #tpu.memory_space<vmem>>[vector<16xi32>, vector<16xi32>], vector<16xf32>,
          %add3A_686 = arith.constant 0 : i32
          %add3A_687 = vector.broadcast %add3A_686 : i32 to vector<16xi32>
          %add3A_688 = arith.addi %add3A_687, %select_n3A_218 : vector<16xi32>
          %add3A_689 = arith.addi %add3A_688, %get3A_583 : vector<16xi32>
          %gather3A_690 = arith.constant 0 : i32
          %gather3A_691 = arith.constant 0 : i32
          %gather3A_692 = tpu.memref_slice %arg8[%scan3A_546, %gather3A_690, %gather3A_691] : memref<2x128x128xf32, #tpu.memory_space<vmem>> -> memref<1x128x128xf32, #tpu.memory_space<vmem>>
          %gather3A_693 = tpu.memref_squeeze %gather3A_692 : memref<1x128x128xf32, #tpu.memory_space<vmem>> -> memref<128x128xf32, #tpu.memory_space<vmem>>
          %gather3A_694 = tpu.vector_load_idx %gather3A_693[%add3A_578, %add3A_689] : memref<128x128xf32, #tpu.memory_space<vmem>>[vector<16xi32>, vector<16xi32>], vector<16xf32>,
          %scatter3A_695 = arith.constant 0 : i32
          %scatter3A_696 = arith.constant 0 : i32
          %scatter3A_697 = tpu.memref_slice %arg9[%scan3A_547, %scatter3A_695, %scatter3A_696] : memref<2x64x128xf32, #tpu.memory_space<vmem>> -> memref<1x64x128xf32, #tpu.memory_space<vmem>>
          %scatter3A_698 = tpu.memref_squeeze %scatter3A_697 : memref<1x64x128xf32, #tpu.memory_space<vmem>> -> memref<64x128xf32, #tpu.memory_space<vmem>>
          tpu.vector_store_idx %scatter3A_698[%add3A_688, %add3A_578], %gather3A_694 : memref<64x128xf32, #tpu.memory_space<vmem>>[vector<16xi32>, vector<16xi32>], vector<16xf32>,
          %add3A_699 = arith.constant 0 : i32
          %add3A_700 = vector.broadcast %add3A_699 : i32 to vector<16xi32>
          %add3A_701 = arith.addi %add3A_700, %select_n3A_243 : vector<16xi32>
          %add3A_702 = arith.addi %add3A_701, %get3A_583 : vector<16xi32>
          %gather3A_703 = arith.constant 0 : i32
          %gather3A_704 = arith.constant 0 : i32
          %gather3A_705 = tpu.memref_slice %arg8[%scan3A_546, %gather3A_703, %gather3A_704] : memref<2x128x128xf32, #tpu.memory_space<vmem>> -> memref<1x128x128xf32, #tpu.memory_space<vmem>>
          %gather3A_706 = tpu.memref_squeeze %gather3A_705 : memref<1x128x128xf32, #tpu.memory_space<vmem>> -> memref<128x128xf32, #tpu.memory_space<vmem>>
          %gather3A_707 = tpu.vector_load_idx %gather3A_706[%add3A_578, %add3A_702] : memref<128x128xf32, #tpu.memory_space<vmem>>[vector<16xi32>, vector<16xi32>], vector<16xf32>,
          %scatter3A_708 = arith.constant 0 : i32
          %scatter3A_709 = arith.constant 0 : i32
          %scatter3A_710 = tpu.memref_slice %arg9[%scan3A_547, %scatter3A_708, %scatter3A_709] : memref<2x64x128xf32, #tpu.memory_space<vmem>> -> memref<1x64x128xf32, #tpu.memory_space<vmem>>
          %scatter3A_711 = tpu.memref_squeeze %scatter3A_710 : memref<1x64x128xf32, #tpu.memory_space<vmem>> -> memref<64x128xf32, #tpu.memory_space<vmem>>
          tpu.vector_store_idx %scatter3A_711[%add3A_701, %add3A_578], %gather3A_707 : memref<64x128xf32, #tpu.memory_space<vmem>>[vector<16xi32>, vector<16xi32>], vector<16xf32>,
          %add3A_712 = arith.constant 0 : i32
          %add3A_713 = vector.broadcast %add3A_712 : i32 to vector<16xi32>
          %add3A_714 = arith.addi %add3A_713, %select_n3A_268 : vector<16xi32>
          %add3A_715 = arith.addi %add3A_714, %get3A_583 : vector<16xi32>
          %gather3A_716 = arith.constant 0 : i32
          %gather3A_717 = arith.constant 0 : i32
          %gather3A_718 = tpu.memref_slice %arg8[%scan3A_546, %gather3A_716, %gather3A_717] : memref<2x128x128xf32, #tpu.memory_space<vmem>> -> memref<1x128x128xf32, #tpu.memory_space<vmem>>
          %gather3A_719 = tpu.memref_squeeze %gather3A_718 : memref<1x128x128xf32, #tpu.memory_space<vmem>> -> memref<128x128xf32, #tpu.memory_space<vmem>>
          %gather3A_720 = tpu.vector_load_idx %gather3A_719[%add3A_578, %add3A_715] : memref<128x128xf32, #tpu.memory_space<vmem>>[vector<16xi32>, vector<16xi32>], vector<16xf32>,
          %scatter3A_721 = arith.constant 0 : i32
          %scatter3A_722 = arith.constant 0 : i32
          %scatter3A_723 = tpu.memref_slice %arg9[%scan3A_547, %scatter3A_721, %scatter3A_722] : memref<2x64x128xf32, #tpu.memory_space<vmem>> -> memref<1x64x128xf32, #tpu.memory_space<vmem>>
          %scatter3A_724 = tpu.memref_squeeze %scatter3A_723 : memref<1x64x128xf32, #tpu.memory_space<vmem>> -> memref<64x128xf32, #tpu.memory_space<vmem>>
          tpu.vector_store_idx %scatter3A_724[%add3A_714, %add3A_578], %gather3A_720 : memref<64x128xf32, #tpu.memory_space<vmem>>[vector<16xi32>, vector<16xi32>], vector<16xf32>,
          %add3A_725 = arith.constant 0 : i32
          %add3A_726 = vector.broadcast %add3A_725 : i32 to vector<16xi32>
          %add3A_727 = arith.addi %add3A_726, %select_n3A_293 : vector<16xi32>
          %add3A_728 = arith.addi %add3A_727, %get3A_583 : vector<16xi32>
          %gather3A_729 = arith.constant 0 : i32
          %gather3A_730 = arith.constant 0 : i32
          %gather3A_731 = tpu.memref_slice %arg8[%scan3A_546, %gather3A_729, %gather3A_730] : memref<2x128x128xf32, #tpu.memory_space<vmem>> -> memref<1x128x128xf32, #tpu.memory_space<vmem>>
          %gather3A_732 = tpu.memref_squeeze %gather3A_731 : memref<1x128x128xf32, #tpu.memory_space<vmem>> -> memref<128x128xf32, #tpu.memory_space<vmem>>
          %gather3A_733 = tpu.vector_load_idx %gather3A_732[%add3A_578, %add3A_728] : memref<128x128xf32, #tpu.memory_space<vmem>>[vector<16xi32>, vector<16xi32>], vector<16xf32>,
          %scatter3A_734 = arith.constant 0 : i32
          %scatter3A_735 = arith.constant 0 : i32
          %scatter3A_736 = tpu.memref_slice %arg9[%scan3A_547, %scatter3A_734, %scatter3A_735] : memref<2x64x128xf32, #tpu.memory_space<vmem>> -> memref<1x64x128xf32, #tpu.memory_space<vmem>>
          %scatter3A_737 = tpu.memref_squeeze %scatter3A_736 : memref<1x64x128xf32, #tpu.memory_space<vmem>> -> memref<64x128xf32, #tpu.memory_space<vmem>>
          tpu.vector_store_idx %scatter3A_737[%add3A_727, %add3A_578], %gather3A_733 : memref<64x128xf32, #tpu.memory_space<vmem>>[vector<16xi32>, vector<16xi32>], vector<16xf32>,
          %add3A_738 = arith.constant 0 : i32
          %add3A_739 = vector.broadcast %add3A_738 : i32 to vector<16xi32>
          %add3A_740 = arith.addi %add3A_739, %select_n3A_318 : vector<16xi32>
          %add3A_741 = arith.addi %add3A_740, %get3A_583 : vector<16xi32>
          %gather3A_742 = arith.constant 0 : i32
          %gather3A_743 = arith.constant 0 : i32
          %gather3A_744 = tpu.memref_slice %arg8[%scan3A_546, %gather3A_742, %gather3A_743] : memref<2x128x128xf32, #tpu.memory_space<vmem>> -> memref<1x128x128xf32, #tpu.memory_space<vmem>>
          %gather3A_745 = tpu.memref_squeeze %gather3A_744 : memref<1x128x128xf32, #tpu.memory_space<vmem>> -> memref<128x128xf32, #tpu.memory_space<vmem>>
          %gather3A_746 = tpu.vector_load_idx %gather3A_745[%add3A_578, %add3A_741] : memref<128x128xf32, #tpu.memory_space<vmem>>[vector<16xi32>, vector<16xi32>], vector<16xf32>,
          %scatter3A_747 = arith.constant 0 : i32
          %scatter3A_748 = arith.constant 0 : i32
          %scatter3A_749 = tpu.memref_slice %arg9[%scan3A_547, %scatter3A_747, %scatter3A_748] : memref<2x64x128xf32, #tpu.memory_space<vmem>> -> memref<1x64x128xf32, #tpu.memory_space<vmem>>
          %scatter3A_750 = tpu.memref_squeeze %scatter3A_749 : memref<1x64x128xf32, #tpu.memory_space<vmem>> -> memref<64x128xf32, #tpu.memory_space<vmem>>
          tpu.vector_store_idx %scatter3A_750[%add3A_740, %add3A_578], %gather3A_746 : memref<64x128xf32, #tpu.memory_space<vmem>>[vector<16xi32>, vector<16xi32>], vector<16xf32>,
          %add3A_751 = arith.constant 0 : i32
          %add3A_752 = vector.broadcast %add3A_751 : i32 to vector<16xi32>
          %add3A_753 = arith.addi %add3A_752, %select_n3A_343 : vector<16xi32>
          %add3A_754 = arith.addi %add3A_753, %get3A_583 : vector<16xi32>
          %gather3A_755 = arith.constant 0 : i32
          %gather3A_756 = arith.constant 0 : i32
          %gather3A_757 = tpu.memref_slice %arg8[%scan3A_546, %gather3A_755, %gather3A_756] : memref<2x128x128xf32, #tpu.memory_space<vmem>> -> memref<1x128x128xf32, #tpu.memory_space<vmem>>
          %gather3A_758 = tpu.memref_squeeze %gather3A_757 : memref<1x128x128xf32, #tpu.memory_space<vmem>> -> memref<128x128xf32, #tpu.memory_space<vmem>>
          %gather3A_759 = tpu.vector_load_idx %gather3A_758[%add3A_578, %add3A_754] : memref<128x128xf32, #tpu.memory_space<vmem>>[vector<16xi32>, vector<16xi32>], vector<16xf32>,
          %scatter3A_760 = arith.constant 0 : i32
          %scatter3A_761 = arith.constant 0 : i32
          %scatter3A_762 = tpu.memref_slice %arg9[%scan3A_547, %scatter3A_760, %scatter3A_761] : memref<2x64x128xf32, #tpu.memory_space<vmem>> -> memref<1x64x128xf32, #tpu.memory_space<vmem>>
          %scatter3A_763 = tpu.memref_squeeze %scatter3A_762 : memref<1x64x128xf32, #tpu.memory_space<vmem>> -> memref<64x128xf32, #tpu.memory_space<vmem>>
          tpu.vector_store_idx %scatter3A_763[%add3A_753, %add3A_578], %gather3A_759 : memref<64x128xf32, #tpu.memory_space<vmem>>[vector<16xi32>, vector<16xi32>], vector<16xf32>,
          %add3A_764 = arith.constant 0 : i32
          %add3A_765 = vector.broadcast %add3A_764 : i32 to vector<16xi32>
          %add3A_766 = arith.addi %add3A_765, %select_n3A_368 : vector<16xi32>
          %add3A_767 = arith.addi %add3A_766, %get3A_583 : vector<16xi32>
          %gather3A_768 = arith.constant 0 : i32
          %gather3A_769 = arith.constant 0 : i32
          %gather3A_770 = tpu.memref_slice %arg8[%scan3A_546, %gather3A_768, %gather3A_769] : memref<2x128x128xf32, #tpu.memory_space<vmem>> -> memref<1x128x128xf32, #tpu.memory_space<vmem>>
          %gather3A_771 = tpu.memref_squeeze %gather3A_770 : memref<1x128x128xf32, #tpu.memory_space<vmem>> -> memref<128x128xf32, #tpu.memory_space<vmem>>
          %gather3A_772 = tpu.vector_load_idx %gather3A_771[%add3A_578, %add3A_767] : memref<128x128xf32, #tpu.memory_space<vmem>>[vector<16xi32>, vector<16xi32>], vector<16xf32>,
          %scatter3A_773 = arith.constant 0 : i32
          %scatter3A_774 = arith.constant 0 : i32
          %scatter3A_775 = tpu.memref_slice %arg9[%scan3A_547, %scatter3A_773, %scatter3A_774] : memref<2x64x128xf32, #tpu.memory_space<vmem>> -> memref<1x64x128xf32, #tpu.memory_space<vmem>>
          %scatter3A_776 = tpu.memref_squeeze %scatter3A_775 : memref<1x64x128xf32, #tpu.memory_space<vmem>> -> memref<64x128xf32, #tpu.memory_space<vmem>>
          tpu.vector_store_idx %scatter3A_776[%add3A_766, %add3A_578], %gather3A_772 : memref<64x128xf32, #tpu.memory_space<vmem>>[vector<16xi32>, vector<16xi32>], vector<16xf32>,
          %add3A_777 = arith.constant 0 : i32
          %add3A_778 = vector.broadcast %add3A_777 : i32 to vector<16xi32>
          %add3A_779 = arith.addi %add3A_778, %select_n3A_393 : vector<16xi32>
          %add3A_780 = arith.addi %add3A_779, %get3A_583 : vector<16xi32>
          %gather3A_781 = arith.constant 0 : i32
          %gather3A_782 = arith.constant 0 : i32
          %gather3A_783 = tpu.memref_slice %arg8[%scan3A_546, %gather3A_781, %gather3A_782] : memref<2x128x128xf32, #tpu.memory_space<vmem>> -> memref<1x128x128xf32, #tpu.memory_space<vmem>>
          %gather3A_784 = tpu.memref_squeeze %gather3A_783 : memref<1x128x128xf32, #tpu.memory_space<vmem>> -> memref<128x128xf32, #tpu.memory_space<vmem>>
          %gather3A_785 = tpu.vector_load_idx %gather3A_784[%add3A_578, %add3A_780] : memref<128x128xf32, #tpu.memory_space<vmem>>[vector<16xi32>, vector<16xi32>], vector<16xf32>,
          %scatter3A_786 = arith.constant 0 : i32
          %scatter3A_787 = arith.constant 0 : i32
          %scatter3A_788 = tpu.memref_slice %arg9[%scan3A_547, %scatter3A_786, %scatter3A_787] : memref<2x64x128xf32, #tpu.memory_space<vmem>> -> memref<1x64x128xf32, #tpu.memory_space<vmem>>
          %scatter3A_789 = tpu.memref_squeeze %scatter3A_788 : memref<1x64x128xf32, #tpu.memory_space<vmem>> -> memref<64x128xf32, #tpu.memory_space<vmem>>
          tpu.vector_store_idx %scatter3A_789[%add3A_779, %add3A_578], %gather3A_785 : memref<64x128xf32, #tpu.memory_space<vmem>>[vector<16xi32>, vector<16xi32>], vector<16xf32>,
          %add3A_790 = arith.constant 16 : i32
          %add3A_791 = vector.broadcast %add3A_790 : i32 to vector<16xi32>
          %add3A_792 = arith.addi %add3A_791, %select_n3A_18 : vector<16xi32>
          %add3A_793 = arith.addi %add3A_792, %get3A_583 : vector<16xi32>
          %gather3A_794 = arith.constant 0 : i32
          %gather3A_795 = arith.constant 0 : i32
          %gather3A_796 = tpu.memref_slice %arg8[%scan3A_546, %gather3A_794, %gather3A_795] : memref<2x128x128xf32, #tpu.memory_space<vmem>> -> memref<1x128x128xf32, #tpu.memory_space<vmem>>
          %gather3A_797 = tpu.memref_squeeze %gather3A_796 : memref<1x128x128xf32, #tpu.memory_space<vmem>> -> memref<128x128xf32, #tpu.memory_space<vmem>>
          %gather3A_798 = tpu.vector_load_idx %gather3A_797[%add3A_578, %add3A_793] : memref<128x128xf32, #tpu.memory_space<vmem>>[vector<16xi32>, vector<16xi32>], vector<16xf32>,
          %scatter3A_799 = arith.constant 0 : i32
          %scatter3A_800 = arith.constant 0 : i32
          %scatter3A_801 = tpu.memref_slice %arg9[%scan3A_547, %scatter3A_799, %scatter3A_800] : memref<2x64x128xf32, #tpu.memory_space<vmem>> -> memref<1x64x128xf32, #tpu.memory_space<vmem>>
          %scatter3A_802 = tpu.memref_squeeze %scatter3A_801 : memref<1x64x128xf32, #tpu.memory_space<vmem>> -> memref<64x128xf32, #tpu.memory_space<vmem>>
          tpu.vector_store_idx %scatter3A_802[%add3A_792, %add3A_578], %gather3A_798 : memref<64x128xf32, #tpu.memory_space<vmem>>[vector<16xi32>, vector<16xi32>], vector<16xf32>,
          %add3A_803 = arith.constant 16 : i32
          %add3A_804 = vector.broadcast %add3A_803 : i32 to vector<16xi32>
          %add3A_805 = arith.addi %add3A_804, %select_n3A_43 : vector<16xi32>
          %add3A_806 = arith.addi %add3A_805, %get3A_583 : vector<16xi32>
          %gather3A_807 = arith.constant 0 : i32
          %gather3A_808 = arith.constant 0 : i32
          %gather3A_809 = tpu.memref_slice %arg8[%scan3A_546, %gather3A_807, %gather3A_808] : memref<2x128x128xf32, #tpu.memory_space<vmem>> -> memref<1x128x128xf32, #tpu.memory_space<vmem>>
          %gather3A_810 = tpu.memref_squeeze %gather3A_809 : memref<1x128x128xf32, #tpu.memory_space<vmem>> -> memref<128x128xf32, #tpu.memory_space<vmem>>
          %gather3A_811 = tpu.vector_load_idx %gather3A_810[%add3A_578, %add3A_806] : memref<128x128xf32, #tpu.memory_space<vmem>>[vector<16xi32>, vector<16xi32>], vector<16xf32>,
          %scatter3A_812 = arith.constant 0 : i32
          %scatter3A_813 = arith.constant 0 : i32
          %scatter3A_814 = tpu.memref_slice %arg9[%scan3A_547, %scatter3A_812, %scatter3A_813] : memref<2x64x128xf32, #tpu.memory_space<vmem>> -> memref<1x64x128xf32, #tpu.memory_space<vmem>>
          %scatter3A_815 = tpu.memref_squeeze %scatter3A_814 : memref<1x64x128xf32, #tpu.memory_space<vmem>> -> memref<64x128xf32, #tpu.memory_space<vmem>>
          tpu.vector_store_idx %scatter3A_815[%add3A_805, %add3A_578], %gather3A_811 : memref<64x128xf32, #tpu.memory_space<vmem>>[vector<16xi32>, vector<16xi32>], vector<16xf32>,
          %add3A_816 = arith.constant 16 : i32
          %add3A_817 = vector.broadcast %add3A_816 : i32 to vector<16xi32>
          %add3A_818 = arith.addi %add3A_817, %select_n3A_68 : vector<16xi32>
          %add3A_819 = arith.addi %add3A_818, %get3A_583 : vector<16xi32>
          %gather3A_820 = arith.constant 0 : i32
          %gather3A_821 = arith.constant 0 : i32
          %gather3A_822 = tpu.memref_slice %arg8[%scan3A_546, %gather3A_820, %gather3A_821] : memref<2x128x128xf32, #tpu.memory_space<vmem>> -> memref<1x128x128xf32, #tpu.memory_space<vmem>>
          %gather3A_823 = tpu.memref_squeeze %gather3A_822 : memref<1x128x128xf32, #tpu.memory_space<vmem>> -> memref<128x128xf32, #tpu.memory_space<vmem>>
          %gather3A_824 = tpu.vector_load_idx %gather3A_823[%add3A_578, %add3A_819] : memref<128x128xf32, #tpu.memory_space<vmem>>[vector<16xi32>, vector<16xi32>], vector<16xf32>,
          %scatter3A_825 = arith.constant 0 : i32
          %scatter3A_826 = arith.constant 0 : i32
          %scatter3A_827 = tpu.memref_slice %arg9[%scan3A_547, %scatter3A_825, %scatter3A_826] : memref<2x64x128xf32, #tpu.memory_space<vmem>> -> memref<1x64x128xf32, #tpu.memory_space<vmem>>
          %scatter3A_828 = tpu.memref_squeeze %scatter3A_827 : memref<1x64x128xf32, #tpu.memory_space<vmem>> -> memref<64x128xf32, #tpu.memory_space<vmem>>
          tpu.vector_store_idx %scatter3A_828[%add3A_818, %add3A_578], %gather3A_824 : memref<64x128xf32, #tpu.memory_space<vmem>>[vector<16xi32>, vector<16xi32>], vector<16xf32>,
          %add3A_829 = arith.constant 16 : i32
          %add3A_830 = vector.broadcast %add3A_829 : i32 to vector<16xi32>
          %add3A_831 = arith.addi %add3A_830, %select_n3A_93 : vector<16xi32>
          %add3A_832 = arith.addi %add3A_831, %get3A_583 : vector<16xi32>
          %gather3A_833 = arith.constant 0 : i32
          %gather3A_834 = arith.constant 0 : i32
          %gather3A_835 = tpu.memref_slice %arg8[%scan3A_546, %gather3A_833, %gather3A_834] : memref<2x128x128xf32, #tpu.memory_space<vmem>> -> memref<1x128x128xf32, #tpu.memory_space<vmem>>
          %gather3A_836 = tpu.memref_squeeze %gather3A_835 : memref<1x128x128xf32, #tpu.memory_space<vmem>> -> memref<128x128xf32, #tpu.memory_space<vmem>>
          %gather3A_837 = tpu.vector_load_idx %gather3A_836[%add3A_578, %add3A_832] : memref<128x128xf32, #tpu.memory_space<vmem>>[vector<16xi32>, vector<16xi32>], vector<16xf32>,
          %scatter3A_838 = arith.constant 0 : i32
          %scatter3A_839 = arith.constant 0 : i32
          %scatter3A_840 = tpu.memref_slice %arg9[%scan3A_547, %scatter3A_838, %scatter3A_839] : memref<2x64x128xf32, #tpu.memory_space<vmem>> -> memref<1x64x128xf32, #tpu.memory_space<vmem>>
          %scatter3A_841 = tpu.memref_squeeze %scatter3A_840 : memref<1x64x128xf32, #tpu.memory_space<vmem>> -> memref<64x128xf32, #tpu.memory_space<vmem>>
          tpu.vector_store_idx %scatter3A_841[%add3A_831, %add3A_578], %gather3A_837 : memref<64x128xf32, #tpu.memory_space<vmem>>[vector<16xi32>, vector<16xi32>], vector<16xf32>,
          %add3A_842 = arith.constant 16 : i32
          %add3A_843 = vector.broadcast %add3A_842 : i32 to vector<16xi32>
          %add3A_844 = arith.addi %add3A_843, %select_n3A_118 : vector<16xi32>
          %add3A_845 = arith.addi %add3A_844, %get3A_583 : vector<16xi32>
          %gather3A_846 = arith.constant 0 : i32
          %gather3A_847 = arith.constant 0 : i32
          %gather3A_848 = tpu.memref_slice %arg8[%scan3A_546, %gather3A_846, %gather3A_847] : memref<2x128x128xf32, #tpu.memory_space<vmem>> -> memref<1x128x128xf32, #tpu.memory_space<vmem>>
          %gather3A_849 = tpu.memref_squeeze %gather3A_848 : memref<1x128x128xf32, #tpu.memory_space<vmem>> -> memref<128x128xf32, #tpu.memory_space<vmem>>
          %gather3A_850 = tpu.vector_load_idx %gather3A_849[%add3A_578, %add3A_845] : memref<128x128xf32, #tpu.memory_space<vmem>>[vector<16xi32>, vector<16xi32>], vector<16xf32>,
          %scatter3A_851 = arith.constant 0 : i32
          %scatter3A_852 = arith.constant 0 : i32
          %scatter3A_853 = tpu.memref_slice %arg9[%scan3A_547, %scatter3A_851, %scatter3A_852] : memref<2x64x128xf32, #tpu.memory_space<vmem>> -> memref<1x64x128xf32, #tpu.memory_space<vmem>>
          %scatter3A_854 = tpu.memref_squeeze %scatter3A_853 : memref<1x64x128xf32, #tpu.memory_space<vmem>> -> memref<64x128xf32, #tpu.memory_space<vmem>>
          tpu.vector_store_idx %scatter3A_854[%add3A_844, %add3A_578], %gather3A_850 : memref<64x128xf32, #tpu.memory_space<vmem>>[vector<16xi32>, vector<16xi32>], vector<16xf32>,
          %add3A_855 = arith.constant 16 : i32
          %add3A_856 = vector.broadcast %add3A_855 : i32 to vector<16xi32>
          %add3A_857 = arith.addi %add3A_856, %select_n3A_143 : vector<16xi32>
          %add3A_858 = arith.addi %add3A_857, %get3A_583 : vector<16xi32>
          %gather3A_859 = arith.constant 0 : i32
          %gather3A_860 = arith.constant 0 : i32
          %gather3A_861 = tpu.memref_slice %arg8[%scan3A_546, %gather3A_859, %gather3A_860] : memref<2x128x128xf32, #tpu.memory_space<vmem>> -> memref<1x128x128xf32, #tpu.memory_space<vmem>>
          %gather3A_862 = tpu.memref_squeeze %gather3A_861 : memref<1x128x128xf32, #tpu.memory_space<vmem>> -> memref<128x128xf32, #tpu.memory_space<vmem>>
          %gather3A_863 = tpu.vector_load_idx %gather3A_862[%add3A_578, %add3A_858] : memref<128x128xf32, #tpu.memory_space<vmem>>[vector<16xi32>, vector<16xi32>], vector<16xf32>,
          %scatter3A_864 = arith.constant 0 : i32
          %scatter3A_865 = arith.constant 0 : i32
          %scatter3A_866 = tpu.memref_slice %arg9[%scan3A_547, %scatter3A_864, %scatter3A_865] : memref<2x64x128xf32, #tpu.memory_space<vmem>> -> memref<1x64x128xf32, #tpu.memory_space<vmem>>
          %scatter3A_867 = tpu.memref_squeeze %scatter3A_866 : memref<1x64x128xf32, #tpu.memory_space<vmem>> -> memref<64x128xf32, #tpu.memory_space<vmem>>
          tpu.vector_store_idx %scatter3A_867[%add3A_857, %add3A_578], %gather3A_863 : memref<64x128xf32, #tpu.memory_space<vmem>>[vector<16xi32>, vector<16xi32>], vector<16xf32>,
          %add3A_868 = arith.constant 16 : i32
          %add3A_869 = vector.broadcast %add3A_868 : i32 to vector<16xi32>
          %add3A_870 = arith.addi %add3A_869, %select_n3A_168 : vector<16xi32>
          %add3A_871 = arith.addi %add3A_870, %get3A_583 : vector<16xi32>
          %gather3A_872 = arith.constant 0 : i32
          %gather3A_873 = arith.constant 0 : i32
          %gather3A_874 = tpu.memref_slice %arg8[%scan3A_546, %gather3A_872, %gather3A_873] : memref<2x128x128xf32, #tpu.memory_space<vmem>> -> memref<1x128x128xf32, #tpu.memory_space<vmem>>
          %gather3A_875 = tpu.memref_squeeze %gather3A_874 : memref<1x128x128xf32, #tpu.memory_space<vmem>> -> memref<128x128xf32, #tpu.memory_space<vmem>>
          %gather3A_876 = tpu.vector_load_idx %gather3A_875[%add3A_578, %add3A_871] : memref<128x128xf32, #tpu.memory_space<vmem>>[vector<16xi32>, vector<16xi32>], vector<16xf32>,
          %scatter3A_877 = arith.constant 0 : i32
          %scatter3A_878 = arith.constant 0 : i32
          %scatter3A_879 = tpu.memref_slice %arg9[%scan3A_547, %scatter3A_877, %scatter3A_878] : memref<2x64x128xf32, #tpu.memory_space<vmem>> -> memref<1x64x128xf32, #tpu.memory_space<vmem>>
          %scatter3A_880 = tpu.memref_squeeze %scatter3A_879 : memref<1x64x128xf32, #tpu.memory_space<vmem>> -> memref<64x128xf32, #tpu.memory_space<vmem>>
          tpu.vector_store_idx %scatter3A_880[%add3A_870, %add3A_578], %gather3A_876 : memref<64x128xf32, #tpu.memory_space<vmem>>[vector<16xi32>, vector<16xi32>], vector<16xf32>,
          %add3A_881 = arith.constant 16 : i32
          %add3A_882 = vector.broadcast %add3A_881 : i32 to vector<16xi32>
          %add3A_883 = arith.addi %add3A_882, %select_n3A_193 : vector<16xi32>
          %add3A_884 = arith.addi %add3A_883, %get3A_583 : vector<16xi32>
          %gather3A_885 = arith.constant 0 : i32
          %gather3A_886 = arith.constant 0 : i32
          %gather3A_887 = tpu.memref_slice %arg8[%scan3A_546, %gather3A_885, %gather3A_886] : memref<2x128x128xf32, #tpu.memory_space<vmem>> -> memref<1x128x128xf32, #tpu.memory_space<vmem>>
          %gather3A_888 = tpu.memref_squeeze %gather3A_887 : memref<1x128x128xf32, #tpu.memory_space<vmem>> -> memref<128x128xf32, #tpu.memory_space<vmem>>
          %gather3A_889 = tpu.vector_load_idx %gather3A_888[%add3A_578, %add3A_884] : memref<128x128xf32, #tpu.memory_space<vmem>>[vector<16xi32>, vector<16xi32>], vector<16xf32>,
          %scatter3A_890 = arith.constant 0 : i32
          %scatter3A_891 = arith.constant 0 : i32
          %scatter3A_892 = tpu.memref_slice %arg9[%scan3A_547, %scatter3A_890, %scatter3A_891] : memref<2x64x128xf32, #tpu.memory_space<vmem>> -> memref<1x64x128xf32, #tpu.memory_space<vmem>>
          %scatter3A_893 = tpu.memref_squeeze %scatter3A_892 : memref<1x64x128xf32, #tpu.memory_space<vmem>> -> memref<64x128xf32, #tpu.memory_space<vmem>>
          tpu.vector_store_idx %scatter3A_893[%add3A_883, %add3A_578], %gather3A_889 : memref<64x128xf32, #tpu.memory_space<vmem>>[vector<16xi32>, vector<16xi32>], vector<16xf32>,
          %add3A_894 = arith.constant 16 : i32
          %add3A_895 = vector.broadcast %add3A_894 : i32 to vector<16xi32>
          %add3A_896 = arith.addi %add3A_895, %select_n3A_218 : vector<16xi32>
          %add3A_897 = arith.addi %add3A_896, %get3A_583 : vector<16xi32>
          %gather3A_898 = arith.constant 0 : i32
          %gather3A_899 = arith.constant 0 : i32
          %gather3A_900 = tpu.memref_slice %arg8[%scan3A_546, %gather3A_898, %gather3A_899] : memref<2x128x128xf32, #tpu.memory_space<vmem>> -> memref<1x128x128xf32, #tpu.memory_space<vmem>>
          %gather3A_901 = tpu.memref_squeeze %gather3A_900 : memref<1x128x128xf32, #tpu.memory_space<vmem>> -> memref<128x128xf32, #tpu.memory_space<vmem>>
          %gather3A_902 = tpu.vector_load_idx %gather3A_901[%add3A_578, %add3A_897] : memref<128x128xf32, #tpu.memory_space<vmem>>[vector<16xi32>, vector<16xi32>], vector<16xf32>,
          %scatter3A_903 = arith.constant 0 : i32
          %scatter3A_904 = arith.constant 0 : i32
          %scatter3A_905 = tpu.memref_slice %arg9[%scan3A_547, %scatter3A_903, %scatter3A_904] : memref<2x64x128xf32, #tpu.memory_space<vmem>> -> memref<1x64x128xf32, #tpu.memory_space<vmem>>
          %scatter3A_906 = tpu.memref_squeeze %scatter3A_905 : memref<1x64x128xf32, #tpu.memory_space<vmem>> -> memref<64x128xf32, #tpu.memory_space<vmem>>
          tpu.vector_store_idx %scatter3A_906[%add3A_896, %add3A_578], %gather3A_902 : memref<64x128xf32, #tpu.memory_space<vmem>>[vector<16xi32>, vector<16xi32>], vector<16xf32>,
          %add3A_907 = arith.constant 16 : i32
          %add3A_908 = vector.broadcast %add3A_907 : i32 to vector<16xi32>
          %add3A_909 = arith.addi %add3A_908, %select_n3A_243 : vector<16xi32>
          %add3A_910 = arith.addi %add3A_909, %get3A_583 : vector<16xi32>
          %gather3A_911 = arith.constant 0 : i32
          %gather3A_912 = arith.constant 0 : i32
          %gather3A_913 = tpu.memref_slice %arg8[%scan3A_546, %gather3A_911, %gather3A_912] : memref<2x128x128xf32, #tpu.memory_space<vmem>> -> memref<1x128x128xf32, #tpu.memory_space<vmem>>
          %gather3A_914 = tpu.memref_squeeze %gather3A_913 : memref<1x128x128xf32, #tpu.memory_space<vmem>> -> memref<128x128xf32, #tpu.memory_space<vmem>>
          %gather3A_915 = tpu.vector_load_idx %gather3A_914[%add3A_578, %add3A_910] : memref<128x128xf32, #tpu.memory_space<vmem>>[vector<16xi32>, vector<16xi32>], vector<16xf32>,
          %scatter3A_916 = arith.constant 0 : i32
          %scatter3A_917 = arith.constant 0 : i32
          %scatter3A_918 = tpu.memref_slice %arg9[%scan3A_547, %scatter3A_916, %scatter3A_917] : memref<2x64x128xf32, #tpu.memory_space<vmem>> -> memref<1x64x128xf32, #tpu.memory_space<vmem>>
          %scatter3A_919 = tpu.memref_squeeze %scatter3A_918 : memref<1x64x128xf32, #tpu.memory_space<vmem>> -> memref<64x128xf32, #tpu.memory_space<vmem>>
          tpu.vector_store_idx %scatter3A_919[%add3A_909, %add3A_578], %gather3A_915 : memref<64x128xf32, #tpu.memory_space<vmem>>[vector<16xi32>, vector<16xi32>], vector<16xf32>,
          %add3A_920 = arith.constant 16 : i32
          %add3A_921 = vector.broadcast %add3A_920 : i32 to vector<16xi32>
          %add3A_922 = arith.addi %add3A_921, %select_n3A_268 : vector<16xi32>
          %add3A_923 = arith.addi %add3A_922, %get3A_583 : vector<16xi32>
          %gather3A_924 = arith.constant 0 : i32
          %gather3A_925 = arith.constant 0 : i32
          %gather3A_926 = tpu.memref_slice %arg8[%scan3A_546, %gather3A_924, %gather3A_925] : memref<2x128x128xf32, #tpu.memory_space<vmem>> -> memref<1x128x128xf32, #tpu.memory_space<vmem>>
          %gather3A_927 = tpu.memref_squeeze %gather3A_926 : memref<1x128x128xf32, #tpu.memory_space<vmem>> -> memref<128x128xf32, #tpu.memory_space<vmem>>
          %gather3A_928 = tpu.vector_load_idx %gather3A_927[%add3A_578, %add3A_923] : memref<128x128xf32, #tpu.memory_space<vmem>>[vector<16xi32>, vector<16xi32>], vector<16xf32>,
          %scatter3A_929 = arith.constant 0 : i32
          %scatter3A_930 = arith.constant 0 : i32
          %scatter3A_931 = tpu.memref_slice %arg9[%scan3A_547, %scatter3A_929, %scatter3A_930] : memref<2x64x128xf32, #tpu.memory_space<vmem>> -> memref<1x64x128xf32, #tpu.memory_space<vmem>>
          %scatter3A_932 = tpu.memref_squeeze %scatter3A_931 : memref<1x64x128xf32, #tpu.memory_space<vmem>> -> memref<64x128xf32, #tpu.memory_space<vmem>>
          tpu.vector_store_idx %scatter3A_932[%add3A_922, %add3A_578], %gather3A_928 : memref<64x128xf32, #tpu.memory_space<vmem>>[vector<16xi32>, vector<16xi32>], vector<16xf32>,
          %add3A_933 = arith.constant 16 : i32
          %add3A_934 = vector.broadcast %add3A_933 : i32 to vector<16xi32>
          %add3A_935 = arith.addi %add3A_934, %select_n3A_293 : vector<16xi32>
          %add3A_936 = arith.addi %add3A_935, %get3A_583 : vector<16xi32>
          %gather3A_937 = arith.constant 0 : i32
          %gather3A_938 = arith.constant 0 : i32
          %gather3A_939 = tpu.memref_slice %arg8[%scan3A_546, %gather3A_937, %gather3A_938] : memref<2x128x128xf32, #tpu.memory_space<vmem>> -> memref<1x128x128xf32, #tpu.memory_space<vmem>>
          %gather3A_940 = tpu.memref_squeeze %gather3A_939 : memref<1x128x128xf32, #tpu.memory_space<vmem>> -> memref<128x128xf32, #tpu.memory_space<vmem>>
          %gather3A_941 = tpu.vector_load_idx %gather3A_940[%add3A_578, %add3A_936] : memref<128x128xf32, #tpu.memory_space<vmem>>[vector<16xi32>, vector<16xi32>], vector<16xf32>,
          %scatter3A_942 = arith.constant 0 : i32
          %scatter3A_943 = arith.constant 0 : i32
          %scatter3A_944 = tpu.memref_slice %arg9[%scan3A_547, %scatter3A_942, %scatter3A_943] : memref<2x64x128xf32, #tpu.memory_space<vmem>> -> memref<1x64x128xf32, #tpu.memory_space<vmem>>
          %scatter3A_945 = tpu.memref_squeeze %scatter3A_944 : memref<1x64x128xf32, #tpu.memory_space<vmem>> -> memref<64x128xf32, #tpu.memory_space<vmem>>
          tpu.vector_store_idx %scatter3A_945[%add3A_935, %add3A_578], %gather3A_941 : memref<64x128xf32, #tpu.memory_space<vmem>>[vector<16xi32>, vector<16xi32>], vector<16xf32>,
          %add3A_946 = arith.constant 16 : i32
          %add3A_947 = vector.broadcast %add3A_946 : i32 to vector<16xi32>
          %add3A_948 = arith.addi %add3A_947, %select_n3A_318 : vector<16xi32>
          %add3A_949 = arith.addi %add3A_948, %get3A_583 : vector<16xi32>
          %gather3A_950 = arith.constant 0 : i32
          %gather3A_951 = arith.constant 0 : i32
          %gather3A_952 = tpu.memref_slice %arg8[%scan3A_546, %gather3A_950, %gather3A_951] : memref<2x128x128xf32, #tpu.memory_space<vmem>> -> memref<1x128x128xf32, #tpu.memory_space<vmem>>
          %gather3A_953 = tpu.memref_squeeze %gather3A_952 : memref<1x128x128xf32, #tpu.memory_space<vmem>> -> memref<128x128xf32, #tpu.memory_space<vmem>>
          %gather3A_954 = tpu.vector_load_idx %gather3A_953[%add3A_578, %add3A_949] : memref<128x128xf32, #tpu.memory_space<vmem>>[vector<16xi32>, vector<16xi32>], vector<16xf32>,
          %scatter3A_955 = arith.constant 0 : i32
          %scatter3A_956 = arith.constant 0 : i32
          %scatter3A_957 = tpu.memref_slice %arg9[%scan3A_547, %scatter3A_955, %scatter3A_956] : memref<2x64x128xf32, #tpu.memory_space<vmem>> -> memref<1x64x128xf32, #tpu.memory_space<vmem>>
          %scatter3A_958 = tpu.memref_squeeze %scatter3A_957 : memref<1x64x128xf32, #tpu.memory_space<vmem>> -> memref<64x128xf32, #tpu.memory_space<vmem>>
          tpu.vector_store_idx %scatter3A_958[%add3A_948, %add3A_578], %gather3A_954 : memref<64x128xf32, #tpu.memory_space<vmem>>[vector<16xi32>, vector<16xi32>], vector<16xf32>,
          %add3A_959 = arith.constant 16 : i32
          %add3A_960 = vector.broadcast %add3A_959 : i32 to vector<16xi32>
          %add3A_961 = arith.addi %add3A_960, %select_n3A_343 : vector<16xi32>
          %add3A_962 = arith.addi %add3A_961, %get3A_583 : vector<16xi32>
          %gather3A_963 = arith.constant 0 : i32
          %gather3A_964 = arith.constant 0 : i32
          %gather3A_965 = tpu.memref_slice %arg8[%scan3A_546, %gather3A_963, %gather3A_964] : memref<2x128x128xf32, #tpu.memory_space<vmem>> -> memref<1x128x128xf32, #tpu.memory_space<vmem>>
          %gather3A_966 = tpu.memref_squeeze %gather3A_965 : memref<1x128x128xf32, #tpu.memory_space<vmem>> -> memref<128x128xf32, #tpu.memory_space<vmem>>
          %gather3A_967 = tpu.vector_load_idx %gather3A_966[%add3A_578, %add3A_962] : memref<128x128xf32, #tpu.memory_space<vmem>>[vector<16xi32>, vector<16xi32>], vector<16xf32>,
          %scatter3A_968 = arith.constant 0 : i32
          %scatter3A_969 = arith.constant 0 : i32
          %scatter3A_970 = tpu.memref_slice %arg9[%scan3A_547, %scatter3A_968, %scatter3A_969] : memref<2x64x128xf32, #tpu.memory_space<vmem>> -> memref<1x64x128xf32, #tpu.memory_space<vmem>>
          %scatter3A_971 = tpu.memref_squeeze %scatter3A_970 : memref<1x64x128xf32, #tpu.memory_space<vmem>> -> memref<64x128xf32, #tpu.memory_space<vmem>>
          tpu.vector_store_idx %scatter3A_971[%add3A_961, %add3A_578], %gather3A_967 : memref<64x128xf32, #tpu.memory_space<vmem>>[vector<16xi32>, vector<16xi32>], vector<16xf32>,
          %add3A_972 = arith.constant 16 : i32
          %add3A_973 = vector.broadcast %add3A_972 : i32 to vector<16xi32>
          %add3A_974 = arith.addi %add3A_973, %select_n3A_368 : vector<16xi32>
          %add3A_975 = arith.addi %add3A_974, %get3A_583 : vector<16xi32>
          %gather3A_976 = arith.constant 0 : i32
          %gather3A_977 = arith.constant 0 : i32
          %gather3A_978 = tpu.memref_slice %arg8[%scan3A_546, %gather3A_976, %gather3A_977] : memref<2x128x128xf32, #tpu.memory_space<vmem>> -> memref<1x128x128xf32, #tpu.memory_space<vmem>>
          %gather3A_979 = tpu.memref_squeeze %gather3A_978 : memref<1x128x128xf32, #tpu.memory_space<vmem>> -> memref<128x128xf32, #tpu.memory_space<vmem>>
          %gather3A_980 = tpu.vector_load_idx %gather3A_979[%add3A_578, %add3A_975] : memref<128x128xf32, #tpu.memory_space<vmem>>[vector<16xi32>, vector<16xi32>], vector<16xf32>,
          %scatter3A_981 = arith.constant 0 : i32
          %scatter3A_982 = arith.constant 0 : i32
          %scatter3A_983 = tpu.memref_slice %arg9[%scan3A_547, %scatter3A_981, %scatter3A_982] : memref<2x64x128xf32, #tpu.memory_space<vmem>> -> memref<1x64x128xf32, #tpu.memory_space<vmem>>
          %scatter3A_984 = tpu.memref_squeeze %scatter3A_983 : memref<1x64x128xf32, #tpu.memory_space<vmem>> -> memref<64x128xf32, #tpu.memory_space<vmem>>
          tpu.vector_store_idx %scatter3A_984[%add3A_974, %add3A_578], %gather3A_980 : memref<64x128xf32, #tpu.memory_space<vmem>>[vector<16xi32>, vector<16xi32>], vector<16xf32>,
          %add3A_985 = arith.constant 16 : i32
          %add3A_986 = vector.broadcast %add3A_985 : i32 to vector<16xi32>
          %add3A_987 = arith.addi %add3A_986, %select_n3A_393 : vector<16xi32>
          %add3A_988 = arith.addi %add3A_987, %get3A_583 : vector<16xi32>
          %gather3A_989 = arith.constant 0 : i32
          %gather3A_990 = arith.constant 0 : i32
          %gather3A_991 = tpu.memref_slice %arg8[%scan3A_546, %gather3A_989, %gather3A_990] : memref<2x128x128xf32, #tpu.memory_space<vmem>> -> memref<1x128x128xf32, #tpu.memory_space<vmem>>
          %gather3A_992 = tpu.memref_squeeze %gather3A_991 : memref<1x128x128xf32, #tpu.memory_space<vmem>> -> memref<128x128xf32, #tpu.memory_space<vmem>>
          %gather3A_993 = tpu.vector_load_idx %gather3A_992[%add3A_578, %add3A_988] : memref<128x128xf32, #tpu.memory_space<vmem>>[vector<16xi32>, vector<16xi32>], vector<16xf32>,
          %scatter3A_994 = arith.constant 0 : i32
          %scatter3A_995 = arith.constant 0 : i32
          %scatter3A_996 = tpu.memref_slice %arg9[%scan3A_547, %scatter3A_994, %scatter3A_995] : memref<2x64x128xf32, #tpu.memory_space<vmem>> -> memref<1x64x128xf32, #tpu.memory_space<vmem>>
          %scatter3A_997 = tpu.memref_squeeze %scatter3A_996 : memref<1x64x128xf32, #tpu.memory_space<vmem>> -> memref<64x128xf32, #tpu.memory_space<vmem>>
          tpu.vector_store_idx %scatter3A_997[%add3A_987, %add3A_578], %gather3A_993 : memref<64x128xf32, #tpu.memory_space<vmem>>[vector<16xi32>, vector<16xi32>], vector<16xf32>,
          %add3A_998 = arith.constant 32 : i32
          %add3A_999 = vector.broadcast %add3A_998 : i32 to vector<16xi32>
          %add3A_1000 = arith.addi %add3A_999, %select_n3A_18 : vector<16xi32>
          %add3A_1001 = arith.addi %add3A_1000, %get3A_583 : vector<16xi32>
          %gather3A_1002 = arith.constant 0 : i32
          %gather3A_1003 = arith.constant 0 : i32
          %gather3A_1004 = tpu.memref_slice %arg8[%scan3A_546, %gather3A_1002, %gather3A_1003] : memref<2x128x128xf32, #tpu.memory_space<vmem>> -> memref<1x128x128xf32, #tpu.memory_space<vmem>>
          %gather3A_1005 = tpu.memref_squeeze %gather3A_1004 : memref<1x128x128xf32, #tpu.memory_space<vmem>> -> memref<128x128xf32, #tpu.memory_space<vmem>>
          %gather3A_1006 = tpu.vector_load_idx %gather3A_1005[%add3A_578, %add3A_1001] : memref<128x128xf32, #tpu.memory_space<vmem>>[vector<16xi32>, vector<16xi32>], vector<16xf32>,
          %scatter3A_1007 = arith.constant 0 : i32
          %scatter3A_1008 = arith.constant 0 : i32
          %scatter3A_1009 = tpu.memref_slice %arg9[%scan3A_547, %scatter3A_1007, %scatter3A_1008] : memref<2x64x128xf32, #tpu.memory_space<vmem>> -> memref<1x64x128xf32, #tpu.memory_space<vmem>>
          %scatter3A_1010 = tpu.memref_squeeze %scatter3A_1009 : memref<1x64x128xf32, #tpu.memory_space<vmem>> -> memref<64x128xf32, #tpu.memory_space<vmem>>
          tpu.vector_store_idx %scatter3A_1010[%add3A_1000, %add3A_578], %gather3A_1006 : memref<64x128xf32, #tpu.memory_space<vmem>>[vector<16xi32>, vector<16xi32>], vector<16xf32>,
          %add3A_1011 = arith.constant 32 : i32
          %add3A_1012 = vector.broadcast %add3A_1011 : i32 to vector<16xi32>
          %add3A_1013 = arith.addi %add3A_1012, %select_n3A_43 : vector<16xi32>
          %add3A_1014 = arith.addi %add3A_1013, %get3A_583 : vector<16xi32>
          %gather3A_1015 = arith.constant 0 : i32
          %gather3A_1016 = arith.constant 0 : i32
          %gather3A_1017 = tpu.memref_slice %arg8[%scan3A_546, %gather3A_1015, %gather3A_1016] : memref<2x128x128xf32, #tpu.memory_space<vmem>> -> memref<1x128x128xf32, #tpu.memory_space<vmem>>
          %gather3A_1018 = tpu.memref_squeeze %gather3A_1017 : memref<1x128x128xf32, #tpu.memory_space<vmem>> -> memref<128x128xf32, #tpu.memory_space<vmem>>
          %gather3A_1019 = tpu.vector_load_idx %gather3A_1018[%add3A_578, %add3A_1014] : memref<128x128xf32, #tpu.memory_space<vmem>>[vector<16xi32>, vector<16xi32>], vector<16xf32>,
          %scatter3A_1020 = arith.constant 0 : i32
          %scatter3A_1021 = arith.constant 0 : i32
          %scatter3A_1022 = tpu.memref_slice %arg9[%scan3A_547, %scatter3A_1020, %scatter3A_1021] : memref<2x64x128xf32, #tpu.memory_space<vmem>> -> memref<1x64x128xf32, #tpu.memory_space<vmem>>
          %scatter3A_1023 = tpu.memref_squeeze %scatter3A_1022 : memref<1x64x128xf32, #tpu.memory_space<vmem>> -> memref<64x128xf32, #tpu.memory_space<vmem>>
          tpu.vector_store_idx %scatter3A_1023[%add3A_1013, %add3A_578], %gather3A_1019 : memref<64x128xf32, #tpu.memory_space<vmem>>[vector<16xi32>, vector<16xi32>], vector<16xf32>,
          %add3A_1024 = arith.constant 32 : i32
          %add3A_1025 = vector.broadcast %add3A_1024 : i32 to vector<16xi32>
          %add3A_1026 = arith.addi %add3A_1025, %select_n3A_68 : vector<16xi32>
          %add3A_1027 = arith.addi %add3A_1026, %get3A_583 : vector<16xi32>
          %gather3A_1028 = arith.constant 0 : i32
          %gather3A_1029 = arith.constant 0 : i32
          %gather3A_1030 = tpu.memref_slice %arg8[%scan3A_546, %gather3A_1028, %gather3A_1029] : memref<2x128x128xf32, #tpu.memory_space<vmem>> -> memref<1x128x128xf32, #tpu.memory_space<vmem>>
          %gather3A_1031 = tpu.memref_squeeze %gather3A_1030 : memref<1x128x128xf32, #tpu.memory_space<vmem>> -> memref<128x128xf32, #tpu.memory_space<vmem>>
          %gather3A_1032 = tpu.vector_load_idx %gather3A_1031[%add3A_578, %add3A_1027] : memref<128x128xf32, #tpu.memory_space<vmem>>[vector<16xi32>, vector<16xi32>], vector<16xf32>,
          %scatter3A_1033 = arith.constant 0 : i32
          %scatter3A_1034 = arith.constant 0 : i32
          %scatter3A_1035 = tpu.memref_slice %arg9[%scan3A_547, %scatter3A_1033, %scatter3A_1034] : memref<2x64x128xf32, #tpu.memory_space<vmem>> -> memref<1x64x128xf32, #tpu.memory_space<vmem>>
          %scatter3A_1036 = tpu.memref_squeeze %scatter3A_1035 : memref<1x64x128xf32, #tpu.memory_space<vmem>> -> memref<64x128xf32, #tpu.memory_space<vmem>>
          tpu.vector_store_idx %scatter3A_1036[%add3A_1026, %add3A_578], %gather3A_1032 : memref<64x128xf32, #tpu.memory_space<vmem>>[vector<16xi32>, vector<16xi32>], vector<16xf32>,
          %add3A_1037 = arith.constant 32 : i32
          %add3A_1038 = vector.broadcast %add3A_1037 : i32 to vector<16xi32>
          %add3A_1039 = arith.addi %add3A_1038, %select_n3A_93 : vector<16xi32>
          %add3A_1040 = arith.addi %add3A_1039, %get3A_583 : vector<16xi32>
          %gather3A_1041 = arith.constant 0 : i32
          %gather3A_1042 = arith.constant 0 : i32
          %gather3A_1043 = tpu.memref_slice %arg8[%scan3A_546, %gather3A_1041, %gather3A_1042] : memref<2x128x128xf32, #tpu.memory_space<vmem>> -> memref<1x128x128xf32, #tpu.memory_space<vmem>>
          %gather3A_1044 = tpu.memref_squeeze %gather3A_1043 : memref<1x128x128xf32, #tpu.memory_space<vmem>> -> memref<128x128xf32, #tpu.memory_space<vmem>>
          %gather3A_1045 = tpu.vector_load_idx %gather3A_1044[%add3A_578, %add3A_1040] : memref<128x128xf32, #tpu.memory_space<vmem>>[vector<16xi32>, vector<16xi32>], vector<16xf32>,
          %scatter3A_1046 = arith.constant 0 : i32
          %scatter3A_1047 = arith.constant 0 : i32
          %scatter3A_1048 = tpu.memref_slice %arg9[%scan3A_547, %scatter3A_1046, %scatter3A_1047] : memref<2x64x128xf32, #tpu.memory_space<vmem>> -> memref<1x64x128xf32, #tpu.memory_space<vmem>>
          %scatter3A_1049 = tpu.memref_squeeze %scatter3A_1048 : memref<1x64x128xf32, #tpu.memory_space<vmem>> -> memref<64x128xf32, #tpu.memory_space<vmem>>
          tpu.vector_store_idx %scatter3A_1049[%add3A_1039, %add3A_578], %gather3A_1045 : memref<64x128xf32, #tpu.memory_space<vmem>>[vector<16xi32>, vector<16xi32>], vector<16xf32>,
          %add3A_1050 = arith.constant 32 : i32
          %add3A_1051 = vector.broadcast %add3A_1050 : i32 to vector<16xi32>
          %add3A_1052 = arith.addi %add3A_1051, %select_n3A_118 : vector<16xi32>
          %add3A_1053 = arith.addi %add3A_1052, %get3A_583 : vector<16xi32>
          %gather3A_1054 = arith.constant 0 : i32
          %gather3A_1055 = arith.constant 0 : i32
          %gather3A_1056 = tpu.memref_slice %arg8[%scan3A_546, %gather3A_1054, %gather3A_1055] : memref<2x128x128xf32, #tpu.memory_space<vmem>> -> memref<1x128x128xf32, #tpu.memory_space<vmem>>
          %gather3A_1057 = tpu.memref_squeeze %gather3A_1056 : memref<1x128x128xf32, #tpu.memory_space<vmem>> -> memref<128x128xf32, #tpu.memory_space<vmem>>
          %gather3A_1058 = tpu.vector_load_idx %gather3A_1057[%add3A_578, %add3A_1053] : memref<128x128xf32, #tpu.memory_space<vmem>>[vector<16xi32>, vector<16xi32>], vector<16xf32>,
          %scatter3A_1059 = arith.constant 0 : i32
          %scatter3A_1060 = arith.constant 0 : i32
          %scatter3A_1061 = tpu.memref_slice %arg9[%scan3A_547, %scatter3A_1059, %scatter3A_1060] : memref<2x64x128xf32, #tpu.memory_space<vmem>> -> memref<1x64x128xf32, #tpu.memory_space<vmem>>
          %scatter3A_1062 = tpu.memref_squeeze %scatter3A_1061 : memref<1x64x128xf32, #tpu.memory_space<vmem>> -> memref<64x128xf32, #tpu.memory_space<vmem>>
          tpu.vector_store_idx %scatter3A_1062[%add3A_1052, %add3A_578], %gather3A_1058 : memref<64x128xf32, #tpu.memory_space<vmem>>[vector<16xi32>, vector<16xi32>], vector<16xf32>,
          %add3A_1063 = arith.constant 32 : i32
          %add3A_1064 = vector.broadcast %add3A_1063 : i32 to vector<16xi32>
          %add3A_1065 = arith.addi %add3A_1064, %select_n3A_143 : vector<16xi32>
          %add3A_1066 = arith.addi %add3A_1065, %get3A_583 : vector<16xi32>
          %gather3A_1067 = arith.constant 0 : i32
          %gather3A_1068 = arith.constant 0 : i32
          %gather3A_1069 = tpu.memref_slice %arg8[%scan3A_546, %gather3A_1067, %gather3A_1068] : memref<2x128x128xf32, #tpu.memory_space<vmem>> -> memref<1x128x128xf32, #tpu.memory_space<vmem>>
          %gather3A_1070 = tpu.memref_squeeze %gather3A_1069 : memref<1x128x128xf32, #tpu.memory_space<vmem>> -> memref<128x128xf32, #tpu.memory_space<vmem>>
          %gather3A_1071 = tpu.vector_load_idx %gather3A_1070[%add3A_578, %add3A_1066] : memref<128x128xf32, #tpu.memory_space<vmem>>[vector<16xi32>, vector<16xi32>], vector<16xf32>,
          %scatter3A_1072 = arith.constant 0 : i32
          %scatter3A_1073 = arith.constant 0 : i32
          %scatter3A_1074 = tpu.memref_slice %arg9[%scan3A_547, %scatter3A_1072, %scatter3A_1073] : memref<2x64x128xf32, #tpu.memory_space<vmem>> -> memref<1x64x128xf32, #tpu.memory_space<vmem>>
          %scatter3A_1075 = tpu.memref_squeeze %scatter3A_1074 : memref<1x64x128xf32, #tpu.memory_space<vmem>> -> memref<64x128xf32, #tpu.memory_space<vmem>>
          tpu.vector_store_idx %scatter3A_1075[%add3A_1065, %add3A_578], %gather3A_1071 : memref<64x128xf32, #tpu.memory_space<vmem>>[vector<16xi32>, vector<16xi32>], vector<16xf32>,
          %add3A_1076 = arith.constant 32 : i32
          %add3A_1077 = vector.broadcast %add3A_1076 : i32 to vector<16xi32>
          %add3A_1078 = arith.addi %add3A_1077, %select_n3A_168 : vector<16xi32>
          %add3A_1079 = arith.addi %add3A_1078, %get3A_583 : vector<16xi32>
          %gather3A_1080 = arith.constant 0 : i32
          %gather3A_1081 = arith.constant 0 : i32
          %gather3A_1082 = tpu.memref_slice %arg8[%scan3A_546, %gather3A_1080, %gather3A_1081] : memref<2x128x128xf32, #tpu.memory_space<vmem>> -> memref<1x128x128xf32, #tpu.memory_space<vmem>>
          %gather3A_1083 = tpu.memref_squeeze %gather3A_1082 : memref<1x128x128xf32, #tpu.memory_space<vmem>> -> memref<128x128xf32, #tpu.memory_space<vmem>>
          %gather3A_1084 = tpu.vector_load_idx %gather3A_1083[%add3A_578, %add3A_1079] : memref<128x128xf32, #tpu.memory_space<vmem>>[vector<16xi32>, vector<16xi32>], vector<16xf32>,
          %scatter3A_1085 = arith.constant 0 : i32
          %scatter3A_1086 = arith.constant 0 : i32
          %scatter3A_1087 = tpu.memref_slice %arg9[%scan3A_547, %scatter3A_1085, %scatter3A_1086] : memref<2x64x128xf32, #tpu.memory_space<vmem>> -> memref<1x64x128xf32, #tpu.memory_space<vmem>>
          %scatter3A_1088 = tpu.memref_squeeze %scatter3A_1087 : memref<1x64x128xf32, #tpu.memory_space<vmem>> -> memref<64x128xf32, #tpu.memory_space<vmem>>
          tpu.vector_store_idx %scatter3A_1088[%add3A_1078, %add3A_578], %gather3A_1084 : memref<64x128xf32, #tpu.memory_space<vmem>>[vector<16xi32>, vector<16xi32>], vector<16xf32>,
          %add3A_1089 = arith.constant 32 : i32
          %add3A_1090 = vector.broadcast %add3A_1089 : i32 to vector<16xi32>
          %add3A_1091 = arith.addi %add3A_1090, %select_n3A_193 : vector<16xi32>
          %add3A_1092 = arith.addi %add3A_1091, %get3A_583 : vector<16xi32>
          %gather3A_1093 = arith.constant 0 : i32
          %gather3A_1094 = arith.constant 0 : i32
          %gather3A_1095 = tpu.memref_slice %arg8[%scan3A_546, %gather3A_1093, %gather3A_1094] : memref<2x128x128xf32, #tpu.memory_space<vmem>> -> memref<1x128x128xf32, #tpu.memory_space<vmem>>
          %gather3A_1096 = tpu.memref_squeeze %gather3A_1095 : memref<1x128x128xf32, #tpu.memory_space<vmem>> -> memref<128x128xf32, #tpu.memory_space<vmem>>
          %gather3A_1097 = tpu.vector_load_idx %gather3A_1096[%add3A_578, %add3A_1092] : memref<128x128xf32, #tpu.memory_space<vmem>>[vector<16xi32>, vector<16xi32>], vector<16xf32>,
          %scatter3A_1098 = arith.constant 0 : i32
          %scatter3A_1099 = arith.constant 0 : i32
          %scatter3A_1100 = tpu.memref_slice %arg9[%scan3A_547, %scatter3A_1098, %scatter3A_1099] : memref<2x64x128xf32, #tpu.memory_space<vmem>> -> memref<1x64x128xf32, #tpu.memory_space<vmem>>
          %scatter3A_1101 = tpu.memref_squeeze %scatter3A_1100 : memref<1x64x128xf32, #tpu.memory_space<vmem>> -> memref<64x128xf32, #tpu.memory_space<vmem>>
          tpu.vector_store_idx %scatter3A_1101[%add3A_1091, %add3A_578], %gather3A_1097 : memref<64x128xf32, #tpu.memory_space<vmem>>[vector<16xi32>, vector<16xi32>], vector<16xf32>,
          %add3A_1102 = arith.constant 32 : i32
          %add3A_1103 = vector.broadcast %add3A_1102 : i32 to vector<16xi32>
          %add3A_1104 = arith.addi %add3A_1103, %select_n3A_218 : vector<16xi32>
          %add3A_1105 = arith.addi %add3A_1104, %get3A_583 : vector<16xi32>
          %gather3A_1106 = arith.constant 0 : i32
          %gather3A_1107 = arith.constant 0 : i32
          %gather3A_1108 = tpu.memref_slice %arg8[%scan3A_546, %gather3A_1106, %gather3A_1107] : memref<2x128x128xf32, #tpu.memory_space<vmem>> -> memref<1x128x128xf32, #tpu.memory_space<vmem>>
          %gather3A_1109 = tpu.memref_squeeze %gather3A_1108 : memref<1x128x128xf32, #tpu.memory_space<vmem>> -> memref<128x128xf32, #tpu.memory_space<vmem>>
          %gather3A_1110 = tpu.vector_load_idx %gather3A_1109[%add3A_578, %add3A_1105] : memref<128x128xf32, #tpu.memory_space<vmem>>[vector<16xi32>, vector<16xi32>], vector<16xf32>,
          %scatter3A_1111 = arith.constant 0 : i32
          %scatter3A_1112 = arith.constant 0 : i32
          %scatter3A_1113 = tpu.memref_slice %arg9[%scan3A_547, %scatter3A_1111, %scatter3A_1112] : memref<2x64x128xf32, #tpu.memory_space<vmem>> -> memref<1x64x128xf32, #tpu.memory_space<vmem>>
          %scatter3A_1114 = tpu.memref_squeeze %scatter3A_1113 : memref<1x64x128xf32, #tpu.memory_space<vmem>> -> memref<64x128xf32, #tpu.memory_space<vmem>>
          tpu.vector_store_idx %scatter3A_1114[%add3A_1104, %add3A_578], %gather3A_1110 : memref<64x128xf32, #tpu.memory_space<vmem>>[vector<16xi32>, vector<16xi32>], vector<16xf32>,
          %add3A_1115 = arith.constant 32 : i32
          %add3A_1116 = vector.broadcast %add3A_1115 : i32 to vector<16xi32>
          %add3A_1117 = arith.addi %add3A_1116, %select_n3A_243 : vector<16xi32>
          %add3A_1118 = arith.addi %add3A_1117, %get3A_583 : vector<16xi32>
          %gather3A_1119 = arith.constant 0 : i32
          %gather3A_1120 = arith.constant 0 : i32
          %gather3A_1121 = tpu.memref_slice %arg8[%scan3A_546, %gather3A_1119, %gather3A_1120] : memref<2x128x128xf32, #tpu.memory_space<vmem>> -> memref<1x128x128xf32, #tpu.memory_space<vmem>>
          %gather3A_1122 = tpu.memref_squeeze %gather3A_1121 : memref<1x128x128xf32, #tpu.memory_space<vmem>> -> memref<128x128xf32, #tpu.memory_space<vmem>>
          %gather3A_1123 = tpu.vector_load_idx %gather3A_1122[%add3A_578, %add3A_1118] : memref<128x128xf32, #tpu.memory_space<vmem>>[vector<16xi32>, vector<16xi32>], vector<16xf32>,
          %scatter3A_1124 = arith.constant 0 : i32
          %scatter3A_1125 = arith.constant 0 : i32
          %scatter3A_1126 = tpu.memref_slice %arg9[%scan3A_547, %scatter3A_1124, %scatter3A_1125] : memref<2x64x128xf32, #tpu.memory_space<vmem>> -> memref<1x64x128xf32, #tpu.memory_space<vmem>>
          %scatter3A_1127 = tpu.memref_squeeze %scatter3A_1126 : memref<1x64x128xf32, #tpu.memory_space<vmem>> -> memref<64x128xf32, #tpu.memory_space<vmem>>
          tpu.vector_store_idx %scatter3A_1127[%add3A_1117, %add3A_578], %gather3A_1123 : memref<64x128xf32, #tpu.memory_space<vmem>>[vector<16xi32>, vector<16xi32>], vector<16xf32>,
          %add3A_1128 = arith.constant 32 : i32
          %add3A_1129 = vector.broadcast %add3A_1128 : i32 to vector<16xi32>
          %add3A_1130 = arith.addi %add3A_1129, %select_n3A_268 : vector<16xi32>
          %add3A_1131 = arith.addi %add3A_1130, %get3A_583 : vector<16xi32>
          %gather3A_1132 = arith.constant 0 : i32
          %gather3A_1133 = arith.constant 0 : i32
          %gather3A_1134 = tpu.memref_slice %arg8[%scan3A_546, %gather3A_1132, %gather3A_1133] : memref<2x128x128xf32, #tpu.memory_space<vmem>> -> memref<1x128x128xf32, #tpu.memory_space<vmem>>
          %gather3A_1135 = tpu.memref_squeeze %gather3A_1134 : memref<1x128x128xf32, #tpu.memory_space<vmem>> -> memref<128x128xf32, #tpu.memory_space<vmem>>
          %gather3A_1136 = tpu.vector_load_idx %gather3A_1135[%add3A_578, %add3A_1131] : memref<128x128xf32, #tpu.memory_space<vmem>>[vector<16xi32>, vector<16xi32>], vector<16xf32>,
          %scatter3A_1137 = arith.constant 0 : i32
          %scatter3A_1138 = arith.constant 0 : i32
          %scatter3A_1139 = tpu.memref_slice %arg9[%scan3A_547, %scatter3A_1137, %scatter3A_1138] : memref<2x64x128xf32, #tpu.memory_space<vmem>> -> memref<1x64x128xf32, #tpu.memory_space<vmem>>
          %scatter3A_1140 = tpu.memref_squeeze %scatter3A_1139 : memref<1x64x128xf32, #tpu.memory_space<vmem>> -> memref<64x128xf32, #tpu.memory_space<vmem>>
          tpu.vector_store_idx %scatter3A_1140[%add3A_1130, %add3A_578], %gather3A_1136 : memref<64x128xf32, #tpu.memory_space<vmem>>[vector<16xi32>, vector<16xi32>], vector<16xf32>,
          %add3A_1141 = arith.constant 32 : i32
          %add3A_1142 = vector.broadcast %add3A_1141 : i32 to vector<16xi32>
          %add3A_1143 = arith.addi %add3A_1142, %select_n3A_293 : vector<16xi32>
          %add3A_1144 = arith.addi %add3A_1143, %get3A_583 : vector<16xi32>
          %gather3A_1145 = arith.constant 0 : i32
          %gather3A_1146 = arith.constant 0 : i32
          %gather3A_1147 = tpu.memref_slice %arg8[%scan3A_546, %gather3A_1145, %gather3A_1146] : memref<2x128x128xf32, #tpu.memory_space<vmem>> -> memref<1x128x128xf32, #tpu.memory_space<vmem>>
          %gather3A_1148 = tpu.memref_squeeze %gather3A_1147 : memref<1x128x128xf32, #tpu.memory_space<vmem>> -> memref<128x128xf32, #tpu.memory_space<vmem>>
          %gather3A_1149 = tpu.vector_load_idx %gather3A_1148[%add3A_578, %add3A_1144] : memref<128x128xf32, #tpu.memory_space<vmem>>[vector<16xi32>, vector<16xi32>], vector<16xf32>,
          %scatter3A_1150 = arith.constant 0 : i32
          %scatter3A_1151 = arith.constant 0 : i32
          %scatter3A_1152 = tpu.memref_slice %arg9[%scan3A_547, %scatter3A_1150, %scatter3A_1151] : memref<2x64x128xf32, #tpu.memory_space<vmem>> -> memref<1x64x128xf32, #tpu.memory_space<vmem>>
          %scatter3A_1153 = tpu.memref_squeeze %scatter3A_1152 : memref<1x64x128xf32, #tpu.memory_space<vmem>> -> memref<64x128xf32, #tpu.memory_space<vmem>>
          tpu.vector_store_idx %scatter3A_1153[%add3A_1143, %add3A_578], %gather3A_1149 : memref<64x128xf32, #tpu.memory_space<vmem>>[vector<16xi32>, vector<16xi32>], vector<16xf32>,
          %add3A_1154 = arith.constant 32 : i32
          %add3A_1155 = vector.broadcast %add3A_1154 : i32 to vector<16xi32>
          %add3A_1156 = arith.addi %add3A_1155, %select_n3A_318 : vector<16xi32>
          %add3A_1157 = arith.addi %add3A_1156, %get3A_583 : vector<16xi32>
          %gather3A_1158 = arith.constant 0 : i32
          %gather3A_1159 = arith.constant 0 : i32
          %gather3A_1160 = tpu.memref_slice %arg8[%scan3A_546, %gather3A_1158, %gather3A_1159] : memref<2x128x128xf32, #tpu.memory_space<vmem>> -> memref<1x128x128xf32, #tpu.memory_space<vmem>>
          %gather3A_1161 = tpu.memref_squeeze %gather3A_1160 : memref<1x128x128xf32, #tpu.memory_space<vmem>> -> memref<128x128xf32, #tpu.memory_space<vmem>>
          %gather3A_1162 = tpu.vector_load_idx %gather3A_1161[%add3A_578, %add3A_1157] : memref<128x128xf32, #tpu.memory_space<vmem>>[vector<16xi32>, vector<16xi32>], vector<16xf32>,
          %scatter3A_1163 = arith.constant 0 : i32
          %scatter3A_1164 = arith.constant 0 : i32
          %scatter3A_1165 = tpu.memref_slice %arg9[%scan3A_547, %scatter3A_1163, %scatter3A_1164] : memref<2x64x128xf32, #tpu.memory_space<vmem>> -> memref<1x64x128xf32, #tpu.memory_space<vmem>>
          %scatter3A_1166 = tpu.memref_squeeze %scatter3A_1165 : memref<1x64x128xf32, #tpu.memory_space<vmem>> -> memref<64x128xf32, #tpu.memory_space<vmem>>
          tpu.vector_store_idx %scatter3A_1166[%add3A_1156, %add3A_578], %gather3A_1162 : memref<64x128xf32, #tpu.memory_space<vmem>>[vector<16xi32>, vector<16xi32>], vector<16xf32>,
          %add3A_1167 = arith.constant 32 : i32
          %add3A_1168 = vector.broadcast %add3A_1167 : i32 to vector<16xi32>
          %add3A_1169 = arith.addi %add3A_1168, %select_n3A_343 : vector<16xi32>
          %add3A_1170 = arith.addi %add3A_1169, %get3A_583 : vector<16xi32>
          %gather3A_1171 = arith.constant 0 : i32
          %gather3A_1172 = arith.constant 0 : i32
          %gather3A_1173 = tpu.memref_slice %arg8[%scan3A_546, %gather3A_1171, %gather3A_1172] : memref<2x128x128xf32, #tpu.memory_space<vmem>> -> memref<1x128x128xf32, #tpu.memory_space<vmem>>
          %gather3A_1174 = tpu.memref_squeeze %gather3A_1173 : memref<1x128x128xf32, #tpu.memory_space<vmem>> -> memref<128x128xf32, #tpu.memory_space<vmem>>
          %gather3A_1175 = tpu.vector_load_idx %gather3A_1174[%add3A_578, %add3A_1170] : memref<128x128xf32, #tpu.memory_space<vmem>>[vector<16xi32>, vector<16xi32>], vector<16xf32>,
          %scatter3A_1176 = arith.constant 0 : i32
          %scatter3A_1177 = arith.constant 0 : i32
          %scatter3A_1178 = tpu.memref_slice %arg9[%scan3A_547, %scatter3A_1176, %scatter3A_1177] : memref<2x64x128xf32, #tpu.memory_space<vmem>> -> memref<1x64x128xf32, #tpu.memory_space<vmem>>
          %scatter3A_1179 = tpu.memref_squeeze %scatter3A_1178 : memref<1x64x128xf32, #tpu.memory_space<vmem>> -> memref<64x128xf32, #tpu.memory_space<vmem>>
          tpu.vector_store_idx %scatter3A_1179[%add3A_1169, %add3A_578], %gather3A_1175 : memref<64x128xf32, #tpu.memory_space<vmem>>[vector<16xi32>, vector<16xi32>], vector<16xf32>,
          %add3A_1180 = arith.constant 32 : i32
          %add3A_1181 = vector.broadcast %add3A_1180 : i32 to vector<16xi32>
          %add3A_1182 = arith.addi %add3A_1181, %select_n3A_368 : vector<16xi32>
          %add3A_1183 = arith.addi %add3A_1182, %get3A_583 : vector<16xi32>
          %gather3A_1184 = arith.constant 0 : i32
          %gather3A_1185 = arith.constant 0 : i32
          %gather3A_1186 = tpu.memref_slice %arg8[%scan3A_546, %gather3A_1184, %gather3A_1185] : memref<2x128x128xf32, #tpu.memory_space<vmem>> -> memref<1x128x128xf32, #tpu.memory_space<vmem>>
          %gather3A_1187 = tpu.memref_squeeze %gather3A_1186 : memref<1x128x128xf32, #tpu.memory_space<vmem>> -> memref<128x128xf32, #tpu.memory_space<vmem>>
          %gather3A_1188 = tpu.vector_load_idx %gather3A_1187[%add3A_578, %add3A_1183] : memref<128x128xf32, #tpu.memory_space<vmem>>[vector<16xi32>, vector<16xi32>], vector<16xf32>,
          %scatter3A_1189 = arith.constant 0 : i32
          %scatter3A_1190 = arith.constant 0 : i32
          %scatter3A_1191 = tpu.memref_slice %arg9[%scan3A_547, %scatter3A_1189, %scatter3A_1190] : memref<2x64x128xf32, #tpu.memory_space<vmem>> -> memref<1x64x128xf32, #tpu.memory_space<vmem>>
          %scatter3A_1192 = tpu.memref_squeeze %scatter3A_1191 : memref<1x64x128xf32, #tpu.memory_space<vmem>> -> memref<64x128xf32, #tpu.memory_space<vmem>>
          tpu.vector_store_idx %scatter3A_1192[%add3A_1182, %add3A_578], %gather3A_1188 : memref<64x128xf32, #tpu.memory_space<vmem>>[vector<16xi32>, vector<16xi32>], vector<16xf32>,
          %add3A_1193 = arith.constant 32 : i32
          %add3A_1194 = vector.broadcast %add3A_1193 : i32 to vector<16xi32>
          %add3A_1195 = arith.addi %add3A_1194, %select_n3A_393 : vector<16xi32>
          %add3A_1196 = arith.addi %add3A_1195, %get3A_583 : vector<16xi32>
          %gather3A_1197 = arith.constant 0 : i32
          %gather3A_1198 = arith.constant 0 : i32
          %gather3A_1199 = tpu.memref_slice %arg8[%scan3A_546, %gather3A_1197, %gather3A_1198] : memref<2x128x128xf32, #tpu.memory_space<vmem>> -> memref<1x128x128xf32, #tpu.memory_space<vmem>>
          %gather3A_1200 = tpu.memref_squeeze %gather3A_1199 : memref<1x128x128xf32, #tpu.memory_space<vmem>> -> memref<128x128xf32, #tpu.memory_space<vmem>>
          %gather3A_1201 = tpu.vector_load_idx %gather3A_1200[%add3A_578, %add3A_1196] : memref<128x128xf32, #tpu.memory_space<vmem>>[vector<16xi32>, vector<16xi32>], vector<16xf32>,
          %scatter3A_1202 = arith.constant 0 : i32
          %scatter3A_1203 = arith.constant 0 : i32
          %scatter3A_1204 = tpu.memref_slice %arg9[%scan3A_547, %scatter3A_1202, %scatter3A_1203] : memref<2x64x128xf32, #tpu.memory_space<vmem>> -> memref<1x64x128xf32, #tpu.memory_space<vmem>>
          %scatter3A_1205 = tpu.memref_squeeze %scatter3A_1204 : memref<1x64x128xf32, #tpu.memory_space<vmem>> -> memref<64x128xf32, #tpu.memory_space<vmem>>
          tpu.vector_store_idx %scatter3A_1205[%add3A_1195, %add3A_578], %gather3A_1201 : memref<64x128xf32, #tpu.memory_space<vmem>>[vector<16xi32>, vector<16xi32>], vector<16xf32>,
          %add3A_1206 = arith.constant 48 : i32
          %add3A_1207 = vector.broadcast %add3A_1206 : i32 to vector<16xi32>
          %add3A_1208 = arith.addi %add3A_1207, %select_n3A_18 : vector<16xi32>
          %add3A_1209 = arith.addi %add3A_1208, %get3A_583 : vector<16xi32>
          %gather3A_1210 = arith.constant 0 : i32
          %gather3A_1211 = arith.constant 0 : i32
          %gather3A_1212 = tpu.memref_slice %arg8[%scan3A_546, %gather3A_1210, %gather3A_1211] : memref<2x128x128xf32, #tpu.memory_space<vmem>> -> memref<1x128x128xf32, #tpu.memory_space<vmem>>
          %gather3A_1213 = tpu.memref_squeeze %gather3A_1212 : memref<1x128x128xf32, #tpu.memory_space<vmem>> -> memref<128x128xf32, #tpu.memory_space<vmem>>
          %gather3A_1214 = tpu.vector_load_idx %gather3A_1213[%add3A_578, %add3A_1209] : memref<128x128xf32, #tpu.memory_space<vmem>>[vector<16xi32>, vector<16xi32>], vector<16xf32>,
          %scatter3A_1215 = arith.constant 0 : i32
          %scatter3A_1216 = arith.constant 0 : i32
          %scatter3A_1217 = tpu.memref_slice %arg9[%scan3A_547, %scatter3A_1215, %scatter3A_1216] : memref<2x64x128xf32, #tpu.memory_space<vmem>> -> memref<1x64x128xf32, #tpu.memory_space<vmem>>
          %scatter3A_1218 = tpu.memref_squeeze %scatter3A_1217 : memref<1x64x128xf32, #tpu.memory_space<vmem>> -> memref<64x128xf32, #tpu.memory_space<vmem>>
          tpu.vector_store_idx %scatter3A_1218[%add3A_1208, %add3A_578], %gather3A_1214 : memref<64x128xf32, #tpu.memory_space<vmem>>[vector<16xi32>, vector<16xi32>], vector<16xf32>,
          %add3A_1219 = arith.constant 48 : i32
          %add3A_1220 = vector.broadcast %add3A_1219 : i32 to vector<16xi32>
          %add3A_1221 = arith.addi %add3A_1220, %select_n3A_43 : vector<16xi32>
          %add3A_1222 = arith.addi %add3A_1221, %get3A_583 : vector<16xi32>
          %gather3A_1223 = arith.constant 0 : i32
          %gather3A_1224 = arith.constant 0 : i32
          %gather3A_1225 = tpu.memref_slice %arg8[%scan3A_546, %gather3A_1223, %gather3A_1224] : memref<2x128x128xf32, #tpu.memory_space<vmem>> -> memref<1x128x128xf32, #tpu.memory_space<vmem>>
          %gather3A_1226 = tpu.memref_squeeze %gather3A_1225 : memref<1x128x128xf32, #tpu.memory_space<vmem>> -> memref<128x128xf32, #tpu.memory_space<vmem>>
          %gather3A_1227 = tpu.vector_load_idx %gather3A_1226[%add3A_578, %add3A_1222] : memref<128x128xf32, #tpu.memory_space<vmem>>[vector<16xi32>, vector<16xi32>], vector<16xf32>,
          %scatter3A_1228 = arith.constant 0 : i32
          %scatter3A_1229 = arith.constant 0 : i32
          %scatter3A_1230 = tpu.memref_slice %arg9[%scan3A_547, %scatter3A_1228, %scatter3A_1229] : memref<2x64x128xf32, #tpu.memory_space<vmem>> -> memref<1x64x128xf32, #tpu.memory_space<vmem>>
          %scatter3A_1231 = tpu.memref_squeeze %scatter3A_1230 : memref<1x64x128xf32, #tpu.memory_space<vmem>> -> memref<64x128xf32, #tpu.memory_space<vmem>>
          tpu.vector_store_idx %scatter3A_1231[%add3A_1221, %add3A_578], %gather3A_1227 : memref<64x128xf32, #tpu.memory_space<vmem>>[vector<16xi32>, vector<16xi32>], vector<16xf32>,
          %add3A_1232 = arith.constant 48 : i32
          %add3A_1233 = vector.broadcast %add3A_1232 : i32 to vector<16xi32>
          %add3A_1234 = arith.addi %add3A_1233, %select_n3A_68 : vector<16xi32>
          %add3A_1235 = arith.addi %add3A_1234, %get3A_583 : vector<16xi32>
          %gather3A_1236 = arith.constant 0 : i32
          %gather3A_1237 = arith.constant 0 : i32
          %gather3A_1238 = tpu.memref_slice %arg8[%scan3A_546, %gather3A_1236, %gather3A_1237] : memref<2x128x128xf32, #tpu.memory_space<vmem>> -> memref<1x128x128xf32, #tpu.memory_space<vmem>>
          %gather3A_1239 = tpu.memref_squeeze %gather3A_1238 : memref<1x128x128xf32, #tpu.memory_space<vmem>> -> memref<128x128xf32, #tpu.memory_space<vmem>>
          %gather3A_1240 = tpu.vector_load_idx %gather3A_1239[%add3A_578, %add3A_1235] : memref<128x128xf32, #tpu.memory_space<vmem>>[vector<16xi32>, vector<16xi32>], vector<16xf32>,
          %scatter3A_1241 = arith.constant 0 : i32
          %scatter3A_1242 = arith.constant 0 : i32
          %scatter3A_1243 = tpu.memref_slice %arg9[%scan3A_547, %scatter3A_1241, %scatter3A_1242] : memref<2x64x128xf32, #tpu.memory_space<vmem>> -> memref<1x64x128xf32, #tpu.memory_space<vmem>>
          %scatter3A_1244 = tpu.memref_squeeze %scatter3A_1243 : memref<1x64x128xf32, #tpu.memory_space<vmem>> -> memref<64x128xf32, #tpu.memory_space<vmem>>
          tpu.vector_store_idx %scatter3A_1244[%add3A_1234, %add3A_578], %gather3A_1240 : memref<64x128xf32, #tpu.memory_space<vmem>>[vector<16xi32>, vector<16xi32>], vector<16xf32>,
          %add3A_1245 = arith.constant 48 : i32
          %add3A_1246 = vector.broadcast %add3A_1245 : i32 to vector<16xi32>
          %add3A_1247 = arith.addi %add3A_1246, %select_n3A_93 : vector<16xi32>
          %add3A_1248 = arith.addi %add3A_1247, %get3A_583 : vector<16xi32>
          %gather3A_1249 = arith.constant 0 : i32
          %gather3A_1250 = arith.constant 0 : i32
          %gather3A_1251 = tpu.memref_slice %arg8[%scan3A_546, %gather3A_1249, %gather3A_1250] : memref<2x128x128xf32, #tpu.memory_space<vmem>> -> memref<1x128x128xf32, #tpu.memory_space<vmem>>
          %gather3A_1252 = tpu.memref_squeeze %gather3A_1251 : memref<1x128x128xf32, #tpu.memory_space<vmem>> -> memref<128x128xf32, #tpu.memory_space<vmem>>
          %gather3A_1253 = tpu.vector_load_idx %gather3A_1252[%add3A_578, %add3A_1248] : memref<128x128xf32, #tpu.memory_space<vmem>>[vector<16xi32>, vector<16xi32>], vector<16xf32>,
          %scatter3A_1254 = arith.constant 0 : i32
          %scatter3A_1255 = arith.constant 0 : i32
          %scatter3A_1256 = tpu.memref_slice %arg9[%scan3A_547, %scatter3A_1254, %scatter3A_1255] : memref<2x64x128xf32, #tpu.memory_space<vmem>> -> memref<1x64x128xf32, #tpu.memory_space<vmem>>
          %scatter3A_1257 = tpu.memref_squeeze %scatter3A_1256 : memref<1x64x128xf32, #tpu.memory_space<vmem>> -> memref<64x128xf32, #tpu.memory_space<vmem>>
          tpu.vector_store_idx %scatter3A_1257[%add3A_1247, %add3A_578], %gather3A_1253 : memref<64x128xf32, #tpu.memory_space<vmem>>[vector<16xi32>, vector<16xi32>], vector<16xf32>,
          %add3A_1258 = arith.constant 48 : i32
          %add3A_1259 = vector.broadcast %add3A_1258 : i32 to vector<16xi32>
          %add3A_1260 = arith.addi %add3A_1259, %select_n3A_118 : vector<16xi32>
          %add3A_1261 = arith.addi %add3A_1260, %get3A_583 : vector<16xi32>
          %gather3A_1262 = arith.constant 0 : i32
          %gather3A_1263 = arith.constant 0 : i32
          %gather3A_1264 = tpu.memref_slice %arg8[%scan3A_546, %gather3A_1262, %gather3A_1263] : memref<2x128x128xf32, #tpu.memory_space<vmem>> -> memref<1x128x128xf32, #tpu.memory_space<vmem>>
          %gather3A_1265 = tpu.memref_squeeze %gather3A_1264 : memref<1x128x128xf32, #tpu.memory_space<vmem>> -> memref<128x128xf32, #tpu.memory_space<vmem>>
          %gather3A_1266 = tpu.vector_load_idx %gather3A_1265[%add3A_578, %add3A_1261] : memref<128x128xf32, #tpu.memory_space<vmem>>[vector<16xi32>, vector<16xi32>], vector<16xf32>,
          %scatter3A_1267 = arith.constant 0 : i32
          %scatter3A_1268 = arith.constant 0 : i32
          %scatter3A_1269 = tpu.memref_slice %arg9[%scan3A_547, %scatter3A_1267, %scatter3A_1268] : memref<2x64x128xf32, #tpu.memory_space<vmem>> -> memref<1x64x128xf32, #tpu.memory_space<vmem>>
          %scatter3A_1270 = tpu.memref_squeeze %scatter3A_1269 : memref<1x64x128xf32, #tpu.memory_space<vmem>> -> memref<64x128xf32, #tpu.memory_space<vmem>>
          tpu.vector_store_idx %scatter3A_1270[%add3A_1260, %add3A_578], %gather3A_1266 : memref<64x128xf32, #tpu.memory_space<vmem>>[vector<16xi32>, vector<16xi32>], vector<16xf32>,
          %add3A_1271 = arith.constant 48 : i32
          %add3A_1272 = vector.broadcast %add3A_1271 : i32 to vector<16xi32>
          %add3A_1273 = arith.addi %add3A_1272, %select_n3A_143 : vector<16xi32>
          %add3A_1274 = arith.addi %add3A_1273, %get3A_583 : vector<16xi32>
          %gather3A_1275 = arith.constant 0 : i32
          %gather3A_1276 = arith.constant 0 : i32
          %gather3A_1277 = tpu.memref_slice %arg8[%scan3A_546, %gather3A_1275, %gather3A_1276] : memref<2x128x128xf32, #tpu.memory_space<vmem>> -> memref<1x128x128xf32, #tpu.memory_space<vmem>>
          %gather3A_1278 = tpu.memref_squeeze %gather3A_1277 : memref<1x128x128xf32, #tpu.memory_space<vmem>> -> memref<128x128xf32, #tpu.memory_space<vmem>>
          %gather3A_1279 = tpu.vector_load_idx %gather3A_1278[%add3A_578, %add3A_1274] : memref<128x128xf32, #tpu.memory_space<vmem>>[vector<16xi32>, vector<16xi32>], vector<16xf32>,
          %scatter3A_1280 = arith.constant 0 : i32
          %scatter3A_1281 = arith.constant 0 : i32
          %scatter3A_1282 = tpu.memref_slice %arg9[%scan3A_547, %scatter3A_1280, %scatter3A_1281] : memref<2x64x128xf32, #tpu.memory_space<vmem>> -> memref<1x64x128xf32, #tpu.memory_space<vmem>>
          %scatter3A_1283 = tpu.memref_squeeze %scatter3A_1282 : memref<1x64x128xf32, #tpu.memory_space<vmem>> -> memref<64x128xf32, #tpu.memory_space<vmem>>
          tpu.vector_store_idx %scatter3A_1283[%add3A_1273, %add3A_578], %gather3A_1279 : memref<64x128xf32, #tpu.memory_space<vmem>>[vector<16xi32>, vector<16xi32>], vector<16xf32>,
          %add3A_1284 = arith.constant 48 : i32
          %add3A_1285 = vector.broadcast %add3A_1284 : i32 to vector<16xi32>
          %add3A_1286 = arith.addi %add3A_1285, %select_n3A_168 : vector<16xi32>
          %add3A_1287 = arith.addi %add3A_1286, %get3A_583 : vector<16xi32>
          %gather3A_1288 = arith.constant 0 : i32
          %gather3A_1289 = arith.constant 0 : i32
          %gather3A_1290 = tpu.memref_slice %arg8[%scan3A_546, %gather3A_1288, %gather3A_1289] : memref<2x128x128xf32, #tpu.memory_space<vmem>> -> memref<1x128x128xf32, #tpu.memory_space<vmem>>
          %gather3A_1291 = tpu.memref_squeeze %gather3A_1290 : memref<1x128x128xf32, #tpu.memory_space<vmem>> -> memref<128x128xf32, #tpu.memory_space<vmem>>
          %gather3A_1292 = tpu.vector_load_idx %gather3A_1291[%add3A_578, %add3A_1287] : memref<128x128xf32, #tpu.memory_space<vmem>>[vector<16xi32>, vector<16xi32>], vector<16xf32>,
          %scatter3A_1293 = arith.constant 0 : i32
          %scatter3A_1294 = arith.constant 0 : i32
          %scatter3A_1295 = tpu.memref_slice %arg9[%scan3A_547, %scatter3A_1293, %scatter3A_1294] : memref<2x64x128xf32, #tpu.memory_space<vmem>> -> memref<1x64x128xf32, #tpu.memory_space<vmem>>
          %scatter3A_1296 = tpu.memref_squeeze %scatter3A_1295 : memref<1x64x128xf32, #tpu.memory_space<vmem>> -> memref<64x128xf32, #tpu.memory_space<vmem>>
          tpu.vector_store_idx %scatter3A_1296[%add3A_1286, %add3A_578], %gather3A_1292 : memref<64x128xf32, #tpu.memory_space<vmem>>[vector<16xi32>, vector<16xi32>], vector<16xf32>,
          %add3A_1297 = arith.constant 48 : i32
          %add3A_1298 = vector.broadcast %add3A_1297 : i32 to vector<16xi32>
          %add3A_1299 = arith.addi %add3A_1298, %select_n3A_193 : vector<16xi32>
          %add3A_1300 = arith.addi %add3A_1299, %get3A_583 : vector<16xi32>
          %gather3A_1301 = arith.constant 0 : i32
          %gather3A_1302 = arith.constant 0 : i32
          %gather3A_1303 = tpu.memref_slice %arg8[%scan3A_546, %gather3A_1301, %gather3A_1302] : memref<2x128x128xf32, #tpu.memory_space<vmem>> -> memref<1x128x128xf32, #tpu.memory_space<vmem>>
          %gather3A_1304 = tpu.memref_squeeze %gather3A_1303 : memref<1x128x128xf32, #tpu.memory_space<vmem>> -> memref<128x128xf32, #tpu.memory_space<vmem>>
          %gather3A_1305 = tpu.vector_load_idx %gather3A_1304[%add3A_578, %add3A_1300] : memref<128x128xf32, #tpu.memory_space<vmem>>[vector<16xi32>, vector<16xi32>], vector<16xf32>,
          %scatter3A_1306 = arith.constant 0 : i32
          %scatter3A_1307 = arith.constant 0 : i32
          %scatter3A_1308 = tpu.memref_slice %arg9[%scan3A_547, %scatter3A_1306, %scatter3A_1307] : memref<2x64x128xf32, #tpu.memory_space<vmem>> -> memref<1x64x128xf32, #tpu.memory_space<vmem>>
          %scatter3A_1309 = tpu.memref_squeeze %scatter3A_1308 : memref<1x64x128xf32, #tpu.memory_space<vmem>> -> memref<64x128xf32, #tpu.memory_space<vmem>>
          tpu.vector_store_idx %scatter3A_1309[%add3A_1299, %add3A_578], %gather3A_1305 : memref<64x128xf32, #tpu.memory_space<vmem>>[vector<16xi32>, vector<16xi32>], vector<16xf32>,
          %add3A_1310 = arith.constant 48 : i32
          %add3A_1311 = vector.broadcast %add3A_1310 : i32 to vector<16xi32>
          %add3A_1312 = arith.addi %add3A_1311, %select_n3A_218 : vector<16xi32>
          %add3A_1313 = arith.addi %add3A_1312, %get3A_583 : vector<16xi32>
          %gather3A_1314 = arith.constant 0 : i32
          %gather3A_1315 = arith.constant 0 : i32
          %gather3A_1316 = tpu.memref_slice %arg8[%scan3A_546, %gather3A_1314, %gather3A_1315] : memref<2x128x128xf32, #tpu.memory_space<vmem>> -> memref<1x128x128xf32, #tpu.memory_space<vmem>>
          %gather3A_1317 = tpu.memref_squeeze %gather3A_1316 : memref<1x128x128xf32, #tpu.memory_space<vmem>> -> memref<128x128xf32, #tpu.memory_space<vmem>>
          %gather3A_1318 = tpu.vector_load_idx %gather3A_1317[%add3A_578, %add3A_1313] : memref<128x128xf32, #tpu.memory_space<vmem>>[vector<16xi32>, vector<16xi32>], vector<16xf32>,
          %scatter3A_1319 = arith.constant 0 : i32
          %scatter3A_1320 = arith.constant 0 : i32
          %scatter3A_1321 = tpu.memref_slice %arg9[%scan3A_547, %scatter3A_1319, %scatter3A_1320] : memref<2x64x128xf32, #tpu.memory_space<vmem>> -> memref<1x64x128xf32, #tpu.memory_space<vmem>>
          %scatter3A_1322 = tpu.memref_squeeze %scatter3A_1321 : memref<1x64x128xf32, #tpu.memory_space<vmem>> -> memref<64x128xf32, #tpu.memory_space<vmem>>
          tpu.vector_store_idx %scatter3A_1322[%add3A_1312, %add3A_578], %gather3A_1318 : memref<64x128xf32, #tpu.memory_space<vmem>>[vector<16xi32>, vector<16xi32>], vector<16xf32>,
          %add3A_1323 = arith.constant 48 : i32
          %add3A_1324 = vector.broadcast %add3A_1323 : i32 to vector<16xi32>
          %add3A_1325 = arith.addi %add3A_1324, %select_n3A_243 : vector<16xi32>
          %add3A_1326 = arith.addi %add3A_1325, %get3A_583 : vector<16xi32>
          %gather3A_1327 = arith.constant 0 : i32
          %gather3A_1328 = arith.constant 0 : i32
          %gather3A_1329 = tpu.memref_slice %arg8[%scan3A_546, %gather3A_1327, %gather3A_1328] : memref<2x128x128xf32, #tpu.memory_space<vmem>> -> memref<1x128x128xf32, #tpu.memory_space<vmem>>
          %gather3A_1330 = tpu.memref_squeeze %gather3A_1329 : memref<1x128x128xf32, #tpu.memory_space<vmem>> -> memref<128x128xf32, #tpu.memory_space<vmem>>
          %gather3A_1331 = tpu.vector_load_idx %gather3A_1330[%add3A_578, %add3A_1326] : memref<128x128xf32, #tpu.memory_space<vmem>>[vector<16xi32>, vector<16xi32>], vector<16xf32>,
          %scatter3A_1332 = arith.constant 0 : i32
          %scatter3A_1333 = arith.constant 0 : i32
          %scatter3A_1334 = tpu.memref_slice %arg9[%scan3A_547, %scatter3A_1332, %scatter3A_1333] : memref<2x64x128xf32, #tpu.memory_space<vmem>> -> memref<1x64x128xf32, #tpu.memory_space<vmem>>
          %scatter3A_1335 = tpu.memref_squeeze %scatter3A_1334 : memref<1x64x128xf32, #tpu.memory_space<vmem>> -> memref<64x128xf32, #tpu.memory_space<vmem>>
          tpu.vector_store_idx %scatter3A_1335[%add3A_1325, %add3A_578], %gather3A_1331 : memref<64x128xf32, #tpu.memory_space<vmem>>[vector<16xi32>, vector<16xi32>], vector<16xf32>,
          %add3A_1336 = arith.constant 48 : i32
          %add3A_1337 = vector.broadcast %add3A_1336 : i32 to vector<16xi32>
          %add3A_1338 = arith.addi %add3A_1337, %select_n3A_268 : vector<16xi32>
          %add3A_1339 = arith.addi %add3A_1338, %get3A_583 : vector<16xi32>
          %gather3A_1340 = arith.constant 0 : i32
          %gather3A_1341 = arith.constant 0 : i32
          %gather3A_1342 = tpu.memref_slice %arg8[%scan3A_546, %gather3A_1340, %gather3A_1341] : memref<2x128x128xf32, #tpu.memory_space<vmem>> -> memref<1x128x128xf32, #tpu.memory_space<vmem>>
          %gather3A_1343 = tpu.memref_squeeze %gather3A_1342 : memref<1x128x128xf32, #tpu.memory_space<vmem>> -> memref<128x128xf32, #tpu.memory_space<vmem>>
          %gather3A_1344 = tpu.vector_load_idx %gather3A_1343[%add3A_578, %add3A_1339] : memref<128x128xf32, #tpu.memory_space<vmem>>[vector<16xi32>, vector<16xi32>], vector<16xf32>,
          %scatter3A_1345 = arith.constant 0 : i32
          %scatter3A_1346 = arith.constant 0 : i32
          %scatter3A_1347 = tpu.memref_slice %arg9[%scan3A_547, %scatter3A_1345, %scatter3A_1346] : memref<2x64x128xf32, #tpu.memory_space<vmem>> -> memref<1x64x128xf32, #tpu.memory_space<vmem>>
          %scatter3A_1348 = tpu.memref_squeeze %scatter3A_1347 : memref<1x64x128xf32, #tpu.memory_space<vmem>> -> memref<64x128xf32, #tpu.memory_space<vmem>>
          tpu.vector_store_idx %scatter3A_1348[%add3A_1338, %add3A_578], %gather3A_1344 : memref<64x128xf32, #tpu.memory_space<vmem>>[vector<16xi32>, vector<16xi32>], vector<16xf32>,
          %add3A_1349 = arith.constant 48 : i32
          %add3A_1350 = vector.broadcast %add3A_1349 : i32 to vector<16xi32>
          %add3A_1351 = arith.addi %add3A_1350, %select_n3A_293 : vector<16xi32>
          %add3A_1352 = arith.addi %add3A_1351, %get3A_583 : vector<16xi32>
          %gather3A_1353 = arith.constant 0 : i32
          %gather3A_1354 = arith.constant 0 : i32
          %gather3A_1355 = tpu.memref_slice %arg8[%scan3A_546, %gather3A_1353, %gather3A_1354] : memref<2x128x128xf32, #tpu.memory_space<vmem>> -> memref<1x128x128xf32, #tpu.memory_space<vmem>>
          %gather3A_1356 = tpu.memref_squeeze %gather3A_1355 : memref<1x128x128xf32, #tpu.memory_space<vmem>> -> memref<128x128xf32, #tpu.memory_space<vmem>>
          %gather3A_1357 = tpu.vector_load_idx %gather3A_1356[%add3A_578, %add3A_1352] : memref<128x128xf32, #tpu.memory_space<vmem>>[vector<16xi32>, vector<16xi32>], vector<16xf32>,
          %scatter3A_1358 = arith.constant 0 : i32
          %scatter3A_1359 = arith.constant 0 : i32
          %scatter3A_1360 = tpu.memref_slice %arg9[%scan3A_547, %scatter3A_1358, %scatter3A_1359] : memref<2x64x128xf32, #tpu.memory_space<vmem>> -> memref<1x64x128xf32, #tpu.memory_space<vmem>>
          %scatter3A_1361 = tpu.memref_squeeze %scatter3A_1360 : memref<1x64x128xf32, #tpu.memory_space<vmem>> -> memref<64x128xf32, #tpu.memory_space<vmem>>
          tpu.vector_store_idx %scatter3A_1361[%add3A_1351, %add3A_578], %gather3A_1357 : memref<64x128xf32, #tpu.memory_space<vmem>>[vector<16xi32>, vector<16xi32>], vector<16xf32>,
          %add3A_1362 = arith.constant 48 : i32
          %add3A_1363 = vector.broadcast %add3A_1362 : i32 to vector<16xi32>
          %add3A_1364 = arith.addi %add3A_1363, %select_n3A_318 : vector<16xi32>
          %add3A_1365 = arith.addi %add3A_1364, %get3A_583 : vector<16xi32>
          %gather3A_1366 = arith.constant 0 : i32
          %gather3A_1367 = arith.constant 0 : i32
          %gather3A_1368 = tpu.memref_slice %arg8[%scan3A_546, %gather3A_1366, %gather3A_1367] : memref<2x128x128xf32, #tpu.memory_space<vmem>> -> memref<1x128x128xf32, #tpu.memory_space<vmem>>
          %gather3A_1369 = tpu.memref_squeeze %gather3A_1368 : memref<1x128x128xf32, #tpu.memory_space<vmem>> -> memref<128x128xf32, #tpu.memory_space<vmem>>
          %gather3A_1370 = tpu.vector_load_idx %gather3A_1369[%add3A_578, %add3A_1365] : memref<128x128xf32, #tpu.memory_space<vmem>>[vector<16xi32>, vector<16xi32>], vector<16xf32>,
          %scatter3A_1371 = arith.constant 0 : i32
          %scatter3A_1372 = arith.constant 0 : i32
          %scatter3A_1373 = tpu.memref_slice %arg9[%scan3A_547, %scatter3A_1371, %scatter3A_1372] : memref<2x64x128xf32, #tpu.memory_space<vmem>> -> memref<1x64x128xf32, #tpu.memory_space<vmem>>
          %scatter3A_1374 = tpu.memref_squeeze %scatter3A_1373 : memref<1x64x128xf32, #tpu.memory_space<vmem>> -> memref<64x128xf32, #tpu.memory_space<vmem>>
          tpu.vector_store_idx %scatter3A_1374[%add3A_1364, %add3A_578], %gather3A_1370 : memref<64x128xf32, #tpu.memory_space<vmem>>[vector<16xi32>, vector<16xi32>], vector<16xf32>,
          %add3A_1375 = arith.constant 48 : i32
          %add3A_1376 = vector.broadcast %add3A_1375 : i32 to vector<16xi32>
          %add3A_1377 = arith.addi %add3A_1376, %select_n3A_343 : vector<16xi32>
          %add3A_1378 = arith.addi %add3A_1377, %get3A_583 : vector<16xi32>
          %gather3A_1379 = arith.constant 0 : i32
          %gather3A_1380 = arith.constant 0 : i32
          %gather3A_1381 = tpu.memref_slice %arg8[%scan3A_546, %gather3A_1379, %gather3A_1380] : memref<2x128x128xf32, #tpu.memory_space<vmem>> -> memref<1x128x128xf32, #tpu.memory_space<vmem>>
          %gather3A_1382 = tpu.memref_squeeze %gather3A_1381 : memref<1x128x128xf32, #tpu.memory_space<vmem>> -> memref<128x128xf32, #tpu.memory_space<vmem>>
          %gather3A_1383 = tpu.vector_load_idx %gather3A_1382[%add3A_578, %add3A_1378] : memref<128x128xf32, #tpu.memory_space<vmem>>[vector<16xi32>, vector<16xi32>], vector<16xf32>,
          %scatter3A_1384 = arith.constant 0 : i32
          %scatter3A_1385 = arith.constant 0 : i32
          %scatter3A_1386 = tpu.memref_slice %arg9[%scan3A_547, %scatter3A_1384, %scatter3A_1385] : memref<2x64x128xf32, #tpu.memory_space<vmem>> -> memref<1x64x128xf32, #tpu.memory_space<vmem>>
          %scatter3A_1387 = tpu.memref_squeeze %scatter3A_1386 : memref<1x64x128xf32, #tpu.memory_space<vmem>> -> memref<64x128xf32, #tpu.memory_space<vmem>>
          tpu.vector_store_idx %scatter3A_1387[%add3A_1377, %add3A_578], %gather3A_1383 : memref<64x128xf32, #tpu.memory_space<vmem>>[vector<16xi32>, vector<16xi32>], vector<16xf32>,
          %add3A_1388 = arith.constant 48 : i32
          %add3A_1389 = vector.broadcast %add3A_1388 : i32 to vector<16xi32>
          %add3A_1390 = arith.addi %add3A_1389, %select_n3A_368 : vector<16xi32>
          %add3A_1391 = arith.addi %add3A_1390, %get3A_583 : vector<16xi32>
          %gather3A_1392 = arith.constant 0 : i32
          %gather3A_1393 = arith.constant 0 : i32
          %gather3A_1394 = tpu.memref_slice %arg8[%scan3A_546, %gather3A_1392, %gather3A_1393] : memref<2x128x128xf32, #tpu.memory_space<vmem>> -> memref<1x128x128xf32, #tpu.memory_space<vmem>>
          %gather3A_1395 = tpu.memref_squeeze %gather3A_1394 : memref<1x128x128xf32, #tpu.memory_space<vmem>> -> memref<128x128xf32, #tpu.memory_space<vmem>>
          %gather3A_1396 = tpu.vector_load_idx %gather3A_1395[%add3A_578, %add3A_1391] : memref<128x128xf32, #tpu.memory_space<vmem>>[vector<16xi32>, vector<16xi32>], vector<16xf32>,
          %scatter3A_1397 = arith.constant 0 : i32
          %scatter3A_1398 = arith.constant 0 : i32
          %scatter3A_1399 = tpu.memref_slice %arg9[%scan3A_547, %scatter3A_1397, %scatter3A_1398] : memref<2x64x128xf32, #tpu.memory_space<vmem>> -> memref<1x64x128xf32, #tpu.memory_space<vmem>>
          %scatter3A_1400 = tpu.memref_squeeze %scatter3A_1399 : memref<1x64x128xf32, #tpu.memory_space<vmem>> -> memref<64x128xf32, #tpu.memory_space<vmem>>
          tpu.vector_store_idx %scatter3A_1400[%add3A_1390, %add3A_578], %gather3A_1396 : memref<64x128xf32, #tpu.memory_space<vmem>>[vector<16xi32>, vector<16xi32>], vector<16xf32>,
          %add3A_1401 = arith.constant 48 : i32
          %add3A_1402 = vector.broadcast %add3A_1401 : i32 to vector<16xi32>
          %add3A_1403 = arith.addi %add3A_1402, %select_n3A_393 : vector<16xi32>
          %add3A_1404 = arith.addi %add3A_1403, %get3A_583 : vector<16xi32>
          %gather3A_1405 = arith.constant 0 : i32
          %gather3A_1406 = arith.constant 0 : i32
          %gather3A_1407 = tpu.memref_slice %arg8[%scan3A_546, %gather3A_1405, %gather3A_1406] : memref<2x128x128xf32, #tpu.memory_space<vmem>> -> memref<1x128x128xf32, #tpu.memory_space<vmem>>
          %gather3A_1408 = tpu.memref_squeeze %gather3A_1407 : memref<1x128x128xf32, #tpu.memory_space<vmem>> -> memref<128x128xf32, #tpu.memory_space<vmem>>
          %gather3A_1409 = tpu.vector_load_idx %gather3A_1408[%add3A_578, %add3A_1404] : memref<128x128xf32, #tpu.memory_space<vmem>>[vector<16xi32>, vector<16xi32>], vector<16xf32>,
          %scatter3A_1410 = arith.constant 0 : i32
          %scatter3A_1411 = arith.constant 0 : i32
          %scatter3A_1412 = tpu.memref_slice %arg9[%scan3A_547, %scatter3A_1410, %scatter3A_1411] : memref<2x64x128xf32, #tpu.memory_space<vmem>> -> memref<1x64x128xf32, #tpu.memory_space<vmem>>
          %scatter3A_1413 = tpu.memref_squeeze %scatter3A_1412 : memref<1x64x128xf32, #tpu.memory_space<vmem>> -> memref<64x128xf32, #tpu.memory_space<vmem>>
          tpu.vector_store_idx %scatter3A_1413[%add3A_1403, %add3A_578], %gather3A_1409 : memref<64x128xf32, #tpu.memory_space<vmem>>[vector<16xi32>, vector<16xi32>], vector<16xf32>,
        }
        %scan3A_552 = arith.constant 8 : i32
        %add3A_553 = arith.constant 1 : i32
        %add3A_554 = arith.addi %add3A_466, %add3A_553 : i32
        %dma_start3A_555 = arith.constant 1 : i32
        %dma_start3A_556 = arith.constant 0 : i32
        %dma_start3A_557 = arith.constant 0 : i32
        %dma_start3A_558 = tpu.memref_slice %arg9[%dma_start3A_555, %dma_start3A_556, %dma_start3A_557] : memref<2x64x128xf32, #tpu.memory_space<vmem>> -> memref<1x64x128xf32, #tpu.memory_space<vmem>>
        %dma_start3A_559 = tpu.memref_squeeze %dma_start3A_558 : memref<1x64x128xf32, #tpu.memory_space<vmem>> -> memref<64x128xf32, #tpu.memory_space<vmem>>
        %dma_start3A_560 = arith.constant 0 : i32
        %dma_start3A_561 = tpu.memref_slice %arg4[%add3A_554, %dma_start3A_560, %mul3A_407] : memref<50x64x16384xf32, #tpu.memory_space<hbm>> -> memref<1x64x128xf32, #tpu.memory_space<hbm>>
        %dma_start3A_562 = tpu.memref_squeeze %dma_start3A_561 : memref<1x64x128xf32, #tpu.memory_space<hbm>> -> memref<64x128xf32, #tpu.memory_space<hbm>>
        %dma_start3A_563 = arith.constant 0 : i32
        %dma_start3A_564 = tpu.memref_slice %arg4[%add3A_554, %dma_start3A_563, %mul3A_407] : memref<50x64x16384xf32, #tpu.memory_space<hbm>> -> memref<1x64x128xf32, #tpu.memory_space<hbm>>
        %dma_start3A_565 = tpu.memref_squeeze %dma_start3A_564 : memref<1x64x128xf32, #tpu.memory_space<hbm>> -> memref<64x128xf32, #tpu.memory_space<hbm>>
        %dma_start3A_566 = arith.constant 0 : i32
        %dma_start3A_567 = arith.constant 0 : i32
        %dma_start3A_568 = tpu.memref_slice %arg9[%dma_start3A_555, %dma_start3A_566, %dma_start3A_567] : memref<2x64x128xf32, #tpu.memory_space<vmem>> -> memref<1x64x128xf32, #tpu.memory_space<vmem>>
        %dma_start3A_569 = tpu.memref_squeeze %dma_start3A_568 : memref<1x64x128xf32, #tpu.memory_space<vmem>> -> memref<64x128xf32, #tpu.memory_space<vmem>>
        tpu.enqueue_dma source(%dma_start3A_569 : memref<64x128xf32, #tpu.memory_space<vmem>>) target(%dma_start3A_565 : memref<64x128xf32, #tpu.memory_space<hbm>>) target_semaphore(%arg13 : memref<!tpu.dma_semaphore, #tpu.memory_space<semaphore_mem>>)
      }
      %scan3A_430 = arith.constant 25 : i32
      %dma_wait3A = arith.constant 0 : i32
      %dma_wait3A_431 = arith.constant 48 : i32
      %dma_wait3A_432 = arith.constant 0 : i32
      %dma_wait3A_433 = arith.constant 0 : i32
      %dma_wait3A_434 = tpu.memref_slice %arg9[%dma_wait3A, %dma_wait3A_432, %dma_wait3A_433] : memref<2x64x128xf32, #tpu.memory_space<vmem>> -> memref<1x64x128xf32, #tpu.memory_space<vmem>>
      %dma_wait3A_435 = tpu.memref_squeeze %dma_wait3A_434 : memref<1x64x128xf32, #tpu.memory_space<vmem>> -> memref<64x128xf32, #tpu.memory_space<vmem>>
      %dma_wait3A_436 = arith.constant 0 : i32
      %dma_wait3A_437 = tpu.memref_slice %arg4[%dma_wait3A_431, %dma_wait3A_436, %mul3A_407] : memref<50x64x16384xf32, #tpu.memory_space<hbm>> -> memref<1x64x128xf32, #tpu.memory_space<hbm>>
      %dma_wait3A_438 = tpu.memref_squeeze %dma_wait3A_437 : memref<1x64x128xf32, #tpu.memory_space<hbm>> -> memref<64x128xf32, #tpu.memory_space<hbm>>
      %dma_wait3A_439 = arith.constant 0 : i32
      %dma_wait3A_440 = tpu.memref_slice %arg4[%dma_wait3A_431, %dma_wait3A_439, %mul3A_407] : memref<50x64x16384xf32, #tpu.memory_space<hbm>> -> memref<1x64x128xf32, #tpu.memory_space<hbm>>
      %dma_wait3A_441 = tpu.memref_squeeze %dma_wait3A_440 : memref<1x64x128xf32, #tpu.memory_space<hbm>> -> memref<64x128xf32, #tpu.memory_space<hbm>>
      %dma_wait3A_442 = arith.constant 0 : i32
      %dma_wait3A_443 = arith.constant 0 : i32
      %dma_wait3A_444 = tpu.memref_slice %arg9[%dma_wait3A, %dma_wait3A_442, %dma_wait3A_443] : memref<2x64x128xf32, #tpu.memory_space<vmem>> -> memref<1x64x128xf32, #tpu.memory_space<vmem>>
      %dma_wait3A_445 = tpu.memref_squeeze %dma_wait3A_444 : memref<1x64x128xf32, #tpu.memory_space<vmem>> -> memref<64x128xf32, #tpu.memory_space<vmem>>
      tpu.wait_dma2 semaphore(%arg12 : memref<!tpu.dma_semaphore, #tpu.memory_space<semaphore_mem>>) src(%dma_wait3A_445 : memref<64x128xf32, #tpu.memory_space<vmem>>) dst(%dma_wait3A_441 : memref<64x128xf32, #tpu.memory_space<hbm>>)
      %dma_wait3A_446 = arith.constant 1 : i32
      %dma_wait3A_447 = arith.constant 49 : i32
      %dma_wait3A_448 = arith.constant 0 : i32
      %dma_wait3A_449 = arith.constant 0 : i32
      %dma_wait3A_450 = tpu.memref_slice %arg9[%dma_wait3A_446, %dma_wait3A_448, %dma_wait3A_449] : memref<2x64x128xf32, #tpu.memory_space<vmem>> -> memref<1x64x128xf32, #tpu.memory_space<vmem>>
      %dma_wait3A_451 = tpu.memref_squeeze %dma_wait3A_450 : memref<1x64x128xf32, #tpu.memory_space<vmem>> -> memref<64x128xf32, #tpu.memory_space<vmem>>
      %dma_wait3A_452 = arith.constant 0 : i32
      %dma_wait3A_453 = tpu.memref_slice %arg4[%dma_wait3A_447, %dma_wait3A_452, %mul3A_407] : memref<50x64x16384xf32, #tpu.memory_space<hbm>> -> memref<1x64x128xf32, #tpu.memory_space<hbm>>
      %dma_wait3A_454 = tpu.memref_squeeze %dma_wait3A_453 : memref<1x64x128xf32, #tpu.memory_space<hbm>> -> memref<64x128xf32, #tpu.memory_space<hbm>>
      %dma_wait3A_455 = arith.constant 0 : i32
      %dma_wait3A_456 = tpu.memref_slice %arg4[%dma_wait3A_447, %dma_wait3A_455, %mul3A_407] : memref<50x64x16384xf32, #tpu.memory_space<hbm>> -> memref<1x64x128xf32, #tpu.memory_space<hbm>>
      %dma_wait3A_457 = tpu.memref_squeeze %dma_wait3A_456 : memref<1x64x128xf32, #tpu.memory_space<hbm>> -> memref<64x128xf32, #tpu.memory_space<hbm>>
      %dma_wait3A_458 = arith.constant 0 : i32
      %dma_wait3A_459 = arith.constant 0 : i32
      %dma_wait3A_460 = tpu.memref_slice %arg9[%dma_wait3A_446, %dma_wait3A_458, %dma_wait3A_459] : memref<2x64x128xf32, #tpu.memory_space<vmem>> -> memref<1x64x128xf32, #tpu.memory_space<vmem>>
      %dma_wait3A_461 = tpu.memref_squeeze %dma_wait3A_460 : memref<1x64x128xf32, #tpu.memory_space<vmem>> -> memref<64x128xf32, #tpu.memory_space<vmem>>
      tpu.wait_dma2 semaphore(%arg13 : memref<!tpu.dma_semaphore, #tpu.memory_space<semaphore_mem>>) src(%dma_wait3A_461 : memref<64x128xf32, #tpu.memory_space<vmem>>) dst(%dma_wait3A_457 : memref<64x128xf32, #tpu.memory_space<hbm>>)
    }
    %scan3A_397 = arith.constant 4 : i32
    return
  }
}

</mosaic_0001>

<sc_bundles>
// kernel: kernel.3.cloned.1.call-start
scs
__scs_entry_jumppad:
0x0: {  	(pc) =	sbr.rel $0x88, $3  }
0x1: {  	(tag) =	ssettag $0x0;
	lr =	simm.s32 $0x1  }
0x2: {  	[smem:$0x3F9F] =	sst lr;
	_ =	strace $0xD0000000  }
0x3: {  	_ = 	snop  }
0x4: {  	_ = 	snop  }
0x5: {  	_ = 	snop  }
0x6: {  	_ = 	snop  }
0x7: {  	_ = 	snop  }
__scs_overlays_trampoline_lowered:
0x8: {  	[smem:$0x3FAE] =	sst s0  }
0x9: {  	[smem:$0x3FAF] =	sst s1  }
0xa: {  	[smem:$0x3FB0] =	sst s2  }
0xb: {  	[smem:$0x3FB1] =	sst s3  }
0xc: {  	[smem:$0x3FB2] =	sst s4  }
0xd: {  	[smem:$0x3FB3] =	sst s5  }
0xe: {  	[smem:$0x3FB4] =	sst s6  }
0xf: {  	[smem:$0x3FB5] =	sst s7  }
0x10: {  	[smem:$0x3FB6] =	sst s8  }
0x11: {  	[smem:$0x3FB7] =	sst s9;
	s0 =	simm.s32 @!p0 $0x0  }
0x12: {  	s1 =	sld [smem:$0x3F9D];
	s0 =	simm.s32 @p0 $0x1  }
0x13: {  	[smem:$0x3FB8] =	sst s0;
	s0 =	simm.s32 @!p1 $0x0  }
0x14: {  	s2 =	sld [smem:$0x3F9C];
	s0 =	simm.s32 @p1 $0x1  }
0x15: {  	[smem:$0x3FB9] =	sst s0;
	s0 =	simm.s32 @!p2 $0x0  }
0x16: {  	s3 =	sld [smem:$0x3FDB];
	s0 =	simm.s32 @p2 $0x1  }
0x17: {  	s4 =	simm.s32 $0x1BF5;
	[smem:$0x3FBB] =	sst s0  }
0x18: {  	s0 =	sld [smem:$0x3F9E];
	_ =	swait.ge [sflag:s4], $0x0  }
0x19: {  	s7 =	sld [smem:$0x3F9F]  }
0x1a: {  	s8 =	sadd.s32 $0xFFFFE003, lr  }
0x1b: {  	s9 =	sadd.s32 $0xFFFFFEF7, lr;
	s5 =	simm.s32 $0xFFFFFFFF;
	p2 =	slt.u32 s8, $0xFFFFF086  }
0x1c: {  	p1 =	slt.u32 s9, $0xF7A;
	s5 =	simm.s32 @!p2 $0x0  }
0x1d: {  	s5 =	simm.s32 @p1 $0x1;
	p0 =	seq.s32 s7, s2  }
0x1e: {  	s7 =	smul.u32 @!p0 $0xF7A, s2;
	p2 =	seq.s32 @!p0 s5, $0x0  }
0x1f: {  	s9 =	smul.u32 $0xF7A, s1;
	s8 =	simm.s32 @!p0 $0x1BF5;
	p2 =	por !p2, p0  }
0x20: {  	[sflag:s8] =	ssyncset.s32 @!p0 $0xFFFFF086;
	s6 =	sadd.s32 @!p0 s3, s7;
	s7 =	simm.s32 @!p0 $0x108  }
0x21: {  	s3 =	sadd.s32 s3, s9;
	s6 =	sadd.s32 @!p0 $0x88, s6;
	s7 =	simm.s32 @p2 $0x1082  }
0x22: {  	[simem:s7], [sflag:s8] =	dma.local @!p0 [hbm:s6], $0xF7A  }
0x23: {  	s9 =	sor.u32 $0xD0000000, s2;
	s6 =	simm.s32 $0x108;
	_ =	swait.ge @!p0 [sflag:s8], $0x0  }
0x24: {  	s3 =	sadd.s32 $0x88, s3;
	s6 =	simm.s32 @!p1 $0x1082;
	[sflag:s4] =	ssyncset.s32 $0xFFFFF086  }
0x25: {  	[simem:s6], [sflag:s4] =	dma.local [hbm:s3], $0xF7A  }
0x26: {  	[smem:$0x3F9F] =	sst s1;
	(tag) =	ssettag s2;
	_ =	strace s9  }
0x27: {  	s1 =	sld [smem:$0x3FAF]  }
0x28: {  	s2 =	sld [smem:$0x3FB0]  }
0x29: {  	s4 =	sld [smem:$0x3FB2]  }
0x2a: {  	p0 =	seq.s32 s5, $0x0;
	s5 =	sld [smem:$0x3FB3]  }
0x2b: {  	s6 =	sld [smem:$0x3FB4]  }
0x2c: {  	s7 =	sld [smem:$0x3FB5]  }
0x2d: {  	s3 =	simm.s32 $0x108;
	s8 =	sld [smem:$0x3FB6]  }
0x2e: {  	s3 =	simm.s32 @!p0 $0x1082;
	s9 =	sld [smem:$0x3FB7]  }
0x2f: {  	lr =	sadd.s32 s0, s3;
	s0 =	sld [smem:$0x3FAE]  }
0x30: {  	s3 =	sld [smem:$0x3FB1]  }
0x31: {  	[smem:$0x3FBA] =	sst s10  }
0x32: {  	s10 =	sld [smem:$0x3FB8];
	_ =	sdelay $0x3  }
0x33: {  	p0 =	seq.s32 s10, $0x1;
	s10 =	sld [smem:$0x3FBA];
	_ =	sdelay $0x3  }
0x34: {  	[smem:$0x3FBA] =	sst s10  }
0x35: {  	s10 =	sld [smem:$0x3FB9];
	_ =	sdelay $0x3  }
0x36: {  	p1 =	seq.s32 s10, $0x1;
	s10 =	sld [smem:$0x3FBA];
	_ =	sdelay $0x3  }
0x37: {  	[smem:$0x3FBA] =	sst s10  }
0x38: {  	s10 =	sld [smem:$0x3FBB]  }
0x39: {  	_ = 	snop;
	(pc) =	sbr.ind lr, $3  }
0x3a: {  	_ = 	snop  }
0x3b: {  	_ = 	snop  }
0x3c: {  	p2 =	seq.s32 s10, $0x1;
	s10 =	sld [smem:$0x3FBA]  }
0x3d: {  	_ =	shalt  }
0x3e: {  	_ =	shalt  }
0x3f: {  	_ =	shalt  }
0x40: {  	_ =	shalt  }
0x41: {  	_ =	shalt  }
0x42: {  	_ =	shalt  }
0x43: {  	_ =	shalt  }
0x44: {  	_ =	shalt  }
0x45: {  	_ =	shalt  }
0x46: {  	_ =	shalt  }
0x47: {  	_ =	shalt  }
0x48: {  	_ =	shalt  }
0x49: {  	_ =	shalt  }
0x4a: {  	_ =	shalt  }
0x4b: {  	_ =	shalt  }
0x4c: {  	_ =	shalt  }
0x4d: {  	_ =	shalt  }
0x4e: {  	_ =	shalt  }
0x4f: {  	_ =	shalt  }
0x50: {  	_ =	shalt  }
0x51: {  	_ =	shalt  }
0x52: {  	_ =	shalt  }
0x53: {  	_ =	shalt  }
0x54: {  	_ =	shalt  }
0x55: {  	_ =	shalt  }
0x56: {  	_ =	shalt  }
0x57: {  	_ =	shalt  }
0x58: {  	_ =	shalt  }
0x59: {  	_ =	shalt  }
0x5a: {  	_ =	shalt  }
0x5b: {  	_ =	shalt  }
0x5c: {  	_ =	shalt  }
0x5d: {  	_ =	shalt  }
0x5e: {  	_ =	shalt  }
0x5f: {  	_ =	shalt  }
0x60: {  	_ =	shalt  }
0x61: {  	_ =	shalt  }
0x62: {  	_ =	shalt  }
0x63: {  	_ =	shalt  }
0x64: {  	_ =	shalt  }
0x65: {  	_ =	shalt  }
0x66: {  	_ =	shalt  }
0x67: {  	_ =	shalt  }
0x68: {  	_ =	shalt  }
0x69: {  	_ =	shalt  }
0x6a: {  	_ =	shalt  }
0x6b: {  	_ =	shalt  }
0x6c: {  	_ =	shalt  }
0x6d: {  	_ =	shalt  }
0x6e: {  	_ =	shalt  }
0x6f: {  	_ =	shalt  }
0x70: {  	_ =	shalt  }
0x71: {  	_ =	shalt  }
0x72: {  	_ =	shalt  }
0x73: {  	_ =	shalt  }
0x74: {  	_ =	shalt  }
0x75: {  	_ =	shalt  }
0x76: {  	_ =	shalt  }
0x77: {  	_ =	shalt  }
0x78: {  	_ =	shalt  }
0x79: {  	_ =	shalt  }
0x7a: {  	_ =	shalt  }
0x7b: {  	_ =	shalt  }
0x7c: {  	_ =	shalt  }
0x7d: {  	_ =	shalt  }
0x7e: {  	_ =	shalt  }
0x7f: {  	_ =	shalt  }
0x80: {  	_ =	shalt  }
0x81: {  	_ =	shalt  }
0x82: {  	_ =	shalt  }
0x83: {  	_ =	shalt  }
0x84: {  	_ =	shalt  }
0x85: {  	_ =	shalt  }
0x86: {  	_ =	shalt  }
0x87: {  	_ =	shalt  }
.Lfunc_end0:
.L_simem_size_0:
called_computation_lowered:
.L_overlay_start_0:
0x88: {  	s2 =	sld [smem:$0x3FD9]  }
0x89: {  	s3 =	sld [smem:$0x3FFE];
	_ =	sdelay $0x1  }
0x8a: {  	s1 =	srdreg.scid  }
0x8b: {  	s0 =	sand.u32 $0x1, s1  }
0x8c: {  	s17 =	sshll.u32 s0, $0xA;
	s2 =	sadd.s32 s3, s2  }
0x8d: {  	s2 =	sadd.s32 s2, s17  }
0x8e: {  	[smem:$0x3FC6] =	sst s2  }
0x8f: {  	_ = 	snop  }
0x90: {  	s2 =	sld [smem:$0x3FD0];
	(tm) =	ssettm $0x1  }
0x91: {  	s18 =	sld [smem:$0x3FFB];
	_ =	sdelay $0x3  }
0x92: {  	_ =	strace s18  }
0x93: {  	s3 =	sld [smem:$0x3FFC];
	_ =	sdelay $0x3  }
0x94: {  	_ =	strace s3  }
0x95: {  	s3 =	sld [smem:$0x3FFD];
	_ =	sdelay $0x3  }
0x96: {  	_ =	strace s3  }
0x97: {  	_ =	strace $0x8FFFFFFF  }
0x98: {  	s19 =	sld [smem:$0x3FDB];
	_ =	sdelay $0x1  }
0x99: {  	s4 =	simm.s32 $_scs_section_size  }
0x9a: {  	s5 =	simm.s32 $_size__tile_overlayer_lowered;
	s6 =	simm.s32 $_tile_overlayer_lowered  }
0x9b: {  	s22 =	simm.s32 $0x1BFF;
	s21 =	sshll.u32 s6, $0x1;
	s3 =	sadd.s32 s4, s19  }
0x9c: {  	s7 =	simm.s32 $0x0;
	s20 =	sshll.u32 s5, $0x1;
	s5 =	sadd.s32 s21, s3  }
0x9d: {  	[timem:s7], [sflag:s22] =	dma.local [hbm:s5], s20  }
0x9e: {  	_ =	swait.ge [sflag:s22], s20  }
0x9f: {  	s4 =	ssub.s32 $0x0, s20;
	[sflag:s22] =	ssyncset.done $0x0  }
0xa0: {  	[sflag:s22] =	ssyncadd.s32 s4;
	_ =	sdelay $0x1  }
0xa1: {  	s23 =	simm.s32 $0x1B8B  }
0xa2: {  	_ =	swait.ge [sflag:s23], $0x1  }
0xa3: {  	[sflag:s23] =	ssyncset.done $0x0  }
0xa4: {  	s25 =	simm.s32 $0x1B8E;
	s24 =	sld [smem:$0x3FFE];
	[sflag:s23] =	ssyncadd.s32 $0xFFFFFFFF  }
0xa5: {  	s26 =	simm.s32 $execute0_lowered;
	[smem:$0x3FD2] =	sst s25  }
0xa6: {  	s5 =	sshll.u32 s26, $0x1;
	_ =	strace $0x80000046;
	[dreg:$0x1] =	wrdreg $0xFFFFFFFF  }
0xa7: {  	s28 =	simm.s32 $_size_execute0_lowered;
	s3 =	sadd.s32 s3, s5;
	[dreg:$0x0] =	wrdreg $0x0  }
0xa8: {  	s5 =	sshll.u32 s28, $0x1;
	[dreg:$0x2] =	wrdreg s3  }
0xa9: {  	[dreg:$0x3] =	wrdreg s5  }
0xaa: {  	[dreg:$0x4] =	wrdreg $0xC0  }
0xab: {  	_ =	task [dreg:s7], $0x5FFFF  }
0xac: {  	[dreg:$0x1] =	wrdreg $0xFFFFFFFF  }
0xad: {  	[dreg:$0x0] =	wrdreg $0x60  }
0xae: {  	[dreg:$0x2] =	wrdreg s24  }
0xaf: {  	[dreg:$0x3] =	wrdreg s2  }
0xb0: {  	[dreg:$0x4] =	wrdreg $0x9  }
0xb1: {  	_ =	task.clear_ibuf [dreg:s7], $0x5FFFF;
	_ =	strace $0x90000046  }
0xb2: {  	s29 =	simm.s32 $0x9;
	_ =	strace $0x80000048  }
0xb3: {  	_ =	swait.ge [sflag:s29], $0x1  }
0xb4: {  	[sflag:s29] =	ssyncadd.s32 $0xFFFFFFFF  }
0xb5: {  	_ =	strace $0x90000048  }
0xb6: {  	_ =	sfence  }
0xb7: {  	s30 =	sld [smem:$0x0];
	_ =	sdelay $0x2  }
0xb8: {  	s31 =	sshll.u32 s1, $0xD;
	s1 =	sshrl.u32 s1, $0x2  }
0xb9: {  	s3 =	sand.u32 $0x4000, s31;
	s1 =	sadd.s32 s1, s30  }
0xba: {  	s0 =	sor.u32 s3, s0;
	s1 =	sshll.u32 s1, $0x11  }
0xbb: {  	s0 =	sor.u32 s1, s0  }
0xbc: {  	s0 =	sadd.s32 $0x8F2B, s0  }
0xbd: {  	[sflag:s0] =	ssyncadd.remote.s32 $0x1  }
0xbe: {  	_ =	sfence.sel $0xFFFF  }
0xbf: {  	[dreg:$0x0] =	wrdreg $0xFFFFFFFF;
	(pc) =	sbr.abs _section_cstart, $3  }
0xc0: {  	[dreg:$0x1] =	wrdreg $0xFFFFFFFF  }
0xc1: {  	_ =	task.clear_ibuf [dreg:s7], $0x2FFFF;
	_ =	strace $0x9FFFFFFF  }
0xc2: {  	(tm) =	ssettm $0x7FFFFFFF  }
0xc3: {  	_ =	shalt  }
tec
execute0_lowered:
.L_overlay_start_1:
0x0: {  	(tag) =	ssettag $0x1  }
0x1: {  	v0 =	vimm.s32 $0xFEDCBA9;
	v1 =	vimm.s32 $0x87654321  }
0x2: {  	vm14 =	vcmask $0x300;
	v2 =	vimm.s32 $0xF;
	vm13 =	vcmask $0x704  }
0x3: {  	vm12 =	vcmask $0xB08;
	vm11 =	vcmask $0xF0C;
	vm10 =	vcmask $0x1310  }
0x4: {  	vm9 =	vcmask $0x1714;
	vm8 =	vcmask $0x1B18;
	vm7 =	vcmask $0x1F1C  }
0x5: {  	vm5 =	vcmask $0x2320;
	vm6 =	vcmask $0x2724;
	vm4 =	vcmask $0x2B28  }
0x6: {  	vm2 =	vcmask $0x2F2C;
	vm3 =	vcmask $0x3330;
	vm1 =	vcmask $0x3734  }
0x7: {  	vm0 =	vcmask $0x3B38;
	v38 =	vimm.s32 $0x10FEDCBA;
	v4 =	vimm.s32 $0x98765432  }
0x8: {  	v5 =	vimm.s32 $0x10F;
	v41 =	vimm.s32 $0x3210FEDC;
	v42 =	vimm.s32 $0xBA987654  }
0x9: {  	v45 =	vimm.s32 $0x20F;
	v46 =	vimm.s32 $0x43210FED;
	v47 =	vimm.s32 $0xCBA98765  }
0xa: {  	v53 =	vimm.s32 $0x28F;
	v55 =	vimm.s32 $0x30F;
	v17 =	vimm.s32 $0x543210FE  }
0xb: {  	v18 =	vimm.s32 $0xDCBA9876;
	v14 =	vimm.s32 $0x6543210F;
	v15 =	vimm.s32 $0xEDCBA987  }
0xc: {  	v22 =	vimm.s32 $0x38F;
	v25 =	vimm.s32 $0x76543210;
	v26 =	vimm.s32 $0x40F  }
0xd: {  	v27 =	vimm.s32 $0xFEDCBA98;
	v33 =	vimm.s32 $0x48F;
	v28 =	vimm.s32 $0x170F  }
0xe: {  	v29 =	vimm.s32 $0x180F;
	v30 =	vimm.s32 $0x188F;
	v31 =	vimm.s32 $0x190F  }
0xf: {  	v0 =	vunpack.c.l.s4.s8 v0;
	v1 =	vunpack.c.l.s4.s8 v1;
	v2 =	vsel vm14, $0x80, v2  }
0x10: {  	v4 =	vunpack.c.l.s4.s8 v4;
	v16 =	vsel vm14, $0x380, v55;
	v14 =	vunpack.c.l.s4.s8 v14  }
0x11: {  	v15 =	vunpack.c.l.s4.s8 v15;
	v23 =	vsel vm14, $0x400, v22;
	v22 =	vimm.s32 $0x90F  }
0x12: {  	v2 =	vsel vm13, $0x101, v2;
	v0 =	vunpack.c.0.s8.s32 v0;
	v1 =	vunpack.c.0.s8.s32 v1  }
0x13: {  	v28 =	vsel vm14, $0x1780, v28;
	v29 =	vsel vm14, $0x1880, v29;
	v2 =	vsel vm12, $0x182, v2  }
0x14: {  	v30 =	vsel vm14, $0x1900, v30;
	v2 =	vsel vm11, $0x203, v2;
	v3 =	vcombine.low v1, v0  }
0x15: {  	v31 =	vsel vm14, $0x1980, v31;
	v24 =	vsel vm13, $0x481, v23;
	v2 =	vsel vm10, $0x284, v2  }
0x16: {  	v2 =	vsel vm9, $0x305, v2;
	v56 =	vand.u32 $0xF, v3;
	v3 =	vimm.s32 $0x8F  }
0x17: {  	v28 =	vsel vm13, $0x1001, v28;
	v2 =	vsel vm8, $0x386, v2;
	v3 =	vsel vm14, $0x100, v3  }
0x18: {  	v29 =	vsel vm13, $0x1901, v29;
	v2 =	vsel vm7, $0x407, v2;
	v3 =	vsel vm13, $0x181, v3  }
0x19: {  	v30 =	vsel vm13, $0x1981, v30;
	v2 =	vsel vm5, $0x488, v2;
	v3 =	vsel vm12, $0x202, v3  }
0x1a: {  	v31 =	vsel vm13, $0x1A01, v31;
	v2 =	vsel vm6, $0x509, v2;
	v3 =	vsel vm11, $0x283, v3  }
0x1b: {  	v7 =	vunpack.c.0.s8.s32 v4;
	v2 =	vsel vm4, $0x58A, v2;
	v3 =	vsel vm10, $0x304, v3  }
0x1c: {  	v4 =	vimm.s32 $0x210FEDCB;
	v2 =	vsel vm2, $0x60B, v2;
	v3 =	vsel vm9, $0x385, v3  }
0x1d: {  	v4 =	vunpack.c.l.s4.s8 v4;
	v2 =	vsel vm3, $0x68C, v2;
	v3 =	vsel vm8, $0x406, v3  }
0x1e: {  	v0 =	vcombine.low v0, v1;
	v2 =	vsel vm1, $0x70D, v2;
	v3 =	vsel vm7, $0x487, v3  }
0x1f: {  	v57 =	vsel vm0, $0x78E, v2;
	v2 =	vunpack.c.l.s4.s8 v38;
	v3 =	vsel vm5, $0x508, v3  }
0x20: {  	v0 =	vand.u32 $0xF, v0;
	v39 =	vsel vm6, $0x589, v3;
	v3 =	vsel vm14, $0x180, v5  }
0x21: {  	v6 =	vunpack.c.0.s8.s32 v2;
	v5 =	vimm.s32 $0xA9876543;
	v3 =	vsel vm13, $0x201, v3  }
0x22: {  	v2 =	vsel vm4, $0x60A, v39;
	v5 =	vunpack.c.l.s4.s8 v5;
	v3 =	vsel vm12, $0x282, v3  }
0x23: {  	v8 =	vcombine.low v7, v6;
	v9 =	vsel vm2, $0x68B, v2;
	v2 =	vunpack.c.0.s8.s32 v4  }
0x24: {  	v6 =	vcombine.low v6, v7;
	v7 =	vimm.s32 $0x50F;
	v3 =	vsel vm11, $0x303, v3  }
0x25: {  	v10 =	vsel vm10, $0x384, v3;
	v3 =	vunpack.c.0.s8.s32 v5;
	v58 =	vand.u32 $0xF, v8  }
0x26: {  	v5 =	vsel vm3, $0x70C, v9;
	v8 =	vunpack.c.l.s4.s8 v41;
	v9 =	vunpack.c.l.s4.s8 v42  }
0x27: {  	v6 =	vand.u32 $0xF, v6;
	v4 =	vsel vm9, $0x405, v10;
	v5 =	vsel vm1, $0x78D, v5  }
0x28: {  	[tilespmem:$0x1F890] =	vst v6;
	v6 =	vimm.s32 $0x58F;
	v4 =	vsel vm8, $0x486, v4;
	v40 =	vcombine.low v3, v2  }
0x29: {  	v59 =	vsel vm0, $0xE, v5;
	v5 =	vimm.s32 $0x18F;
	v6 =	vsel vm14, $0x600, v6  }
0x2a: {  	v2 =	vcombine.low v2, v3;
	v4 =	vsel vm7, $0x507, v4;
	v5 =	vsel vm14, $0x200, v5  }
0x2b: {  	v6 =	vsel vm13, $0x681, v6;
	v4 =	vsel vm5, $0x588, v4;
	v60 =	vand.u32 $0xF, v40  }
0x2c: {  	v5 =	vsel vm13, $0x281, v5;
	v40 =	vsel vm14, $0x580, v7;
	v6 =	vsel vm12, $0x702, v6  }
0x2d: {  	v7 =	vimm.s32 $0xC0F;
	v4 =	vsel vm6, $0x609, v4;
	v5 =	vsel vm12, $0x302, v5  }
0x2e: {  	v6 =	vsel vm11, $0x783, v6;
	v7 =	vsel vm14, $0xC80, v7;
	v4 =	vsel vm4, $0x68A, v4  }
0x2f: {  	v5 =	vsel vm11, $0x383, v5;
	v3 =	vsel vm10, $0x4, v6;
	v6 =	vimm.s32 $0xB8F  }
0x30: {  	v7 =	vsel vm13, $0xD01, v7;
	v4 =	vsel vm2, $0x70B, v4;
	v44 =	vsel vm10, $0x404, v5  }
0x31: {  	v5 =	vunpack.c.0.s8.s32 v9;
	v9 =	vsel vm14, $0x280, v45;
	v42 =	vsel vm9, $0x85, v3  }
0x32: {  	v6 =	vsel vm14, $0xC00, v6;
	v43 =	vsel vm3, $0x78C, v4;
	v4 =	vunpack.c.0.s8.s32 v8  }
0x33: {  	v8 =	vsel vm9, $0x485, v44;
	v9 =	vsel vm13, $0x301, v9;
	v6 =	vsel vm13, $0xC81, v6  }
0x34: {  	v10 =	vsel vm1, $0xD, v43;
	v8 =	vsel vm8, $0x506, v8;
	v9 =	vsel vm12, $0x382, v9  }
0x35: {  	v43 =	vimm.s32 $0x60F;
	v11 =	vcombine.low v5, v4;
	v8 =	vsel vm7, $0x587, v8  }
0x36: {  	v62 =	vsel vm0, $0x8E, v10;
	v9 =	vsel vm11, $0x403, v9;
	v10 =	vunpack.c.l.s4.s8 v46  }
0x37: {  	v3 =	vcombine.low v4, v5;
	v4 =	vimm.s32 $0xA8F;
	v5 =	vimm.s32 $0xB0F  }
0x38: {  	v8 =	vsel vm5, $0x608, v8;
	v9 =	vsel vm10, $0x484, v9;
	v4 =	vsel vm14, $0xB00, v4  }
0x39: {  	v5 =	vsel vm14, $0xB80, v5;
	v63 =	vand.u32 $0xF, v11;
	v8 =	vsel vm6, $0x689, v8  }
0x3a: {  	v9 =	vsel vm9, $0x505, v9;
	v11 =	vunpack.c.l.s4.s8 v47;
	v48 =	vunpack.c.0.s8.s32 v10  }
0x3b: {  	v46 =	vand.u32 $0xF, v3;
	v3 =	vimm.s32 $0x68F;
	v4 =	vsel vm13, $0xB81, v4  }
0x3c: {  	v5 =	vsel vm13, $0xC01, v5;
	v8 =	vsel vm4, $0x70A, v8;
	v9 =	vsel vm8, $0x586, v9  }
0x3d: {  	v8 =	vsel vm2, $0x78B, v8;
	v49 =	vsel vm7, $0x607, v9;
	v50 =	vunpack.c.0.s8.s32 v11  }
0x3e: {  	v11 =	vsel vm14, $0x300, v53;
	v12 =	vsel vm3, $0xC, v8;
	v10 =	vsel vm5, $0x688, v49  }
0x3f: {  	v11 =	vsel vm13, $0x381, v11;
	v49 =	vsel vm14, $0x700, v3;
	v12 =	vsel vm1, $0x8D, v12  }
0x40: {  	v10 =	vsel vm6, $0x709, v10;
	v13 =	vcombine.low v50, v48;
	v11 =	vsel vm12, $0x402, v11  }
0x41: {  	v47 =	vcombine.low v48, v50;
	v50 =	vimm.s32 $0x70F;
	v10 =	vsel vm4, $0x78A, v10  }
0x42: {  	v12 =	vsel vm0, $0x10E, v12;
	v11 =	vsel vm11, $0x483, v11;
	v10 =	vsel vm2, $0xB, v10  }
0x43: {  	[tilespmem:$0x1FAA0] =	vst v12;
	v54 =	vand.u32 $0xF, v13;
	v11 =	vsel vm10, $0x504, v11;
	v12 =	vunpack.c.l.s4.s8 v17  }
0x44: {  	v13 =	vunpack.c.l.s4.s8 v18;
	v10 =	vsel vm3, $0x8C, v10;
	v61 =	vsel vm9, $0x585, v11  }
0x45: {  	[tilespmem:$0x1FAB0] =	vst v54;
	v11 =	vsel vm13, $0x401, v16;
	v54 =	vand.u32 $0xF, v2;
	v2 =	vsel vm14, $0x680, v43  }
0x46: {  	v43 =	vimm.s32 $0x1F0F;
	v10 =	vsel vm1, $0x10D, v10;
	v11 =	vsel vm12, $0x482, v11  }
0x47: {  	v12 =	vunpack.c.0.s8.s32 v12;
	v13 =	vunpack.c.0.s8.s32 v13;
	v2 =	vsel vm13, $0x701, v2  }
0x48: {  	v43 =	vsel vm14, $0x1F80, v43;
	v10 =	vsel vm0, $0x18E, v10;
	v11 =	vsel vm11, $0x503, v11  }
0x49: {  	v2 =	vsel vm12, $0x782, v2;
	v43 =	vsel vm13, $0x1801, v43;
	[tilespmem:$0x1FAC0] =	vst v10;
	v10 =	vsel vm8, $0x606, v61  }
0x4a: {  	v11 =	vsel vm10, $0x584, v11;
	v16 =	vcombine.low v13, v12;
	v2 =	vsel vm11, $0x3, v2  }
0x4b: {  	v3 =	vcombine.low v12, v13;
	v12 =	vimm.s32 $0x80F;
	v10 =	vsel vm7, $0x687, v10  }
0x4c: {  	v11 =	vsel vm9, $0x605, v11;
	v45 =	vsel vm10, $0x84, v2;
	v2 =	vand.u32 $0xF, v47  }
0x4d: {  	v10 =	vsel vm5, $0x708, v10;
	v11 =	vsel vm8, $0x686, v11;
	v53 =	vand.u32 $0xF, v16  }
0x4e: {  	[tilespmem:$0x1F8D0] =	vst v2;
	v2 =	vsel vm14, $0x780, v50;
	v9 =	vand.u32 $0xF, v3;
	v10 =	vsel vm6, $0x789, v10  }
0x4f: {  	v11 =	vsel vm7, $0x707, v11;
	v2 =	vsel vm13, $0x1, v2;
	v10 =	vsel vm4, $0xA, v10  }
0x50: {  	v11 =	vsel vm5, $0x788, v11;
	v2 =	vsel vm12, $0x82, v2;
	v10 =	vsel vm2, $0x8B, v10  }
0x51: {  	v18 =	vsel vm6, $0x9, v11;
	v11 =	vunpack.c.0.s8.s32 v15;
	v15 =	vunpack.c.l.s4.s8 v25  }
0x52: {  	v2 =	vsel vm11, $0x103, v2;
	v25 =	vimm.s32 $0x1D1C1B1A;
	v17 =	vsel vm3, $0x10C, v10  }
0x53: {  	v10 =	vunpack.c.0.s8.s32 v14;
	v19 =	vsel vm4, $0x8A, v18;
	v2 =	vsel vm10, $0x184, v2  }
0x54: {  	v47 =	vunpack.c.0.s8.s32 v25;
	v25 =	vimm.s32 $0x158F;
	v20 =	vsel vm1, $0x18D, v17  }
0x55: {  	v14 =	vsel vm2, $0x10B, v19;
	v17 =	vunpack.c.l.s4.s8 v27;
	v15 =	vunpack.c.0.s8.s32 v15  }
0x56: {  	v8 =	vsel vm9, $0x205, v2;
	v2 =	vsel vm14, $0x880, v12;
	v19 =	vimm.s32 $0x88F  }
0x57: {  	v27 =	vimm.s32 $0x98F;
	v25 =	vsel vm14, $0x1600, v25;
	v21 =	vcombine.low v11, v10  }
0x58: {  	v14 =	vsel vm3, $0x18C, v14;
	v52 =	vsel vm0, $0x20E, v20;
	v2 =	vsel vm13, $0x901, v2  }
0x59: {  	v3 =	vcombine.low v10, v11;
	v20 =	vimm.s32 $0x14131211;
	v25 =	vsel vm13, $0x1681, v25  }
0x5a: {  	v14 =	vsel vm1, $0x20D, v14;
	v17 =	vunpack.c.0.s8.s32 v17;
	v2 =	vsel vm12, $0x982, v2  }
0x5b: {  	v16 =	vand.u32 $0xF, v21;
	v55 =	vsel vm0, $0x28E, v14;
	v14 =	vsel vm12, $0x502, v24  }
0x5c: {  	v2 =	vsel vm11, $0xA03, v2;
	v21 =	vimm.s32 $0x18171615;
	v24 =	vsel vm14, $0x980, v22  }
0x5d: {  	v22 =	vimm.s32 $0x140F;
	[tilespmem:$0x1FB70] =	vst v16;
	v14 =	vsel vm11, $0x583, v14;
	v16 =	vsel vm14, $0x480, v26  }
0x5e: {  	v17 =	vand.u32 $0xF, v17;
	v26 =	vimm.s32 $0x11101F1E;
	v22 =	vsel vm14, $0x1480, v22  }
0x5f: {  	v14 =	vsel vm10, $0x604, v14;
	v16 =	vsel vm13, $0x501, v16;
	v15 =	vcombine.low v17, v15  }
0x60: {  	[tilespmem:$0x1F8B0] =	vst v46;
	v17 =	vimm.s32 $0x101F1E1D;
	v46 =	vunpack.c.0.s8.s32 v26;
	v26 =	vimm.s32 $0x160F  }
0x61: {  	v22 =	vsel vm13, $0x1501, v22;
	v14 =	vsel vm9, $0x685, v14;
	v16 =	vsel vm12, $0x582, v16  }
0x62: {  	v50 =	vunpack.c.0.s8.s32 v17;
	v14 =	vsel vm8, $0x706, v14;
	v16 =	vsel vm11, $0x603, v16  }
0x63: {  	v26 =	vsel vm14, $0x1680, v26;
	v14 =	vsel vm7, $0x787, v14;
	v16 =	vsel vm10, $0x684, v16  }
0x64: {  	v26 =	vsel vm13, $0x1701, v26;
	v14 =	vsel vm5, $0x8, v14;
	v16 =	vsel vm9, $0x705, v16  }
0x65: {  	v14 =	vsel vm6, $0x89, v14;
	v32 =	vsel vm8, $0x786, v16;
	v16 =	vsel vm14, $0x500, v33  }
0x66: {  	[tilespmem:$0x1F850] =	vst v15;
	v33 =	vimm.s32 $0xD0F;
	v14 =	vsel vm4, $0x10A, v14;
	v15 =	vsel vm7, $0x7, v32  }
0x67: {  	[tilespmem:$0x1F8F0] =	vst v9;
	v16 =	vsel vm13, $0x581, v16;
	v32 =	vimm.s32 $0xC8F;
	v9 =	vsel vm14, $0xD80, v33  }
0x68: {  	v33 =	vimm.s32 $0x1A0F;
	v14 =	vsel vm2, $0x18B, v14;
	v15 =	vsel vm5, $0x88, v15  }
0x69: {  	v16 =	vsel vm12, $0x602, v16;
	v33 =	vsel vm14, $0x1A80, v33;
	v9 =	vsel vm13, $0xE01, v9  }
0x6a: {  	v14 =	vsel vm3, $0x20C, v14;
	v15 =	vsel vm6, $0x109, v15;
	v35 =	vsel vm11, $0x683, v16  }
0x6b: {  	v16 =	vimm.s32 $0x1C1B1A19;
	v33 =	vsel vm13, $0x1B01, v33;
	v14 =	vsel vm1, $0x28D, v14  }
0x6c: {  	v15 =	vsel vm4, $0x18A, v15;
	v36 =	vsel vm10, $0x704, v35;
	v35 =	vimm.s32 $0xE0F  }
0x6d: {  	v34 =	vsel vm2, $0x20B, v15;
	v14 =	vsel vm0, $0x30E, v14;
	v38 =	vsel vm9, $0x785, v36  }
0x6e: {  	v15 =	vand.u32 $0xF, v3;
	v3 =	vimm.s32 $0xA0F;
	v11 =	vsel vm14, $0xE80, v35  }
0x6f: {  	v36 =	vimm.s32 $0xE8F;
	v35 =	vimm.s32 $0x1B0F;
	v1 =	vsel vm3, $0x28C, v34  }
0x70: {  	[tilespmem:$0x1F860] =	vst v14;
	v14 =	vsel vm10, $0xA84, v2;
	v2 =	vsel vm14, $0xA00, v27;
	v3 =	vsel vm14, $0xA80, v3  }
0x71: {  	v34 =	vimm.s32 $0xD8F;
	v12 =	vsel vm14, $0xF00, v36;
	v27 =	vimm.s32 $0x168F  }
0x72: {  	v35 =	vsel vm14, $0x1B80, v35;
	v36 =	vimm.s32 $0x1B8F;
	v11 =	vsel vm13, $0xF01, v11  }
0x73: {  	v37 =	vsel vm1, $0x30D, v1;
	v1 =	vsel vm8, $0x6, v38;
	v10 =	vsel vm14, $0xE00, v34  }
0x74: {  	v38 =	vimm.s32 $0x100F;
	v27 =	vsel vm14, $0x1700, v27;
	v34 =	vimm.s32 $0x1A8F  }
0x75: {  	v36 =	vsel vm14, $0x1C00, v36;
	v2 =	vsel vm13, $0xA81, v2;
	v3 =	vsel vm13, $0xB01, v3  }
0x76: {  	[tilespmem:$0x1F870] =	vst v0;
	v12 =	vsel vm13, $0xF81, v12;
	v35 =	vsel vm13, $0x1C01, v35;
	v0 =	vsel vm0, $0x38E, v37  }
0x77: {  	v39 =	vsel vm7, $0x87, v1;
	v1 =	vsel vm13, $0x601, v40;
	v37 =	vimm.s32 $0xF0F  }
0x78: {  	v40 =	vimm.s32 $0x110F;
	v34 =	vsel vm14, $0x1B00, v34;
	v10 =	vsel vm13, $0xE81, v10  }
0x79: {  	v27 =	vsel vm13, $0x1781, v27;
	v36 =	vsel vm13, $0x1C81, v36;
	[tilespmem:$0x1F880] =	vst v0;
	v0 =	vsel vm5, $0x108, v39  }
0x7a: {  	v1 =	vsel vm12, $0x682, v1;
	v39 =	vimm.s32 $0x108F;
	v34 =	vsel vm13, $0x1B81, v34  }
0x7b: {  	[tilespmem:$0x1F910] =	vst v15;
	v0 =	vsel vm6, $0x189, v0;
	v1 =	vsel vm11, $0x703, v1;
	v15 =	vsel vm14, $0x1100, v39  }
0x7c: {  	v39 =	vimm.s32 $0x1D0F;
	v0 =	vsel vm4, $0x20A, v0;
	v1 =	vsel vm10, $0x784, v1  }
0x7d: {  	v39 =	vsel vm14, $0x1D80, v39;
	v0 =	vsel vm2, $0x28B, v0;
	v1 =	vsel vm9, $0x5, v1  }
0x7e: {  	v15 =	vsel vm13, $0x1181, v15;
	v0 =	vsel vm3, $0x30C, v0;
	v1 =	vsel vm8, $0x86, v1  }
0x7f: {  	v39 =	vsel vm13, $0x1E01, v39;
	v0 =	vsel vm1, $0x38D, v0;
	v1 =	vsel vm7, $0x107, v1  }
0x80: {  	v0 =	vsel vm0, $0x40E, v0;
	v41 =	vsel vm5, $0x188, v1;
	v1 =	vsel vm8, $0x106, v42  }
0x81: {  	v42 =	vimm.s32 $0x120F;
	[tilespmem:$0x1F8A0] =	vst v0;
	v0 =	vsel vm6, $0x209, v41;
	v1 =	vsel vm7, $0x187, v1  }
0x82: {  	v41 =	vimm.s32 $0x118F;
	v0 =	vsel vm4, $0x28A, v0;
	v1 =	vsel vm5, $0x208, v1  }
0x83: {  	v17 =	vsel vm14, $0x1200, v41;
	v41 =	vimm.s32 $0x1E0F;
	v1 =	vsel vm6, $0x289, v1  }
0x84: {  	v0 =	vsel vm2, $0x30B, v0;
	v41 =	vsel vm14, $0x1E80, v41;
	v1 =	vsel vm4, $0x30A, v1  }
0x85: {  	v17 =	vsel vm13, $0x1281, v17;
	v0 =	vsel vm3, $0x38C, v0;
	v1 =	vsel vm2, $0x38B, v1  }
0x86: {  	v0 =	vsel vm1, $0x40D, v0;
	v44 =	vsel vm3, $0x40C, v1;
	v1 =	vsel vm9, $0x105, v45  }
0x87: {  	v61 =	vsel vm0, $0x48E, v0;
	v0 =	vsel vm1, $0x48D, v44;
	v1 =	vsel vm8, $0x186, v1  }
0x88: {  	v41 =	vsel vm13, $0x1F01, v41;
	v0 =	vsel vm0, $0x50E, v0;
	v48 =	vsel vm7, $0x207, v1  }
0x89: {  	v1 =	vsel vm13, $0x781, v49;
	v49 =	vunpack.c.0.s8.s32 v20;
	v20 =	vimm.s32 $0x130F  }
0x8a: {  	[tilespmem:$0x1F8C0] =	vst v0;
	v0 =	vsel vm5, $0x288, v48;
	v1 =	vsel vm12, $0x2, v1;
	v48 =	vunpack.c.0.s8.s32 v21  }
0x8b: {  	v20 =	vsel vm14, $0x1380, v20;
	v0 =	vsel vm6, $0x309, v0;
	v1 =	vsel vm11, $0x83, v1  }
0x8c: {  	v21 =	vimm.s32 $0x138F;
	v0 =	vsel vm4, $0x38A, v0;
	v1 =	vsel vm10, $0x104, v1  }
0x8d: {  	v21 =	vsel vm14, $0x1400, v21;
	v0 =	vsel vm2, $0x40B, v0;
	v1 =	vsel vm9, $0x185, v1  }
0x8e: {  	v20 =	vsel vm13, $0x1401, v20;
	v0 =	vsel vm3, $0x48C, v0;
	v1 =	vsel vm8, $0x206, v1  }
0x8f: {  	v21 =	vsel vm13, $0x1481, v21;
	v0 =	vsel vm1, $0x50D, v0;
	v1 =	vsel vm7, $0x287, v1  }
0x90: {  	v0 =	vsel vm0, $0x58E, v0;
	v51 =	vsel vm5, $0x308, v1;
	v1 =	vsel vm8, $0x286, v8  }
0x91: {  	v8 =	vsel vm14, $0xD00, v32;
	v32 =	vimm.s32 $0x198F;
	[tilespmem:$0x1F8E0] =	vst v0;
	v0 =	vsel vm6, $0x389, v51  }
0x92: {  	v1 =	vsel vm7, $0x307, v1;
	v51 =	vunpack.c.0.s8.s32 v16;
	v16 =	vsel vm14, $0x1180, v40  }
0x93: {  	v32 =	vsel vm14, $0x1A00, v32;
	v40 =	vimm.s32 $0x1D8F;
	v8 =	vsel vm13, $0xD81, v8  }
0x94: {  	v0 =	vsel vm4, $0x40A, v0;
	v1 =	vsel vm5, $0x388, v1;
	v40 =	vsel vm14, $0x1E00, v40  }
0x95: {  	v16 =	vsel vm13, $0x1201, v16;
	v0 =	vsel vm2, $0x48B, v0;
	v1 =	vsel vm6, $0x409, v1  }
0x96: {  	v32 =	vsel vm13, $0x1A81, v32;
	v0 =	vsel vm3, $0x50C, v0;
	v1 =	vsel vm4, $0x48A, v1  }
0x97: {  	v40 =	vsel vm13, $0x1E81, v40;
	v0 =	vsel vm1, $0x58D, v0;
	v1 =	vsel vm2, $0x50B, v1  }
0x98: {  	v0 =	vsel vm0, $0x60E, v0;
	v13 =	vsel vm3, $0x58C, v1;
	v1 =	vsel vm9, $0xB05, v14  }
0x99: {  	v14 =	vsel vm14, $0x1080, v38;
	v38 =	vimm.s32 $0x1C8F;
	[tilespmem:$0x1F900] =	vst v0;
	v0 =	vsel vm1, $0x60D, v13  }
0x9a: {  	v1 =	vsel vm8, $0xB86, v1;
	v13 =	vsel vm14, $0xF80, v37;
	v37 =	vimm.s32 $0x1C0F  }
0x9b: {  	v38 =	vsel vm14, $0x1D00, v38;
	v14 =	vsel vm13, $0x1101, v14;
	v1 =	vsel vm7, $0xC07, v1  }
0x9c: {  	v0 =	vsel vm0, $0x68E, v0;
	v37 =	vsel vm14, $0x1C80, v37;
	v18 =	vsel vm5, $0xC88, v1  }
0x9d: {  	v13 =	vsel vm13, $0x801, v13;
	[tilespmem:$0x1F920] =	vst v0;
	v1 =	vsel vm14, $0x900, v19;
	v0 =	vsel vm6, $0xD09, v18  }
0x9e: {  	v38 =	vsel vm13, $0x1D81, v38;
	v1 =	vsel vm13, $0x981, v1;
	v0 =	vsel vm4, $0xD8A, v0  }
0x9f: {  	v19 =	vimm.s32 $0x128F;
	v1 =	vsel vm12, $0xA02, v1;
	v0 =	vsel vm2, $0xE0B, v0  }
0xa0: {  	v37 =	vsel vm13, $0x1D01, v37;
	v1 =	vsel vm11, $0xA83, v1;
	v0 =	vsel vm3, $0xE8C, v0  }
0xa1: {  	v18 =	vsel vm14, $0x1280, v42;
	v1 =	vsel vm10, $0xB04, v1;
	v0 =	vsel vm1, $0xF0D, v0  }
0xa2: {  	v42 =	vimm.s32 $0x1E8F;
	v23 =	vsel vm9, $0xB85, v1;
	v0 =	vsel vm0, $0xF8E, v0  }
0xa3: {  	v19 =	vsel vm14, $0x1300, v19;
	v42 =	vsel vm14, $0x1F00, v42;
	[tilespmem:$0x1F930] =	vst v0;
	v0 =	vsel vm8, $0xC06, v23  }
0xa4: {  	v18 =	vsel vm13, $0x1301, v18;
	v1 =	vsel vm13, $0xA01, v24;
	v0 =	vsel vm7, $0xC87, v0  }
0xa5: {  	v19 =	vsel vm13, $0x1381, v19;
	v1 =	vsel vm12, $0xA82, v1;
	v0 =	vsel vm5, $0xD08, v0  }
0xa6: {  	v42 =	vsel vm13, $0x1F81, v42;
	v1 =	vsel vm11, $0xB03, v1;
	v0 =	vsel vm6, $0xD89, v0  }
0xa7: {  	v24 =	vimm.s32 $0x150F;
	v1 =	vsel vm10, $0xB84, v1;
	v0 =	vsel vm4, $0xE0A, v0  }
0xa8: {  	v24 =	vsel vm14, $0x1580, v24;
	v1 =	vsel vm9, $0xC05, v1;
	v0 =	vsel vm2, $0xE8B, v0  }
0xa9: {  	v23 =	vimm.s32 $0x148F;
	v1 =	vsel vm8, $0xC86, v1;
	v0 =	vsel vm3, $0xF0C, v0  }
0xaa: {  	v24 =	vsel vm13, $0x1601, v24;
	v1 =	vsel vm7, $0xD07, v1;
	v0 =	vsel vm1, $0xF8D, v0  }
0xab: {  	v23 =	vsel vm14, $0x1500, v23;
	v1 =	vsel vm5, $0xD88, v1;
	v0 =	vsel vm0, $0x80E, v0  }
0xac: {  	v23 =	vsel vm13, $0x1581, v23;
	[tilespmem:$0x1F940] =	vst v0;
	v0 =	vsel vm6, $0xE09, v1;
	v1 =	vsel vm12, $0xB02, v2  }
0xad: {  	v2 =	vsel vm12, $0xB82, v3;
	v3 =	vsel vm12, $0xC02, v4;
	v4 =	vsel vm12, $0xC82, v5  }
0xae: {  	v5 =	vsel vm12, $0xD02, v6;
	v6 =	vsel vm12, $0xD82, v7;
	v7 =	vsel vm12, $0xE02, v8  }
0xaf: {  	v8 =	vsel vm12, $0xE82, v9;
	v9 =	vsel vm12, $0xF02, v10;
	v10 =	vsel vm12, $0xF82, v11  }
0xb0: {  	v11 =	vsel vm12, $0x802, v12;
	v12 =	vsel vm12, $0x882, v13;
	v13 =	vsel vm12, $0x1182, v14  }
0xb1: {  	v14 =	vsel vm12, $0x1202, v15;
	v15 =	vsel vm12, $0x1282, v16;
	v16 =	vsel vm12, $0x1302, v17  }
0xb2: {  	v17 =	vsel vm12, $0x1382, v18;
	v18 =	vsel vm12, $0x1402, v19;
	v19 =	vsel vm12, $0x1482, v20  }
0xb3: {  	v20 =	vsel vm12, $0x1502, v21;
	v21 =	vsel vm12, $0x1582, v22;
	v22 =	vsel vm12, $0x1602, v23  }
0xb4: {  	v23 =	vsel vm12, $0x1682, v24;
	v24 =	vsel vm12, $0x1702, v25;
	v25 =	vsel vm12, $0x1782, v26  }
0xb5: {  	v26 =	vsel vm12, $0x1002, v27;
	v27 =	vsel vm12, $0x1082, v28;
	v28 =	vsel vm12, $0x1982, v29  }
0xb6: {  	v29 =	vsel vm12, $0x1A02, v30;
	v30 =	vsel vm12, $0x1A82, v31;
	v31 =	vsel vm12, $0x1B02, v32  }
0xb7: {  	v32 =	vsel vm12, $0x1B82, v33;
	v33 =	vsel vm12, $0x1C02, v34;
	v34 =	vsel vm12, $0x1C82, v35  }
0xb8: {  	v35 =	vsel vm12, $0x1D02, v36;
	v36 =	vsel vm12, $0x1D82, v37;
	v37 =	vsel vm12, $0x1E02, v38  }
0xb9: {  	v38 =	vsel vm12, $0x1E82, v39;
	v39 =	vsel vm12, $0x1F02, v40;
	v40 =	vsel vm12, $0x1F82, v41  }
0xba: {  	v41 =	vsel vm12, $0x1802, v42;
	v42 =	vsel vm12, $0x1882, v43;
	v43 =	vimm.s32 $0x1E1D1C1B  }
0xbb: {  	v43 =	vunpack.c.0.s8.s32 v43  }
0xbc: {  	v0 =	vsel vm4, $0xE8A, v0;
	v1 =	vsel vm11, $0xB83, v1;
	v2 =	vsel vm11, $0xC03, v2  }
0xbd: {  	v3 =	vsel vm11, $0xC83, v3;
	v4 =	vsel vm11, $0xD03, v4;
	v5 =	vsel vm11, $0xD83, v5  }
0xbe: {  	v6 =	vsel vm11, $0xE03, v6;
	v7 =	vsel vm11, $0xE83, v7;
	v8 =	vsel vm11, $0xF03, v8  }
0xbf: {  	v9 =	vsel vm11, $0xF83, v9;
	v10 =	vsel vm11, $0x803, v10;
	v11 =	vsel vm11, $0x883, v11  }
0xc0: {  	v12 =	vsel vm11, $0x903, v12;
	v13 =	vsel vm11, $0x1203, v13;
	v14 =	vsel vm11, $0x1283, v14  }
0xc1: {  	v15 =	vsel vm11, $0x1303, v15;
	v16 =	vsel vm11, $0x1383, v16;
	v17 =	vsel vm11, $0x1403, v17  }
0xc2: {  	v18 =	vsel vm11, $0x1483, v18;
	v19 =	vsel vm11, $0x1503, v19;
	v20 =	vsel vm11, $0x1583, v20  }
0xc3: {  	v21 =	vsel vm11, $0x1603, v21;
	v22 =	vsel vm11, $0x1683, v22;
	v23 =	vsel vm11, $0x1703, v23  }
0xc4: {  	v24 =	vsel vm11, $0x1783, v24;
	v25 =	vsel vm11, $0x1003, v25;
	v26 =	vsel vm11, $0x1083, v26  }
0xc5: {  	v27 =	vsel vm11, $0x1103, v27;
	v28 =	vsel vm11, $0x1A03, v28;
	v29 =	vsel vm11, $0x1A83, v29  }
0xc6: {  	v30 =	vsel vm11, $0x1B03, v30;
	v31 =	vsel vm11, $0x1B83, v31;
	v32 =	vsel vm11, $0x1C03, v32  }
0xc7: {  	v33 =	vsel vm11, $0x1C83, v33;
	v34 =	vsel vm11, $0x1D03, v34;
	v35 =	vsel vm11, $0x1D83, v35  }
0xc8: {  	v36 =	vsel vm11, $0x1E03, v36;
	v37 =	vsel vm11, $0x1E83, v37;
	v38 =	vsel vm11, $0x1F03, v38  }
0xc9: {  	v39 =	vsel vm11, $0x1F83, v39;
	v40 =	vsel vm11, $0x1803, v40;
	v41 =	vsel vm11, $0x1883, v41  }
0xca: {  	v42 =	vsel vm11, $0x1903, v42;
	v0 =	vsel vm2, $0xF0B, v0;
	v1 =	vsel vm10, $0xC04, v1  }
0xcb: {  	v2 =	vsel vm10, $0xC84, v2;
	v3 =	vsel vm10, $0xD04, v3;
	v4 =	vsel vm10, $0xD84, v4  }
0xcc: {  	v5 =	vsel vm10, $0xE04, v5;
	v6 =	vsel vm10, $0xE84, v6;
	v7 =	vsel vm10, $0xF04, v7  }
0xcd: {  	v8 =	vsel vm10, $0xF84, v8;
	v9 =	vsel vm10, $0x804, v9;
	v10 =	vsel vm10, $0x884, v10  }
0xce: {  	v11 =	vsel vm10, $0x904, v11;
	v12 =	vsel vm10, $0x984, v12;
	v13 =	vsel vm10, $0x1284, v13  }
0xcf: {  	v14 =	vsel vm10, $0x1304, v14;
	v15 =	vsel vm10, $0x1384, v15;
	v16 =	vsel vm10, $0x1404, v16  }
0xd0: {  	v17 =	vsel vm10, $0x1484, v17;
	v18 =	vsel vm10, $0x1504, v18;
	v19 =	vsel vm10, $0x1584, v19  }
0xd1: {  	v20 =	vsel vm10, $0x1604, v20;
	v21 =	vsel vm10, $0x1684, v21;
	v22 =	vsel vm10, $0x1704, v22  }
0xd2: {  	v23 =	vsel vm10, $0x1784, v23;
	v24 =	vsel vm10, $0x1004, v24;
	v25 =	vsel vm10, $0x1084, v25  }
0xd3: {  	v26 =	vsel vm10, $0x1104, v26;
	v27 =	vsel vm10, $0x1184, v27;
	v28 =	vsel vm10, $0x1A84, v28  }
0xd4: {  	v29 =	vsel vm10, $0x1B04, v29;
	v30 =	vsel vm10, $0x1B84, v30;
	v31 =	vsel vm10, $0x1C04, v31  }
0xd5: {  	v32 =	vsel vm10, $0x1C84, v32;
	v33 =	vsel vm10, $0x1D04, v33;
	v34 =	vsel vm10, $0x1D84, v34  }
0xd6: {  	v35 =	vsel vm10, $0x1E04, v35;
	v36 =	vsel vm10, $0x1E84, v36;
	v37 =	vsel vm10, $0x1F04, v37  }
0xd7: {  	v38 =	vsel vm10, $0x1F84, v38;
	v39 =	vsel vm10, $0x1804, v39;
	v40 =	vsel vm10, $0x1884, v40  }
0xd8: {  	v41 =	vsel vm10, $0x1904, v41;
	v42 =	vsel vm10, $0x1984, v42;
	[tilespmem:$0x1F950] =	vst v43;
	v43 =	vimm.s32 $0x1211101F  }
0xd9: {  	v0 =	vsel vm3, $0xF8C, v0;
	v1 =	vsel vm9, $0xC85, v1;
	v2 =	vsel vm9, $0xD05, v2  }
0xda: {  	v3 =	vsel vm9, $0xD85, v3;
	v4 =	vsel vm9, $0xE05, v4;
	v5 =	vsel vm9, $0xE85, v5  }
0xdb: {  	v6 =	vsel vm9, $0xF05, v6;
	v7 =	vsel vm9, $0xF85, v7;
	v8 =	vsel vm9, $0x805, v8  }
0xdc: {  	v9 =	vsel vm9, $0x885, v9;
	v10 =	vsel vm9, $0x905, v10;
	v11 =	vsel vm9, $0x985, v11  }
0xdd: {  	v12 =	vsel vm9, $0xA05, v12;
	v13 =	vsel vm9, $0x1305, v13;
	v14 =	vsel vm9, $0x1385, v14  }
0xde: {  	v15 =	vsel vm9, $0x1405, v15;
	v16 =	vsel vm9, $0x1485, v16;
	v17 =	vsel vm9, $0x1505, v17  }
0xdf: {  	v18 =	vsel vm9, $0x1585, v18;
	v19 =	vsel vm9, $0x1605, v19;
	v20 =	vsel vm9, $0x1685, v20  }
0xe0: {  	v21 =	vsel vm9, $0x1705, v21;
	v22 =	vsel vm9, $0x1785, v22;
	v23 =	vsel vm9, $0x1005, v23  }
0xe1: {  	v24 =	vsel vm9, $0x1085, v24;
	v25 =	vsel vm9, $0x1105, v25;
	v26 =	vsel vm9, $0x1185, v26  }
0xe2: {  	v27 =	vsel vm9, $0x1205, v27;
	v28 =	vsel vm9, $0x1B05, v28;
	v29 =	vsel vm9, $0x1B85, v29  }
0xe3: {  	v30 =	vsel vm9, $0x1C05, v30;
	v31 =	vsel vm9, $0x1C85, v31;
	v32 =	vsel vm9, $0x1D05, v32  }
0xe4: {  	v33 =	vsel vm9, $0x1D85, v33;
	v34 =	vsel vm9, $0x1E05, v34;
	v35 =	vsel vm9, $0x1E85, v35  }
0xe5: {  	v36 =	vsel vm9, $0x1F05, v36;
	v37 =	vsel vm9, $0x1F85, v37;
	v38 =	vsel vm9, $0x1805, v38  }
0xe6: {  	v39 =	vsel vm9, $0x1885, v39;
	v40 =	vsel vm9, $0x1905, v40;
	v41 =	vsel vm9, $0x1985, v41  }
0xe7: {  	v42 =	vsel vm9, $0x1A05, v42;
	v43 =	vunpack.c.0.s8.s32 v43;
	v0 =	vsel vm1, $0x80D, v0  }
0xe8: {  	v1 =	vsel vm8, $0xD06, v1;
	v2 =	vsel vm8, $0xD86, v2;
	v3 =	vsel vm8, $0xE06, v3  }
0xe9: {  	v4 =	vsel vm8, $0xE86, v4;
	v5 =	vsel vm8, $0xF06, v5;
	v6 =	vsel vm8, $0xF86, v6  }
0xea: {  	v7 =	vsel vm8, $0x806, v7;
	v8 =	vsel vm8, $0x886, v8;
	v9 =	vsel vm8, $0x906, v9  }
0xeb: {  	v10 =	vsel vm8, $0x986, v10;
	v11 =	vsel vm8, $0xA06, v11;
	v12 =	vsel vm8, $0xA86, v12  }
0xec: {  	v13 =	vsel vm8, $0x1386, v13;
	v14 =	vsel vm8, $0x1406, v14;
	v15 =	vsel vm8, $0x1486, v15  }
0xed: {  	v16 =	vsel vm8, $0x1506, v16;
	v17 =	vsel vm8, $0x1586, v17;
	v18 =	vsel vm8, $0x1606, v18  }
0xee: {  	v19 =	vsel vm8, $0x1686, v19;
	v20 =	vsel vm8, $0x1706, v20;
	v21 =	vsel vm8, $0x1786, v21  }
0xef: {  	v22 =	vsel vm8, $0x1006, v22;
	v23 =	vsel vm8, $0x1086, v23;
	v24 =	vsel vm8, $0x1106, v24  }
0xf0: {  	v25 =	vsel vm8, $0x1186, v25;
	v26 =	vsel vm8, $0x1206, v26;
	v27 =	vsel vm8, $0x1286, v27  }
0xf1: {  	v28 =	vsel vm8, $0x1B86, v28;
	v29 =	vsel vm8, $0x1C06, v29;
	v30 =	vsel vm8, $0x1C86, v30  }
0xf2: {  	v31 =	vsel vm8, $0x1D06, v31;
	v32 =	vsel vm8, $0x1D86, v32;
	v33 =	vsel vm8, $0x1E06, v33  }
0xf3: {  	v34 =	vsel vm8, $0x1E86, v34;
	v35 =	vsel vm8, $0x1F06, v35;
	v36 =	vsel vm8, $0x1F86, v36  }
0xf4: {  	v37 =	vsel vm8, $0x1806, v37;
	v38 =	vsel vm8, $0x1886, v38;
	v39 =	vsel vm8, $0x1906, v39  }
0xf5: {  	v40 =	vsel vm8, $0x1986, v40;
	v41 =	vsel vm8, $0x1A06, v41;
	v0 =	vsel vm0, $0x88E, v0;
	[tilespmem:$0x1F960] =	vst v43  }
0xf6: {  	v42 =	vsel vm8, $0x1A86, v42;
	v43 =	vimm.s32 $0x16151413;
	[tilespmem:$0x1F990] =	vst v0;
	v0 =	vsel vm7, $0xD87, v1  }
0xf7: {  	v1 =	vsel vm7, $0xE07, v2;
	v2 =	vsel vm7, $0xE87, v3;
	v3 =	vsel vm7, $0xF07, v4  }
0xf8: {  	v4 =	vsel vm7, $0xF87, v5;
	v5 =	vsel vm7, $0x807, v6;
	v6 =	vsel vm7, $0x887, v7  }
0xf9: {  	v7 =	vsel vm7, $0x907, v8;
	v8 =	vsel vm7, $0x987, v9;
	v9 =	vsel vm7, $0xA07, v10  }
0xfa: {  	v10 =	vsel vm7, $0xA87, v11;
	v11 =	vsel vm7, $0xB07, v12;
	v12 =	vsel vm7, $0x1407, v13  }
0xfb: {  	v13 =	vsel vm7, $0x1487, v14;
	v14 =	vsel vm7, $0x1507, v15;
	v15 =	vsel vm7, $0x1587, v16  }
0xfc: {  	v16 =	vsel vm7, $0x1607, v17;
	v17 =	vsel vm7, $0x1687, v18;
	v18 =	vsel vm7, $0x1707, v19  }
0xfd: {  	v19 =	vsel vm7, $0x1787, v20;
	v20 =	vsel vm7, $0x1007, v21;
	v21 =	vsel vm7, $0x1087, v22  }
0xfe: {  	v22 =	vsel vm7, $0x1107, v23;
	v23 =	vsel vm7, $0x1187, v24;
	v24 =	vsel vm7, $0x1207, v25  }
0xff: {  	v25 =	vsel vm7, $0x1287, v26;
	v26 =	vsel vm7, $0x1307, v27;
	v27 =	vsel vm7, $0x1C07, v28  }
0x100: {  	v28 =	vsel vm7, $0x1C87, v29;
	v29 =	vsel vm7, $0x1D07, v30;
	v30 =	vsel vm7, $0x1D87, v31  }
0x101: {  	v31 =	vsel vm7, $0x1E07, v32;
	v32 =	vsel vm7, $0x1E87, v33;
	v33 =	vsel vm7, $0x1F07, v34  }
0x102: {  	v34 =	vsel vm7, $0x1F87, v35;
	v35 =	vsel vm7, $0x1807, v36;
	v36 =	vsel vm7, $0x1887, v37  }
0x103: {  	v37 =	vsel vm7, $0x1907, v38;
	v38 =	vsel vm7, $0x1987, v39;
	v39 =	vsel vm7, $0x1A07, v40  }
0x104: {  	v40 =	vsel vm7, $0x1A87, v41;
	v41 =	vsel vm7, $0x1B07, v42;
	v42 =	vimm.s32 $0x13121110  }
0x105: {  	v43 =	vunpack.c.0.s8.s32 v43;
	v42 =	vunpack.c.0.s8.s32 v42;
	v0 =	vsel vm5, $0xE08, v0  }
0x106: {  	v1 =	vsel vm5, $0xE88, v1;
	v2 =	vsel vm5, $0xF08, v2;
	v3 =	vsel vm5, $0xF88, v3  }
0x107: {  	v4 =	vsel vm5, $0x808, v4;
	v5 =	vsel vm5, $0x888, v5;
	v6 =	vsel vm5, $0x908, v6  }
0x108: {  	v7 =	vsel vm5, $0x988, v7;
	v8 =	vsel vm5, $0xA08, v8;
	v9 =	vsel vm5, $0xA88, v9  }
0x109: {  	v10 =	vsel vm5, $0xB08, v10;
	v11 =	vsel vm5, $0xB88, v11;
	v12 =	vsel vm5, $0x1488, v12  }
0x10a: {  	v13 =	vsel vm5, $0x1508, v13;
	v14 =	vsel vm5, $0x1588, v14;
	v15 =	vsel vm5, $0x1608, v15  }
0x10b: {  	v16 =	vsel vm5, $0x1688, v16;
	v17 =	vsel vm5, $0x1708, v17;
	v18 =	vsel vm5, $0x1788, v18  }
0x10c: {  	v19 =	vsel vm5, $0x1008, v19;
	v20 =	vsel vm5, $0x1088, v20;
	v21 =	vsel vm5, $0x1108, v21  }
0x10d: {  	v22 =	vsel vm5, $0x1188, v22;
	v23 =	vsel vm5, $0x1208, v23;
	v24 =	vsel vm5, $0x1288, v24  }
0x10e: {  	v25 =	vsel vm5, $0x1308, v25;
	v26 =	vsel vm5, $0x1388, v26;
	v27 =	vsel vm5, $0x1C88, v27  }
0x10f: {  	v28 =	vsel vm5, $0x1D08, v28;
	v29 =	vsel vm5, $0x1D88, v29;
	v30 =	vsel vm5, $0x1E08, v30  }
0x110: {  	v31 =	vsel vm5, $0x1E88, v31;
	v32 =	vsel vm5, $0x1F08, v32;
	v33 =	vsel vm5, $0x1F88, v33  }
0x111: {  	v34 =	vsel vm5, $0x1808, v34;
	v35 =	vsel vm5, $0x1888, v35;
	v36 =	vsel vm5, $0x1908, v36  }
0x112: {  	v37 =	vsel vm5, $0x1988, v37;
	v38 =	vsel vm5, $0x1A08, v38;
	v39 =	vsel vm5, $0x1A88, v39  }
0x113: {  	v40 =	vsel vm5, $0x1B08, v40;
	v41 =	vsel vm5, $0x1B88, v41;
	v0 =	vsel vm6, $0xE89, v0  }
0x114: {  	v1 =	vsel vm6, $0xF09, v1;
	v2 =	vsel vm6, $0xF89, v2;
	v3 =	vsel vm6, $0x809, v3  }
0x115: {  	v4 =	vsel vm6, $0x889, v4;
	v5 =	vsel vm6, $0x909, v5;
	v6 =	vsel vm6, $0x989, v6  }
0x116: {  	v7 =	vsel vm6, $0xA09, v7;
	v8 =	vsel vm6, $0xA89, v8;
	v9 =	vsel vm6, $0xB09, v9  }
0x117: {  	v10 =	vsel vm6, $0xB89, v10;
	v11 =	vsel vm6, $0xC09, v11;
	v12 =	vsel vm6, $0x1509, v12  }
0x118: {  	v13 =	vsel vm6, $0x1589, v13;
	v14 =	vsel vm6, $0x1609, v14;
	v15 =	vsel vm6, $0x1689, v15  }
0x119: {  	v16 =	vsel vm6, $0x1709, v16;
	v17 =	vsel vm6, $0x1789, v17;
	v18 =	vsel vm6, $0x1009, v18  }
0x11a: {  	v19 =	vsel vm6, $0x1089, v19;
	v20 =	vsel vm6, $0x1109, v20;
	v21 =	vsel vm6, $0x1189, v21  }
0x11b: {  	v22 =	vsel vm6, $0x1209, v22;
	v23 =	vsel vm6, $0x1289, v23;
	v24 =	vsel vm6, $0x1309, v24  }
0x11c: {  	v25 =	vsel vm6, $0x1389, v25;
	v26 =	vsel vm6, $0x1409, v26;
	v27 =	vsel vm6, $0x1D09, v27  }
0x11d: {  	v28 =	vsel vm6, $0x1D89, v28;
	v29 =	vsel vm6, $0x1E09, v29;
	v30 =	vsel vm6, $0x1E89, v30  }
0x11e: {  	v31 =	vsel vm6, $0x1F09, v31;
	v32 =	vsel vm6, $0x1F89, v32;
	v34 =	vsel vm6, $0x1889, v34  }
0x11f: {  	v35 =	vsel vm6, $0x1909, v35;
	v36 =	vsel vm6, $0x1989, v36;
	[tilespmem:$0x1F970] =	vst v43;
	v43 =	vimm.s32 $0x1A191817  }
0x120: {  	v37 =	vsel vm6, $0x1A09, v37;
	v38 =	vsel vm6, $0x1A89, v38;
	v43 =	vunpack.c.0.s8.s32 v43  }
0x121: {  	v39 =	vsel vm6, $0x1B09, v39;
	v40 =	vsel vm6, $0x1B89, v40;
	[tilespmem:$0x1F9B0] =	vst v42;
	v42 =	vimm.s32 $0x17161514  }
0x122: {  	v0 =	vsel vm4, $0xF0A, v0;
	v1 =	vsel vm4, $0xF8A, v1;
	[tilespmem:$0x1F980] =	vst v43;
	v43 =	vimm.s32 $0x1F1E1D1C  }
0x123: {  	v2 =	vsel vm4, $0x80A, v2;
	v0 =	vsel vm2, $0xF8B, v0;
	v43 =	vunpack.c.0.s8.s32 v43  }
0x124: {  	v42 =	vunpack.c.0.s8.s32 v42;
	v1 =	vsel vm2, $0x80B, v1;
	v0 =	vsel vm3, $0x80C, v0  }
0x125: {  	v2 =	vsel vm2, $0x88B, v2;
	v0 =	vsel vm1, $0x88D, v0;
	[tilespmem:$0x1F9A0] =	vst v43;
	v43 =	vimm.s32 $0x1B1A1918  }
0x126: {  	v1 =	vsel vm3, $0x88C, v1;
	[tilespmem:$0x1F9C0] =	vst v42;
	v0 =	vsel vm0, $0x90E, v0;
	v42 =	vunpack.c.0.s8.s32 v43  }
0x127: {  	v41 =	vsel vm6, $0x1C09, v41;
	v2 =	vsel vm3, $0x90C, v2;
	[tilespmem:$0x1F9E0] =	vst v0;
	v43 =	vsel vm1, $0x90D, v1  }
0x128: {  	v8 =	vsel vm4, $0xB0A, v8;
	v0 =	vsel vm0, $0x98E, v43;
	[tilespmem:$0x1F9D0] =	vst v42;
	v42 =	vsel vm1, $0x98D, v2  }
0x129: {  	[tilespmem:$0x1F9F0] =	vst v0;
	v43 =	vsel vm0, $0xA0E, v42;
	v42 =	vsel vm4, $0x88A, v3;
	v3 =	vsel vm4, $0x170A, v15  }
0x12a: {  	v15 =	vsel vm4, $0x1D8A, v27;
	[tilespmem:$0x1FA00] =	vst v43;
	v0 =	vsel vm2, $0x90B, v42;
	v43 =	vsel vm4, $0x90A, v4  }
0x12b: {  	v42 =	vsel vm4, $0x98A, v5;
	v4 =	vsel vm4, $0x178A, v16;
	v5 =	vsel vm4, $0x100A, v17  }
0x12c: {  	v16 =	vsel vm4, $0x1E0A, v28;
	v17 =	vsel vm4, $0x1E8A, v29;
	v28 =	vsel vm4, $0x1C0A, v40  }
0x12d: {  	v29 =	vsel vm4, $0x1C8A, v41;
	v3 =	vsel vm2, $0x178B, v3;
	v15 =	vsel vm2, $0x1E0B, v15  }
0x12e: {  	v0 =	vsel vm3, $0x98C, v0;
	v1 =	vsel vm2, $0x98B, v43;
	v2 =	vsel vm2, $0xA0B, v42  }
0x12f: {  	v4 =	vsel vm2, $0x100B, v4;
	v3 =	vsel vm3, $0x100C, v3;
	v5 =	vsel vm2, $0x108B, v5  }
0x130: {  	v16 =	vsel vm2, $0x1E8B, v16;
	v15 =	vsel vm3, $0x1E8C, v15;
	v17 =	vsel vm2, $0x1F0B, v17  }
0x131: {  	v0 =	vsel vm1, $0xA0D, v0;
	v1 =	vsel vm3, $0xA0C, v1;
	v2 =	vsel vm3, $0xA8C, v2  }
0x132: {  	v4 =	vsel vm3, $0x108C, v4;
	v5 =	vsel vm3, $0x110C, v5;
	v16 =	vsel vm3, $0x1F0C, v16  }
0x133: {  	v17 =	vsel vm3, $0x1F8C, v17;
	v3 =	vsel vm1, $0x108D, v3;
	v15 =	vsel vm1, $0x1F0D, v15  }
0x134: {  	v0 =	vsel vm0, $0xA8E, v0;
	v43 =	vsel vm1, $0xA8D, v1;
	v42 =	vsel vm1, $0xB0D, v2  }
0x135: {  	v2 =	vsel vm2, $0xB8B, v8;
	v4 =	vsel vm1, $0x110D, v4;
	v5 =	vsel vm1, $0x118D, v5  }
0x136: {  	v16 =	vsel vm1, $0x1F8D, v16;
	v17 =	vsel vm1, $0x180D, v17;
	v41 =	vsel vm0, $0x110E, v3  }
0x137: {  	[tilespmem:$0x1FA10] =	vst v0;
	v0 =	vsel vm0, $0xB0E, v43;
	v43 =	vsel vm0, $0xB8E, v42;
	v42 =	vsel vm4, $0xA0A, v6  }
0x138: {  	v2 =	vsel vm3, $0xC0C, v2;
	v6 =	vsel vm4, $0x108A, v18;
	v18 =	vsel vm4, $0x1F0A, v30;
	[tilespmem:$0x1FA20] =	vst v0  }
0x139: {  	v30 =	vimm.s32 $0x2C2B2A29;
	[tilespmem:$0x1FA30] =	vst v43;
	v0 =	vsel vm2, $0xA8B, v42;
	v43 =	vsel vm4, $0xA8A, v7  }
0x13a: {  	v7 =	vsel vm4, $0x110A, v19;
	v19 =	vsel vm4, $0x1F8A, v31;
	v30 =	vunpack.c.0.s8.s32 v30  }
0x13b: {  	v6 =	vsel vm2, $0x110B, v6;
	v18 =	vsel vm2, $0x1F8B, v18;
	v31 =	vimm.s32 $0x24232221  }
0x13c: {  	v0 =	vsel vm3, $0xB0C, v0;
	v1 =	vsel vm2, $0xB0B, v43;
	v43 =	vsel vm1, $0xC8D, v2  }
0x13d: {  	v7 =	vsel vm2, $0x118B, v7;
	v6 =	vsel vm3, $0x118C, v6;
	v19 =	vsel vm2, $0x180B, v19  }
0x13e: {  	v0 =	vsel vm1, $0xB8D, v0;
	v1 =	vsel vm3, $0xB8C, v1;
	v8 =	vsel vm0, $0xD0E, v43  }
0x13f: {  	v43 =	vsel vm4, $0xC0A, v10;
	v7 =	vsel vm3, $0x120C, v7;
	v19 =	vsel vm3, $0x188C, v19  }
0x140: {  	[tilespmem:$0x1FAD0] =	vst v30;
	v30 =	vimm.s32 $0x202F2E2D;
	v6 =	vsel vm1, $0x120D, v6;
	v0 =	vsel vm0, $0xC0E, v0  }
0x141: {  	v42 =	vsel vm1, $0xC0D, v1;
	[tilespmem:$0x1FA60] =	vst v8;
	v8 =	vsel vm4, $0xC8A, v11;
	v1 =	vsel vm2, $0xC8B, v43  }
0x142: {  	v43 =	vsel vm4, $0x1A8A, v37;
	v37 =	vmovc v53;
	v53 =	vsel vm4, $0x1B0A, v38;
	v30 =	vunpack.c.0.s8.s32 v30  }
0x143: {  	v38 =	vmovc v52;
	v7 =	vsel vm1, $0x128D, v7;
	v19 =	vsel vm1, $0x190D, v19;
	v52 =	vsel vm0, $0x128E, v6  }
0x144: {  	[tilespmem:$0x1FA40] =	vst v0;
	v0 =	vsel vm0, $0xC8E, v42;
	v42 =	vsel vm4, $0xB8A, v9;
	v2 =	vsel vm2, $0xD0B, v8  }
0x145: {  	v1 =	vsel vm3, $0xD0C, v1;
	v8 =	vsel vm4, $0x118A, v20;
	v20 =	vsel vm4, $0x180A, v32  }
0x146: {  	[tilespmem:$0x1FA50] =	vst v0;
	v0 =	vsel vm2, $0xC0B, v42;
	v2 =	vsel vm3, $0xD8C, v2;
	v9 =	vsel vm1, $0xD8D, v1  }
0x147: {  	v1 =	vsel vm4, $0x160A, v13;
	v13 =	vsel vm4, $0x140A, v25;
	v42 =	vsel vm4, $0x1A0A, v36  }
0x148: {  	v8 =	vsel vm2, $0x120B, v8;
	v20 =	vsel vm2, $0x188B, v20;
	v25 =	vsel vm2, $0x1B0B, v43  }
0x149: {  	[tilespmem:$0x1FAE0] =	vst v30;
	v30 =	vunpack.c.0.s8.s32 v31;
	v43 =	vsel vm0, $0x120E, v5;
	v6 =	vmovc v61;
	v61 =	vsel vm0, $0x180E, v16  }
0x14a: {  	[tilespmem:$0x1FB40] =	vst v41;
	v0 =	vsel vm3, $0xC8C, v0;
	v10 =	vsel vm1, $0xE0D, v2;
	v2 =	vsel vm4, $0x168A, v14  }
0x14b: {  	[tilespmem:$0x1FB80] =	vst v52;
	v14 =	vsel vm4, $0x148A, v26;
	v1 =	vsel vm2, $0x168B, v1;
	v8 =	vsel vm3, $0x128C, v8  }
0x14c: {  	v13 =	vsel vm2, $0x148B, v13;
	v20 =	vsel vm3, $0x190C, v20;
	v25 =	vsel vm3, $0x1B8C, v25;
	[tilespmem:$0x1FB60] =	vst v43  }
0x14d: {  	v26 =	vsel vm2, $0x1B8B, v53;
	v53 =	vsel vm0, $0x130E, v7;
	[tilespmem:$0x1FC20] =	vst v61;
	v0 =	vsel vm1, $0xD0D, v0  }
0x14e: {  	v11 =	vsel vm0, $0xE8E, v10;
	v10 =	vsel vm4, $0x128A, v22;
	v22 =	vsel vm4, $0x190A, v34;
	[tilespmem:$0x1FAF0] =	vst v30  }
0x14f: {  	v34 =	vsel vm4, $0x1B8A, v39;
	v1 =	vsel vm3, $0x170C, v1;
	v2 =	vsel vm2, $0x170B, v2;
	[tilespmem:$0x1FB90] =	vst v53  }
0x150: {  	v13 =	vsel vm3, $0x150C, v13;
	v14 =	vsel vm2, $0x150B, v14;
	v53 =	vsel vm0, $0x1F8E, v15;
	[tilespmem:$0x1FA90] =	vst v11  }
0x151: {  	v26 =	vsel vm3, $0x1C0C, v26;
	v8 =	vsel vm1, $0x130D, v8;
	v0 =	vsel vm0, $0xD8E, v0;
	[tilespmem:$0x1FC10] =	vst v53  }
0x152: {  	v20 =	vsel vm1, $0x198D, v20;
	v27 =	vsel vm2, $0x1C0B, v34;
	v34 =	vsel vm0, $0x138E, v8;
	[tilespmem:$0x1FA70] =	vst v0  }
0x153: {  	v25 =	vsel vm1, $0x1C0D, v25;
	v30 =	vimm.s32 $0x28272625;
	v8 =	vsel vm0, $0x188E, v17;
	[tilespmem:$0x1FBA0] =	vst v34  }
0x154: {  	v11 =	vsel vm4, $0x130A, v23;
	v23 =	vsel vm4, $0x198A, v35;
	v16 =	vsel vm0, $0x1C8E, v25;
	[tilespmem:$0x1FC30] =	vst v8  }
0x155: {  	v2 =	vsel vm3, $0x178C, v2;
	v30 =	vunpack.c.0.s8.s32 v30;
	v0 =	vsel vm0, $0xE0E, v9;
	[tilespmem:$0x1FCB0] =	vst v16  }
0x156: {  	v10 =	vsel vm2, $0x130B, v10;
	v14 =	vsel vm3, $0x158C, v14;
	v1 =	vsel vm1, $0x178D, v1;
	[tilespmem:$0x1FA80] =	vst v0  }
0x157: {  	v22 =	vsel vm2, $0x198B, v22;
	v13 =	vsel vm1, $0x158D, v13;
	v39 =	vsel vm0, $0x100E, v1;
	[tilespmem:$0x1FB00] =	vst v30  }
0x158: {  	v26 =	vsel vm1, $0x1C8D, v26;
	v9 =	vsel vm4, $0x120A, v21;
	v43 =	vsel vm0, $0x160E, v13;
	[tilespmem:$0x1FB20] =	vst v39  }
0x159: {  	v10 =	vsel vm3, $0x138C, v10;
	v2 =	vsel vm1, $0x100D, v2;
	v17 =	vsel vm0, $0x1D0E, v26;
	[tilespmem:$0x1FBF0] =	vst v43  }
0x15a: {  	v14 =	vsel vm1, $0x160D, v14;
	v0 =	vsel vm4, $0x158A, v12;
	v40 =	vsel vm0, $0x108E, v2;
	[tilespmem:$0x1FCC0] =	vst v17  }
0x15b: {  	v12 =	vsel vm4, $0x138A, v24;
	v24 =	vsel vm2, $0x1A8B, v42;
	v42 =	vsel vm0, $0x118E, v4;
	[tilespmem:$0x1FB30] =	vst v40  }
0x15c: {  	v11 =	vsel vm2, $0x138B, v11;
	v10 =	vsel vm1, $0x140D, v10;
	v52 =	vsel vm0, $0x168E, v14;
	[tilespmem:$0x1FB50] =	vst v42  }
0x15d: {  	v22 =	vsel vm3, $0x1A0C, v22;
	v23 =	vsel vm2, $0x1A0B, v23;
	v40 =	vsel vm0, $0x148E, v10;
	[tilespmem:$0x1FC00] =	vst v52  }
0x15e: {  	v11 =	vsel vm3, $0x140C, v11;
	v22 =	vsel vm1, $0x1A8D, v22;
	v10 =	vsel vm0, $0x198E, v19;
	[tilespmem:$0x1FBC0] =	vst v40  }
0x15f: {  	v9 =	vsel vm2, $0x128B, v9;
	v11 =	vsel vm1, $0x148D, v11;
	v13 =	vsel vm0, $0x1B0E, v22;
	[tilespmem:$0x1FC50] =	vst v10  }
0x160: {  	v23 =	vsel vm3, $0x1A8C, v23;
	v0 =	vsel vm2, $0x160B, v0;
	v41 =	vsel vm0, $0x150E, v11;
	[tilespmem:$0x1FC80] =	vst v13  }
0x161: {  	v23 =	vsel vm1, $0x1B0D, v23;
	v0 =	vsel vm3, $0x168C, v0;
	v11 =	vsel vm0, $0x1A0E, v20;
	[tilespmem:$0x1FBD0] =	vst v41  }
0x162: {  	v9 =	vsel vm3, $0x130C, v9;
	v14 =	vsel vm0, $0x1B8E, v23;
	v0 =	vsel vm1, $0x170D, v0;
	[tilespmem:$0x1FC60] =	vst v11  }
0x163: {  	v19 =	vimm.s32 $0x2D2C2B2A;
	v9 =	vsel vm1, $0x138D, v9;
	[tilespmem:$0x1FC90] =	vst v14;
	v0 =	vsel vm0, $0x178E, v0  }
0x164: {  	v18 =	vsel vm3, $0x180C, v18;
	v39 =	vsel vm0, $0x140E, v9;
	[tilespmem:$0x1FB10] =	vst v0;
	v0 =	vunpack.c.0.s8.s32 v19  }
0x165: {  	v33 =	vsel vm6, $0x1809, v33;
	v18 =	vsel vm1, $0x188D, v18;
	v22 =	vimm.s32 $0x25242322;
	[tilespmem:$0x1FBB0] =	vst v39  }
0x166: {  	v24 =	vsel vm3, $0x1B0C, v24;
	v9 =	vsel vm0, $0x190E, v18;
	[tilespmem:$0x1FCE0] =	vst v0;
	v0 =	vunpack.c.0.s8.s32 v22  }
0x167: {  	v21 =	vsel vm4, $0x188A, v33;
	v24 =	vsel vm1, $0x1B8D, v24;
	v23 =	vimm.s32 $0x29282726;
	[tilespmem:$0x1FC40] =	vst v9  }
0x168: {  	v27 =	vsel vm3, $0x1C8C, v27;
	v15 =	vsel vm0, $0x1C0E, v24;
	[tilespmem:$0x1FD00] =	vst v0;
	v0 =	vunpack.c.0.s8.s32 v23  }
0x169: {  	v26 =	vimm.s32 $0x2221202F;
	v27 =	vsel vm1, $0x1D0D, v27;
	v12 =	vsel vm2, $0x140B, v12;
	[tilespmem:$0x1FCA0] =	vst v15  }
0x16a: {  	v12 =	vsel vm3, $0x148C, v12;
	v18 =	vsel vm0, $0x1D8E, v27;
	[tilespmem:$0x1FD10] =	vst v0;
	v0 =	vunpack.c.0.s8.s32 v26  }
0x16b: {  	v21 =	vsel vm2, $0x190B, v21;
	v12 =	vsel vm1, $0x150D, v12;
	v27 =	vimm.s32 $0x26252423;
	[tilespmem:$0x1FCD0] =	vst v18  }
0x16c: {  	v21 =	vsel vm3, $0x198C, v21;
	v42 =	vsel vm0, $0x158E, v12;
	[tilespmem:$0x1FD30] =	vst v0;
	v0 =	vunpack.c.0.s8.s32 v27  }
0x16d: {  	v21 =	vsel vm1, $0x1A0D, v21;
	v40 =	vimm.s32 $0x2F2E2D2C;
	[tilespmem:$0x1FBE0] =	vst v42  }
0x16e: {  	v13 =	vimm.s32 $0x3D3C3B3A;
	v12 =	vsel vm0, $0x1A8E, v21;
	[tilespmem:$0x1FD40] =	vst v0;
	v0 =	vunpack.c.0.s8.s32 v40  }
0x16f: {  	v41 =	vimm.s32 $0x23222120;
	v14 =	vunpack.c.0.s8.s32 v13;
	[tilespmem:$0x1FC70] =	vst v12  }
0x170: {  	v20 =	vimm.s32 $0x21202F2E;
	[tilespmem:$0x1FD60] =	vst v0;
	v0 =	vunpack.c.0.s8.s32 v41  }
0x171: {  	v61 =	vimm.s32 $0x2B2A2928;
	v21 =	vunpack.c.0.s8.s32 v20;
	[tilespmem:$0x1FDE0] =	vst v14  }
0x172: {  	v24 =	vimm.s32 $0x2E2D2C2B;
	[tilespmem:$0x1FD70] =	vst v0;
	v0 =	vunpack.c.0.s8.s32 v61  }
0x173: {  	v8 =	vimm.s32 $0x3C3B3A39;
	v25 =	vunpack.c.0.s8.s32 v24;
	[tilespmem:$0x1FCF0] =	vst v21  }
0x174: {  	v34 =	vimm.s32 $0x2A292827;
	[tilespmem:$0x1FD90] =	vst v0;
	v0 =	vunpack.c.0.s8.s32 v8  }
0x175: {  	v11 =	vimm.s32 $0x34333231;
	v39 =	vunpack.c.0.s8.s32 v34;
	[tilespmem:$0x1FD20] =	vst v25  }
0x176: {  	v17 =	vimm.s32 $0x39383736;
	[tilespmem:$0x1FDA0] =	vst v0;
	v0 =	vunpack.c.0.s8.s32 v11  }
0x177: {  	v18 =	vunpack.c.0.s8.s32 v17;
	v12 =	vimm.s32 $0x38373635;
	[tilespmem:$0x1FD50] =	vst v39  }
0x178: {  	v9 =	vimm.s32 $0x303F3E3D;
	[tilespmem:$0x1FDC0] =	vst v0;
	v0 =	vunpack.c.0.s8.s32 v12  }
0x179: {  	v15 =	vimm.s32 $0x31303F3E;
	v10 =	vunpack.c.0.s8.s32 v9;
	[tilespmem:$0x1FE10] =	vst v18  }
0x17a: {  	v42 =	vimm.s32 $0x27262524;
	[tilespmem:$0x1FDD0] =	vst v0;
	v0 =	vunpack.c.0.s8.s32 v15  }
0x17b: {  	v16 =	vimm.s32 $0x35343332;
	v43 =	vunpack.c.0.s8.s32 v42;
	[tilespmem:$0x1FDB0] =	vst v10  }
0x17c: {  	v36 =	vld [tilespmem:$0x1FAC0];
	v21 =	vimm.s32 $0x36353433;
	[tilespmem:$0x1FDF0] =	vst v0;
	v0 =	vunpack.c.0.s8.s32 v16  }
0x17d: {  	s0 =	rddreg [dreg:$0x0];
	s2 =	simm.s32 $0x0;
	v5 =	vld [tilespmem:$0x1FB70];
	v25 =	vimm.s32 $0x33323130;
	v22 =	vunpack.c.0.s8.s32 v21;
	[tilespmem:$0x1FD80] =	vst v43  }
0x17e: {  	[smem:$0x7FF] =	sst s2;
	v35 =	vld [tilespmem:$0x1FAB0];
	v34 =	vlaneseq.u32;
	v26 =	vunpack.c.0.s8.s32 v25;
	[tilespmem:$0x1FE00] =	vst v0  }
0x17f: {  	s1 =	rddreg [dreg:$0x1];
	v28 =	vsel vm2, $0x1C8B, v28;
	v33 =	vld [tilespmem:$0x1FAA0];
	v41 =	vmul.u32 $0x80, v34;
	_ =	strace $0x80000047;
	[tilespmem:$0x1FE40] =	vst v22  }
0x180: {  	v29 =	vsel vm2, $0x1D0B, v29;
	v28 =	vsel vm3, $0x1D0C, v28;
	[tilespmem:$0x1FE70] =	vst v26  }
0x181: {  	v29 =	vsel vm3, $0x1D8C, v29;
	v1 =	vor.u32 $0x10, v34;
	v40 =	vmul.u32 $0x81, v34;
	[tilespmem:$0x1FEA0] =	vst v41  }
0x182: {  	v28 =	vsel vm1, $0x1D8D, v28;
	v29 =	vsel vm1, $0x1E0D, v29;
	[tilespmem:$0x1FEB0] =	vst v1  }
0x183: {  	v53 =	vsel vm0, $0x1E0E, v28;
	v52 =	vsel vm0, $0x1E8E, v29;
	vm0 =	vcmask $0x1F10;
	[tilespmem:$0x1FEC0] =	vst v40  }
0x184: {  	v42 =	vsel vm0, v50, v51;
	[tilespmem:$0x1FEE0] =	vst v48  }
0x185: {  	v43 =	vsel vm0, v48, v49;
	[tilespmem:$0x1FEF0] =	vst v42  }
0x186: {  	v44 =	vimm.s32 $0x15141312;
	[tilespmem:$0x1FF00] =	vst v43  }
0x187: {  	v45 =	vunpack.c.0.s8.s32 v44;
	v44 =	vimm.s32 $0x19181716;
	[tilespmem:$0x1FF20] =	vst v47  }
0x188: {  	v44 =	vunpack.c.0.s8.s32 v44;
	[tilespmem:$0x1FF30] =	vst v46  }
0x189: {  	[tilespmem:$0x1FF50] =	vst v45  }
0x18a: {  	[tilespmem:$0x1FF60] =	vst v44  }
0x18b: {  	[tilespmem:$0x1FF80] =	vst v6  }
0x18c: {  	v19 =	vimm.s32 $0x3E3D3C3B;
	[tilespmem:$0x1FF90] =	vst v53  }
0x18d: {  	v0 =	vunpack.c.0.s8.s32 v19;
	[tilespmem:$0x1FFA0] =	vst v52  }
0x18e: {  	v20 =	vimm.s32 $0x3231303F;
	[tilespmem:$0x1FFB0] =	vst v51  }
0x18f: {  	[tilespmem:$0x1FE20] =	vst v0;
	v0 =	vunpack.c.0.s8.s32 v20  }
0x190: {  	v23 =	vimm.s32 $0x3A393837;
	[tilespmem:$0x1FFC0] =	vst v50  }
0x191: {  	[tilespmem:$0x1FE30] =	vst v0;
	v0 =	vunpack.c.0.s8.s32 v23  }
0x192: {  	v24 =	vimm.s32 $0x3F3E3D3C;
	[tilespmem:$0x1FFD0] =	vst v49  }
0x193: {  	s3 =	srdreg.scid;
	[tilespmem:$0x1FE50] =	vst v0;
	v0 =	vunpack.c.0.s8.s32 v24  }
0x194: {  	s29 =	stileid.u32;
	s9 =	simm.s32 $0x80;
	s10 =	simm.s32 $0x1900;
	v27 =	vimm.s32 $0x37363534;
	[tilespmem:$0x1FFE0] =	vst v54  }
0x195: {  	s11 =	simm.s32 $0x1B00;
	s12 =	simm.s32 $0x1980;
	s13 =	simm.s32 $0x5B00;
	[tilespmem:$0x1FE60] =	vst v0;
	v0 =	vunpack.c.0.s8.s32 v27  }
0x196: {  	s14 =	simm.s32 $0x1;
	s15 =	simm.s32 $0x9B00;
	s16 =	simm.s32 $0x400;
	v39 =	vimm.s32 $0x3B3A3938;
	[tilespmem:$0x1FFF0] =	vst v63  }
0x197: {  	s17 =	simm.s32 $0x20000;
	s18 =	simm.s32 $0x2;
	s5 =	sand.u32 $0x1, s3;
	v47 =	vsel vm0, v46, v47;
	[tilespmem:$0x1FE80] =	vst v0;
	v0 =	vunpack.c.0.s8.s32 v39  }
0x198: {  	s19 =	simm.s32 $0x4;
	s20 =	simm.s32 $0xBB00;
	s6 =	ssub.s32 $0x2, s5;
	[tilespmem:$0x1FF40] =	vst v47  }
0x199: {  	s21 =	simm.s32 $0x3;
	s22 =	simm.s32 $0x0;
	s7 =	sshrl.u32 s6, $0x1;
	[tilespmem:$0x1FE90] =	vst v0;
	v0 =	vor.u32 $0x800, v40  }
0x19a: {  	s4 =	sadd.s32 $0x600, s0;
	s30 =	sshll.u32 s29, $0x3;
	s7 =	ssub.s32 s6, s7;
	v48 =	vsel vm0, v44, v45;
	[tilespmem:$0x1FED0] =	vst v0;
	v0 =	vcombine.low v43, v42  }
0x19b: {  	s8 =	sshll.u32 s5, $0x2;
	s5 =	sadd.s32 $0xF42A00, s0;
	s31 =	smax.u32 s7, $0x1;
	[tilespmem:$0x1FF70] =	vst v48  }
0x19c: {  	s6 =	sor.u32 s8, s30;
	s8 =	simm.s32 $0x5;
	v32 =	vmovc v49;
	v31 =	vmov v50;
	v30 =	vmov v51;
	v61 =	vmul.u32 $0x32, v34;
	[dreg:$0x3] =	wrdreg s31;
	[tilespmem:$0x1FF10] =	vst v0  }
.LBB2_1:
0x19d: {  	s23 =	simm.s32 $0x0  }
.LBB2_2:
0x19e: {  	s0 =	simm.s32 $0x0  }
0x19f: {  	v0 =	vmov s0  }
0x1a0: {  	v0 =	vmul.u32 $0x32, v0  }
0x1a1: {  	s24 =	sadd.s32 s6, s23  }
0x1a2: {  	s25 =	smul.u32 $0x320, s24;
	v0 =	vbroadcast v0, $0x0;
	_ =	sdelay $0x1  }
0x1a3: {  	s25 =	sadd.s32 s4, s25;
	v0 =	vadd.s32 v61, v0  }
0x1a4: {  	[tilespmem:s0], [sflag:$0x5] =	stream.linear.gather [hbm4b:s25+s0], $0x1900, $0x38;
	[tilespmem:$0xDB00] =	vst v63  }
0x1a5: {  	_ =	swait.ge [sflag:s8], $0x1900  }
0x1a6: {  	[sflag:s8] =	ssyncset.done $0x0  }
0x1a7: {  	s31 =	simm.s32 $0x10;
	[sflag:s8] =	ssyncadd.s32 $0xFFFFE700  }
0x1a8: {  	v1 =	vmov s31;
	v0 =	vld.idx.msk [tilespmem:v0+s2+$0x0], $0xffff  }
0x1a9: {  	v1 =	vmul.u32 $0x32, v1;
	_ =	sdelay $0x1  }
0x1aa: {  	v1 =	vbroadcast v1, $0x0;
	_ =	sdelay $0x1  }
0x1ab: {  	v2 =	vshra.s32 v0, $0x1;
	v3 =	vshll.u32 v0, $0x6;
	v0 =	vadd.s32 v61, v1  }
0x1ac: {  	s26 =	simm.s32 $0x1900  }
0x1ad: {  	s28 =	simm.s32 $0x20;
	s25 =	simm.s32 $0x1A00;
	s0 =	simm.s32 $0x30;
	[tilespmem:s26+$0x0] =	vst v2;
	v1 =	vand.u32 $0x40, v3  }
.LBB2_3:
0x1ae: {  	s26 =	sadd.s32 $0x10, s26  }
0x1af: {  	v2 =	vmov s28;
	[tilespmem:s25+$0x0] =	vst v1;
	s25 =	sadd.s32 $0x10, s25;
	s28 =	smov.u32 s0;
	s29 =	sadd.s32 $0x10, s0  }
0x1b0: {  	p0 =	sne.s32 s0, $0x70;
	v1 =	vmul.u32 $0x32, v2;
	v2 =	vld.idx.msk [tilespmem:v0+s2+$0x0], $0xffff;
	_ =	sdelay $0x1  }
0x1b1: {  	v0 =	vbroadcast v1, $0x0  }
.Ltmp0:
0x1b2: {  	(pc) =	sbr.rel @p0 .LBB2_3-.Ltmp0, $3  }
0x1b3: {  	v0 =	vadd.s32 v61, v0;
	_ =	sdelay $0x1  }
0x1b4: {  	v1 =	vshra.s32 v2, $0x1;
	v2 =	vshll.u32 v2, $0x6  }
0x1b5: {  	s0 =	smov.u32 s29;
	[tilespmem:s26+$0x0] =	vst v1;
	v1 =	vand.u32 $0x40, v2  }
0x1b6: {  	_ =	sdelay $0x1  }
0x1b7: {  	v2 =	vmov s28  }
0x1b8: {  	[tilespmem:s25+$0x0] =	vst v1;
	v52 =	vmul.u32 $0x32, v2  }
0x1b9: {  	v0 =	vld.idx.msk [tilespmem:v0+s2+$0x0], $0xffff  }
0x1ba: {  	v1 =	vbroadcast v52, $0x0;
	_ =	sdelay $0x1  }
0x1bb: {  	v1 =	vadd.s32 v61, v1;
	_ =	sdelay $0x1  }
0x1bc: {  	s0 =	sadd.s32 $0x10, s26;
	v53 =	vshra.s32 v0, $0x1;
	v0 =	vshll.u32 v0, $0x6  }
0x1bd: {  	s31 =	sadd.s32 $0x10, s25;
	[tilespmem:s0+$0x0] =	vst v53;
	v0 =	vand.u32 $0x40, v0  }
0x1be: {  	[tilespmem:s31+$0x0] =	vst v0  }
0x1bf: {  	v0 =	vld.idx.msk [tilespmem:v1+s2+$0x0], $0xffff;
	_ =	sdelay $0x4  }
0x1c0: {  	s0 =	sadd.s32 $0x10, s0;
	v1 =	vshra.s32 v0, $0x1;
	v0 =	vshll.u32 v0, $0x6  }
0x1c1: {  	s25 =	sadd.s32 $0x10, s31;
	[tilespmem:s0+$0x0] =	vst v1;
	v0 =	vand.u32 $0x40, v0  }
0x1c2: {  	s24 =	sshll.u32 s24, $0xA;
	s26 =	simm.s32 $0x0;
	[tilespmem:s25+$0x0] =	vst v0;
	s25 =	simm.s32 $0x0  }
0x1c3: {  	[tilespmem:s11], [sflag:$0x1] =	stream.indirect.gather [hbm4b:s5+s9], $0x80, s10, s9, $0xb8;
	[tilespmem:$0xDB00] =	vst v63  }
.LBB2_5:
0x1c4: {  	v0 =	vmov s25  }
0x1c5: {  	s28 =	sshllo.u32 s26, $0x1;
	v1 =	vmul.u32 $0x32, v0  }
0x1c6: {  	v0 =	vmov s28  }
0x1c7: {  	v1 =	vadd.s32 v0, v1  }
0x1c8: {  	v1 =	vbroadcast v1, $0x0;
	_ =	sdelay $0x1  }
0x1c9: {  	v1 =	vadd.s32 v61, v1;
	_ =	sdelay $0x2  }
0x1ca: {  	s0 =	simm.s32 $0x10  }
0x1cb: {  	v2 =	vmov s0  }
0x1cc: {  	v2 =	vmul.u32 $0x32, v2;
	v1 =	vld.idx.msk [tilespmem:v1+s2+$0x0], $0xffff;
	_ =	sdelay $0x1  }
0x1cd: {  	v2 =	vadd.s32 v0, v2  }
0x1ce: {  	v2 =	vbroadcast v2, $0x0;
	_ =	sdelay $0x1  }
0x1cf: {  	v3 =	vshra.s32 v1, $0x1;
	v4 =	vshll.u32 v1, $0x6;
	v1 =	vadd.s32 v61, v2  }
0x1d0: {  	s30 =	simm.s32 $0x1980;
	s3 =	simm.s32 $0x20  }
0x1d1: {  	s29 =	sshll.u32 s26, $0x1;
	s31 =	simm.s32 $0x1A80;
	s0 =	simm.s32 $0x30;
	v2 =	vmov s3;
	[tilespmem:s30+$0x0] =	vst v3;
	v3 =	vand.u32 $0x40, v4  }
.LBB2_6:
0x1d2: {  	s30 =	sadd.s32 $0x10, s30  }
0x1d3: {  	v2 =	vmul.u32 $0x32, v2;
	[tilespmem:s31+$0x0] =	vst v3;
	s31 =	sadd.s32 $0x10, s31;
	s3 =	smov.u32 s0;
	s7 =	sadd.s32 $0x10, s0  }
0x1d4: {  	p0 =	sne.s32 s0, $0x70;
	v3 =	vld.idx.msk [tilespmem:v1+s2+$0x0], $0xffff  }
0x1d5: {  	v1 =	vadd.s32 v0, v2  }
0x1d6: {  	v1 =	vbroadcast v1, $0x0  }
.Ltmp1:
0x1d7: {  	(pc) =	sbr.rel @p0 .LBB2_6-.Ltmp1, $3  }
0x1d8: {  	v1 =	vadd.s32 v61, v1;
	_ =	sdelay $0x1  }
0x1d9: {  	v4 =	vshra.s32 v3, $0x1;
	v3 =	vshll.u32 v3, $0x6  }
0x1da: {  	s0 =	smov.u32 s7;
	v2 =	vmov s3;
	v3 =	vand.u32 $0x40, v3;
	[tilespmem:s30+$0x0] =	vst v4  }
0x1db: {  	_ =	sdelay $0x1  }
0x1dc: {  	v2 =	vmul.u32 $0x32, v2  }
0x1dd: {  	[tilespmem:s31+$0x0] =	vst v3  }
0x1de: {  	v1 =	vld.idx.msk [tilespmem:v1+s2+$0x0], $0xffff;
	v0 =	vadd.s32 v0, v2  }
0x1df: {  	v0 =	vbroadcast v0, $0x0;
	_ =	sdelay $0x1  }
0x1e0: {  	v0 =	vadd.s32 v61, v0;
	_ =	sdelay $0x1  }
0x1e1: {  	s0 =	sadd.s32 $0x10, s30;
	v52 =	vshra.s32 v1, $0x1;
	v1 =	vshll.u32 v1, $0x6  }
0x1e2: {  	s3 =	sadd.s32 $0x10, s31;
	[tilespmem:s0+$0x0] =	vst v52;
	v1 =	vand.u32 $0x40, v1  }
0x1e3: {  	[tilespmem:s3+$0x0] =	vst v1  }
0x1e4: {  	v0 =	vld.idx.msk [tilespmem:v0+s2+$0x0], $0xffff;
	_ =	sdelay $0x4  }
0x1e5: {  	s0 =	sadd.s32 $0x10, s0;
	v53 =	vshra.s32 v0, $0x1;
	v0 =	vshll.u32 v0, $0x6  }
0x1e6: {  	s3 =	sadd.s32 $0x10, s3;
	[tilespmem:s0+$0x0] =	vst v53;
	v0 =	vand.u32 $0x40, v0  }
0x1e7: {  	[tilespmem:s3+$0x0] =	vst v0  }
0x1e8: {  	[tilespmem:s13], [sflag:$0x2] =	stream.indirect.gather [hbm4b:s5+s9], $0x80, s12, s9, $0xb8;
	[tilespmem:$0xDB00] =	vst v63  }
0x1e9: {  	_ =	swait.ge [sflag:s14], $0x4000  }
0x1ea: {  	p0 =	seq.s32 s26, $0x0;
	[sflag:s14] =	ssyncset.done $0x0  }
0x1eb: {  	s0 =	simm.s32 @!p0 $0x3;
	[sflag:s14] =	ssyncadd.s32 $0xFFFFC000  }
0x1ec: {  	_ =	swait.ge @!p0 [sflag:s0], $0x2000  }
0x1ed: {  	[sflag:s0] =	ssyncset.done @!p0 $0x0  }
0x1ee: {  	s30 =	simm.s32 $0x0;
	s31 =	simm.s32 $0x1A00;
	[sflag:s0] =	ssyncadd.s32 @!p0 $0xFFFFE000  }
.LBB2_8:
0x1ef: {  	v52 =	vld [tilespmem:s31+$0x0]  }
0x1f0: {  	v3 =	vld [tilespmem:$0x1FEA0];
	_ =	sdelay $0x2  }
0x1f1: {  	v0 =	vmov s30;
	v50 =	vlaneseq.u32  }
0x1f2: {  	v0 =	vshll.u32 v0, $0x7;
	v1 =	vadd.s32 v50, v52  }
0x1f3: {  	v53 =	vor.u32 v3, v0;
	v2 =	vand.u32 $0xFFFFFF80, v1  }
0x1f4: {  	v34 =	vand.u32 $0x7F, v1;
	v39 =	vadd.s32 v53, v2  }
0x1f5: {  	v51 =	vld [tilespmem:$0x1FEC0];
	v0 =	vor.u32 v34, v39;
	_ =	sdelay $0x2  }
0x1f6: {  	v40 =	vadd.s32 v56, v52  }
0x1f7: {  	v41 =	vand.u32 $0xFFFFFF80, v40  }
0x1f8: {  	v3 =	vor.u32 s30, v51;
	v1 =	vand.u32 $0x7F, v40;
	v2 =	vadd.s32 v53, v41;
	v0 =	vld.idx.msk [tilespmem:v0+s11+$0x0], $0xffff  }
0x1f9: {  	v1 =	vor.u32 v1, v2;
	_ =	sdelay $0x2  }
0x1fa: {  	v42 =	vadd.s32 v58, v52  }
0x1fb: {  	v43 =	vand.u32 $0xFFFFFF80, v42;
	[tilespmem:v3+s15+$0x0] =	vst.idx.msk $0xffff, v0  }
0x1fc: {  	v2 =	vand.u32 $0x7F, v42;
	v3 =	vor.u32 s30, v57;
	v0 =	vadd.s32 v53, v43;
	v1 =	vld.idx.msk [tilespmem:v1+s11+$0x0], $0xffff  }
0x1fd: {  	v0 =	vor.u32 v2, v0;
	_ =	sdelay $0x2  }
0x1fe: {  	v44 =	vadd.s32 v60, v52  }
0x1ff: {  	v45 =	vand.u32 $0xFFFFFF80, v44;
	[tilespmem:v3+s15+$0x0] =	vst.idx.msk $0xffff, v1  }
0x200: {  	v2 =	vand.u32 $0x7F, v44;
	v3 =	vor.u32 s30, v59;
	v1 =	vadd.s32 v53, v45;
	v0 =	vld.idx.msk [tilespmem:v0+s11+$0x0], $0xffff  }
0x201: {  	v1 =	vor.u32 v2, v1;
	_ =	sdelay $0x2  }
0x202: {  	v46 =	vadd.s32 v63, v52  }
0x203: {  	v47 =	vand.u32 $0xFFFFFF80, v46;
	[tilespmem:v3+s15+$0x0] =	vst.idx.msk $0xffff, v0  }
0x204: {  	v2 =	vand.u32 $0x7F, v46;
	v3 =	vor.u32 s30, v62;
	v0 =	vadd.s32 v53, v47;
	v1 =	vld.idx.msk [tilespmem:v1+s11+$0x0], $0xffff  }
0x205: {  	v0 =	vor.u32 v2, v0;
	_ =	sdelay $0x2  }
0x206: {  	v48 =	vadd.s32 v35, v52  }
0x207: {  	v49 =	vand.u32 $0xFFFFFF80, v48;
	[tilespmem:v3+s15+$0x0] =	vst.idx.msk $0xffff, v1  }
0x208: {  	v2 =	vand.u32 $0x7F, v48;
	v3 =	vor.u32 s30, v33;
	v1 =	vadd.s32 v53, v49;
	v0 =	vld.idx.msk [tilespmem:v0+s11+$0x0], $0xffff  }
0x209: {  	v1 =	vor.u32 v2, v1;
	_ =	sdelay $0x2  }
0x20a: {  	v63 =	vadd.s32 v37, v52  }
0x20b: {  	v20 =	vand.u32 $0xFFFFFF80, v63;
	[tilespmem:v3+s15+$0x0] =	vst.idx.msk $0xffff, v0  }
0x20c: {  	v2 =	vand.u32 $0x7F, v63;
	v3 =	vor.u32 s30, v36;
	v0 =	vadd.s32 v53, v20;
	v1 =	vld.idx.msk [tilespmem:v1+s11+$0x0], $0xffff  }
0x20d: {  	v0 =	vor.u32 v2, v0;
	_ =	sdelay $0x2  }
0x20e: {  	v21 =	vadd.s32 v5, v52  }
0x20f: {  	v22 =	vand.u32 $0xFFFFFF80, v21;
	[tilespmem:v3+s15+$0x0] =	vst.idx.msk $0xffff, v1  }
0x210: {  	v2 =	vand.u32 $0x7F, v21;
	v3 =	vor.u32 s30, v38;
	v1 =	vadd.s32 v53, v22;
	v0 =	vld.idx.msk [tilespmem:v0+s11+$0x0], $0xffff  }
0x211: {  	v1 =	vor.u32 v2, v1;
	_ =	sdelay $0x1  }
0x212: {  	v23 =	vld [tilespmem:$0x1F850];
	_ =	sdelay $0x1  }
0x213: {  	[tilespmem:v3+s15+$0x0] =	vst.idx.msk $0xffff, v0  }
0x214: {  	v3 =	vor.u32 s30, v55;
	v1 =	vld.idx.msk [tilespmem:v1+s11+$0x0], $0xffff;
	_ =	sdelay $0x1  }
0x215: {  	v2 =	vadd.s32 v23, v52  }
0x216: {  	v34 =	vand.u32 $0xFFFFFF80, v2  }
0x217: {  	v2 =	vand.u32 $0x7F, v2;
	v0 =	vadd.s32 v53, v34  }
0x218: {  	v0 =	vor.u32 v2, v0;
	[tilespmem:v3+s15+$0x0] =	vst.idx.msk $0xffff, v1;
	v3 =	vld [tilespmem:$0x1F860];
	_ =	sdelay $0x1  }
0x219: {  	v39 =	vld [tilespmem:$0x1F870];
	_ =	sdelay $0x2  }
0x21a: {  	v0 =	vld.idx.msk [tilespmem:v0+s11+$0x0], $0xffff;
	v3 =	vor.u32 s30, v3;
	_ =	sdelay $0x1  }
0x21b: {  	v2 =	vadd.s32 v39, v52  }
0x21c: {  	v40 =	vand.u32 $0xFFFFFF80, v2  }
0x21d: {  	v2 =	vand.u32 $0x7F, v2;
	v1 =	vadd.s32 v53, v40  }
0x21e: {  	v1 =	vor.u32 v2, v1;
	[tilespmem:v3+s15+$0x0] =	vst.idx.msk $0xffff, v0;
	v3 =	vld [tilespmem:$0x1F880];
	_ =	sdelay $0x1  }
0x21f: {  	v41 =	vld [tilespmem:$0x1F890];
	_ =	sdelay $0x2  }
0x220: {  	v1 =	vld.idx.msk [tilespmem:v1+s11+$0x0], $0xffff;
	v3 =	vor.u32 s30, v3;
	_ =	sdelay $0x1  }
0x221: {  	v2 =	vadd.s32 v41, v52  }
0x222: {  	v42 =	vand.u32 $0xFFFFFF80, v2  }
0x223: {  	v2 =	vand.u32 $0x7F, v2;
	v0 =	vadd.s32 v53, v42  }
0x224: {  	v0 =	vor.u32 v2, v0;
	[tilespmem:v3+s15+$0x0] =	vst.idx.msk $0xffff, v1;
	v3 =	vld [tilespmem:$0x1F8A0];
	_ =	sdelay $0x4  }
0x225: {  	v0 =	vld.idx.msk [tilespmem:v0+s11+$0x0], $0xffff;
	v3 =	vor.u32 s30, v3;
	_ =	sdelay $0x1  }
0x226: {  	v43 =	vadd.s32 v54, v52  }
0x227: {  	v44 =	vand.u32 $0xFFFFFF80, v43  }
0x228: {  	v2 =	vand.u32 $0x7F, v43;
	v1 =	vadd.s32 v53, v44  }
0x229: {  	v1 =	vor.u32 v2, v1;
	[tilespmem:v3+s15+$0x0] =	vst.idx.msk $0xffff, v0;
	v3 =	vld [tilespmem:$0x1FF80];
	_ =	sdelay $0x1  }
0x22a: {  	v45 =	vld [tilespmem:$0x1F8B0];
	_ =	sdelay $0x2  }
0x22b: {  	v1 =	vld.idx.msk [tilespmem:v1+s11+$0x0], $0xffff;
	v3 =	vor.u32 s30, v3;
	_ =	sdelay $0x1  }
0x22c: {  	v2 =	vadd.s32 v45, v52  }
0x22d: {  	v46 =	vand.u32 $0xFFFFFF80, v2  }
0x22e: {  	v2 =	vand.u32 $0x7F, v2;
	v0 =	vadd.s32 v53, v46  }
0x22f: {  	v0 =	vor.u32 v2, v0;
	[tilespmem:v3+s15+$0x0] =	vst.idx.msk $0xffff, v1;
	v3 =	vld [tilespmem:$0x1F8C0];
	_ =	sdelay $0x1  }
0x230: {  	v47 =	vld [tilespmem:$0x1F8D0];
	_ =	sdelay $0x2  }
0x231: {  	v0 =	vld.idx.msk [tilespmem:v0+s11+$0x0], $0xffff;
	v3 =	vor.u32 s30, v3;
	_ =	sdelay $0x1  }
0x232: {  	v2 =	vadd.s32 v47, v52  }
0x233: {  	v48 =	vand.u32 $0xFFFFFF80, v2  }
0x234: {  	v2 =	vand.u32 $0x7F, v2;
	v1 =	vadd.s32 v53, v48  }
0x235: {  	v1 =	vor.u32 v2, v1;
	[tilespmem:v3+s15+$0x0] =	vst.idx.msk $0xffff, v0;
	v3 =	vld [tilespmem:$0x1F8E0];
	_ =	sdelay $0x1  }
0x236: {  	v49 =	vld [tilespmem:$0x1F8F0];
	_ =	sdelay $0x2  }
0x237: {  	v1 =	vld.idx.msk [tilespmem:v1+s11+$0x0], $0xffff;
	v3 =	vor.u32 s30, v3;
	_ =	sdelay $0x1  }
0x238: {  	v2 =	vadd.s32 v49, v52  }
0x239: {  	v63 =	vand.u32 $0xFFFFFF80, v2  }
0x23a: {  	v2 =	vand.u32 $0x7F, v2;
	v0 =	vadd.s32 v53, v63  }
0x23b: {  	v0 =	vor.u32 v2, v0;
	[tilespmem:v3+s15+$0x0] =	vst.idx.msk $0xffff, v1;
	v3 =	vld [tilespmem:$0x1F900];
	_ =	sdelay $0x1  }
0x23c: {  	v20 =	vld [tilespmem:$0x1F910];
	_ =	sdelay $0x2  }
0x23d: {  	v0 =	vld.idx.msk [tilespmem:v0+s11+$0x0], $0xffff;
	v3 =	vor.u32 s30, v3;
	_ =	sdelay $0x1  }
0x23e: {  	v2 =	vadd.s32 v20, v52  }
0x23f: {  	v21 =	vand.u32 $0xFFFFFF80, v2  }
0x240: {  	v2 =	vand.u32 $0x7F, v2;
	v1 =	vadd.s32 v53, v21  }
0x241: {  	v1 =	vor.u32 v2, v1;
	[tilespmem:v3+s15+$0x0] =	vst.idx.msk $0xffff, v0;
	v3 =	vld [tilespmem:$0x1F920];
	_ =	sdelay $0x1  }
0x242: {  	v22 =	vld [tilespmem:$0x1FEB0];
	_ =	sdelay $0x2  }
0x243: {  	v1 =	vld.idx.msk [tilespmem:v1+s11+$0x0], $0xffff;
	v3 =	vor.u32 s30, v3;
	_ =	sdelay $0x1  }
0x244: {  	v2 =	vadd.s32 v22, v52  }
0x245: {  	v23 =	vand.u32 $0xFFFFFF80, v2  }
0x246: {  	v2 =	vand.u32 $0x7F, v2;
	v0 =	vadd.s32 v53, v23  }
0x247: {  	v0 =	vor.u32 v2, v0;
	[tilespmem:v3+s15+$0x0] =	vst.idx.msk $0xffff, v1;
	v3 =	vld [tilespmem:$0x1FED0];
	_ =	sdelay $0x1  }
0x248: {  	v34 =	vld [tilespmem:$0x1FF10];
	_ =	sdelay $0x2  }
0x249: {  	v0 =	vld.idx.msk [tilespmem:v0+s11+$0x0], $0xffff;
	v3 =	vor.u32 s30, v3;
	_ =	sdelay $0x1  }
0x24a: {  	v2 =	vadd.s32 v34, v52  }
0x24b: {  	v22 =	vld [tilespmem:$0x1FF40];
	v39 =	vand.u32 $0xFFFFFF80, v2  }
0x24c: {  	v23 =	vld [tilespmem:$0x1FF70];
	v2 =	vand.u32 $0x7F, v2;
	v1 =	vadd.s32 v53, v39  }
0x24d: {  	v1 =	vor.u32 v2, v1;
	[tilespmem:v3+s15+$0x0] =	vst.idx.msk $0xffff, v0;
	v3 =	vld [tilespmem:$0x1F930];
	_ =	sdelay $0x4  }
0x24e: {  	v40 =	vcombine.low v23, v22;
	v1 =	vld.idx.msk [tilespmem:v1+s11+$0x0], $0xffff;
	v3 =	vor.u32 s30, v3  }
0x24f: {  	v15 =	vld [tilespmem:$0x1F950]  }
0x250: {  	v14 =	vld [tilespmem:$0x1F960];
	v2 =	vadd.s32 v40, v52  }
0x251: {  	v16 =	vld [tilespmem:$0x1F970];
	v41 =	vand.u32 $0xFFFFFF80, v2  }
0x252: {  	v17 =	vld [tilespmem:$0x1F980];
	v2 =	vand.u32 $0x7F, v2;
	v0 =	vadd.s32 v53, v41  }
0x253: {  	v0 =	vor.u32 v2, v0;
	[tilespmem:v3+s15+$0x0] =	vst.idx.msk $0xffff, v1;
	v3 =	vld [tilespmem:$0x1F940]  }
0x254: {  	v18 =	vld [tilespmem:$0x1F9A0]  }
0x255: {  	v19 =	vld [tilespmem:$0x1F9B0]  }
0x256: {  	v20 =	vld [tilespmem:$0x1F9C0]  }
0x257: {  	v5 =	vsel vm0, v14, v15;
	v6 =	vsel vm0, v17, v16;
	v21 =	vld [tilespmem:$0x1F9D0]  }
0x258: {  	v42 =	vcombine.low v6, v5;
	v0 =	vld.idx.msk [tilespmem:v0+s11+$0x0], $0xffff;
	v3 =	vor.u32 s30, v3;
	_ =	sdelay $0x1  }
0x259: {  	v2 =	vadd.s32 v42, v52  }
0x25a: {  	v43 =	vand.u32 $0xFFFFFF80, v2  }
0x25b: {  	v7 =	vsel vm0, v19, v18;
	v2 =	vand.u32 $0x7F, v2;
	v1 =	vadd.s32 v53, v43  }
0x25c: {  	v8 =	vsel vm0, v21, v20;
	v1 =	vor.u32 v2, v1;
	[tilespmem:v3+s15+$0x0] =	vst.idx.msk $0xffff, v0;
	v3 =	vld [tilespmem:$0x1F990]  }
0x25d: {  	v46 =	vld [tilespmem:$0x1FEE0];
	v44 =	vcombine.low v8, v7  }
0x25e: {  	v9 =	vsel vm0, v32, v31;
	v32 =	vld [tilespmem:$0x1FF50]  }
0x25f: {  	v48 =	vld [tilespmem:$0x1F9E0];
	v2 =	vadd.s32 v44, v52  }
0x260: {  	v63 =	vld [tilespmem:$0x1FF30];
	v45 =	vand.u32 $0xFFFFFF80, v2  }
0x261: {  	v2 =	vand.u32 $0x7F, v2;
	v0 =	vadd.s32 v53, v45;
	v1 =	vld.idx.msk [tilespmem:v1+s11+$0x0], $0xffff;
	v3 =	vor.u32 s30, v3  }
0x262: {  	v10 =	vsel vm0, v30, v46;
	v34 =	vld [tilespmem:$0x1FF20];
	v0 =	vor.u32 v2, v0  }
0x263: {  	v39 =	vld [tilespmem:$0x1FF60];
	v2 =	vcombine.low v10, v9;
	_ =	sdelay $0x1  }
0x264: {  	[tilespmem:$0x1F740] =	vst v2;
	v2 =	vadd.s32 v2, v52  }
0x265: {  	v47 =	vand.u32 $0xFFFFFF80, v2;
	[tilespmem:v3+s15+$0x0] =	vst.idx.msk $0xffff, v1  }
0x266: {  	v4 =	vor.u32 s30, v48;
	v49 =	vand.u32 $0x7F, v2;
	v1 =	vadd.s32 v53, v47;
	v3 =	vld.idx.msk [tilespmem:v0+s11+$0x0], $0xffff  }
0x267: {  	v11 =	vsel vm0, v32, v63;
	v12 =	vsel vm0, v34, v39;
	v41 =	vld [tilespmem:$0x1F9F0];
	v1 =	vor.u32 v49, v1  }
0x268: {  	v0 =	vcombine.low v12, v11;
	_ =	sdelay $0x1  }
0x269: {  	[tilespmem:$0x1F710] =	vst v40;
	v40 =	vadd.s32 v0, v52  }
0x26a: {  	[tilespmem:v4+s15+$0x0] =	vst.idx.msk $0xffff, v3;
	v3 =	vand.u32 $0xFFFFFF80, v40  }
0x26b: {  	[tilespmem:$0x1F720] =	vst v42;
	v13 =	vor.u32 s30, v41;
	v42 =	vand.u32 $0x7F, v40;
	v4 =	vld.idx.msk [tilespmem:v1+s11+$0x0], $0xffff;
	v43 =	vadd.s32 v53, v3  }
0x26c: {  	v14 =	vsel vm0, v16, v14;
	v15 =	vsel vm0, v15, v17;
	v45 =	vld [tilespmem:$0x1FA00];
	v2 =	vor.u32 v42, v43  }
0x26d: {  	[tilespmem:$0x1F730] =	vst v44;
	v44 =	vcombine.low v15, v14;
	_ =	sdelay $0x1  }
0x26e: {  	v3 =	vadd.s32 v44, v52  }
0x26f: {  	[tilespmem:v13+s15+$0x0] =	vst.idx.msk $0xffff, v4;
	v4 =	vand.u32 $0xFFFFFF80, v3  }
0x270: {  	v16 =	vor.u32 s30, v45;
	v46 =	vand.u32 $0x7F, v3;
	v13 =	vld.idx.msk [tilespmem:v2+s11+$0x0], $0xffff;
	v3 =	vadd.s32 v53, v4  }
0x271: {  	v47 =	vsel vm0, v20, v19;
	v49 =	vld [tilespmem:$0x1FA10];
	v4 =	vsel vm0, v18, v21;
	v3 =	vor.u32 v46, v3  }
0x272: {  	v63 =	vld [tilespmem:$0x1FEF0];
	v48 =	vcombine.low v4, v47  }
0x273: {  	v20 =	vld [tilespmem:$0x1FF00]  }
0x274: {  	v4 =	vadd.s32 v48, v52  }
0x275: {  	[tilespmem:v16+s15+$0x0] =	vst.idx.msk $0xffff, v13;
	v13 =	vand.u32 $0xFFFFFF80, v4  }
0x276: {  	v17 =	vor.u32 s30, v49;
	v16 =	vld.idx.msk [tilespmem:v3+s11+$0x0], $0xffff;
	v3 =	vand.u32 $0x7F, v4;
	v4 =	vadd.s32 v53, v13  }
0x277: {  	v21 =	vld [tilespmem:$0x1FA20];
	v4 =	vor.u32 v3, v4  }
0x278: {  	[tilespmem:$0x1F750] =	vst v0;
	v0 =	vcombine.low v63, v20;
	_ =	sdelay $0x1  }
0x279: {  	v13 =	vadd.s32 v0, v52  }
0x27a: {  	[tilespmem:v17+s15+$0x0] =	vst.idx.msk $0xffff, v16;
	v16 =	vand.u32 $0xFFFFFF80, v13  }
0x27b: {  	v18 =	vor.u32 s30, v21;
	v17 =	vld.idx.msk [tilespmem:v4+s11+$0x0], $0xffff;
	v4 =	vand.u32 $0x7F, v13;
	v13 =	vadd.s32 v53, v16  }
0x27c: {  	v32 =	vld [tilespmem:$0x1FA30];
	v13 =	vor.u32 v4, v13  }
0x27d: {  	v23 =	vcombine.low v22, v23;
	_ =	sdelay $0x1  }
0x27e: {  	v16 =	vadd.s32 v23, v52  }
0x27f: {  	[tilespmem:v18+s15+$0x0] =	vst.idx.msk $0xffff, v17;
	v17 =	vand.u32 $0xFFFFFF80, v16  }
0x280: {  	v18 =	vor.u32 s30, v32;
	v16 =	vand.u32 $0x7F, v16;
	v13 =	vld.idx.msk [tilespmem:v13+s11+$0x0], $0xffff;
	v17 =	vadd.s32 v53, v17  }
0x281: {  	v39 =	vld [tilespmem:$0x1FA40];
	v16 =	vor.u32 v16, v17  }
0x282: {  	v34 =	vcombine.low v5, v6;
	_ =	sdelay $0x1  }
0x283: {  	v6 =	vadd.s32 v34, v52  }
0x284: {  	[tilespmem:v18+s15+$0x0] =	vst.idx.msk $0xffff, v13;
	v13 =	vand.u32 $0xFFFFFF80, v6  }
0x285: {  	v17 =	vor.u32 s30, v39;
	v6 =	vand.u32 $0x7F, v6;
	v16 =	vld.idx.msk [tilespmem:v16+s11+$0x0], $0xffff;
	v13 =	vadd.s32 v53, v13  }
0x286: {  	v41 =	vld [tilespmem:$0x1FA50];
	v13 =	vor.u32 v6, v13  }
0x287: {  	v40 =	vcombine.low v7, v8;
	_ =	sdelay $0x1  }
0x288: {  	v7 =	vadd.s32 v40, v52  }
0x289: {  	v8 =	vand.u32 $0xFFFFFF80, v7;
	[tilespmem:v17+s15+$0x0] =	vst.idx.msk $0xffff, v16  }
0x28a: {  	v7 =	vand.u32 $0x7F, v7;
	v8 =	vadd.s32 v53, v8;
	v16 =	vor.u32 s30, v41;
	v13 =	vld.idx.msk [tilespmem:v13+s11+$0x0], $0xffff  }
0x28b: {  	v43 =	vld [tilespmem:$0x1FA60];
	v8 =	vor.u32 v7, v8  }
0x28c: {  	v42 =	vcombine.low v9, v10;
	_ =	sdelay $0x1  }
0x28d: {  	v9 =	vadd.s32 v42, v52  }
0x28e: {  	v10 =	vand.u32 $0xFFFFFF80, v9;
	[tilespmem:v16+s15+$0x0] =	vst.idx.msk $0xffff, v13  }
0x28f: {  	v16 =	vor.u32 s30, v43;
	v13 =	vld.idx.msk [tilespmem:v8+s11+$0x0], $0xffff;
	v8 =	vand.u32 $0x7F, v9;
	v9 =	vadd.s32 v53, v10  }
0x290: {  	v45 =	vld [tilespmem:$0x1FA70];
	v9 =	vor.u32 v8, v9  }
0x291: {  	[tilespmem:$0x1F760] =	vst v44;
	v44 =	vcombine.low v11, v12;
	_ =	sdelay $0x1  }
0x292: {  	v10 =	vadd.s32 v44, v52  }
0x293: {  	v11 =	vand.u32 $0xFFFFFF80, v10;
	[tilespmem:v16+s15+$0x0] =	vst.idx.msk $0xffff, v13  }
0x294: {  	v13 =	vor.u32 s30, v45;
	v12 =	vld.idx.msk [tilespmem:v9+s11+$0x0], $0xffff;
	v9 =	vand.u32 $0x7F, v10;
	v10 =	vadd.s32 v53, v11  }
0x295: {  	v47 =	vld [tilespmem:$0x1FA80];
	v10 =	vor.u32 v9, v10  }
0x296: {  	v63 =	vld [tilespmem:$0x1FAE0];
	v46 =	vcombine.low v14, v15  }
0x297: {  	v49 =	vld [tilespmem:$0x1FA90]  }
0x298: {  	[tilespmem:$0x1F780] =	vst v0;
	v0 =	vld [tilespmem:$0x1FAD0];
	v11 =	vadd.s32 v46, v52  }
0x299: {  	v3 =	vld [tilespmem:$0x1FB00];
	[tilespmem:v13+s15+$0x0] =	vst.idx.msk $0xffff, v12;
	v12 =	vand.u32 $0xFFFFFF80, v11  }
0x29a: {  	v14 =	vor.u32 s30, v47;
	v13 =	vld.idx.msk [tilespmem:v10+s11+$0x0], $0xffff;
	v10 =	vand.u32 $0x7F, v11;
	v11 =	vadd.s32 v53, v12  }
0x29b: {  	v39 =	vld [tilespmem:$0x1FAF0];
	v11 =	vor.u32 v10, v11  }
0x29c: {  	v30 =	vld [tilespmem:$0x1FD10]  }
0x29d: {  	v5 =	vld [tilespmem:$0x1FCE0];
	[tilespmem:$0x1F770] =	vst v48;
	v48 =	vor.u32 $0x20, v50  }
0x29e: {  	v7 =	vld [tilespmem:$0x1FD00];
	v12 =	vadd.s32 v48, v52  }
0x29f: {  	v15 =	vor.u32 s30, v49;
	v20 =	vsel vm0, v63, v0;
	v6 =	vld [tilespmem:$0x1FCF0];
	[tilespmem:v14+s15+$0x0] =	vst.idx.msk $0xffff, v13;
	v13 =	vand.u32 $0xFFFFFF80, v12  }
0x2a0: {  	v21 =	vsel vm0, v3, v39;
	v14 =	vld.idx.msk [tilespmem:v11+s11+$0x0], $0xffff;
	v11 =	vand.u32 $0x7F, v12;
	v12 =	vadd.s32 v53, v13  }
0x2a1: {  	[tilespmem:$0x1F790] =	vst v23;
	v4 =	vcombine.low v21, v20;
	v13 =	vor.u32 v11, v12  }
0x2a2: {  	v31 =	vld [tilespmem:$0x1FD20];
	[tilespmem:$0x1F7D0] =	vst v44  }
0x2a3: {  	v32 =	vld [tilespmem:$0x1FD30];
	[tilespmem:$0x1F800] =	vst v4;
	v16 =	vadd.s32 v4, v52;
	v4 =	vor.u32 $0x1000, v51  }
0x2a4: {  	v23 =	vsel vm0, v30, v7;
	v22 =	vsel vm0, v6, v5;
	v43 =	vld [tilespmem:$0x1FD40];
	[tilespmem:$0x1F810] =	vst v4  }
0x2a5: {  	v44 =	vld [tilespmem:$0x1FD50];
	v17 =	vor.u32 s30, v4;
	v4 =	vcombine.low v23, v22;
	[tilespmem:v15+s15+$0x0] =	vst.idx.msk $0xffff, v14  }
0x2a6: {  	v14 =	vand.u32 $0xFFFFFF80, v16;
	v15 =	vld.idx.msk [tilespmem:v13+s11+$0x0], $0xffff  }
0x2a7: {  	[tilespmem:$0x1F820] =	vst v4;
	v13 =	vand.u32 $0x7F, v16;
	v14 =	vadd.s32 v53, v14;
	v16 =	vadd.s32 v4, v52;
	v4 =	vld [tilespmem:$0x1FB10]  }
0x2a8: {  	v14 =	vor.u32 v13, v14  }
0x2a9: {  	v49 =	vld [tilespmem:$0x1FD90]  }
0x2aa: {  	[tilespmem:$0x1F7E0] =	vst v46;
	v47 =	vld [tilespmem:$0x1FD70]  }
0x2ab: {  	[tilespmem:$0x1F7F0] =	vst v48;
	v24 =	vsel vm0, v32, v31;
	v25 =	vsel vm0, v44, v43;
	v46 =	vld [tilespmem:$0x1FD60]  }
0x2ac: {  	v48 =	vld [tilespmem:$0x1FD80];
	[tilespmem:v17+s15+$0x0] =	vst.idx.msk $0xffff, v15;
	v18 =	vor.u32 s30, v4;
	v4 =	vcombine.low v25, v24  }
0x2ad: {  	v15 =	vand.u32 $0xFFFFFF80, v16;
	v17 =	vld.idx.msk [tilespmem:v14+s11+$0x0], $0xffff  }
0x2ae: {  	v14 =	vand.u32 $0x7F, v16;
	v15 =	vadd.s32 v53, v15;
	[tilespmem:$0x1F830] =	vst v4;
	v16 =	vadd.s32 v4, v52;
	v4 =	vld [tilespmem:$0x1FB20]  }
0x2af: {  	v15 =	vor.u32 v14, v15;
	_ =	sdelay $0x2  }
0x2b0: {  	v26 =	vsel vm0, v47, v46;
	v27 =	vsel vm0, v49, v48  }
0x2b1: {  	[tilespmem:v18+s15+$0x0] =	vst.idx.msk $0xffff, v17;
	v17 =	vand.u32 $0xFFFFFF80, v16;
	v19 =	vor.u32 s30, v4;
	v4 =	vcombine.low v27, v26  }
0x2b2: {  	v18 =	vld.idx.msk [tilespmem:v15+s11+$0x0], $0xffff;
	v15 =	vand.u32 $0x7F, v16;
	v16 =	vadd.s32 v53, v17  }
0x2b3: {  	v16 =	vor.u32 v15, v16;
	[tilespmem:$0x1F840] =	vst v4;
	v17 =	vadd.s32 v4, v52;
	v4 =	vld [tilespmem:$0x1FB30];
	_ =	sdelay $0x3  }
0x2b4: {  	[tilespmem:v19+s15+$0x0] =	vst.idx.msk $0xffff, v18;
	v18 =	vand.u32 $0xFFFFFF80, v17  }
0x2b5: {  	v19 =	vld.idx.msk [tilespmem:v16+s11+$0x0], $0xffff;
	v16 =	vand.u32 $0x7F, v17;
	v17 =	vadd.s32 v53, v18;
	v28 =	vor.u32 s30, v4  }
0x2b6: {  	[tilespmem:$0x1F7A0] =	vst v34;
	v34 =	vsel vm0, v0, v3;
	v29 =	vsel vm0, v39, v63;
	v45 =	vld [tilespmem:$0x1FB40];
	v17 =	vor.u32 v16, v17  }
0x2b7: {  	v16 =	vcombine.low v34, v29;
	_ =	sdelay $0x1  }
0x2b8: {  	v18 =	vadd.s32 v16, v52  }
0x2b9: {  	[tilespmem:v28+s15+$0x0] =	vst.idx.msk $0xffff, v19;
	v19 =	vand.u32 $0xFFFFFF80, v18  }
0x2ba: {  	v39 =	vor.u32 s30, v45;
	v28 =	vld.idx.msk [tilespmem:v17+s11+$0x0], $0xffff;
	v17 =	vand.u32 $0x7F, v18;
	v18 =	vadd.s32 v53, v19  }
0x2bb: {  	[tilespmem:$0x1F7B0] =	vst v40;
	v63 =	vld [tilespmem:$0x1FB50];
	v41 =	vsel vm0, v5, v30;
	v40 =	vsel vm0, v7, v6;
	v18 =	vor.u32 v17, v18  }
0x2bc: {  	v14 =	vcombine.low v41, v40;
	_ =	sdelay $0x1  }
0x2bd: {  	v19 =	vadd.s32 v14, v52  }
0x2be: {  	[tilespmem:v39+s15+$0x0] =	vst.idx.msk $0xffff, v28;
	v28 =	vand.u32 $0xFFFFFF80, v19  }
0x2bf: {  	[tilespmem:$0x1F7C0] =	vst v42;
	v42 =	vor.u32 s30, v63;
	v39 =	vld.idx.msk [tilespmem:v18+s11+$0x0], $0xffff;
	v18 =	vand.u32 $0x7F, v19;
	v19 =	vadd.s32 v53, v28  }
0x2c0: {  	v63 =	vld [tilespmem:$0x1FB60];
	v28 =	vsel vm0, v43, v32;
	v43 =	vsel vm0, v31, v44;
	v19 =	vor.u32 v18, v19  }
0x2c1: {  	v8 =	vcombine.low v43, v28;
	_ =	sdelay $0x1  }
0x2c2: {  	v44 =	vadd.s32 v8, v52  }
0x2c3: {  	v32 =	vand.u32 $0xFFFFFF80, v44;
	[tilespmem:v42+s15+$0x0] =	vst.idx.msk $0xffff, v39  }
0x2c4: {  	v45 =	vor.u32 s30, v63;
	v39 =	vadd.s32 v53, v32;
	v42 =	vld.idx.msk [tilespmem:v19+s11+$0x0], $0xffff;
	v19 =	vand.u32 $0x7F, v44  }
0x2c5: {  	v2 =	vsel vm0, v46, v49;
	v39 =	vor.u32 v19, v39;
	v19 =	vsel vm0, v48, v47;
	v48 =	vld [tilespmem:$0x1FB80]  }
0x2c6: {  	v9 =	vcombine.low v2, v19;
	_ =	sdelay $0x1  }
0x2c7: {  	v44 =	vadd.s32 v9, v52  }
0x2c8: {  	[tilespmem:v45+s15+$0x0] =	vst.idx.msk $0xffff, v42;
	v32 =	vand.u32 $0xFFFFFF80, v44  }
0x2c9: {  	v44 =	vand.u32 $0x7F, v44;
	v39 =	vld.idx.msk [tilespmem:v39+s11+$0x0], $0xffff;
	v49 =	vor.u32 s30, v48;
	v42 =	vadd.s32 v53, v32  }
0x2ca: {  	v10 =	vcombine.low v20, v21;
	v20 =	vld [tilespmem:$0x1FB90];
	v42 =	vor.u32 v44, v42;
	_ =	sdelay $0x2  }
0x2cb: {  	v21 =	vadd.s32 v10, v52  }
0x2cc: {  	v63 =	vand.u32 $0xFFFFFF80, v21;
	[tilespmem:v49+s15+$0x0] =	vst.idx.msk $0xffff, v39  }
0x2cd: {  	v21 =	vand.u32 $0x7F, v21;
	v32 =	vor.u32 s30, v20;
	v39 =	vadd.s32 v53, v63;
	v42 =	vld.idx.msk [tilespmem:v42+s11+$0x0], $0xffff  }
0x2ce: {  	v48 =	vld [tilespmem:$0x1FBA0];
	v39 =	vor.u32 v21, v39  }
0x2cf: {  	v11 =	vcombine.low v22, v23;
	_ =	sdelay $0x1  }
0x2d0: {  	v22 =	vadd.s32 v11, v52  }
0x2d1: {  	v47 =	vand.u32 $0xFFFFFF80, v22;
	[tilespmem:v32+s15+$0x0] =	vst.idx.msk $0xffff, v42  }
0x2d2: {  	v22 =	vand.u32 $0x7F, v22;
	v23 =	vadd.s32 v53, v47;
	v49 =	vor.u32 s30, v48;
	v39 =	vld.idx.msk [tilespmem:v39+s11+$0x0], $0xffff  }
0x2d3: {  	v23 =	vor.u32 v22, v23;
	v63 =	vld [tilespmem:$0x1FBB0];
	_ =	sdelay $0x3  }
0x2d4: {  	[tilespmem:v49+s15+$0x0] =	vst.idx.msk $0xffff, v39  }
0x2d5: {  	v12 =	vcombine.low v24, v25;
	v2 =	vor.u32 s30, v63;
	v39 =	vld.idx.msk [tilespmem:v23+s11+$0x0], $0xffff;
	_ =	sdelay $0x1  }
0x2d6: {  	v24 =	vadd.s32 v12, v52  }
0x2d7: {  	v25 =	vand.u32 $0xFFFFFF80, v24  }
0x2d8: {  	v32 =	vand.u32 $0x7F, v24;
	v24 =	vadd.s32 v53, v25  }
0x2d9: {  	v24 =	vor.u32 v32, v24;
	[tilespmem:v2+s15+$0x0] =	vst.idx.msk $0xffff, v39;
	v39 =	vld [tilespmem:$0x1FBC0]  }
0x2da: {  	v13 =	vcombine.low v26, v27;
	_ =	sdelay $0x1  }
0x2db: {  	v25 =	vadd.s32 v13, v52  }
0x2dc: {  	v26 =	vand.u32 $0xFFFFFF80, v25  }
0x2dd: {  	v27 =	vld.idx.msk [tilespmem:v24+s11+$0x0], $0xffff;
	v24 =	vand.u32 $0x7F, v25;
	v25 =	vadd.s32 v53, v26;
	v42 =	vor.u32 s30, v39  }
0x2de: {  	v44 =	vld [tilespmem:$0x1FBD0];
	v25 =	vor.u32 v24, v25  }
0x2df: {  	v15 =	vcombine.low v29, v34;
	_ =	sdelay $0x1  }
0x2e0: {  	v26 =	vadd.s32 v15, v52  }
0x2e1: {  	[tilespmem:v42+s15+$0x0] =	vst.idx.msk $0xffff, v27;
	v27 =	vand.u32 $0xFFFFFF80, v26  }
0x2e2: {  	v45 =	vor.u32 s30, v44;
	v29 =	vld.idx.msk [tilespmem:v25+s11+$0x0], $0xffff;
	v25 =	vand.u32 $0x7F, v26;
	v26 =	vadd.s32 v53, v27  }
0x2e3: {  	v46 =	vld [tilespmem:$0x1FBE0];
	v26 =	vor.u32 v25, v26  }
0x2e4: {  	v25 =	vcombine.low v40, v41;
	_ =	sdelay $0x1  }
0x2e5: {  	v27 =	vadd.s32 v25, v52  }
0x2e6: {  	[tilespmem:v45+s15+$0x0] =	vst.idx.msk $0xffff, v29;
	v29 =	vand.u32 $0xFFFFFF80, v27  }
0x2e7: {  	v47 =	vor.u32 s30, v46;
	v34 =	vld.idx.msk [tilespmem:v26+s11+$0x0], $0xffff;
	v26 =	vand.u32 $0x7F, v27;
	v27 =	vadd.s32 v53, v29  }
0x2e8: {  	v48 =	vld [tilespmem:$0x1FBF0];
	v27 =	vor.u32 v26, v27  }
0x2e9: {  	v3 =	vld [tilespmem:$0x1FDB0];
	v26 =	vcombine.low v28, v43  }
0x2ea: {  	v5 =	vld [tilespmem:$0x1FDD0]  }
0x2eb: {  	v4 =	vld [tilespmem:$0x1FDC0];
	v28 =	vadd.s32 v26, v52  }
0x2ec: {  	v63 =	vld [tilespmem:$0x1FC00];
	v29 =	vand.u32 $0xFFFFFF80, v28;
	[tilespmem:v47+s15+$0x0] =	vst.idx.msk $0xffff, v34  }
0x2ed: {  	v49 =	vor.u32 s30, v48;
	v34 =	vld.idx.msk [tilespmem:v27+s11+$0x0], $0xffff;
	v27 =	vand.u32 $0x7F, v28;
	v28 =	vadd.s32 v53, v29  }
0x2ee: {  	v2 =	vld [tilespmem:$0x1FDA0];
	v28 =	vor.u32 v27, v28;
	_ =	sdelay $0x1  }
0x2ef: {  	v30 =	vld [tilespmem:$0x1FDE0];
	v27 =	vor.u32 $0x30, v50  }
0x2f0: {  	v31 =	vld [tilespmem:$0x1FDF0];
	v29 =	vadd.s32 v27, v52  }
0x2f1: {  	v46 =	vsel vm0, v5, v4;
	v32 =	vld [tilespmem:$0x1FE00];
	v20 =	vor.u32 s30, v63;
	v50 =	vand.u32 $0xFFFFFF80, v29;
	[tilespmem:v49+s15+$0x0] =	vst.idx.msk $0xffff, v34  }
0x2f2: {  	v45 =	vsel vm0, v3, v2;
	v39 =	vld.idx.msk [tilespmem:v28+s11+$0x0], $0xffff;
	v28 =	vand.u32 $0x7F, v29;
	v29 =	vadd.s32 v53, v50  }
0x2f3: {  	v63 =	vld [tilespmem:$0x1FE10];
	v34 =	vor.u32 v28, v29;
	v28 =	vcombine.low v46, v45;
	_ =	sdelay $0x1  }
0x2f4: {  	v21 =	vadd.s32 v28, v52  }
0x2f5: {  	v47 =	vsel vm0, v31, v30;
	v22 =	vand.u32 $0xFFFFFF80, v21  }
0x2f6: {  	v29 =	vor.u32 $0x1800, v51;
	v48 =	vand.u32 $0x7F, v21;
	[tilespmem:v20+s15+$0x0] =	vst.idx.msk $0xffff, v39;
	v39 =	vadd.s32 v53, v22  }
0x2f7: {  	v23 =	vor.u32 s30, v29;
	v40 =	vld.idx.msk [tilespmem:v34+s11+$0x0], $0xffff;
	v39 =	vor.u32 v48, v39;
	v48 =	vsel vm0, v63, v32  }
0x2f8: {  	v34 =	vcombine.low v48, v47  }
0x2f9: {  	v17 =	vld [tilespmem:$0x1FE20]  }
0x2fa: {  	v18 =	vld [tilespmem:$0x1FE30];
	v49 =	vadd.s32 v34, v52  }
0x2fb: {  	v19 =	vld [tilespmem:$0x1FE40];
	v50 =	vand.u32 $0xFFFFFF80, v49  }
0x2fc: {  	v51 =	vld [tilespmem:$0x1FC10];
	v20 =	vand.u32 $0x7F, v49;
	[tilespmem:v23+s15+$0x0] =	vst.idx.msk $0xffff, v40;
	v40 =	vadd.s32 v53, v50  }
0x2fd: {  	v40 =	vor.u32 v20, v40;
	v20 =	vld [tilespmem:$0x1FE50];
	_ =	sdelay $0x3  }
0x2fe: {  	v1 =	vor.u32 s30, v51;
	v51 =	vld [tilespmem:$0x1FC20]  }
0x2ff: {  	v49 =	vsel vm0, v18, v17;
	v42 =	vld.idx.msk [tilespmem:v39+s11+$0x0], $0xffff;
	v50 =	vsel vm0, v20, v19  }
0x300: {  	v39 =	vcombine.low v50, v49;
	_ =	sdelay $0x1  }
0x301: {  	v24 =	vld [tilespmem:$0x1FE90];
	v21 =	vadd.s32 v39, v52  }
0x302: {  	v22 =	vand.u32 $0xFFFFFF80, v21;
	v23 =	vand.u32 $0x7F, v21;
	v21 =	vld [tilespmem:$0x1FE60]  }
0x303: {  	[tilespmem:v1+s15+$0x0] =	vst.idx.msk $0xffff, v42;
	v1 =	vor.u32 s30, v51;
	v51 =	vadd.s32 v53, v22;
	v22 =	vld [tilespmem:$0x1FE70]  }
0x304: {  	v41 =	vor.u32 v23, v51;
	v23 =	vld [tilespmem:$0x1FE80];
	_ =	sdelay $0x3  }
0x305: {  	v43 =	vld.idx.msk [tilespmem:v40+s11+$0x0], $0xffff  }
0x306: {  	v7 =	vmov v54;
	v51 =	vsel vm0, v22, v21;
	v54 =	vsel vm0, v24, v23  }
0x307: {  	v40 =	vcombine.low v54, v51  }
0x308: {  	v6 =	vmov v55;
	v55 =	vld [tilespmem:$0x1FC30]  }
0x309: {  	v42 =	vadd.s32 v40, v52  }
0x30a: {  	[tilespmem:v1+s15+$0x0] =	vst.idx.msk $0xffff, v43;
	v43 =	vand.u32 $0xFFFFFF80, v42  }
0x30b: {  	v1 =	vadd.s32 v53, v43;
	_ =	sdelay $0x1  }
0x30c: {  	v55 =	vor.u32 s30, v55;
	v44 =	vld.idx.msk [tilespmem:v41+s11+$0x0], $0xffff;
	v0 =	vand.u32 $0x7F, v42  }
0x30d: {  	v42 =	vor.u32 v0, v1;
	v1 =	vmovc v33;
	v33 =	vmovc v56;
	v56 =	vsel vm0, v4, v3;
	v4 =	vmov v37  }
0x30e: {  	v37 =	vmovc v60;
	v60 =	vmovc v57;
	v57 =	vsel vm0, v2, v5;
	v2 =	vmov v35;
	v35 =	vmov v58;
	v58 =	vld [tilespmem:$0x1FC40]  }
0x30f: {  	v41 =	vcombine.low v57, v56;
	_ =	sdelay $0x1  }
0x310: {  	v43 =	vadd.s32 v41, v52  }
0x311: {  	[tilespmem:v55+s15+$0x0] =	vst.idx.msk $0xffff, v44;
	v3 =	vmovc v36;
	v36 =	vmov v59;
	v59 =	vsel vm0, v32, v31;
	v44 =	vand.u32 $0xFFFFFF80, v43  }
0x312: {  	v55 =	vld.idx.msk [tilespmem:v42+s11+$0x0], $0xffff;
	v42 =	vand.u32 $0x7F, v43;
	v58 =	vor.u32 s30, v58;
	v0 =	vadd.s32 v53, v44  }
0x313: {  	v5 =	vmovc v38;
	v38 =	vmov v62;
	v62 =	vsel vm0, v30, v63;
	v30 =	vld [tilespmem:$0x1FC50];
	v43 =	vor.u32 v42, v0  }
0x314: {  	v42 =	vcombine.low v62, v59;
	_ =	sdelay $0x1  }
0x315: {  	v44 =	vadd.s32 v42, v52  }
0x316: {  	v0 =	vand.u32 $0xFFFFFF80, v44;
	[tilespmem:v58+s15+$0x0] =	vst.idx.msk $0xffff, v55  }
0x317: {  	v63 =	vor.u32 s30, v30;
	v32 =	vand.u32 $0x7F, v44;
	v0 =	vadd.s32 v53, v0;
	v58 =	vld.idx.msk [tilespmem:v43+s11+$0x0], $0xffff  }
0x318: {  	v30 =	vsel vm0, v17, v20;
	v55 =	vsel vm0, v19, v18;
	v44 =	vor.u32 v32, v0;
	v0 =	vld [tilespmem:$0x1FC60]  }
0x319: {  	v43 =	vcombine.low v30, v55;
	_ =	sdelay $0x1  }
0x31a: {  	v31 =	vadd.s32 v43, v52  }
0x31b: {  	v20 =	vand.u32 $0xFFFFFF80, v31;
	[tilespmem:v63+s15+$0x0] =	vst.idx.msk $0xffff, v58  }
0x31c: {  	v31 =	vand.u32 $0x7F, v31;
	v20 =	vadd.s32 v53, v20;
	v32 =	vor.u32 s30, v0;
	v63 =	vld.idx.msk [tilespmem:v44+s11+$0x0], $0xffff  }
0x31d: {  	v22 =	vsel vm0, v23, v22;
	v23 =	vsel vm0, v21, v24;
	v31 =	vor.u32 v31, v20;
	v20 =	vld [tilespmem:$0x1FC70]  }
0x31e: {  	v44 =	vcombine.low v23, v22;
	_ =	sdelay $0x1  }
0x31f: {  	v58 =	vadd.s32 v44, v52  }
0x320: {  	v0 =	vand.u32 $0xFFFFFF80, v58;
	[tilespmem:v32+s15+$0x0] =	vst.idx.msk $0xffff, v63  }
0x321: {  	v58 =	vand.u32 $0x7F, v58;
	v63 =	vor.u32 s30, v20;
	v32 =	vadd.s32 v53, v0;
	v31 =	vld.idx.msk [tilespmem:v31+s11+$0x0], $0xffff  }
0x322: {  	v21 =	vld [tilespmem:$0x1FC80];
	v32 =	vor.u32 v58, v32  }
0x323: {  	v45 =	vcombine.low v45, v46;
	_ =	sdelay $0x1  }
0x324: {  	v46 =	vadd.s32 v45, v52  }
0x325: {  	[tilespmem:v63+s15+$0x0] =	vst.idx.msk $0xffff, v31;
	v31 =	vand.u32 $0xFFFFFF80, v46  }
0x326: {  	v22 =	vor.u32 s30, v21;
	v46 =	vand.u32 $0x7F, v46;
	v32 =	vld.idx.msk [tilespmem:v32+s11+$0x0], $0xffff;
	v31 =	vadd.s32 v53, v31  }
0x327: {  	v31 =	vor.u32 v46, v31;
	v46 =	vcombine.low v47, v48;
	v48 =	vld [tilespmem:$0x1FC90];
	_ =	sdelay $0x2  }
0x328: {  	v47 =	vadd.s32 v46, v52  }
0x329: {  	v23 =	vand.u32 $0xFFFFFF80, v47;
	[tilespmem:v22+s15+$0x0] =	vst.idx.msk $0xffff, v32  }
0x32a: {  	v47 =	vand.u32 $0x7F, v47;
	v32 =	vadd.s32 v53, v23;
	v31 =	vld.idx.msk [tilespmem:v31+s11+$0x0], $0xffff;
	v20 =	vor.u32 s30, v48  }
0x32b: {  	v21 =	vld [tilespmem:$0x1FCA0];
	v32 =	vor.u32 v47, v32  }
0x32c: {  	v47 =	vcombine.low v49, v50;
	_ =	sdelay $0x1  }
0x32d: {  	v49 =	vadd.s32 v47, v52  }
0x32e: {  	[tilespmem:v20+s15+$0x0] =	vst.idx.msk $0xffff, v31;
	v31 =	vand.u32 $0xFFFFFF80, v49  }
0x32f: {  	v22 =	vor.u32 s30, v21;
	v23 =	vand.u32 $0x7F, v49;
	v32 =	vld.idx.msk [tilespmem:v32+s11+$0x0], $0xffff;
	v31 =	vadd.s32 v53, v31  }
0x330: {  	v21 =	vld [tilespmem:$0x1FCB0];
	v31 =	vor.u32 v23, v31  }
0x331: {  	v48 =	vcombine.low v51, v54;
	_ =	sdelay $0x1  }
0x332: {  	v54 =	vadd.s32 v48, v52  }
0x333: {  	v20 =	vand.u32 $0xFFFFFF80, v54;
	[tilespmem:v22+s15+$0x0] =	vst.idx.msk $0xffff, v32  }
0x334: {  	v49 =	vand.u32 $0x7F, v54;
	v22 =	vor.u32 s30, v21;
	v32 =	vadd.s32 v53, v20;
	v31 =	vld.idx.msk [tilespmem:v31+s11+$0x0], $0xffff  }
0x335: {  	v54 =	vld [tilespmem:$0x1FCC0];
	v32 =	vor.u32 v49, v32  }
0x336: {  	v49 =	vcombine.low v56, v57;
	_ =	sdelay $0x1  }
0x337: {  	v23 =	vadd.s32 v49, v52  }
0x338: {  	[tilespmem:v22+s15+$0x0] =	vst.idx.msk $0xffff, v31;
	v31 =	vand.u32 $0xFFFFFF80, v23  }
0x339: {  	v20 =	vor.u32 s30, v54;
	v21 =	vand.u32 $0x7F, v23;
	v32 =	vld.idx.msk [tilespmem:v32+s11+$0x0], $0xffff;
	v31 =	vadd.s32 v53, v31  }
0x33a: {  	v54 =	vld [tilespmem:$0x1FCD0];
	v31 =	vor.u32 v21, v31  }
0x33b: {  	v50 =	vcombine.low v59, v62;
	_ =	sdelay $0x1  }
0x33c: {  	v22 =	vadd.s32 v50, v52  }
0x33d: {  	v23 =	vand.u32 $0xFFFFFF80, v22;
	[tilespmem:v20+s15+$0x0] =	vst.idx.msk $0xffff, v32  }
0x33e: {  	v51 =	vand.u32 $0x7F, v22;
	v20 =	vor.u32 s30, v54;
	v32 =	vadd.s32 v53, v23;
	v31 =	vld.idx.msk [tilespmem:v31+s11+$0x0], $0xffff  }
0x33f: {  	v21 =	vld [tilespmem:$0x1FF90];
	v32 =	vor.u32 v51, v32  }
0x340: {  	v51 =	vcombine.low v55, v30;
	_ =	sdelay $0x1  }
0x341: {  	v30 =	vadd.s32 v51, v52  }
0x342: {  	[tilespmem:v20+s15+$0x0] =	vst.idx.msk $0xffff, v31;
	v31 =	vand.u32 $0xFFFFFF80, v30  }
0x343: {  	v22 =	vor.u32 s30, v21;
	v30 =	vand.u32 $0x7F, v30;
	v32 =	vld.idx.msk [tilespmem:v32+s11+$0x0], $0xffff;
	v31 =	vadd.s32 v53, v31  }
0x344: {  	v23 =	vld [tilespmem:$0x1FFA0];
	v30 =	vor.u32 v30, v31;
	_ =	sdelay $0x3  }
0x345: {  	[tilespmem:v22+s15+$0x0] =	vst.idx.msk $0xffff, v32  }
0x346: {  	v31 =	vor.u32 s30, v23;
	v30 =	vld.idx.msk [tilespmem:v30+s11+$0x0], $0xffff  }
0x347: {  	p1 =	sne.s32 s30, $0x70  }
.Ltmp2:
0x348: {  	v63 =	vld [tilespmem:$0x1FFF0];
	(pc) =	sbr.rel @p1 .LBB2_8-.Ltmp2, $4  }
0x349: {  	v62 =	vmov v38;
	v38 =	vmov v5;
	v5 =	vld [tilespmem:$0x1FB70]  }
0x34a: {  	v58 =	vmov v35;
	v32 =	vld [tilespmem:$0x1FFD0]  }
0x34b: {  	v35 =	vmovc v2;
	v59 =	vmovc v36;
	v36 =	vmov v3;
	v57 =	vmov v60;
	v60 =	vmov v37;
	[tilespmem:v31+s15+$0x0] =	vst.idx.msk $0xffff, v30;
	v31 =	vld [tilespmem:$0x1FFC0]  }
0x34c: {  	s31 =	sadd.s32 $0x10, s31;
	v37 =	vmovc v4;
	v56 =	vmovc v33;
	v33 =	vmov v1;
	v54 =	vmov v7;
	v55 =	vmov v6;
	s30 =	sadd.s32 $0x10, s30;
	v30 =	vld [tilespmem:$0x1FFB0]  }
0x34d: {  	v23 =	vmov v13;
	v13 =	vld [tilespmem:$0x1F820];
	p1 =	seq.s32 s26, $0x18  }
.Ltmp3:
0x34e: {  	v22 =	vmov v12;
	v12 =	vld [tilespmem:$0x1F810];
	s0 =	sshll.u32 s26, $0x15;
	(pc) =	sbr.rel @!p1 .LBB2_10-.Ltmp3, $4  }
0x34f: {  	v21 =	vmov v11;
	v11 =	vld [tilespmem:$0x1F800];
	s0 =	sadd.s32 s24, s0  }
0x350: {  	v20 =	vmov v10;
	v10 =	vld [tilespmem:$0x1F7F0];
	s0 =	sshrl.u32 s0, $0x3  }
0x351: {  	v19 =	vmov v9;
	[tilespmem:$0x1F700] =	vst v16;
	v9 =	vld [tilespmem:$0x1F7E0];
	s0 =	sadd.s32 s1, s0  }
0x352: {  	v24 =	vmov v15;
	v18 =	vmov v8;
	v17 =	vmov v14;
	v8 =	vld [tilespmem:$0x1F7D0];
	[hbm4b:s0+s16] =	stream.strided.scatter [tilespmem:s15], [sflag:$0x3], $0x2000, s17, s16, $0x38  }
.Ltmp4:
0x353: {  	(pc) =	sbr.rel .LBB2_13-.Ltmp4, $4  }
0x354: {  	_ = 	snop  }
0x355: {  	_ =	swait.ge [sflag:s18], $0x4000  }
0x356: {  	[sflag:s18] =	ssyncset.done $0x0;
	v4 =	vld [tilespmem:$0x1F860]  }
0x357: {  	v0 =	vld [tilespmem:$0x1F870];
	[sflag:s18] =	ssyncadd.s32 $0xFFFFC000  }
.LBB2_10:
0x358: {  	s7 =	simm.s32 $0x0  }
0x359: {  	v30 =	vmov s7  }
0x35a: {  	s0 =	sadd.s32 $0x2, s29;
	v30 =	vmul.u32 $0x32, v30  }
0x35b: {  	v52 =	vmov s0  }
0x35c: {  	v30 =	vadd.s32 v52, v30  }
0x35d: {  	v30 =	vbroadcast v30, $0x0;
	_ =	sdelay $0x1  }
0x35e: {  	v30 =	vadd.s32 v61, v30;
	_ =	sdelay $0x1  }
0x35f: {  	s31 =	simm.s32 $0x10  }
0x360: {  	v31 =	vmov s31  }
0x361: {  	v31 =	vmul.u32 $0x32, v31  }
0x362: {  	v30 =	vld.idx.msk [tilespmem:v30+s2+$0x0], $0xffff  }
0x363: {  	v31 =	vadd.s32 v52, v31  }
0x364: {  	v31 =	vbroadcast v31, $0x0;
	_ =	sdelay $0x1  }
0x365: {  	v53 =	vadd.s32 v61, v31  }
0x366: {  	s30 =	simm.s32 $0x1900;
	s3 =	simm.s32 $0x20;
	v4 =	vld [tilespmem:$0x1F860];
	v32 =	vshra.s32 v30, $0x1;
	v30 =	vshll.u32 v30, $0x6  }
0x367: {  	s29 =	simm.s32 $0x1A00;
	v0 =	vld [tilespmem:$0x1F870];
	s0 =	simm.s32 $0x30;
	v54 =	vmov s3;
	[tilespmem:s30+$0x0] =	vst v32;
	v55 =	vand.u32 $0x40, v30  }
.LBB2_11:
0x368: {  	s30 =	sadd.s32 $0x10, s30  }
0x369: {  	v30 =	vmul.u32 $0x32, v54;
	[tilespmem:s29+$0x0] =	vst v55;
	s29 =	sadd.s32 $0x10, s29;
	s3 =	smov.u32 s0;
	s7 =	sadd.s32 $0x10, s0  }
0x36a: {  	p1 =	sne.s32 s0, $0x70;
	v31 =	vld.idx.msk [tilespmem:v53+s2+$0x0], $0xffff  }
0x36b: {  	v30 =	vadd.s32 v52, v30  }
0x36c: {  	v30 =	vbroadcast v30, $0x0  }
.Ltmp5:
0x36d: {  	(pc) =	sbr.rel @p1 .LBB2_11-.Ltmp5, $3  }
0x36e: {  	v53 =	vadd.s32 v61, v30;
	_ =	sdelay $0x1  }
0x36f: {  	v30 =	vshra.s32 v31, $0x1;
	v31 =	vshll.u32 v31, $0x6  }
0x370: {  	v54 =	vmov s3;
	s0 =	smov.u32 s7;
	v55 =	vand.u32 $0x40, v31;
	[tilespmem:s30+$0x0] =	vst v30  }
0x371: {  	_ =	sdelay $0x1  }
0x372: {  	v30 =	vmul.u32 $0x32, v54  }
0x373: {  	[tilespmem:s29+$0x0] =	vst v55  }
0x374: {  	v31 =	vld.idx.msk [tilespmem:v53+s2+$0x0], $0xffff;
	v30 =	vadd.s32 v52, v30  }
0x375: {  	v30 =	vbroadcast v30, $0x0;
	_ =	sdelay $0x1  }
0x376: {  	v30 =	vadd.s32 v61, v30;
	_ =	sdelay $0x1  }
0x377: {  	s0 =	sadd.s32 $0x10, s30;
	v32 =	vshra.s32 v31, $0x1;
	v31 =	vshll.u32 v31, $0x6  }
0x378: {  	s3 =	sadd.s32 $0x10, s29;
	[tilespmem:s0+$0x0] =	vst v32;
	v31 =	vand.u32 $0x40, v31  }
0x379: {  	[tilespmem:s3+$0x0] =	vst v31  }
0x37a: {  	v30 =	vld.idx.msk [tilespmem:v30+s2+$0x0], $0xffff;
	_ =	sdelay $0x4  }
0x37b: {  	s0 =	sadd.s32 $0x10, s0;
	v31 =	vshra.s32 v30, $0x1;
	v30 =	vshll.u32 v30, $0x6  }
0x37c: {  	s3 =	sadd.s32 $0x10, s3;
	[tilespmem:s0+$0x0] =	vst v31;
	v30 =	vand.u32 $0x40, v30  }
.Ltmp6:
0x37d: {  	[tilespmem:s3+$0x0] =	vst v30;
	(pc) =	sbr.rel @p0 .LBB2_14-.Ltmp6, $4  }
0x37e: {  	[tilespmem:s11], [sflag:$0x1] =	stream.indirect.gather [hbm4b:s5+s9], $0x80, s10, s9, $0xb8;
	[tilespmem:$0xDB00] =	vst v63  }
0x37f: {  	_ =	swait.ge [sflag:s18], $0x4000  }
0x380: {  	[sflag:s18] =	ssyncset.done $0x0  }
0x381: {  	v55 =	vmov v6;
	[sflag:s18] =	ssyncadd.s32 $0xFFFFC000  }
.LBB2_13:
0x382: {  	_ =	swait.ge [sflag:s19], $0x2000  }
0x383: {  	[sflag:s19] =	ssyncset.done $0x0  }
0x384: {  	[sflag:s19] =	ssyncadd.s32 $0xFFFFE000  }
.LBB2_14:
0x385: {  	v1 =	vld [tilespmem:$0x1F7A0]  }
0x386: {  	v2 =	vld [tilespmem:$0x1F7B0]  }
0x387: {  	v3 =	vld [tilespmem:$0x1F7C0];
	v7 =	vmov v8  }
0x388: {  	v8 =	vmovc v9;
	v9 =	vmovc v10;
	v10 =	vmov v11;
	v11 =	vmov v12;
	v12 =	vmov v13;
	v13 =	vld [tilespmem:$0x1F830]  }
0x389: {  	v14 =	vld [tilespmem:$0x1F840]  }
0x38a: {  	v15 =	vld [tilespmem:$0x1F700]  }
0x38b: {  	v16 =	vld [tilespmem:$0x1F8A0]  }
0x38c: {  	s29 =	simm.s32 $0x0;
	s30 =	simm.s32 $0x1A80;
	v6 =	vld [tilespmem:$0x1F850]  }
.LBB2_15:
0x38d: {  	v52 =	vld [tilespmem:s30+$0x0]  }
0x38e: {  	v53 =	vld [tilespmem:$0x1FEA0];
	_ =	sdelay $0x2  }
0x38f: {  	v30 =	vmov s29;
	v31 =	vlaneseq.u32  }
0x390: {  	v30 =	vshll.u32 v30, $0x7;
	v31 =	vadd.s32 v31, v52  }
0x391: {  	v53 =	vor.u32 v53, v30;
	v32 =	vand.u32 $0xFFFFFF80, v31  }
0x392: {  	v30 =	vand.u32 $0x7F, v31;
	v31 =	vadd.s32 v53, v32  }
0x393: {  	v54 =	vld [tilespmem:$0x1FEC0];
	v30 =	vor.u32 v30, v31;
	_ =	sdelay $0x2  }
0x394: {  	v31 =	vadd.s32 v56, v52  }
0x395: {  	v32 =	vand.u32 $0xFFFFFF80, v31  }
0x396: {  	v54 =	vor.u32 s29, v54;
	v31 =	vand.u32 $0x7F, v31;
	v32 =	vadd.s32 v53, v32;
	v30 =	vld.idx.msk [tilespmem:v30+s13+$0x0], $0xffff  }
0x397: {  	v31 =	vor.u32 v31, v32;
	_ =	sdelay $0x2  }
0x398: {  	v32 =	vadd.s32 v58, v52  }
0x399: {  	[tilespmem:v54+s20+$0x0] =	vst.idx.msk $0xffff, v30;
	v30 =	vand.u32 $0xFFFFFF80, v32  }
0x39a: {  	v54 =	vor.u32 s29, v57;
	v32 =	vand.u32 $0x7F, v32;
	v31 =	vld.idx.msk [tilespmem:v31+s13+$0x0], $0xffff;
	v30 =	vadd.s32 v53, v30  }
0x39b: {  	v30 =	vor.u32 v32, v30;
	_ =	sdelay $0x2  }
0x39c: {  	v32 =	vadd.s32 v60, v52  }
0x39d: {  	[tilespmem:v54+s20+$0x0] =	vst.idx.msk $0xffff, v31;
	v31 =	vand.u32 $0xFFFFFF80, v32  }
0x39e: {  	v54 =	vor.u32 s29, v59;
	v32 =	vand.u32 $0x7F, v32;
	v30 =	vld.idx.msk [tilespmem:v30+s13+$0x0], $0xffff;
	v31 =	vadd.s32 v53, v31  }
0x39f: {  	v31 =	vor.u32 v32, v31;
	_ =	sdelay $0x2  }
0x3a0: {  	v32 =	vadd.s32 v63, v52  }
0x3a1: {  	[tilespmem:v54+s20+$0x0] =	vst.idx.msk $0xffff, v30;
	v30 =	vand.u32 $0xFFFFFF80, v32  }
0x3a2: {  	v54 =	vor.u32 s29, v62;
	v32 =	vand.u32 $0x7F, v32;
	v31 =	vld.idx.msk [tilespmem:v31+s13+$0x0], $0xffff;
	v30 =	vadd.s32 v53, v30  }
0x3a3: {  	v30 =	vor.u32 v32, v30;
	_ =	sdelay $0x2  }
0x3a4: {  	v32 =	vadd.s32 v35, v52  }
0x3a5: {  	[tilespmem:v54+s20+$0x0] =	vst.idx.msk $0xffff, v31;
	v31 =	vand.u32 $0xFFFFFF80, v32  }
0x3a6: {  	v54 =	vor.u32 s29, v33;
	v32 =	vand.u32 $0x7F, v32;
	v30 =	vld.idx.msk [tilespmem:v30+s13+$0x0], $0xffff;
	v31 =	vadd.s32 v53, v31  }
0x3a7: {  	v31 =	vor.u32 v32, v31;
	_ =	sdelay $0x2  }
0x3a8: {  	v32 =	vadd.s32 v37, v52  }
0x3a9: {  	[tilespmem:v54+s20+$0x0] =	vst.idx.msk $0xffff, v30;
	v30 =	vand.u32 $0xFFFFFF80, v32  }
0x3aa: {  	v54 =	vor.u32 s29, v36;
	v32 =	vand.u32 $0x7F, v32;
	v31 =	vld.idx.msk [tilespmem:v31+s13+$0x0], $0xffff;
	v30 =	vadd.s32 v53, v30  }
0x3ab: {  	v30 =	vor.u32 v32, v30;
	_ =	sdelay $0x2  }
0x3ac: {  	v32 =	vadd.s32 v5, v52  }
0x3ad: {  	[tilespmem:v54+s20+$0x0] =	vst.idx.msk $0xffff, v31;
	v31 =	vand.u32 $0xFFFFFF80, v32  }
0x3ae: {  	v54 =	vor.u32 s29, v38;
	v32 =	vand.u32 $0x7F, v32;
	v30 =	vld.idx.msk [tilespmem:v30+s13+$0x0], $0xffff;
	v31 =	vadd.s32 v53, v31  }
0x3af: {  	v31 =	vor.u32 v32, v31;
	_ =	sdelay $0x2  }
0x3b0: {  	v32 =	vadd.s32 v6, v52  }
0x3b1: {  	[tilespmem:v54+s20+$0x0] =	vst.idx.msk $0xffff, v30;
	v30 =	vand.u32 $0xFFFFFF80, v32  }
0x3b2: {  	v54 =	vor.u32 s29, v55;
	v32 =	vand.u32 $0x7F, v32;
	v31 =	vld.idx.msk [tilespmem:v31+s13+$0x0], $0xffff;
	v30 =	vadd.s32 v53, v30  }
0x3b3: {  	v30 =	vor.u32 v32, v30;
	_ =	sdelay $0x3  }
0x3b4: {  	[tilespmem:v54+s20+$0x0] =	vst.idx.msk $0xffff, v31  }
0x3b5: {  	v32 =	vadd.s32 v0, v52;
	v54 =	vor.u32 s29, v4;
	v30 =	vld.idx.msk [tilespmem:v30+s13+$0x0], $0xffff  }
0x3b6: {  	v31 =	vand.u32 $0xFFFFFF80, v32  }
0x3b7: {  	v32 =	vand.u32 $0x7F, v32;
	v31 =	vadd.s32 v53, v31  }
0x3b8: {  	v31 =	vor.u32 v32, v31;
	v32 =	vld [tilespmem:$0x1F890];
	_ =	sdelay $0x1  }
0x3b9: {  	[tilespmem:v54+s20+$0x0] =	vst.idx.msk $0xffff, v30;
	v54 =	vld [tilespmem:$0x1F880];
	_ =	sdelay $0x2  }
0x3ba: {  	v32 =	vadd.s32 v32, v52  }
0x3bb: {  	v30 =	vand.u32 $0xFFFFFF80, v32  }
0x3bc: {  	v31 =	vld.idx.msk [tilespmem:v31+s13+$0x0], $0xffff;
	v32 =	vand.u32 $0x7F, v32;
	v30 =	vadd.s32 v53, v30;
	v54 =	vor.u32 s29, v54  }
0x3bd: {  	v30 =	vor.u32 v32, v30;
	_ =	sdelay $0x1  }
0x3be: {  	v32 =	vld [tilespmem:$0x1FFE0];
	_ =	sdelay $0x1  }
0x3bf: {  	[tilespmem:v54+s20+$0x0] =	vst.idx.msk $0xffff, v31  }
0x3c0: {  	v54 =	vor.u32 s29, v16;
	v30 =	vld.idx.msk [tilespmem:v30+s13+$0x0], $0xffff;
	_ =	sdelay $0x1  }
0x3c1: {  	v32 =	vadd.s32 v32, v52  }
0x3c2: {  	v31 =	vand.u32 $0xFFFFFF80, v32  }
0x3c3: {  	v32 =	vand.u32 $0x7F, v32;
	v31 =	vadd.s32 v53, v31  }
0x3c4: {  	v31 =	vor.u32 v32, v31;
	[tilespmem:v54+s20+$0x0] =	vst.idx.msk $0xffff, v30;
	v54 =	vld [tilespmem:$0x1FF80];
	_ =	sdelay $0x1  }
0x3c5: {  	v32 =	vld [tilespmem:$0x1F8B0];
	_ =	sdelay $0x2  }
0x3c6: {  	v31 =	vld.idx.msk [tilespmem:v31+s13+$0x0], $0xffff;
	v54 =	vor.u32 s29, v54;
	_ =	sdelay $0x1  }
0x3c7: {  	v32 =	vadd.s32 v32, v52  }
0x3c8: {  	v30 =	vand.u32 $0xFFFFFF80, v32  }
0x3c9: {  	v32 =	vand.u32 $0x7F, v32;
	v30 =	vadd.s32 v53, v30  }
0x3ca: {  	v30 =	vor.u32 v32, v30;
	[tilespmem:v54+s20+$0x0] =	vst.idx.msk $0xffff, v31;
	v54 =	vld [tilespmem:$0x1F8C0];
	_ =	sdelay $0x1  }
0x3cb: {  	v32 =	vld [tilespmem:$0x1F8D0];
	_ =	sdelay $0x2  }
0x3cc: {  	v30 =	vld.idx.msk [tilespmem:v30+s13+$0x0], $0xffff;
	v54 =	vor.u32 s29, v54;
	_ =	sdelay $0x1  }
0x3cd: {  	v32 =	vadd.s32 v32, v52  }
0x3ce: {  	v31 =	vand.u32 $0xFFFFFF80, v32  }
0x3cf: {  	v32 =	vand.u32 $0x7F, v32;
	v31 =	vadd.s32 v53, v31  }
0x3d0: {  	v31 =	vor.u32 v32, v31;
	[tilespmem:v54+s20+$0x0] =	vst.idx.msk $0xffff, v30;
	v54 =	vld [tilespmem:$0x1F8E0];
	_ =	sdelay $0x1  }
0x3d1: {  	v32 =	vld [tilespmem:$0x1F8F0];
	_ =	sdelay $0x2  }
0x3d2: {  	v31 =	vld.idx.msk [tilespmem:v31+s13+$0x0], $0xffff;
	v54 =	vor.u32 s29, v54;
	_ =	sdelay $0x1  }
0x3d3: {  	v32 =	vadd.s32 v32, v52  }
0x3d4: {  	v30 =	vand.u32 $0xFFFFFF80, v32  }
0x3d5: {  	v32 =	vand.u32 $0x7F, v32;
	v30 =	vadd.s32 v53, v30  }
0x3d6: {  	v30 =	vor.u32 v32, v30;
	[tilespmem:v54+s20+$0x0] =	vst.idx.msk $0xffff, v31;
	v54 =	vld [tilespmem:$0x1F900];
	_ =	sdelay $0x1  }
0x3d7: {  	v32 =	vld [tilespmem:$0x1F910];
	_ =	sdelay $0x2  }
0x3d8: {  	v30 =	vld.idx.msk [tilespmem:v30+s13+$0x0], $0xffff;
	v54 =	vor.u32 s29, v54;
	_ =	sdelay $0x1  }
0x3d9: {  	v32 =	vadd.s32 v32, v52  }
0x3da: {  	v31 =	vand.u32 $0xFFFFFF80, v32  }
0x3db: {  	v32 =	vand.u32 $0x7F, v32;
	v31 =	vadd.s32 v53, v31  }
0x3dc: {  	v31 =	vor.u32 v32, v31;
	[tilespmem:v54+s20+$0x0] =	vst.idx.msk $0xffff, v30;
	v54 =	vld [tilespmem:$0x1F920];
	_ =	sdelay $0x1  }
0x3dd: {  	v32 =	vld [tilespmem:$0x1FEB0];
	_ =	sdelay $0x2  }
0x3de: {  	v31 =	vld.idx.msk [tilespmem:v31+s13+$0x0], $0xffff;
	v54 =	vor.u32 s29, v54;
	_ =	sdelay $0x1  }
0x3df: {  	v32 =	vadd.s32 v32, v52  }
0x3e0: {  	v30 =	vand.u32 $0xFFFFFF80, v32  }
0x3e1: {  	v32 =	vand.u32 $0x7F, v32;
	v30 =	vadd.s32 v53, v30  }
0x3e2: {  	v30 =	vor.u32 v32, v30;
	[tilespmem:v54+s20+$0x0] =	vst.idx.msk $0xffff, v31;
	v54 =	vld [tilespmem:$0x1FED0];
	_ =	sdelay $0x1  }
0x3e3: {  	v32 =	vld [tilespmem:$0x1FF10];
	_ =	sdelay $0x2  }
0x3e4: {  	v30 =	vld.idx.msk [tilespmem:v30+s13+$0x0], $0xffff;
	v54 =	vor.u32 s29, v54;
	_ =	sdelay $0x1  }
0x3e5: {  	v32 =	vadd.s32 v32, v52  }
0x3e6: {  	v31 =	vand.u32 $0xFFFFFF80, v32  }
0x3e7: {  	v32 =	vand.u32 $0x7F, v32;
	v31 =	vadd.s32 v53, v31  }
0x3e8: {  	v31 =	vor.u32 v32, v31;
	[tilespmem:v54+s20+$0x0] =	vst.idx.msk $0xffff, v30;
	v54 =	vld [tilespmem:$0x1F930];
	_ =	sdelay $0x1  }
0x3e9: {  	v32 =	vld [tilespmem:$0x1F710];
	_ =	sdelay $0x2  }
0x3ea: {  	v31 =	vld.idx.msk [tilespmem:v31+s13+$0x0], $0xffff;
	v54 =	vor.u32 s29, v54;
	_ =	sdelay $0x1  }
0x3eb: {  	v32 =	vadd.s32 v32, v52  }
0x3ec: {  	v30 =	vand.u32 $0xFFFFFF80, v32  }
0x3ed: {  	v32 =	vand.u32 $0x7F, v32;
	v30 =	vadd.s32 v53, v30  }
0x3ee: {  	v30 =	vor.u32 v32, v30;
	[tilespmem:v54+s20+$0x0] =	vst.idx.msk $0xffff, v31;
	v54 =	vld [tilespmem:$0x1F940];
	_ =	sdelay $0x1  }
0x3ef: {  	v32 =	vld [tilespmem:$0x1F720];
	_ =	sdelay $0x2  }
0x3f0: {  	v30 =	vld.idx.msk [tilespmem:v30+s13+$0x0], $0xffff;
	v54 =	vor.u32 s29, v54;
	_ =	sdelay $0x1  }
0x3f1: {  	v32 =	vadd.s32 v32, v52  }
0x3f2: {  	v31 =	vand.u32 $0xFFFFFF80, v32  }
0x3f3: {  	v32 =	vand.u32 $0x7F, v32;
	v31 =	vadd.s32 v53, v31  }
0x3f4: {  	v31 =	vor.u32 v32, v31;
	[tilespmem:v54+s20+$0x0] =	vst.idx.msk $0xffff, v30;
	v54 =	vld [tilespmem:$0x1F990];
	_ =	sdelay $0x1  }
0x3f5: {  	v32 =	vld [tilespmem:$0x1F730];
	_ =	sdelay $0x2  }
0x3f6: {  	v31 =	vld.idx.msk [tilespmem:v31+s13+$0x0], $0xffff;
	v54 =	vor.u32 s29, v54;
	_ =	sdelay $0x1  }
0x3f7: {  	v32 =	vadd.s32 v32, v52  }
0x3f8: {  	v30 =	vand.u32 $0xFFFFFF80, v32  }
0x3f9: {  	v32 =	vand.u32 $0x7F, v32;
	v30 =	vadd.s32 v53, v30  }
0x3fa: {  	v30 =	vor.u32 v32, v30;
	[tilespmem:v54+s20+$0x0] =	vst.idx.msk $0xffff, v31;
	v54 =	vld [tilespmem:$0x1F9E0];
	_ =	sdelay $0x1  }
0x3fb: {  	v32 =	vld [tilespmem:$0x1F740];
	_ =	sdelay $0x2  }
0x3fc: {  	v30 =	vld.idx.msk [tilespmem:v30+s13+$0x0], $0xffff;
	v54 =	vor.u32 s29, v54;
	_ =	sdelay $0x1  }
0x3fd: {  	v32 =	vadd.s32 v32, v52  }
0x3fe: {  	v31 =	vand.u32 $0xFFFFFF80, v32  }
0x3ff: {  	v32 =	vand.u32 $0x7F, v32;
	v31 =	vadd.s32 v53, v31  }
0x400: {  	v31 =	vor.u32 v32, v31;
	[tilespmem:v54+s20+$0x0] =	vst.idx.msk $0xffff, v30;
	v54 =	vld [tilespmem:$0x1F9F0];
	_ =	sdelay $0x1  }
0x401: {  	v32 =	vld [tilespmem:$0x1F750];
	_ =	sdelay $0x2  }
0x402: {  	v31 =	vld.idx.msk [tilespmem:v31+s13+$0x0], $0xffff;
	v54 =	vor.u32 s29, v54;
	_ =	sdelay $0x1  }
0x403: {  	v32 =	vadd.s32 v32, v52  }
0x404: {  	v30 =	vand.u32 $0xFFFFFF80, v32  }
0x405: {  	v32 =	vand.u32 $0x7F, v32;
	v30 =	vadd.s32 v53, v30  }
0x406: {  	v30 =	vor.u32 v32, v30;
	[tilespmem:v54+s20+$0x0] =	vst.idx.msk $0xffff, v31;
	v54 =	vld [tilespmem:$0x1FA00];
	_ =	sdelay $0x1  }
0x407: {  	v32 =	vld [tilespmem:$0x1F760];
	_ =	sdelay $0x2  }
0x408: {  	v30 =	vld.idx.msk [tilespmem:v30+s13+$0x0], $0xffff;
	v54 =	vor.u32 s29, v54;
	_ =	sdelay $0x1  }
0x409: {  	v32 =	vadd.s32 v32, v52  }
0x40a: {  	v31 =	vand.u32 $0xFFFFFF80, v32  }
0x40b: {  	v32 =	vand.u32 $0x7F, v32;
	v31 =	vadd.s32 v53, v31  }
0x40c: {  	v31 =	vor.u32 v32, v31;
	[tilespmem:v54+s20+$0x0] =	vst.idx.msk $0xffff, v30;
	v54 =	vld [tilespmem:$0x1FA10];
	_ =	sdelay $0x1  }
0x40d: {  	v32 =	vld [tilespmem:$0x1F770];
	_ =	sdelay $0x2  }
0x40e: {  	v31 =	vld.idx.msk [tilespmem:v31+s13+$0x0], $0xffff;
	v54 =	vor.u32 s29, v54;
	_ =	sdelay $0x1  }
0x40f: {  	v32 =	vadd.s32 v32, v52  }
0x410: {  	v30 =	vand.u32 $0xFFFFFF80, v32  }
0x411: {  	v32 =	vand.u32 $0x7F, v32;
	v30 =	vadd.s32 v53, v30  }
0x412: {  	v30 =	vor.u32 v32, v30;
	[tilespmem:v54+s20+$0x0] =	vst.idx.msk $0xffff, v31;
	v54 =	vld [tilespmem:$0x1FA20];
	_ =	sdelay $0x1  }
0x413: {  	v32 =	vld [tilespmem:$0x1F780];
	_ =	sdelay $0x2  }
0x414: {  	v30 =	vld.idx.msk [tilespmem:v30+s13+$0x0], $0xffff;
	v54 =	vor.u32 s29, v54;
	_ =	sdelay $0x1  }
0x415: {  	v32 =	vadd.s32 v32, v52  }
0x416: {  	v31 =	vand.u32 $0xFFFFFF80, v32  }
0x417: {  	v32 =	vand.u32 $0x7F, v32;
	v31 =	vadd.s32 v53, v31  }
0x418: {  	v31 =	vor.u32 v32, v31;
	[tilespmem:v54+s20+$0x0] =	vst.idx.msk $0xffff, v30;
	v54 =	vld [tilespmem:$0x1FA30];
	_ =	sdelay $0x1  }
0x419: {  	v32 =	vld [tilespmem:$0x1F790];
	_ =	sdelay $0x2  }
0x41a: {  	v31 =	vld.idx.msk [tilespmem:v31+s13+$0x0], $0xffff;
	v54 =	vor.u32 s29, v54;
	_ =	sdelay $0x1  }
0x41b: {  	v32 =	vadd.s32 v32, v52  }
0x41c: {  	v30 =	vand.u32 $0xFFFFFF80, v32  }
0x41d: {  	v32 =	vand.u32 $0x7F, v32;
	v30 =	vadd.s32 v53, v30  }
0x41e: {  	v30 =	vor.u32 v32, v30;
	[tilespmem:v54+s20+$0x0] =	vst.idx.msk $0xffff, v31;
	v54 =	vld [tilespmem:$0x1FA40];
	_ =	sdelay $0x4  }
0x41f: {  	v30 =	vld.idx.msk [tilespmem:v30+s13+$0x0], $0xffff;
	v54 =	vor.u32 s29, v54;
	_ =	sdelay $0x1  }
0x420: {  	v32 =	vadd.s32 v1, v52  }
0x421: {  	v31 =	vand.u32 $0xFFFFFF80, v32  }
0x422: {  	v32 =	vand.u32 $0x7F, v32;
	v31 =	vadd.s32 v53, v31  }
0x423: {  	v31 =	vor.u32 v32, v31;
	[tilespmem:v54+s20+$0x0] =	vst.idx.msk $0xffff, v30;
	v54 =	vld [tilespmem:$0x1FA50];
	_ =	sdelay $0x4  }
0x424: {  	v31 =	vld.idx.msk [tilespmem:v31+s13+$0x0], $0xffff;
	v54 =	vor.u32 s29, v54;
	_ =	sdelay $0x1  }
0x425: {  	v32 =	vadd.s32 v2, v52  }
0x426: {  	v30 =	vand.u32 $0xFFFFFF80, v32  }
0x427: {  	v32 =	vand.u32 $0x7F, v32;
	v30 =	vadd.s32 v53, v30  }
0x428: {  	v30 =	vor.u32 v32, v30;
	[tilespmem:v54+s20+$0x0] =	vst.idx.msk $0xffff, v31;
	v54 =	vld [tilespmem:$0x1FA60];
	_ =	sdelay $0x4  }
0x429: {  	v30 =	vld.idx.msk [tilespmem:v30+s13+$0x0], $0xffff;
	v54 =	vor.u32 s29, v54;
	_ =	sdelay $0x1  }
0x42a: {  	v32 =	vadd.s32 v3, v52  }
0x42b: {  	v31 =	vand.u32 $0xFFFFFF80, v32  }
0x42c: {  	v32 =	vand.u32 $0x7F, v32;
	v31 =	vadd.s32 v53, v31  }
0x42d: {  	v31 =	vor.u32 v32, v31;
	[tilespmem:v54+s20+$0x0] =	vst.idx.msk $0xffff, v30;
	v54 =	vld [tilespmem:$0x1FA70];
	_ =	sdelay $0x4  }
0x42e: {  	v31 =	vld.idx.msk [tilespmem:v31+s13+$0x0], $0xffff;
	v54 =	vor.u32 s29, v54;
	_ =	sdelay $0x1  }
0x42f: {  	v32 =	vadd.s32 v7, v52  }
0x430: {  	v30 =	vand.u32 $0xFFFFFF80, v32  }
0x431: {  	v32 =	vand.u32 $0x7F, v32;
	v30 =	vadd.s32 v53, v30  }
0x432: {  	v30 =	vor.u32 v32, v30;
	[tilespmem:v54+s20+$0x0] =	vst.idx.msk $0xffff, v31;
	v54 =	vld [tilespmem:$0x1FA80];
	_ =	sdelay $0x4  }
0x433: {  	v30 =	vld.idx.msk [tilespmem:v30+s13+$0x0], $0xffff;
	v54 =	vor.u32 s29, v54;
	_ =	sdelay $0x1  }
0x434: {  	v32 =	vadd.s32 v8, v52  }
0x435: {  	v31 =	vand.u32 $0xFFFFFF80, v32  }
0x436: {  	v32 =	vand.u32 $0x7F, v32;
	v31 =	vadd.s32 v53, v31  }
0x437: {  	v31 =	vor.u32 v32, v31;
	[tilespmem:v54+s20+$0x0] =	vst.idx.msk $0xffff, v30;
	v54 =	vld [tilespmem:$0x1FA90];
	_ =	sdelay $0x2  }
0x438: {  	v32 =	vadd.s32 v9, v52  }
0x439: {  	v30 =	vand.u32 $0xFFFFFF80, v32  }
0x43a: {  	v32 =	vand.u32 $0x7F, v32;
	v31 =	vld.idx.msk [tilespmem:v31+s13+$0x0], $0xffff;
	v30 =	vadd.s32 v53, v30;
	v54 =	vor.u32 s29, v54  }
0x43b: {  	v30 =	vor.u32 v32, v30;
	_ =	sdelay $0x3  }
0x43c: {  	[tilespmem:v54+s20+$0x0] =	vst.idx.msk $0xffff, v31  }
0x43d: {  	v54 =	vor.u32 s29, v11;
	v30 =	vld.idx.msk [tilespmem:v30+s13+$0x0], $0xffff;
	_ =	sdelay $0x1  }
0x43e: {  	v32 =	vadd.s32 v10, v52  }
0x43f: {  	v31 =	vand.u32 $0xFFFFFF80, v32  }
0x440: {  	v32 =	vand.u32 $0x7F, v32;
	v31 =	vadd.s32 v53, v31  }
0x441: {  	v31 =	vor.u32 v32, v31;
	[tilespmem:v54+s20+$0x0] =	vst.idx.msk $0xffff, v30;
	v54 =	vld [tilespmem:$0x1FB10];
	_ =	sdelay $0x4  }
0x442: {  	v31 =	vld.idx.msk [tilespmem:v31+s13+$0x0], $0xffff;
	v54 =	vor.u32 s29, v54;
	_ =	sdelay $0x1  }
0x443: {  	v32 =	vadd.s32 v12, v52  }
0x444: {  	v30 =	vand.u32 $0xFFFFFF80, v32  }
0x445: {  	v32 =	vand.u32 $0x7F, v32;
	v30 =	vadd.s32 v53, v30  }
0x446: {  	v30 =	vor.u32 v32, v30;
	[tilespmem:v54+s20+$0x0] =	vst.idx.msk $0xffff, v31;
	v54 =	vld [tilespmem:$0x1FB20];
	_ =	sdelay $0x4  }
0x447: {  	v30 =	vld.idx.msk [tilespmem:v30+s13+$0x0], $0xffff;
	v54 =	vor.u32 s29, v54;
	_ =	sdelay $0x1  }
0x448: {  	v32 =	vadd.s32 v13, v52  }
0x449: {  	v31 =	vand.u32 $0xFFFFFF80, v32  }
0x44a: {  	v32 =	vand.u32 $0x7F, v32;
	v31 =	vadd.s32 v53, v31  }
0x44b: {  	v31 =	vor.u32 v32, v31;
	[tilespmem:v54+s20+$0x0] =	vst.idx.msk $0xffff, v30;
	v54 =	vld [tilespmem:$0x1FB30];
	_ =	sdelay $0x4  }
0x44c: {  	v31 =	vld.idx.msk [tilespmem:v31+s13+$0x0], $0xffff;
	v54 =	vor.u32 s29, v54;
	_ =	sdelay $0x1  }
0x44d: {  	v32 =	vadd.s32 v14, v52  }
0x44e: {  	v30 =	vand.u32 $0xFFFFFF80, v32  }
0x44f: {  	v32 =	vand.u32 $0x7F, v32;
	v30 =	vadd.s32 v53, v30  }
0x450: {  	v30 =	vor.u32 v32, v30;
	[tilespmem:v54+s20+$0x0] =	vst.idx.msk $0xffff, v31;
	v54 =	vld [tilespmem:$0x1FB40];
	_ =	sdelay $0x4  }
0x451: {  	v30 =	vld.idx.msk [tilespmem:v30+s13+$0x0], $0xffff;
	v54 =	vor.u32 s29, v54;
	_ =	sdelay $0x1  }
0x452: {  	v32 =	vadd.s32 v15, v52  }
0x453: {  	v31 =	vand.u32 $0xFFFFFF80, v32  }
0x454: {  	v32 =	vand.u32 $0x7F, v32;
	v31 =	vadd.s32 v53, v31  }
0x455: {  	v31 =	vor.u32 v32, v31;
	[tilespmem:v54+s20+$0x0] =	vst.idx.msk $0xffff, v30;
	v54 =	vld [tilespmem:$0x1FB50];
	_ =	sdelay $0x4  }
0x456: {  	v31 =	vld.idx.msk [tilespmem:v31+s13+$0x0], $0xffff;
	v54 =	vor.u32 s29, v54;
	_ =	sdelay $0x1  }
0x457: {  	v32 =	vadd.s32 v17, v52  }
0x458: {  	v30 =	vand.u32 $0xFFFFFF80, v32  }
0x459: {  	v32 =	vand.u32 $0x7F, v32;
	v30 =	vadd.s32 v53, v30  }
0x45a: {  	v30 =	vor.u32 v32, v30;
	[tilespmem:v54+s20+$0x0] =	vst.idx.msk $0xffff, v31;
	v54 =	vld [tilespmem:$0x1FB60];
	_ =	sdelay $0x4  }
0x45b: {  	v30 =	vld.idx.msk [tilespmem:v30+s13+$0x0], $0xffff;
	v54 =	vor.u32 s29, v54;
	_ =	sdelay $0x1  }
0x45c: {  	v32 =	vadd.s32 v18, v52  }
0x45d: {  	v31 =	vand.u32 $0xFFFFFF80, v32  }
0x45e: {  	v32 =	vand.u32 $0x7F, v32;
	v31 =	vadd.s32 v53, v31  }
0x45f: {  	v31 =	vor.u32 v32, v31;
	[tilespmem:v54+s20+$0x0] =	vst.idx.msk $0xffff, v30;
	v54 =	vld [tilespmem:$0x1FB80];
	_ =	sdelay $0x4  }
0x460: {  	v31 =	vld.idx.msk [tilespmem:v31+s13+$0x0], $0xffff;
	v54 =	vor.u32 s29, v54;
	_ =	sdelay $0x1  }
0x461: {  	v32 =	vadd.s32 v19, v52  }
0x462: {  	v30 =	vand.u32 $0xFFFFFF80, v32  }
0x463: {  	v32 =	vand.u32 $0x7F, v32;
	v30 =	vadd.s32 v53, v30  }
0x464: {  	v30 =	vor.u32 v32, v30;
	[tilespmem:v54+s20+$0x0] =	vst.idx.msk $0xffff, v31;
	v54 =	vld [tilespmem:$0x1FB90];
	_ =	sdelay $0x4  }
0x465: {  	v30 =	vld.idx.msk [tilespmem:v30+s13+$0x0], $0xffff;
	v54 =	vor.u32 s29, v54;
	_ =	sdelay $0x1  }
0x466: {  	v32 =	vadd.s32 v20, v52  }
0x467: {  	v31 =	vand.u32 $0xFFFFFF80, v32  }
0x468: {  	v32 =	vand.u32 $0x7F, v32;
	v31 =	vadd.s32 v53, v31  }
0x469: {  	v31 =	vor.u32 v32, v31;
	[tilespmem:v54+s20+$0x0] =	vst.idx.msk $0xffff, v30;
	v54 =	vld [tilespmem:$0x1FBA0];
	_ =	sdelay $0x4  }
0x46a: {  	v31 =	vld.idx.msk [tilespmem:v31+s13+$0x0], $0xffff;
	v54 =	vor.u32 s29, v54;
	_ =	sdelay $0x1  }
0x46b: {  	v32 =	vadd.s32 v21, v52  }
0x46c: {  	v30 =	vand.u32 $0xFFFFFF80, v32  }
0x46d: {  	v32 =	vand.u32 $0x7F, v32;
	v30 =	vadd.s32 v53, v30  }
0x46e: {  	v30 =	vor.u32 v32, v30;
	[tilespmem:v54+s20+$0x0] =	vst.idx.msk $0xffff, v31;
	v54 =	vld [tilespmem:$0x1FBB0];
	_ =	sdelay $0x4  }
0x46f: {  	v30 =	vld.idx.msk [tilespmem:v30+s13+$0x0], $0xffff;
	v54 =	vor.u32 s29, v54;
	_ =	sdelay $0x1  }
0x470: {  	v32 =	vadd.s32 v22, v52  }
0x471: {  	v31 =	vand.u32 $0xFFFFFF80, v32  }
0x472: {  	v32 =	vand.u32 $0x7F, v32;
	v31 =	vadd.s32 v53, v31  }
0x473: {  	v31 =	vor.u32 v32, v31;
	[tilespmem:v54+s20+$0x0] =	vst.idx.msk $0xffff, v30;
	v54 =	vld [tilespmem:$0x1FBC0];
	_ =	sdelay $0x4  }
0x474: {  	v31 =	vld.idx.msk [tilespmem:v31+s13+$0x0], $0xffff;
	v54 =	vor.u32 s29, v54;
	_ =	sdelay $0x1  }
0x475: {  	v32 =	vadd.s32 v23, v52  }
0x476: {  	v30 =	vand.u32 $0xFFFFFF80, v32  }
0x477: {  	v32 =	vand.u32 $0x7F, v32;
	v30 =	vadd.s32 v53, v30  }
0x478: {  	v30 =	vor.u32 v32, v30;
	[tilespmem:v54+s20+$0x0] =	vst.idx.msk $0xffff, v31;
	v54 =	vld [tilespmem:$0x1FBD0];
	_ =	sdelay $0x4  }
0x479: {  	v30 =	vld.idx.msk [tilespmem:v30+s13+$0x0], $0xffff;
	v54 =	vor.u32 s29, v54;
	_ =	sdelay $0x1  }
0x47a: {  	v32 =	vadd.s32 v24, v52  }
0x47b: {  	v31 =	vand.u32 $0xFFFFFF80, v32  }
0x47c: {  	v32 =	vand.u32 $0x7F, v32;
	v31 =	vadd.s32 v53, v31  }
0x47d: {  	v31 =	vor.u32 v32, v31;
	[tilespmem:v54+s20+$0x0] =	vst.idx.msk $0xffff, v30;
	v54 =	vld [tilespmem:$0x1FBE0];
	_ =	sdelay $0x4  }
0x47e: {  	v31 =	vld.idx.msk [tilespmem:v31+s13+$0x0], $0xffff;
	v54 =	vor.u32 s29, v54;
	_ =	sdelay $0x1  }
0x47f: {  	v32 =	vadd.s32 v25, v52  }
0x480: {  	v30 =	vand.u32 $0xFFFFFF80, v32  }
0x481: {  	v32 =	vand.u32 $0x7F, v32;
	v30 =	vadd.s32 v53, v30  }
0x482: {  	v30 =	vor.u32 v32, v30;
	[tilespmem:v54+s20+$0x0] =	vst.idx.msk $0xffff, v31;
	v54 =	vld [tilespmem:$0x1FBF0];
	_ =	sdelay $0x4  }
0x483: {  	v30 =	vld.idx.msk [tilespmem:v30+s13+$0x0], $0xffff;
	v54 =	vor.u32 s29, v54;
	_ =	sdelay $0x1  }
0x484: {  	v32 =	vadd.s32 v26, v52  }
0x485: {  	v31 =	vand.u32 $0xFFFFFF80, v32  }
0x486: {  	v32 =	vand.u32 $0x7F, v32;
	v31 =	vadd.s32 v53, v31  }
0x487: {  	v31 =	vor.u32 v32, v31;
	[tilespmem:v54+s20+$0x0] =	vst.idx.msk $0xffff, v30;
	v54 =	vld [tilespmem:$0x1FC00];
	_ =	sdelay $0x2  }
0x488: {  	v32 =	vadd.s32 v27, v52  }
0x489: {  	v30 =	vand.u32 $0xFFFFFF80, v32  }
0x48a: {  	v32 =	vand.u32 $0x7F, v32;
	v31 =	vld.idx.msk [tilespmem:v31+s13+$0x0], $0xffff;
	v30 =	vadd.s32 v53, v30;
	v54 =	vor.u32 s29, v54  }
0x48b: {  	v30 =	vor.u32 v32, v30;
	_ =	sdelay $0x3  }
0x48c: {  	[tilespmem:v54+s20+$0x0] =	vst.idx.msk $0xffff, v31  }
0x48d: {  	v54 =	vor.u32 s29, v29;
	v30 =	vld.idx.msk [tilespmem:v30+s13+$0x0], $0xffff;
	_ =	sdelay $0x1  }
0x48e: {  	v32 =	vadd.s32 v28, v52  }
0x48f: {  	v31 =	vand.u32 $0xFFFFFF80, v32  }
0x490: {  	v32 =	vand.u32 $0x7F, v32;
	v31 =	vadd.s32 v53, v31  }
0x491: {  	v31 =	vor.u32 v32, v31;
	[tilespmem:v54+s20+$0x0] =	vst.idx.msk $0xffff, v30;
	v54 =	vld [tilespmem:$0x1FC10];
	_ =	sdelay $0x4  }
0x492: {  	v31 =	vld.idx.msk [tilespmem:v31+s13+$0x0], $0xffff;
	v54 =	vor.u32 s29, v54;
	_ =	sdelay $0x1  }
0x493: {  	v32 =	vadd.s32 v34, v52  }
0x494: {  	v30 =	vand.u32 $0xFFFFFF80, v32  }
0x495: {  	v32 =	vand.u32 $0x7F, v32;
	v30 =	vadd.s32 v53, v30  }
0x496: {  	v30 =	vor.u32 v32, v30;
	[tilespmem:v54+s20+$0x0] =	vst.idx.msk $0xffff, v31;
	v54 =	vld [tilespmem:$0x1FC20];
	_ =	sdelay $0x4  }
0x497: {  	v30 =	vld.idx.msk [tilespmem:v30+s13+$0x0], $0xffff;
	v54 =	vor.u32 s29, v54;
	_ =	sdelay $0x1  }
0x498: {  	v32 =	vadd.s32 v39, v52  }
0x499: {  	v31 =	vand.u32 $0xFFFFFF80, v32  }
0x49a: {  	v32 =	vand.u32 $0x7F, v32;
	v31 =	vadd.s32 v53, v31  }
0x49b: {  	v31 =	vor.u32 v32, v31;
	[tilespmem:v54+s20+$0x0] =	vst.idx.msk $0xffff, v30;
	v54 =	vld [tilespmem:$0x1FC30];
	_ =	sdelay $0x4  }
0x49c: {  	v31 =	vld.idx.msk [tilespmem:v31+s13+$0x0], $0xffff;
	v54 =	vor.u32 s29, v54;
	_ =	sdelay $0x1  }
0x49d: {  	v32 =	vadd.s32 v40, v52  }
0x49e: {  	v30 =	vand.u32 $0xFFFFFF80, v32  }
0x49f: {  	v32 =	vand.u32 $0x7F, v32;
	v30 =	vadd.s32 v53, v30  }
0x4a0: {  	v30 =	vor.u32 v32, v30;
	[tilespmem:v54+s20+$0x0] =	vst.idx.msk $0xffff, v31;
	v54 =	vld [tilespmem:$0x1FC40];
	_ =	sdelay $0x4  }
0x4a1: {  	v30 =	vld.idx.msk [tilespmem:v30+s13+$0x0], $0xffff;
	v54 =	vor.u32 s29, v54;
	_ =	sdelay $0x1  }
0x4a2: {  	v32 =	vadd.s32 v41, v52  }
0x4a3: {  	v31 =	vand.u32 $0xFFFFFF80, v32  }
0x4a4: {  	v32 =	vand.u32 $0x7F, v32;
	v31 =	vadd.s32 v53, v31  }
0x4a5: {  	v31 =	vor.u32 v32, v31;
	[tilespmem:v54+s20+$0x0] =	vst.idx.msk $0xffff, v30;
	v54 =	vld [tilespmem:$0x1FC50];
	_ =	sdelay $0x4  }
0x4a6: {  	v31 =	vld.idx.msk [tilespmem:v31+s13+$0x0], $0xffff;
	v54 =	vor.u32 s29, v54;
	_ =	sdelay $0x1  }
0x4a7: {  	v32 =	vadd.s32 v42, v52  }
0x4a8: {  	v30 =	vand.u32 $0xFFFFFF80, v32  }
0x4a9: {  	v32 =	vand.u32 $0x7F, v32;
	v30 =	vadd.s32 v53, v30  }
0x4aa: {  	v30 =	vor.u32 v32, v30;
	[tilespmem:v54+s20+$0x0] =	vst.idx.msk $0xffff, v31;
	v54 =	vld [tilespmem:$0x1FC60];
	_ =	sdelay $0x4  }
0x4ab: {  	v30 =	vld.idx.msk [tilespmem:v30+s13+$0x0], $0xffff;
	v54 =	vor.u32 s29, v54;
	_ =	sdelay $0x1  }
0x4ac: {  	v32 =	vadd.s32 v43, v52  }
0x4ad: {  	v31 =	vand.u32 $0xFFFFFF80, v32  }
0x4ae: {  	v32 =	vand.u32 $0x7F, v32;
	v31 =	vadd.s32 v53, v31  }
0x4af: {  	v31 =	vor.u32 v32, v31;
	[tilespmem:v54+s20+$0x0] =	vst.idx.msk $0xffff, v30;
	v54 =	vld [tilespmem:$0x1FC70];
	_ =	sdelay $0x4  }
0x4b0: {  	v31 =	vld.idx.msk [tilespmem:v31+s13+$0x0], $0xffff;
	v54 =	vor.u32 s29, v54;
	_ =	sdelay $0x1  }
0x4b1: {  	v32 =	vadd.s32 v44, v52  }
0x4b2: {  	v30 =	vand.u32 $0xFFFFFF80, v32  }
0x4b3: {  	v32 =	vand.u32 $0x7F, v32;
	v30 =	vadd.s32 v53, v30  }
0x4b4: {  	v30 =	vor.u32 v32, v30;
	[tilespmem:v54+s20+$0x0] =	vst.idx.msk $0xffff, v31;
	v54 =	vld [tilespmem:$0x1FC80];
	_ =	sdelay $0x4  }
0x4b5: {  	v30 =	vld.idx.msk [tilespmem:v30+s13+$0x0], $0xffff;
	v54 =	vor.u32 s29, v54;
	_ =	sdelay $0x1  }
0x4b6: {  	v32 =	vadd.s32 v45, v52  }
0x4b7: {  	v31 =	vand.u32 $0xFFFFFF80, v32  }
0x4b8: {  	v32 =	vand.u32 $0x7F, v32;
	v31 =	vadd.s32 v53, v31  }
0x4b9: {  	v31 =	vor.u32 v32, v31;
	[tilespmem:v54+s20+$0x0] =	vst.idx.msk $0xffff, v30;
	v54 =	vld [tilespmem:$0x1FC90];
	_ =	sdelay $0x4  }
0x4ba: {  	v31 =	vld.idx.msk [tilespmem:v31+s13+$0x0], $0xffff;
	v54 =	vor.u32 s29, v54;
	_ =	sdelay $0x1  }
0x4bb: {  	v32 =	vadd.s32 v46, v52  }
0x4bc: {  	v30 =	vand.u32 $0xFFFFFF80, v32  }
0x4bd: {  	v32 =	vand.u32 $0x7F, v32;
	v30 =	vadd.s32 v53, v30  }
0x4be: {  	v30 =	vor.u32 v32, v30;
	[tilespmem:v54+s20+$0x0] =	vst.idx.msk $0xffff, v31;
	v54 =	vld [tilespmem:$0x1FCA0];
	_ =	sdelay $0x4  }
0x4bf: {  	v30 =	vld.idx.msk [tilespmem:v30+s13+$0x0], $0xffff;
	v54 =	vor.u32 s29, v54;
	_ =	sdelay $0x1  }
0x4c0: {  	v32 =	vadd.s32 v47, v52  }
0x4c1: {  	v31 =	vand.u32 $0xFFFFFF80, v32  }
0x4c2: {  	v32 =	vand.u32 $0x7F, v32;
	v31 =	vadd.s32 v53, v31  }
0x4c3: {  	v31 =	vor.u32 v32, v31;
	[tilespmem:v54+s20+$0x0] =	vst.idx.msk $0xffff, v30;
	v54 =	vld [tilespmem:$0x1FCB0];
	_ =	sdelay $0x4  }
0x4c4: {  	v31 =	vld.idx.msk [tilespmem:v31+s13+$0x0], $0xffff;
	v54 =	vor.u32 s29, v54;
	_ =	sdelay $0x1  }
0x4c5: {  	v32 =	vadd.s32 v48, v52  }
0x4c6: {  	v30 =	vand.u32 $0xFFFFFF80, v32  }
0x4c7: {  	v32 =	vand.u32 $0x7F, v32;
	v30 =	vadd.s32 v53, v30  }
0x4c8: {  	v30 =	vor.u32 v32, v30;
	[tilespmem:v54+s20+$0x0] =	vst.idx.msk $0xffff, v31;
	v54 =	vld [tilespmem:$0x1FCC0];
	_ =	sdelay $0x4  }
0x4c9: {  	v30 =	vld.idx.msk [tilespmem:v30+s13+$0x0], $0xffff;
	v54 =	vor.u32 s29, v54;
	_ =	sdelay $0x1  }
0x4ca: {  	v32 =	vadd.s32 v49, v52  }
0x4cb: {  	v31 =	vand.u32 $0xFFFFFF80, v32  }
0x4cc: {  	v32 =	vand.u32 $0x7F, v32;
	v31 =	vadd.s32 v53, v31  }
0x4cd: {  	v31 =	vor.u32 v32, v31;
	[tilespmem:v54+s20+$0x0] =	vst.idx.msk $0xffff, v30;
	v54 =	vld [tilespmem:$0x1FCD0];
	_ =	sdelay $0x4  }
0x4ce: {  	v31 =	vld.idx.msk [tilespmem:v31+s13+$0x0], $0xffff;
	v54 =	vor.u32 s29, v54  }
0x4cf: {  	v32 =	vadd.s32 v50, v52  }
0x4d0: {  	v30 =	vand.u32 $0xFFFFFF80, v32  }
0x4d1: {  	v32 =	vand.u32 $0x7F, v32;
	v30 =	vadd.s32 v53, v30  }
0x4d2: {  	v30 =	vor.u32 v32, v30;
	v32 =	vadd.s32 v51, v52  }
0x4d3: {  	[tilespmem:v54+s20+$0x0] =	vst.idx.msk $0xffff, v31;
	v31 =	vand.u32 $0xFFFFFF80, v32  }
0x4d4: {  	v31 =	vadd.s32 v53, v31;
	v53 =	vld [tilespmem:$0x1FF90];
	_ =	sdelay $0x4  }
0x4d5: {  	v30 =	vld.idx.msk [tilespmem:v30+s13+$0x0], $0xffff;
	v52 =	vor.u32 s29, v53;
	_ =	sdelay $0x3  }
0x4d6: {  	v32 =	vand.u32 $0x7F, v32  }
0x4d7: {  	v31 =	vor.u32 v32, v31;
	[tilespmem:v52+s20+$0x0] =	vst.idx.msk $0xffff, v30;
	v52 =	vld [tilespmem:$0x1FFA0];
	_ =	sdelay $0x4  }
0x4d8: {  	p0 =	sne.s32 s29, $0x70;
	v30 =	vld.idx.msk [tilespmem:v31+s13+$0x0], $0xffff;
	v31 =	vor.u32 s29, v52  }
.Ltmp7:
0x4d9: {  	_ = 	snop;
	(pc) =	sbr.rel @p0 .LBB2_15-.Ltmp7, $2  }
0x4da: {  	_ =	sdelay $0x2  }
0x4db: {  	s30 =	sadd.s32 $0x10, s30;
	s29 =	sadd.s32 $0x10, s29;
	[tilespmem:v31+s20+$0x0] =	vst.idx.msk $0xffff, v30  }
0x4dc: {  	s26 =	sadd.s32 $0x1, s26  }
0x4dd: {  	p0 =	sne.s32 s26, $0x19  }
.Ltmp8:
0x4de: {  	s0 =	sshll.u32 s28, $0x14;
	(pc) =	sbr.rel @p0 .LBB2_5-.Ltmp8, $4  }
0x4df: {  	v54 =	vld [tilespmem:$0x1FFE0];
	s0 =	sadd.s32 s24, s0  }
0x4e0: {  	v30 =	vld [tilespmem:$0x1FFB0];
	s0 =	sshrl.u32 s0, $0x3  }
0x4e1: {  	v31 =	vld [tilespmem:$0x1FFC0];
	s0 =	sadd.s32 s1, s0  }
0x4e2: {  	v32 =	vld [tilespmem:$0x1FFD0];
	[hbm4b:s0+s16] =	stream.strided.scatter [tilespmem:s20], [sflag:$0x4], $0x2000, s17, s16, $0x38  }
0x4e3: {  	s23 =	sadd.s32 $0x1, s23  }
0x4e4: {  	_ =	swait.ge [sflag:s21], $0x2000;
	p0 =	sne.s32 s23, $0x4  }
.Ltmp9:
0x4e5: {  	[sflag:s21] =	ssyncset.done $0x0;
	(pc) =	sbr.rel @p0 .LBB2_2-.Ltmp9, $4  }
0x4e6: {  	[sflag:s21] =	ssyncadd.s32 $0xFFFFE000  }
0x4e7: {  	_ =	swait.ge [sflag:s19], $0x2000  }
0x4e8: {  	[sflag:s19] =	ssyncset.done $0x0  }
0x4e9: {  	[sflag:s19] =	ssyncadd.s32 $0xFFFFE000  }
0x4ea: {  	s22 =	sadd.s32 $0x1, s22;
	s0 =	rddreg [dreg:$0x3]  }
0x4eb: {  	p0 =	sne.s32 s22, s0  }
.Ltmp10:
0x4ec: {  	_ = 	snop;
	(pc) =	sbr.rel @p0 .LBB2_1-.Ltmp10, $1  }
0x4ed: {  	_ =	sdelay $0x3  }
0x4ee: {  	_ =	sfence.sel $0x180000  }
0x4ef: {  	[bflag:$0x0] =	sbarrier.arrive $0xFFFF  }
0x4f0: {  	_ =	strace $0x90000047  }
0x4f1: {  	s0 =	stileid.u32;
	[bflag:$0x2] =	sbarrier.arrive $0xFFFF  }
0x4f2: {  	p0 =	sne.s32 s0, $0x0;
	s0 =	rddreg [dreg:$0x2]  }
0x4f3: {  	s0 =	sadd.s32 @!p0 $0x100000, s0  }
0x4f4: {  	[sflag:s0] =	ssyncadd.tile.s32 @!p0 $0x1;
	_ =	shalt  }
.Lfunc_end2:
_tile_overlayer_lowered:
.L_overlay_start_2:
0x4f5: {  	(tag) =	ssettag $0x2  }
0x4f6: {  	s0 =	rddreg [dreg:$0x0];
	s2 =	stileid.u32  }
0x4f7: {  	s1 =	rddreg [dreg:$0x1];
	p0 =	sne.s32 s2, $0x0  }
0x4f8: {  	s3 =	rddreg [dreg:$0x2];
	[bflag:$0x3] =	sbarrier.arrive $0xFFFF;
	s2 =	simm.s32 @!p0 $0x1C05  }
0x4f9: {  	[timem:s3], [sflag:s2] =	dma.local @!p0 [hbm:s0], s1  }
0x4fa: {  	s0 =	simm.s32 @!p0 $0x5  }
0x4fb: {  	_ =	swait.ge @!p0 [sflag:s0], s1  }
0x4fc: {  	s1 =	ssub.s32 @!p0 $0x0, s1;
	[sflag:s0] =	ssyncset.done @!p0 $0x0  }
0x4fd: {  	[sflag:s0] =	ssyncadd.s32 @!p0 s1  }
0x4fe: {  	[bflag:$0x3] =	sbarrier.arrive $0xFFFF  }
0x4ff: {  	_ =	shalt  }

</sc_bundles>
